<compile_context>
chip_gen: v7x
topology: tpu7x:2x2x1
jax: 0.10.2.dev20260603
libtpu: 0.0.44.dev20260713+nightly
codegen_flags: <defaults>
</compile_context>

<pallas_src>
import functools

import jax
import jax.numpy as jnp
from jax import lax
from jax.experimental import pallas as pl
from jax.experimental.pallas import tpu as pltpu
from jax.experimental.pallas import tpu_sc as plsc

K_NB = 16
LANES = 16
NC = 2
NS = 16
NW = NC * NS
BIG_I32 = 2147483647

_HI = jax.lax.Precision.HIGHEST


def _gelu(v):
    return 0.5 * v * (1.0 + lax.erf(v * 0.7071067811865476))


def _prep_body(x_ref, at_ref, ct_ref, b1_ref, y_ref, c_ref):
    xb = x_ref[...]
    y_ref[...] = jnp.dot(xb, at_ref[...], preferred_element_type=jnp.float32,
                         precision=_HI)
    c_ref[...] = jnp.dot(xb, ct_ref[...], preferred_element_type=jnp.float32,
                         precision=_HI) + b1_ref[...]


def _prep(x2, at, ct, b1row):
    n, d = x2.shape
    d2 = at.shape[1]
    return pl.pallas_call(
        _prep_body,
        out_shape=[
            jax.ShapeDtypeStruct((n, d2), jnp.float32),
            jax.ShapeDtypeStruct((n, d2), jnp.float32),
        ],
    )(x2, at, ct, b1row)


def _topk_stage(qpw, nv, w, px_hbm, py_hbm, pz_hbm, pxb_hbm, pyb_hbm,
                pzb_hbm, xs, ys, zs, xb, yb, zb, sq, idxb):
    pltpu.sync_copy(px_hbm, xs)
    pltpu.sync_copy(py_hbm, ys)
    pltpu.sync_copy(pz_hbm, zs)
    pltpu.sync_copy(pxb_hbm, xb)
    pltpu.sync_copy(pyb_hbm, yb)
    pltpu.sync_copy(pzb_hbm, zb)

    def sq_step(s, carry):
        b = s * LANES
        xv = xs[pl.ds(b, LANES)]
        yv = ys[pl.ds(b, LANES)]
        zv = zs[pl.ds(b, LANES)]
        sq[pl.ds(b, LANES)] = xv * xv + yv * yv + zv * zv
        return carry

    lax.fori_loop(0, nv, sq_step, 0)

    iota = lax.broadcasted_iota(jnp.int32, (LANES,), 0)
    inf_v = jnp.full((LANES,), jnp.inf, dtype=jnp.float32)
    zero_i = jnp.zeros((LANES,), jnp.int32)
    big_v = jnp.full((LANES,), BIG_I32, dtype=jnp.int32)

    CH = 8

    def _merge(v_, kidx_, tv_, ti_, rv_, ri_, t15v):
        sv, si = plsc.sort_key_val(v_, kidx_, descending=True)
        m = sv < tv_
        tn = jnp.where(m, sv, tv_)
        tin = jnp.where(m, si, ti_)
        un = jnp.where(m, tv_, sv)
        uin = jnp.where(m, ti_, si)
        ts, tis = plsc.sort_key_val(tn, tin)
        t15n = jnp.full((LANES,), ts[LANES - 1])
        m3 = un < rv_
        rn = jnp.where(m3, un, rv_)
        rin = jnp.where(m3, uin, ri_)
        return ts, tis, t15n, rn, rin

    def _accept5(tk5, vs, b0):
        tv, ti, t15v, rv, ri = tk5
        for j in range(CH):
            v_ = vs[j]
            kidx_ = iota + (b0 + j * LANES)
            cj = plsc.all_reduce_population_count(v_ < t15v)

            def mrg(o, v_=v_, kidx_=kidx_):
                return _merge(v_, kidx_, *o[:2], *o[3:], o[2])

            def rej(o, v_=v_, kidx_=kidx_):
                m2 = v_ < o[3]
                return (o[0], o[1], o[2], jnp.where(m2, v_, o[3]),
                        jnp.where(m2, kidx_, o[4]))

            tv, ti, t15v, rv, ri = lax.cond(
                cj[0] > 0, mrg, rej, (tv, ti, t15v, rv, ri))
        return tv, ti, t15v, rv, ri

    def _reject5(tk5, mch, mi):
        tv, ti, t15v, rv, ri = tk5
        m2 = mch < rv
        return (tv, ti, t15v, jnp.where(m2, mch, rv),
                jnp.where(m2, mi, ri))

    def _qbcast(q):
        qsplat = jnp.full((LANES,), q, dtype=jnp.int32)
        qx = plsc.load_gather(xb, [qsplat])
        qy = plsc.load_gather(yb, [qsplat])
        qz = plsc.load_gather(zb, [qsplat])
        qsq = plsc.load_gather(sq, [qsplat])
        return qx + qx, qy + qy, qz + qz, qsq

    def _finalize(tk5, ql):
        tv, tis, _, rv, ri = tk5
        rs, ris = plsc.sort_key_val(rv, ri)
        rcand = jnp.where(rs == jnp.full((LANES,), rs[0]), ris, big_v)
        rcs, _ = plsc.sort_key_val(rcand, rcand)
        r17i_b = jnp.full((LANES,), rcs[0])
        zc = jnp.where(tv == 0.0, tis, big_v)
        zms, _ = plsc.sort_key_val(zc, zc)
        zmin_b = jnp.full((LANES,), zms[0])
        drop = jnp.where(zmin_b < big_v, tis == zmin_b, iota == 0)
        out_idx = jnp.where(drop, r17i_b, tis)
        idxb[pl.ds(ql * LANES, LANES)] = out_idx

    def pair_step(qp, carry):
        qla = qp * 2
        qlb = qla + 1
        qx2a, qy2a, qz2a, qsqa = _qbcast(w * qpw + qla)
        qx2b, qy2b, qz2b, qsqb = _qbcast(w * qpw + qlb)

        def chunk_step(s, tk):
            b0 = s * (CH * LANES)
            vsa, vsb = [], []
            ma = mb = mia = mib = None
            for j in range(CH):
                b = b0 + j * LANES
                kx = xb[pl.ds(b, LANES)]
                ky = yb[pl.ds(b, LANES)]
                kz = zb[pl.ds(b, LANES)]
                ksq = sq[pl.ds(b, LANES)]
                kidx = iota + b
                va = jnp.maximum(
                    (qsqa + ksq) - (qx2a * kx + qy2a * ky + qz2a * kz), 0.0)
                vb = jnp.maximum(
                    (qsqb + ksq) - (qx2b * kx + qy2b * ky + qz2b * kz), 0.0)
                vsa.append(va)
                vsb.append(vb)
                if ma is None:
                    ma, mb = va, vb
                    mia = mib = kidx
                else:
                    ca = va < ma
                    cb = vb < mb
                    mia = jnp.where(ca, kidx, mia)
                    mib = jnp.where(cb, kidx, mib)
                    ma = jnp.where(ca, va, ma)
                    mb = jnp.where(cb, vb, mb)
            cnta = plsc.all_reduce_population_count(ma < tk[2])
            cntb = plsc.all_reduce_population_count(mb < tk[7])

            def accepted(ops):
                return (*_accept5(ops[:5], vsa, b0),
                        *_accept5(ops[5:], vsb, b0))

            def rejected(ops):
                return (*_reject5(ops[:5], ma, mia),
                        *_reject5(ops[5:], mb, mib))

            return lax.cond((cnta[0] + cntb[0]) > 0, accepted, rejected, tk)

        init5 = (inf_v, zero_i, inf_v, inf_v, zero_i)
        tk = lax.fori_loop(0, nv // CH, chunk_step, (*init5, *init5))
        _finalize(tk[:5], qla)
        _finalize(tk[5:], qlb)
        return carry

    lax.fori_loop(0, qpw // 2, pair_step, 0)


def _knn_body(n, qpw, nv, px_hbm, py_hbm, pz_hbm, pxb_hbm, pyb_hbm, pzb_hbm,
              y_hbm, gath_hbm, xs, ys, zs, xb, yb, zb, sq, idxb, rowbuf,
              rowbuf2, dsem, dsem2):
    cid = lax.axis_index("c")
    sid = lax.axis_index("s")
    w = sid * NC + cid
    _topk_stage(qpw, nv, w, px_hbm, py_hbm, pz_hbm, pxb_hbm, pyb_hbm,
                pzb_hbm, xs, ys, zs, xb, yb, zb, sq, idxb)

    rows_per_chunk = rowbuf.shape[0]
    nchunks = (qpw * K_NB) // rows_per_chunk
    bufs = (rowbuf, rowbuf2)
    sems = (dsem, dsem2)
    cps = [None, None]
    cps[0] = pltpu.async_copy(
        y_hbm.at[idxb.at[pl.ds(0, rows_per_chunk)]], bufs[0], sems[0])
    for ch in range(nchunks):
        cps[ch % 2].wait()
        nxt = ch + 1
        if nxt < nchunks:
            cps[nxt % 2] = pltpu.async_copy(
                y_hbm.at[idxb.at[pl.ds(nxt * rows_per_chunk,
                                       rows_per_chunk)]],
                bufs[nxt % 2], sems[nxt % 2])
        pltpu.sync_copy(
            bufs[ch % 2],
            gath_hbm.at[pl.ds(w * qpw * K_NB + ch * rows_per_chunk,
                              rows_per_chunk)])


def _knn_gather(px, py, pz, pxb, pyb, pzb, y):
    n = px.shape[0]
    d2 = y.shape[1]
    qpw = n // NW
    nv = n // LANES
    mesh = plsc.VectorSubcoreMesh(core_axis_name="c", subcore_axis_name="s")
    kern = pl.kernel(
        functools.partial(_knn_body, n, qpw, nv),
        out_type=jax.ShapeDtypeStruct((K_NB * n, d2), jnp.float32),
        mesh=mesh,
        compiler_params=pltpu.CompilerParams(needs_layout_passes=False),
        scratch_types=[
            pltpu.VMEM((n,), jnp.float32),
            pltpu.VMEM((n,), jnp.float32),
            pltpu.VMEM((n,), jnp.float32),
            pltpu.VMEM((n,), jnp.float32),
            pltpu.VMEM((n,), jnp.float32),
            pltpu.VMEM((n,), jnp.float32),
            pltpu.VMEM((n,), jnp.float32),
            pltpu.VMEM((K_NB * qpw,), jnp.int32),
            pltpu.VMEM((qpw, d2), jnp.float32),
            pltpu.VMEM((qpw, d2), jnp.float32),
            pltpu.SemaphoreType.DMA,
            pltpu.SemaphoreType.DMA,
        ],
    )
    return kern(px, py, pz, pxb, pyb, pzb, y)


def _mlp_body(bq, gath_ref, c_ref, w2t_ref, b2_ref, out_ref):
    d2 = c_ref.shape[1]
    d = w2t_ref.shape[1]
    g3 = gath_ref[...].reshape(bq, K_NB, d2)
    h1 = _gelu(g3 + c_ref[...][:, None, :])
    h2 = _gelu(jnp.dot(h1.reshape(bq * K_NB, d2), w2t_ref[...],
                       preferred_element_type=jnp.float32,
                       precision=_HI) + b2_ref[...])
    out_ref[...] = jnp.mean(h2.reshape(bq, K_NB, d), axis=1)


def _mlp(gath, c, w2t, b2row):
    n, d2 = c.shape
    d = w2t.shape[1]
    bq = 256
    return pl.pallas_call(
        functools.partial(_mlp_body, bq),
        grid=(n // bq,),
        in_specs=[
            pl.BlockSpec((bq * K_NB, d2), lambda i: (i, 0)),
            pl.BlockSpec((bq, d2), lambda i: (i, 0)),
            pl.BlockSpec((d2, d), lambda i: (0, 0)),
            pl.BlockSpec((1, d), lambda i: (0, 0)),
        ],
        out_specs=pl.BlockSpec((bq, d), lambda i: (i, 0)),
        out_shape=jax.ShapeDtypeStruct((n, d), jnp.float32),
    )(gath, c, w2t, b2row)


def kernel(x, points, W1, b1, W2, b2):
    _, n, d = x.shape
    x2 = x[0]
    p2 = points[0]
    pt = p2.T
    pu = jax.lax.bitcast_convert_type(p2, jnp.uint32)
    pu = ((pu + jnp.uint32(0x7FFF) + ((pu >> 16) & jnp.uint32(1)))
          & jnp.uint32(0xFFFF0000))
    ptb = jax.lax.bitcast_convert_type(pu, jnp.float32).T
    at = W1[:, :d].T
    ct = (W1[:, d:] - W1[:, :d]).T
    y, c = _prep(x2, at, ct, b1.reshape(1, -1))
    gath = _knn_gather(pt[0], pt[1], pt[2], ptb[0], ptb[1], ptb[2], y)
    out = _mlp(gath, c, W2.T, b2.reshape(1, -1))
    return out.reshape(1, n, d)

# --- scband reference (transcript-rebuilt; emitter-appended) ---
"""Pipeline reference for scband-local-feature-extractor-7559142441576 (READ-ONLY COPY).

The authoritative reference and input builder live on the scoring server;
editing this copy changes nothing except your own understanding.
"""

import jax, jax.numpy as jnp
import numpy as np

K_NEIGHBORS = 16

def setup_inputs(seed: int = 0) -> dict:
    key = jax.random.key(seed)
    ks = jax.random.split(key, 6)
    B, N, D, C = 1, 4096, 128, 3
    x = jax.random.normal(ks[0], (B, N, D), dtype=jnp.float32)
    points = jax.random.normal(ks[1], (B, N, C), dtype=jnp.float32)
    # MLP params (torch Linear convention: W has shape (out, in))
    W1 = jax.random.normal(ks[2], (2 * D, 2 * D), dtype=jnp.float32) * 0.05
    b1 = jax.random.normal(ks[3], (2 * D,), dtype=jnp.float32) * 0.05
    W2 = jax.random.normal(ks[4], (D, 2 * D), dtype=jnp.float32) * 0.05
    b2 = jax.random.normal(ks[5], (D,), dtype=jnp.float32) * 0.05
    return {"x": x, "points": points, "W1": W1, "b1": b1, "W2": W2, "b2": b2}

def _cdist(a):
    # pairwise euclidean distances between rows of a: (M, C) -> (M, M)
    sq = jnp.sum(a * a, axis=1)
    d2 = sq[:, None] + sq[None, :] - 2.0 * (a @ a.T)
    return jnp.sqrt(jnp.maximum(d2, 0.0))

def reference(x, points, W1, b1, W2, b2):
    B, N, _ = points.shape
    D = x.shape[-1]
    K = K_NEIGHBORS
    points_flat = points.reshape(B * N, -1)
    dist = _cdist(points_flat)
    dist = dist.reshape(B, N, N)
    _, indices = jax.lax.top_k(-dist, K + 1)
    indices = indices[:, :, 1:]  # drop self
    batch_idx = jnp.arange(B)[:, None, None]
    knn_fts = x[batch_idx, indices]  # (B, N, K, D)
    knn_fts_center = jnp.broadcast_to(x[:, :, None, :], (B, N, K, D))
    local = jnp.concatenate([knn_fts - knn_fts_center, knn_fts_center], axis=-1)
    h = jax.nn.gelu(local @ W1.T + b1, approximate=False)
    h = jax.nn.gelu(h @ W2.T + b2, approximate=False)
    out = jnp.mean(h, axis=2)
    return out

if __name__ == "__main__":
    import jax
    _d = setup_inputs()
    print(jax.jit(kernel)(*tuple(_d.values())))

</pallas_src>

<mosaic_0001>
#map = affine_map<(d0, d1) -> (0)>
#map1 = affine_map<(d0, d1) -> (0, 0)>
module attributes {stable_mosaic.version = 14 : i64} {
  func.func @_knn_body(%arg0: i32, %arg1: i32, %arg2: memref<4096xf32, #tpu.memory_space<hbm>>, %arg3: memref<4096xf32, #tpu.memory_space<hbm>>, %arg4: memref<4096xf32, #tpu.memory_space<hbm>>, %arg5: memref<4096xf32, #tpu.memory_space<hbm>>, %arg6: memref<4096xf32, #tpu.memory_space<hbm>>, %arg7: memref<4096xf32, #tpu.memory_space<hbm>>, %arg8: memref<4096x256xf32, #tpu.memory_space<hbm>>, %arg9: memref<65536x256xf32, #tpu.memory_space<hbm>>, %arg10: memref<4096xf32, #tpu.memory_space<vmem>>, %arg11: memref<4096xf32, #tpu.memory_space<vmem>>, %arg12: memref<4096xf32, #tpu.memory_space<vmem>>, %arg13: memref<4096xf32, #tpu.memory_space<vmem>>, %arg14: memref<4096xf32, #tpu.memory_space<vmem>>, %arg15: memref<4096xf32, #tpu.memory_space<vmem>>, %arg16: memref<4096xf32, #tpu.memory_space<vmem>>, %arg17: memref<2048xi32, #tpu.memory_space<vmem>>, %arg18: memref<128x256xf32, #tpu.memory_space<vmem>>, %arg19: memref<128x256xf32, #tpu.memory_space<vmem>>, %arg20: memref<!tpu.dma_semaphore, #tpu.memory_space<semaphore_mem>>, %arg21: memref<!tpu.dma_semaphore, #tpu.memory_space<semaphore_mem>>) attributes {dimension_semantics = [#tpu.dimension_semantics<core_parallel>, #tpu.dimension_semantics<subcore_parallel>], iteration_bounds = array<i64: 2, 16>, scalar_prefetch = 0 : i64, scratch_operands = 12 : i64, tpu.core_type = #tpu.core_type<sc_vector_subcore>, window_params = [{transform_indices = #map}, {transform_indices = #map}, {transform_indices = #map}, {transform_indices = #map}, {transform_indices = #map}, {transform_indices = #map}, {transform_indices = #map1}, {transform_indices = #map1}]} {
    %mul3A = arith.constant 2 : i32
    %mul3A_0 = arith.muli %arg1, %mul3A : i32
    %add3A = arith.addi %mul3A_0, %arg0 : i32
    "tpu.region"() ({
      %run_scoped3A = tpu.sem_alloc : memref<!tpu.dma_semaphore, #tpu.memory_space<semaphore_mem>>
      tpu.enqueue_dma source(%arg2 : memref<4096xf32, #tpu.memory_space<hbm>>) target(%arg10 : memref<4096xf32, #tpu.memory_space<vmem>>) target_semaphore(%run_scoped3A : memref<!tpu.dma_semaphore, #tpu.memory_space<semaphore_mem>>)
      tpu.wait_dma2 semaphore(%run_scoped3A : memref<!tpu.dma_semaphore, #tpu.memory_space<semaphore_mem>>) src(%arg2 : memref<4096xf32, #tpu.memory_space<hbm>>) dst(%arg10 : memref<4096xf32, #tpu.memory_space<vmem>>)
      tpu.yield
    }) : () -> ()
    "tpu.region"() ({
      %run_scoped3A = tpu.sem_alloc : memref<!tpu.dma_semaphore, #tpu.memory_space<semaphore_mem>>
      tpu.enqueue_dma source(%arg3 : memref<4096xf32, #tpu.memory_space<hbm>>) target(%arg11 : memref<4096xf32, #tpu.memory_space<vmem>>) target_semaphore(%run_scoped3A : memref<!tpu.dma_semaphore, #tpu.memory_space<semaphore_mem>>)
      tpu.wait_dma2 semaphore(%run_scoped3A : memref<!tpu.dma_semaphore, #tpu.memory_space<semaphore_mem>>) src(%arg3 : memref<4096xf32, #tpu.memory_space<hbm>>) dst(%arg11 : memref<4096xf32, #tpu.memory_space<vmem>>)
      tpu.yield
    }) : () -> ()
    "tpu.region"() ({
      %run_scoped3A = tpu.sem_alloc : memref<!tpu.dma_semaphore, #tpu.memory_space<semaphore_mem>>
      tpu.enqueue_dma source(%arg4 : memref<4096xf32, #tpu.memory_space<hbm>>) target(%arg12 : memref<4096xf32, #tpu.memory_space<vmem>>) target_semaphore(%run_scoped3A : memref<!tpu.dma_semaphore, #tpu.memory_space<semaphore_mem>>)
      tpu.wait_dma2 semaphore(%run_scoped3A : memref<!tpu.dma_semaphore, #tpu.memory_space<semaphore_mem>>) src(%arg4 : memref<4096xf32, #tpu.memory_space<hbm>>) dst(%arg12 : memref<4096xf32, #tpu.memory_space<vmem>>)
      tpu.yield
    }) : () -> ()
    "tpu.region"() ({
      %run_scoped3A = tpu.sem_alloc : memref<!tpu.dma_semaphore, #tpu.memory_space<semaphore_mem>>
      tpu.enqueue_dma source(%arg5 : memref<4096xf32, #tpu.memory_space<hbm>>) target(%arg13 : memref<4096xf32, #tpu.memory_space<vmem>>) target_semaphore(%run_scoped3A : memref<!tpu.dma_semaphore, #tpu.memory_space<semaphore_mem>>)
      tpu.wait_dma2 semaphore(%run_scoped3A : memref<!tpu.dma_semaphore, #tpu.memory_space<semaphore_mem>>) src(%arg5 : memref<4096xf32, #tpu.memory_space<hbm>>) dst(%arg13 : memref<4096xf32, #tpu.memory_space<vmem>>)
      tpu.yield
    }) : () -> ()
    "tpu.region"() ({
      %run_scoped3A = tpu.sem_alloc : memref<!tpu.dma_semaphore, #tpu.memory_space<semaphore_mem>>
      tpu.enqueue_dma source(%arg6 : memref<4096xf32, #tpu.memory_space<hbm>>) target(%arg14 : memref<4096xf32, #tpu.memory_space<vmem>>) target_semaphore(%run_scoped3A : memref<!tpu.dma_semaphore, #tpu.memory_space<semaphore_mem>>)
      tpu.wait_dma2 semaphore(%run_scoped3A : memref<!tpu.dma_semaphore, #tpu.memory_space<semaphore_mem>>) src(%arg6 : memref<4096xf32, #tpu.memory_space<hbm>>) dst(%arg14 : memref<4096xf32, #tpu.memory_space<vmem>>)
      tpu.yield
    }) : () -> ()
    "tpu.region"() ({
      %run_scoped3A = tpu.sem_alloc : memref<!tpu.dma_semaphore, #tpu.memory_space<semaphore_mem>>
      tpu.enqueue_dma source(%arg7 : memref<4096xf32, #tpu.memory_space<hbm>>) target(%arg15 : memref<4096xf32, #tpu.memory_space<vmem>>) target_semaphore(%run_scoped3A : memref<!tpu.dma_semaphore, #tpu.memory_space<semaphore_mem>>)
      tpu.wait_dma2 semaphore(%run_scoped3A : memref<!tpu.dma_semaphore, #tpu.memory_space<semaphore_mem>>) src(%arg7 : memref<4096xf32, #tpu.memory_space<hbm>>) dst(%arg15 : memref<4096xf32, #tpu.memory_space<vmem>>)
      tpu.yield
    }) : () -> ()
    %scan3A = arith.constant 0 : i32
    %scan3A_1 = arith.constant 0 : i32
    %scan3A_2 = arith.constant 256 : i32
    %scan3A_3 = arith.addi %scan3A_1, %scan3A_2 : i32
    %scan3A_4 = arith.constant 1 : i32
    scf.for %scan3A_271 = %scan3A_1 to %scan3A_3 step %scan3A_4  : i32 {
      %mul3A_272 = arith.constant 16 : i32
      %mul3A_273 = arith.muli %scan3A_271, %mul3A_272 : i32
      %get3A = arith.index_cast %mul3A_273 : i32 to index
      %get3A_274 = tpu.vector_load %arg10[%get3A] {strides = array<i32>} : memref<4096xf32, #tpu.memory_space<vmem>>, vector<16xf32>,
      %get3A_275 = arith.index_cast %mul3A_273 : i32 to index
      %get3A_276 = tpu.vector_load %arg11[%get3A_275] {strides = array<i32>} : memref<4096xf32, #tpu.memory_space<vmem>>, vector<16xf32>,
      %get3A_277 = arith.index_cast %mul3A_273 : i32 to index
      %get3A_278 = tpu.vector_load %arg12[%get3A_277] {strides = array<i32>} : memref<4096xf32, #tpu.memory_space<vmem>>, vector<16xf32>,
      %mul3A_279 = arith.mulf %get3A_274, %get3A_274 : vector<16xf32>
      %mul3A_280 = arith.mulf %get3A_276, %get3A_276 : vector<16xf32>
      %add3A_281 = arith.addf %mul3A_279, %mul3A_280 : vector<16xf32>
      %mul3A_282 = arith.mulf %get3A_278, %get3A_278 : vector<16xf32>
      %add3A_283 = arith.addf %add3A_281, %mul3A_282 : vector<16xf32>
      %swap3A = arith.index_cast %mul3A_273 : i32 to index
      %swap3A_284 = tpu.vector_load %arg16[%swap3A] {strides = array<i32>} : memref<4096xf32, #tpu.memory_space<vmem>>, vector<16xf32>,
      tpu.vector_store %arg16[%swap3A], %add3A_283 {strides = array<i32>} : memref<4096xf32, #tpu.memory_space<vmem>>, vector<16xf32>,
    }
    %scan3A_5 = arith.constant 256 : i32
    %iota3A = tpu.iota {dimensions = array<i32: 0>} : vector<16xi32>
    %broadcast_in_dim3A = arith.constant 0x7F800000 : f32
    %broadcast_in_dim3A_6 = vector.broadcast %broadcast_in_dim3A : f32 to vector<16xf32>
    %broadcast_in_dim3A_7 = arith.constant 0 : i32
    %broadcast_in_dim3A_8 = vector.broadcast %broadcast_in_dim3A_7 : i32 to vector<16xi32>
    %broadcast_in_dim3A_9 = arith.constant 2147483647 : i32
    %broadcast_in_dim3A_10 = vector.broadcast %broadcast_in_dim3A_9 : i32 to vector<16xi32>
    %scan3A_11 = arith.constant 0 : i32
    %scan3A_12 = arith.constant 0 : i32
    %scan3A_13 = arith.constant 64 : i32
    %scan3A_14 = arith.addi %scan3A_12, %scan3A_13 : i32
    %scan3A_15 = arith.constant 1 : i32
    scf.for %scan3A_271 = %scan3A_12 to %scan3A_14 step %scan3A_15  : i32 {
      %mul3A_272 = arith.constant 2 : i32
      %mul3A_273 = arith.muli %scan3A_271, %mul3A_272 : i32
      %add3A_274 = arith.constant 1 : i32
      %add3A_275 = arith.addi %mul3A_273, %add3A_274 : i32
      %mul3A_276 = arith.constant 128 : i32
      %mul3A_277 = arith.muli %add3A, %mul3A_276 : i32
      %add3A_278 = arith.addi %mul3A_277, %mul3A_273 : i32
      %broadcast_in_dim3A_279 = vector.broadcast %add3A_278 : i32 to vector<16xi32>
      %gather3A = tpu.vector_load_idx %arg13[%broadcast_in_dim3A_279] : memref<4096xf32, #tpu.memory_space<vmem>>[vector<16xi32>], vector<16xf32>,
      %gather3A_280 = tpu.vector_load_idx %arg14[%broadcast_in_dim3A_279] : memref<4096xf32, #tpu.memory_space<vmem>>[vector<16xi32>], vector<16xf32>,
      %gather3A_281 = tpu.vector_load_idx %arg15[%broadcast_in_dim3A_279] : memref<4096xf32, #tpu.memory_space<vmem>>[vector<16xi32>], vector<16xf32>,
      %gather3A_282 = tpu.vector_load_idx %arg16[%broadcast_in_dim3A_279] : memref<4096xf32, #tpu.memory_space<vmem>>[vector<16xi32>], vector<16xf32>,
      %add3A_283 = arith.addf %gather3A, %gather3A : vector<16xf32>
      %add3A_284 = arith.addf %gather3A_280, %gather3A_280 : vector<16xf32>
      %add3A_285 = arith.addf %gather3A_281, %gather3A_281 : vector<16xf32>
      %mul3A_286 = arith.constant 128 : i32
      %mul3A_287 = arith.muli %add3A, %mul3A_286 : i32
      %add3A_288 = arith.addi %mul3A_287, %add3A_275 : i32
      %broadcast_in_dim3A_289 = vector.broadcast %add3A_288 : i32 to vector<16xi32>
      %gather3A_290 = tpu.vector_load_idx %arg13[%broadcast_in_dim3A_289] : memref<4096xf32, #tpu.memory_space<vmem>>[vector<16xi32>], vector<16xf32>,
      %gather3A_291 = tpu.vector_load_idx %arg14[%broadcast_in_dim3A_289] : memref<4096xf32, #tpu.memory_space<vmem>>[vector<16xi32>], vector<16xf32>,
      %gather3A_292 = tpu.vector_load_idx %arg15[%broadcast_in_dim3A_289] : memref<4096xf32, #tpu.memory_space<vmem>>[vector<16xi32>], vector<16xf32>,
      %gather3A_293 = tpu.vector_load_idx %arg16[%broadcast_in_dim3A_289] : memref<4096xf32, #tpu.memory_space<vmem>>[vector<16xi32>], vector<16xf32>,
      %add3A_294 = arith.addf %gather3A_290, %gather3A_290 : vector<16xf32>
      %add3A_295 = arith.addf %gather3A_291, %gather3A_291 : vector<16xf32>
      %add3A_296 = arith.addf %gather3A_292, %gather3A_292 : vector<16xf32>
      %scan3A_297 = arith.constant 0 : i32
      %scan3A_298 = arith.constant 32 : i32
      %scan3A_299 = arith.addi %scan3A_297, %scan3A_298 : i32
      %scan3A_300 = arith.constant 1 : i32
      %scan3A_301:10 = scf.for %scan3A_388 = %scan3A_297 to %scan3A_299 step %scan3A_300 iter_args(%scan3A_389 = %broadcast_in_dim3A_6, %scan3A_390 = %broadcast_in_dim3A_8, %scan3A_391 = %broadcast_in_dim3A_6, %scan3A_392 = %broadcast_in_dim3A_6, %scan3A_393 = %broadcast_in_dim3A_8, %scan3A_394 = %broadcast_in_dim3A_6, %scan3A_395 = %broadcast_in_dim3A_8, %scan3A_396 = %broadcast_in_dim3A_6, %scan3A_397 = %broadcast_in_dim3A_6, %scan3A_398 = %broadcast_in_dim3A_8) -> (vector<16xf32>, vector<16xi32>, vector<16xf32>, vector<16xf32>, vector<16xi32>, vector<16xf32>, vector<16xi32>, vector<16xf32>, vector<16xf32>, vector<16xi32>)  : i32 {
        %mul3A_399 = arith.constant 128 : i32
        %mul3A_400 = arith.muli %scan3A_388, %mul3A_399 : i32
        %add3A_401 = arith.constant 0 : i32
        %add3A_402 = arith.addi %mul3A_400, %add3A_401 : i32
        %get3A = arith.index_cast %add3A_402 : i32 to index
        %get3A_403 = tpu.vector_load %arg13[%get3A] {strides = array<i32>} : memref<4096xf32, #tpu.memory_space<vmem>>, vector<16xf32>,
        %get3A_404 = arith.index_cast %add3A_402 : i32 to index
        %get3A_405 = tpu.vector_load %arg14[%get3A_404] {strides = array<i32>} : memref<4096xf32, #tpu.memory_space<vmem>>, vector<16xf32>,
        %get3A_406 = arith.index_cast %add3A_402 : i32 to index
        %get3A_407 = tpu.vector_load %arg15[%get3A_406] {strides = array<i32>} : memref<4096xf32, #tpu.memory_space<vmem>>, vector<16xf32>,
        %get3A_408 = arith.index_cast %add3A_402 : i32 to index
        %get3A_409 = tpu.vector_load %arg16[%get3A_408] {strides = array<i32>} : memref<4096xf32, #tpu.memory_space<vmem>>, vector<16xf32>,
        %add3A_410 = vector.broadcast %add3A_402 : i32 to vector<16xi32>
        %add3A_411 = arith.addi %iota3A, %add3A_410 : vector<16xi32>
        %add3A_412 = arith.addf %gather3A_282, %get3A_409 : vector<16xf32>
        %mul3A_413 = arith.mulf %add3A_283, %get3A_403 : vector<16xf32>
        %mul3A_414 = arith.mulf %add3A_284, %get3A_405 : vector<16xf32>
        %add3A_415 = arith.addf %mul3A_413, %mul3A_414 : vector<16xf32>
        %mul3A_416 = arith.mulf %add3A_285, %get3A_407 : vector<16xf32>
        %add3A_417 = arith.addf %add3A_415, %mul3A_416 : vector<16xf32>
        %sub3A = arith.subf %add3A_412, %add3A_417 : vector<16xf32>
        %max3A = arith.constant 0.000000e+00 : f32
        %max3A_418 = vector.broadcast %max3A : f32 to vector<16xf32>
        %max3A_419 = arith.maximumf %sub3A, %max3A_418 : vector<16xf32>
        %add3A_420 = arith.addf %gather3A_293, %get3A_409 : vector<16xf32>
        %mul3A_421 = arith.mulf %add3A_294, %get3A_403 : vector<16xf32>
        %mul3A_422 = arith.mulf %add3A_295, %get3A_405 : vector<16xf32>
        %add3A_423 = arith.addf %mul3A_421, %mul3A_422 : vector<16xf32>
        %mul3A_424 = arith.mulf %add3A_296, %get3A_407 : vector<16xf32>
        %add3A_425 = arith.addf %add3A_423, %mul3A_424 : vector<16xf32>
        %sub3A_426 = arith.subf %add3A_420, %add3A_425 : vector<16xf32>
        %max3A_427 = arith.constant 0.000000e+00 : f32
        %max3A_428 = vector.broadcast %max3A_427 : f32 to vector<16xf32>
        %max3A_429 = arith.maximumf %sub3A_426, %max3A_428 : vector<16xf32>
        %add3A_430 = arith.constant 16 : i32
        %add3A_431 = arith.addi %mul3A_400, %add3A_430 : i32
        %get3A_432 = arith.index_cast %add3A_431 : i32 to index
        %get3A_433 = tpu.vector_load %arg13[%get3A_432] {strides = array<i32>} : memref<4096xf32, #tpu.memory_space<vmem>>, vector<16xf32>,
        %get3A_434 = arith.index_cast %add3A_431 : i32 to index
        %get3A_435 = tpu.vector_load %arg14[%get3A_434] {strides = array<i32>} : memref<4096xf32, #tpu.memory_space<vmem>>, vector<16xf32>,
        %get3A_436 = arith.index_cast %add3A_431 : i32 to index
        %get3A_437 = tpu.vector_load %arg15[%get3A_436] {strides = array<i32>} : memref<4096xf32, #tpu.memory_space<vmem>>, vector<16xf32>,
        %get3A_438 = arith.index_cast %add3A_431 : i32 to index
        %get3A_439 = tpu.vector_load %arg16[%get3A_438] {strides = array<i32>} : memref<4096xf32, #tpu.memory_space<vmem>>, vector<16xf32>,
        %add3A_440 = vector.broadcast %add3A_431 : i32 to vector<16xi32>
        %add3A_441 = arith.addi %iota3A, %add3A_440 : vector<16xi32>
        %add3A_442 = arith.addf %gather3A_282, %get3A_439 : vector<16xf32>
        %mul3A_443 = arith.mulf %add3A_283, %get3A_433 : vector<16xf32>
        %mul3A_444 = arith.mulf %add3A_284, %get3A_435 : vector<16xf32>
        %add3A_445 = arith.addf %mul3A_443, %mul3A_444 : vector<16xf32>
        %mul3A_446 = arith.mulf %add3A_285, %get3A_437 : vector<16xf32>
        %add3A_447 = arith.addf %add3A_445, %mul3A_446 : vector<16xf32>
        %sub3A_448 = arith.subf %add3A_442, %add3A_447 : vector<16xf32>
        %max3A_449 = arith.constant 0.000000e+00 : f32
        %max3A_450 = vector.broadcast %max3A_449 : f32 to vector<16xf32>
        %max3A_451 = arith.maximumf %sub3A_448, %max3A_450 : vector<16xf32>
        %add3A_452 = arith.addf %gather3A_293, %get3A_439 : vector<16xf32>
        %mul3A_453 = arith.mulf %add3A_294, %get3A_433 : vector<16xf32>
        %mul3A_454 = arith.mulf %add3A_295, %get3A_435 : vector<16xf32>
        %add3A_455 = arith.addf %mul3A_453, %mul3A_454 : vector<16xf32>
        %mul3A_456 = arith.mulf %add3A_296, %get3A_437 : vector<16xf32>
        %add3A_457 = arith.addf %add3A_455, %mul3A_456 : vector<16xf32>
        %sub3A_458 = arith.subf %add3A_452, %add3A_457 : vector<16xf32>
        %max3A_459 = arith.constant 0.000000e+00 : f32
        %max3A_460 = vector.broadcast %max3A_459 : f32 to vector<16xf32>
        %max3A_461 = arith.maximumf %sub3A_458, %max3A_460 : vector<16xf32>
        %lt3A_462 = arith.cmpf olt, %max3A_451, %max3A_419 : vector<16xf32>
        %lt3A_463 = arith.cmpf olt, %max3A_461, %max3A_429 : vector<16xf32>
        %select_n3A_464 = arith.select %lt3A_462, %add3A_441, %add3A_411 : vector<16xi1>, vector<16xi32>
        %select_n3A_465 = arith.select %lt3A_463, %add3A_441, %add3A_411 : vector<16xi1>, vector<16xi32>
        %select_n3A_466 = arith.select %lt3A_462, %max3A_451, %max3A_419 : vector<16xi1>, vector<16xf32>
        %select_n3A_467 = arith.select %lt3A_463, %max3A_461, %max3A_429 : vector<16xi1>, vector<16xf32>
        %add3A_468 = arith.constant 32 : i32
        %add3A_469 = arith.addi %mul3A_400, %add3A_468 : i32
        %get3A_470 = arith.index_cast %add3A_469 : i32 to index
        %get3A_471 = tpu.vector_load %arg13[%get3A_470] {strides = array<i32>} : memref<4096xf32, #tpu.memory_space<vmem>>, vector<16xf32>,
        %get3A_472 = arith.index_cast %add3A_469 : i32 to index
        %get3A_473 = tpu.vector_load %arg14[%get3A_472] {strides = array<i32>} : memref<4096xf32, #tpu.memory_space<vmem>>, vector<16xf32>,
        %get3A_474 = arith.index_cast %add3A_469 : i32 to index
        %get3A_475 = tpu.vector_load %arg15[%get3A_474] {strides = array<i32>} : memref<4096xf32, #tpu.memory_space<vmem>>, vector<16xf32>,
        %get3A_476 = arith.index_cast %add3A_469 : i32 to index
        %get3A_477 = tpu.vector_load %arg16[%get3A_476] {strides = array<i32>} : memref<4096xf32, #tpu.memory_space<vmem>>, vector<16xf32>,
        %add3A_478 = vector.broadcast %add3A_469 : i32 to vector<16xi32>
        %add3A_479 = arith.addi %iota3A, %add3A_478 : vector<16xi32>
        %add3A_480 = arith.addf %gather3A_282, %get3A_477 : vector<16xf32>
        %mul3A_481 = arith.mulf %add3A_283, %get3A_471 : vector<16xf32>
        %mul3A_482 = arith.mulf %add3A_284, %get3A_473 : vector<16xf32>
        %add3A_483 = arith.addf %mul3A_481, %mul3A_482 : vector<16xf32>
        %mul3A_484 = arith.mulf %add3A_285, %get3A_475 : vector<16xf32>
        %add3A_485 = arith.addf %add3A_483, %mul3A_484 : vector<16xf32>
        %sub3A_486 = arith.subf %add3A_480, %add3A_485 : vector<16xf32>
        %max3A_487 = arith.constant 0.000000e+00 : f32
        %max3A_488 = vector.broadcast %max3A_487 : f32 to vector<16xf32>
        %max3A_489 = arith.maximumf %sub3A_486, %max3A_488 : vector<16xf32>
        %add3A_490 = arith.addf %gather3A_293, %get3A_477 : vector<16xf32>
        %mul3A_491 = arith.mulf %add3A_294, %get3A_471 : vector<16xf32>
        %mul3A_492 = arith.mulf %add3A_295, %get3A_473 : vector<16xf32>
        %add3A_493 = arith.addf %mul3A_491, %mul3A_492 : vector<16xf32>
        %mul3A_494 = arith.mulf %add3A_296, %get3A_475 : vector<16xf32>
        %add3A_495 = arith.addf %add3A_493, %mul3A_494 : vector<16xf32>
        %sub3A_496 = arith.subf %add3A_490, %add3A_495 : vector<16xf32>
        %max3A_497 = arith.constant 0.000000e+00 : f32
        %max3A_498 = vector.broadcast %max3A_497 : f32 to vector<16xf32>
        %max3A_499 = arith.maximumf %sub3A_496, %max3A_498 : vector<16xf32>
        %lt3A_500 = arith.cmpf olt, %max3A_489, %select_n3A_466 : vector<16xf32>
        %lt3A_501 = arith.cmpf olt, %max3A_499, %select_n3A_467 : vector<16xf32>
        %select_n3A_502 = arith.select %lt3A_500, %add3A_479, %select_n3A_464 : vector<16xi1>, vector<16xi32>
        %select_n3A_503 = arith.select %lt3A_501, %add3A_479, %select_n3A_465 : vector<16xi1>, vector<16xi32>
        %select_n3A_504 = arith.select %lt3A_500, %max3A_489, %select_n3A_466 : vector<16xi1>, vector<16xf32>
        %select_n3A_505 = arith.select %lt3A_501, %max3A_499, %select_n3A_467 : vector<16xi1>, vector<16xf32>
        %add3A_506 = arith.constant 48 : i32
        %add3A_507 = arith.addi %mul3A_400, %add3A_506 : i32
        %get3A_508 = arith.index_cast %add3A_507 : i32 to index
        %get3A_509 = tpu.vector_load %arg13[%get3A_508] {strides = array<i32>} : memref<4096xf32, #tpu.memory_space<vmem>>, vector<16xf32>,
        %get3A_510 = arith.index_cast %add3A_507 : i32 to index
        %get3A_511 = tpu.vector_load %arg14[%get3A_510] {strides = array<i32>} : memref<4096xf32, #tpu.memory_space<vmem>>, vector<16xf32>,
        %get3A_512 = arith.index_cast %add3A_507 : i32 to index
        %get3A_513 = tpu.vector_load %arg15[%get3A_512] {strides = array<i32>} : memref<4096xf32, #tpu.memory_space<vmem>>, vector<16xf32>,
        %get3A_514 = arith.index_cast %add3A_507 : i32 to index
        %get3A_515 = tpu.vector_load %arg16[%get3A_514] {strides = array<i32>} : memref<4096xf32, #tpu.memory_space<vmem>>, vector<16xf32>,
        %add3A_516 = vector.broadcast %add3A_507 : i32 to vector<16xi32>
        %add3A_517 = arith.addi %iota3A, %add3A_516 : vector<16xi32>
        %add3A_518 = arith.addf %gather3A_282, %get3A_515 : vector<16xf32>
        %mul3A_519 = arith.mulf %add3A_283, %get3A_509 : vector<16xf32>
        %mul3A_520 = arith.mulf %add3A_284, %get3A_511 : vector<16xf32>
        %add3A_521 = arith.addf %mul3A_519, %mul3A_520 : vector<16xf32>
        %mul3A_522 = arith.mulf %add3A_285, %get3A_513 : vector<16xf32>
        %add3A_523 = arith.addf %add3A_521, %mul3A_522 : vector<16xf32>
        %sub3A_524 = arith.subf %add3A_518, %add3A_523 : vector<16xf32>
        %max3A_525 = arith.constant 0.000000e+00 : f32
        %max3A_526 = vector.broadcast %max3A_525 : f32 to vector<16xf32>
        %max3A_527 = arith.maximumf %sub3A_524, %max3A_526 : vector<16xf32>
        %add3A_528 = arith.addf %gather3A_293, %get3A_515 : vector<16xf32>
        %mul3A_529 = arith.mulf %add3A_294, %get3A_509 : vector<16xf32>
        %mul3A_530 = arith.mulf %add3A_295, %get3A_511 : vector<16xf32>
        %add3A_531 = arith.addf %mul3A_529, %mul3A_530 : vector<16xf32>
        %mul3A_532 = arith.mulf %add3A_296, %get3A_513 : vector<16xf32>
        %add3A_533 = arith.addf %add3A_531, %mul3A_532 : vector<16xf32>
        %sub3A_534 = arith.subf %add3A_528, %add3A_533 : vector<16xf32>
        %max3A_535 = arith.constant 0.000000e+00 : f32
        %max3A_536 = vector.broadcast %max3A_535 : f32 to vector<16xf32>
        %max3A_537 = arith.maximumf %sub3A_534, %max3A_536 : vector<16xf32>
        %lt3A_538 = arith.cmpf olt, %max3A_527, %select_n3A_504 : vector<16xf32>
        %lt3A_539 = arith.cmpf olt, %max3A_537, %select_n3A_505 : vector<16xf32>
        %select_n3A_540 = arith.select %lt3A_538, %add3A_517, %select_n3A_502 : vector<16xi1>, vector<16xi32>
        %select_n3A_541 = arith.select %lt3A_539, %add3A_517, %select_n3A_503 : vector<16xi1>, vector<16xi32>
        %select_n3A_542 = arith.select %lt3A_538, %max3A_527, %select_n3A_504 : vector<16xi1>, vector<16xf32>
        %select_n3A_543 = arith.select %lt3A_539, %max3A_537, %select_n3A_505 : vector<16xi1>, vector<16xf32>
        %add3A_544 = arith.constant 64 : i32
        %add3A_545 = arith.addi %mul3A_400, %add3A_544 : i32
        %get3A_546 = arith.index_cast %add3A_545 : i32 to index
        %get3A_547 = tpu.vector_load %arg13[%get3A_546] {strides = array<i32>} : memref<4096xf32, #tpu.memory_space<vmem>>, vector<16xf32>,
        %get3A_548 = arith.index_cast %add3A_545 : i32 to index
        %get3A_549 = tpu.vector_load %arg14[%get3A_548] {strides = array<i32>} : memref<4096xf32, #tpu.memory_space<vmem>>, vector<16xf32>,
        %get3A_550 = arith.index_cast %add3A_545 : i32 to index
        %get3A_551 = tpu.vector_load %arg15[%get3A_550] {strides = array<i32>} : memref<4096xf32, #tpu.memory_space<vmem>>, vector<16xf32>,
        %get3A_552 = arith.index_cast %add3A_545 : i32 to index
        %get3A_553 = tpu.vector_load %arg16[%get3A_552] {strides = array<i32>} : memref<4096xf32, #tpu.memory_space<vmem>>, vector<16xf32>,
        %add3A_554 = vector.broadcast %add3A_545 : i32 to vector<16xi32>
        %add3A_555 = arith.addi %iota3A, %add3A_554 : vector<16xi32>
        %add3A_556 = arith.addf %gather3A_282, %get3A_553 : vector<16xf32>
        %mul3A_557 = arith.mulf %add3A_283, %get3A_547 : vector<16xf32>
        %mul3A_558 = arith.mulf %add3A_284, %get3A_549 : vector<16xf32>
        %add3A_559 = arith.addf %mul3A_557, %mul3A_558 : vector<16xf32>
        %mul3A_560 = arith.mulf %add3A_285, %get3A_551 : vector<16xf32>
        %add3A_561 = arith.addf %add3A_559, %mul3A_560 : vector<16xf32>
        %sub3A_562 = arith.subf %add3A_556, %add3A_561 : vector<16xf32>
        %max3A_563 = arith.constant 0.000000e+00 : f32
        %max3A_564 = vector.broadcast %max3A_563 : f32 to vector<16xf32>
        %max3A_565 = arith.maximumf %sub3A_562, %max3A_564 : vector<16xf32>
        %add3A_566 = arith.addf %gather3A_293, %get3A_553 : vector<16xf32>
        %mul3A_567 = arith.mulf %add3A_294, %get3A_547 : vector<16xf32>
        %mul3A_568 = arith.mulf %add3A_295, %get3A_549 : vector<16xf32>
        %add3A_569 = arith.addf %mul3A_567, %mul3A_568 : vector<16xf32>
        %mul3A_570 = arith.mulf %add3A_296, %get3A_551 : vector<16xf32>
        %add3A_571 = arith.addf %add3A_569, %mul3A_570 : vector<16xf32>
        %sub3A_572 = arith.subf %add3A_566, %add3A_571 : vector<16xf32>
        %max3A_573 = arith.constant 0.000000e+00 : f32
        %max3A_574 = vector.broadcast %max3A_573 : f32 to vector<16xf32>
        %max3A_575 = arith.maximumf %sub3A_572, %max3A_574 : vector<16xf32>
        %lt3A_576 = arith.cmpf olt, %max3A_565, %select_n3A_542 : vector<16xf32>
        %lt3A_577 = arith.cmpf olt, %max3A_575, %select_n3A_543 : vector<16xf32>
        %select_n3A_578 = arith.select %lt3A_576, %add3A_555, %select_n3A_540 : vector<16xi1>, vector<16xi32>
        %select_n3A_579 = arith.select %lt3A_577, %add3A_555, %select_n3A_541 : vector<16xi1>, vector<16xi32>
        %select_n3A_580 = arith.select %lt3A_576, %max3A_565, %select_n3A_542 : vector<16xi1>, vector<16xf32>
        %select_n3A_581 = arith.select %lt3A_577, %max3A_575, %select_n3A_543 : vector<16xi1>, vector<16xf32>
        %add3A_582 = arith.constant 80 : i32
        %add3A_583 = arith.addi %mul3A_400, %add3A_582 : i32
        %get3A_584 = arith.index_cast %add3A_583 : i32 to index
        %get3A_585 = tpu.vector_load %arg13[%get3A_584] {strides = array<i32>} : memref<4096xf32, #tpu.memory_space<vmem>>, vector<16xf32>,
        %get3A_586 = arith.index_cast %add3A_583 : i32 to index
        %get3A_587 = tpu.vector_load %arg14[%get3A_586] {strides = array<i32>} : memref<4096xf32, #tpu.memory_space<vmem>>, vector<16xf32>,
        %get3A_588 = arith.index_cast %add3A_583 : i32 to index
        %get3A_589 = tpu.vector_load %arg15[%get3A_588] {strides = array<i32>} : memref<4096xf32, #tpu.memory_space<vmem>>, vector<16xf32>,
        %get3A_590 = arith.index_cast %add3A_583 : i32 to index
        %get3A_591 = tpu.vector_load %arg16[%get3A_590] {strides = array<i32>} : memref<4096xf32, #tpu.memory_space<vmem>>, vector<16xf32>,
        %add3A_592 = vector.broadcast %add3A_583 : i32 to vector<16xi32>
        %add3A_593 = arith.addi %iota3A, %add3A_592 : vector<16xi32>
        %add3A_594 = arith.addf %gather3A_282, %get3A_591 : vector<16xf32>
        %mul3A_595 = arith.mulf %add3A_283, %get3A_585 : vector<16xf32>
        %mul3A_596 = arith.mulf %add3A_284, %get3A_587 : vector<16xf32>
        %add3A_597 = arith.addf %mul3A_595, %mul3A_596 : vector<16xf32>
        %mul3A_598 = arith.mulf %add3A_285, %get3A_589 : vector<16xf32>
        %add3A_599 = arith.addf %add3A_597, %mul3A_598 : vector<16xf32>
        %sub3A_600 = arith.subf %add3A_594, %add3A_599 : vector<16xf32>
        %max3A_601 = arith.constant 0.000000e+00 : f32
        %max3A_602 = vector.broadcast %max3A_601 : f32 to vector<16xf32>
        %max3A_603 = arith.maximumf %sub3A_600, %max3A_602 : vector<16xf32>
        %add3A_604 = arith.addf %gather3A_293, %get3A_591 : vector<16xf32>
        %mul3A_605 = arith.mulf %add3A_294, %get3A_585 : vector<16xf32>
        %mul3A_606 = arith.mulf %add3A_295, %get3A_587 : vector<16xf32>
        %add3A_607 = arith.addf %mul3A_605, %mul3A_606 : vector<16xf32>
        %mul3A_608 = arith.mulf %add3A_296, %get3A_589 : vector<16xf32>
        %add3A_609 = arith.addf %add3A_607, %mul3A_608 : vector<16xf32>
        %sub3A_610 = arith.subf %add3A_604, %add3A_609 : vector<16xf32>
        %max3A_611 = arith.constant 0.000000e+00 : f32
        %max3A_612 = vector.broadcast %max3A_611 : f32 to vector<16xf32>
        %max3A_613 = arith.maximumf %sub3A_610, %max3A_612 : vector<16xf32>
        %lt3A_614 = arith.cmpf olt, %max3A_603, %select_n3A_580 : vector<16xf32>
        %lt3A_615 = arith.cmpf olt, %max3A_613, %select_n3A_581 : vector<16xf32>
        %select_n3A_616 = arith.select %lt3A_614, %add3A_593, %select_n3A_578 : vector<16xi1>, vector<16xi32>
        %select_n3A_617 = arith.select %lt3A_615, %add3A_593, %select_n3A_579 : vector<16xi1>, vector<16xi32>
        %select_n3A_618 = arith.select %lt3A_614, %max3A_603, %select_n3A_580 : vector<16xi1>, vector<16xf32>
        %select_n3A_619 = arith.select %lt3A_615, %max3A_613, %select_n3A_581 : vector<16xi1>, vector<16xf32>
        %add3A_620 = arith.constant 96 : i32
        %add3A_621 = arith.addi %mul3A_400, %add3A_620 : i32
        %get3A_622 = arith.index_cast %add3A_621 : i32 to index
        %get3A_623 = tpu.vector_load %arg13[%get3A_622] {strides = array<i32>} : memref<4096xf32, #tpu.memory_space<vmem>>, vector<16xf32>,
        %get3A_624 = arith.index_cast %add3A_621 : i32 to index
        %get3A_625 = tpu.vector_load %arg14[%get3A_624] {strides = array<i32>} : memref<4096xf32, #tpu.memory_space<vmem>>, vector<16xf32>,
        %get3A_626 = arith.index_cast %add3A_621 : i32 to index
        %get3A_627 = tpu.vector_load %arg15[%get3A_626] {strides = array<i32>} : memref<4096xf32, #tpu.memory_space<vmem>>, vector<16xf32>,
        %get3A_628 = arith.index_cast %add3A_621 : i32 to index
        %get3A_629 = tpu.vector_load %arg16[%get3A_628] {strides = array<i32>} : memref<4096xf32, #tpu.memory_space<vmem>>, vector<16xf32>,
        %add3A_630 = vector.broadcast %add3A_621 : i32 to vector<16xi32>
        %add3A_631 = arith.addi %iota3A, %add3A_630 : vector<16xi32>
        %add3A_632 = arith.addf %gather3A_282, %get3A_629 : vector<16xf32>
        %mul3A_633 = arith.mulf %add3A_283, %get3A_623 : vector<16xf32>
        %mul3A_634 = arith.mulf %add3A_284, %get3A_625 : vector<16xf32>
        %add3A_635 = arith.addf %mul3A_633, %mul3A_634 : vector<16xf32>
        %mul3A_636 = arith.mulf %add3A_285, %get3A_627 : vector<16xf32>
        %add3A_637 = arith.addf %add3A_635, %mul3A_636 : vector<16xf32>
        %sub3A_638 = arith.subf %add3A_632, %add3A_637 : vector<16xf32>
        %max3A_639 = arith.constant 0.000000e+00 : f32
        %max3A_640 = vector.broadcast %max3A_639 : f32 to vector<16xf32>
        %max3A_641 = arith.maximumf %sub3A_638, %max3A_640 : vector<16xf32>
        %add3A_642 = arith.addf %gather3A_293, %get3A_629 : vector<16xf32>
        %mul3A_643 = arith.mulf %add3A_294, %get3A_623 : vector<16xf32>
        %mul3A_644 = arith.mulf %add3A_295, %get3A_625 : vector<16xf32>
        %add3A_645 = arith.addf %mul3A_643, %mul3A_644 : vector<16xf32>
        %mul3A_646 = arith.mulf %add3A_296, %get3A_627 : vector<16xf32>
        %add3A_647 = arith.addf %add3A_645, %mul3A_646 : vector<16xf32>
        %sub3A_648 = arith.subf %add3A_642, %add3A_647 : vector<16xf32>
        %max3A_649 = arith.constant 0.000000e+00 : f32
        %max3A_650 = vector.broadcast %max3A_649 : f32 to vector<16xf32>
        %max3A_651 = arith.maximumf %sub3A_648, %max3A_650 : vector<16xf32>
        %lt3A_652 = arith.cmpf olt, %max3A_641, %select_n3A_618 : vector<16xf32>
        %lt3A_653 = arith.cmpf olt, %max3A_651, %select_n3A_619 : vector<16xf32>
        %select_n3A_654 = arith.select %lt3A_652, %add3A_631, %select_n3A_616 : vector<16xi1>, vector<16xi32>
        %select_n3A_655 = arith.select %lt3A_653, %add3A_631, %select_n3A_617 : vector<16xi1>, vector<16xi32>
        %select_n3A_656 = arith.select %lt3A_652, %max3A_641, %select_n3A_618 : vector<16xi1>, vector<16xf32>
        %select_n3A_657 = arith.select %lt3A_653, %max3A_651, %select_n3A_619 : vector<16xi1>, vector<16xf32>
        %add3A_658 = arith.constant 112 : i32
        %add3A_659 = arith.addi %mul3A_400, %add3A_658 : i32
        %get3A_660 = arith.index_cast %add3A_659 : i32 to index
        %get3A_661 = tpu.vector_load %arg13[%get3A_660] {strides = array<i32>} : memref<4096xf32, #tpu.memory_space<vmem>>, vector<16xf32>,
        %get3A_662 = arith.index_cast %add3A_659 : i32 to index
        %get3A_663 = tpu.vector_load %arg14[%get3A_662] {strides = array<i32>} : memref<4096xf32, #tpu.memory_space<vmem>>, vector<16xf32>,
        %get3A_664 = arith.index_cast %add3A_659 : i32 to index
        %get3A_665 = tpu.vector_load %arg15[%get3A_664] {strides = array<i32>} : memref<4096xf32, #tpu.memory_space<vmem>>, vector<16xf32>,
        %get3A_666 = arith.index_cast %add3A_659 : i32 to index
        %get3A_667 = tpu.vector_load %arg16[%get3A_666] {strides = array<i32>} : memref<4096xf32, #tpu.memory_space<vmem>>, vector<16xf32>,
        %add3A_668 = vector.broadcast %add3A_659 : i32 to vector<16xi32>
        %add3A_669 = arith.addi %iota3A, %add3A_668 : vector<16xi32>
        %add3A_670 = arith.addf %gather3A_282, %get3A_667 : vector<16xf32>
        %mul3A_671 = arith.mulf %add3A_283, %get3A_661 : vector<16xf32>
        %mul3A_672 = arith.mulf %add3A_284, %get3A_663 : vector<16xf32>
        %add3A_673 = arith.addf %mul3A_671, %mul3A_672 : vector<16xf32>
        %mul3A_674 = arith.mulf %add3A_285, %get3A_665 : vector<16xf32>
        %add3A_675 = arith.addf %add3A_673, %mul3A_674 : vector<16xf32>
        %sub3A_676 = arith.subf %add3A_670, %add3A_675 : vector<16xf32>
        %max3A_677 = arith.constant 0.000000e+00 : f32
        %max3A_678 = vector.broadcast %max3A_677 : f32 to vector<16xf32>
        %max3A_679 = arith.maximumf %sub3A_676, %max3A_678 : vector<16xf32>
        %add3A_680 = arith.addf %gather3A_293, %get3A_667 : vector<16xf32>
        %mul3A_681 = arith.mulf %add3A_294, %get3A_661 : vector<16xf32>
        %mul3A_682 = arith.mulf %add3A_295, %get3A_663 : vector<16xf32>
        %add3A_683 = arith.addf %mul3A_681, %mul3A_682 : vector<16xf32>
        %mul3A_684 = arith.mulf %add3A_296, %get3A_665 : vector<16xf32>
        %add3A_685 = arith.addf %add3A_683, %mul3A_684 : vector<16xf32>
        %sub3A_686 = arith.subf %add3A_680, %add3A_685 : vector<16xf32>
        %max3A_687 = arith.constant 0.000000e+00 : f32
        %max3A_688 = vector.broadcast %max3A_687 : f32 to vector<16xf32>
        %max3A_689 = arith.maximumf %sub3A_686, %max3A_688 : vector<16xf32>
        %lt3A_690 = arith.cmpf olt, %max3A_679, %select_n3A_656 : vector<16xf32>
        %lt3A_691 = arith.cmpf olt, %max3A_689, %select_n3A_657 : vector<16xf32>
        %select_n3A_692 = arith.select %lt3A_690, %add3A_669, %select_n3A_654 : vector<16xi1>, vector<16xi32>
        %select_n3A_693 = arith.select %lt3A_691, %add3A_669, %select_n3A_655 : vector<16xi1>, vector<16xi32>
        %select_n3A_694 = arith.select %lt3A_690, %max3A_679, %select_n3A_656 : vector<16xi1>, vector<16xf32>
        %select_n3A_695 = arith.select %lt3A_691, %max3A_689, %select_n3A_657 : vector<16xi1>, vector<16xf32>
        %lt3A_696 = arith.cmpf olt, %select_n3A_694, %scan3A_391 : vector<16xf32>
        %all_reduce_population_count3A = tpu.all_reduce %lt3A_696 {dim = 0 : i64, kind = #tpu.reduction_kind<sum>} : vector<16xi1> -> vector<16xi32>
        %lt3A_697 = arith.cmpf olt, %select_n3A_695, %scan3A_396 : vector<16xf32>
        %all_reduce_population_count3A_698 = tpu.all_reduce %lt3A_697 {dim = 0 : i64, kind = #tpu.reduction_kind<sum>} : vector<16xi1> -> vector<16xi32>
        %slice3A_699 = vector.extract_strided_slice %all_reduce_population_count3A {offsets = [0], sizes = [1], strides = [1]} : vector<16xi32> to vector<1xi32>
        %squeeze3A_700 = vector.extract %slice3A_699[0] : i32 from vector<1xi32>
        %slice3A_701 = vector.extract_strided_slice %all_reduce_population_count3A_698 {offsets = [0], sizes = [1], strides = [1]} : vector<16xi32> to vector<1xi32>
        %squeeze3A_702 = vector.extract %slice3A_701[0] : i32 from vector<1xi32>
        %add3A_703 = arith.addi %squeeze3A_700, %squeeze3A_702 : i32
        %gt3A = arith.constant 0 : i32
        %gt3A_704 = arith.cmpi sgt, %add3A_703, %gt3A : i32
        %convert_element_type3A = arith.extui %gt3A_704 : i1 to i32
        %cond3A = arith.constant 0 : i32
        %cond3A_705 = arith.cmpi ne, %convert_element_type3A, %cond3A : i32
        %cond3A_706:10 = scf.if %cond3A_705 -> (vector<16xf32>, vector<16xi32>, vector<16xf32>, vector<16xf32>, vector<16xi32>, vector<16xf32>, vector<16xi32>, vector<16xf32>, vector<16xf32>, vector<16xi32>) {
          %add3A_707 = arith.constant 0 : i32
          %add3A_708 = arith.addi %mul3A_400, %add3A_707 : i32
          %add3A_709 = vector.broadcast %add3A_708 : i32 to vector<16xi32>
          %add3A_710 = arith.addi %iota3A, %add3A_709 : vector<16xi32>
          %lt3A_711 = arith.cmpf olt, %max3A_419, %scan3A_391 : vector<16xf32>
          %all_reduce_population_count3A_712 = tpu.all_reduce %lt3A_711 {dim = 0 : i64, kind = #tpu.reduction_kind<sum>} : vector<16xi1> -> vector<16xi32>
          %slice3A_713 = vector.extract_strided_slice %all_reduce_population_count3A_712 {offsets = [0], sizes = [1], strides = [1]} : vector<16xi32> to vector<1xi32>
          %squeeze3A_714 = vector.extract %slice3A_713[0] : i32 from vector<1xi32>
          %gt3A_715 = arith.constant 0 : i32
          %gt3A_716 = arith.cmpi sgt, %squeeze3A_714, %gt3A_715 : i32
          %convert_element_type3A_717 = arith.extui %gt3A_716 : i1 to i32
          %cond3A_718 = arith.constant 0 : i32
          %cond3A_719 = arith.cmpi ne, %convert_element_type3A_717, %cond3A_718 : i32
          %cond3A_720:5 = scf.if %cond3A_719 -> (vector<16xf32>, vector<16xi32>, vector<16xf32>, vector<16xf32>, vector<16xi32>) {
            %masked_sort3A_931 = arith.constant dense<true> : vector<16xi1>
            %masked_sort3A_932, %masked_sort3A_933, %masked_sort3A_934 = tpu.sort %max3A_419, %add3A_710 masked %masked_sort3A_931 {descending = true} : (vector<16xf32>, vector<16xi32>, vector<16xi1>) -> (vector<16xi1>, vector<16xf32>, vector<16xi32>)
            %lt3A_935 = arith.cmpf olt, %masked_sort3A_933, %scan3A_389 : vector<16xf32>
            %select_n3A_936 = arith.select %lt3A_935, %masked_sort3A_933, %scan3A_389 : vector<16xi1>, vector<16xf32>
            %select_n3A_937 = arith.select %lt3A_935, %masked_sort3A_934, %scan3A_390 : vector<16xi1>, vector<16xi32>
            %select_n3A_938 = arith.select %lt3A_935, %scan3A_389, %masked_sort3A_933 : vector<16xi1>, vector<16xf32>
            %select_n3A_939 = arith.select %lt3A_935, %scan3A_390, %masked_sort3A_934 : vector<16xi1>, vector<16xi32>
            %masked_sort3A_940 = arith.constant dense<true> : vector<16xi1>
            %masked_sort3A_941, %masked_sort3A_942, %masked_sort3A_943 = tpu.sort %select_n3A_936, %select_n3A_937 masked %masked_sort3A_940 : (vector<16xf32>, vector<16xi32>, vector<16xi1>) -> (vector<16xi1>, vector<16xf32>, vector<16xi32>)
            %slice3A_944 = vector.extract_strided_slice %masked_sort3A_942 {offsets = [15], sizes = [1], strides = [1]} : vector<16xf32> to vector<1xf32>
            %squeeze3A_945 = vector.extract %slice3A_944[0] : f32 from vector<1xf32>
            %broadcast_in_dim3A_946 = vector.broadcast %squeeze3A_945 : f32 to vector<16xf32>
            %lt3A_947 = arith.cmpf olt, %select_n3A_938, %scan3A_392 : vector<16xf32>
            %select_n3A_948 = arith.select %lt3A_947, %select_n3A_938, %scan3A_392 : vector<16xi1>, vector<16xf32>
            %select_n3A_949 = arith.select %lt3A_947, %select_n3A_939, %scan3A_393 : vector<16xi1>, vector<16xi32>
            scf.yield %masked_sort3A_942, %masked_sort3A_943, %broadcast_in_dim3A_946, %select_n3A_948, %select_n3A_949 : vector<16xf32>, vector<16xi32>, vector<16xf32>, vector<16xf32>, vector<16xi32>
          } else {
            %lt3A_931 = arith.cmpf olt, %max3A_419, %scan3A_392 : vector<16xf32>
            %select_n3A_932 = arith.select %lt3A_931, %max3A_419, %scan3A_392 : vector<16xi1>, vector<16xf32>
            %select_n3A_933 = arith.select %lt3A_931, %add3A_710, %scan3A_393 : vector<16xi1>, vector<16xi32>
            scf.yield %scan3A_389, %scan3A_390, %scan3A_391, %select_n3A_932, %select_n3A_933 : vector<16xf32>, vector<16xi32>, vector<16xf32>, vector<16xf32>, vector<16xi32>
          }
          %add3A_721 = arith.constant 16 : i32
          %add3A_722 = arith.addi %mul3A_400, %add3A_721 : i32
          %add3A_723 = vector.broadcast %add3A_722 : i32 to vector<16xi32>
          %add3A_724 = arith.addi %iota3A, %add3A_723 : vector<16xi32>
          %lt3A_725 = arith.cmpf olt, %max3A_451, %cond3A_720#2 : vector<16xf32>
          %all_reduce_population_count3A_726 = tpu.all_reduce %lt3A_725 {dim = 0 : i64, kind = #tpu.reduction_kind<sum>} : vector<16xi1> -> vector<16xi32>
          %slice3A_727 = vector.extract_strided_slice %all_reduce_population_count3A_726 {offsets = [0], sizes = [1], strides = [1]} : vector<16xi32> to vector<1xi32>
          %squeeze3A_728 = vector.extract %slice3A_727[0] : i32 from vector<1xi32>
          %gt3A_729 = arith.constant 0 : i32
          %gt3A_730 = arith.cmpi sgt, %squeeze3A_728, %gt3A_729 : i32
          %convert_element_type3A_731 = arith.extui %gt3A_730 : i1 to i32
          %cond3A_732 = arith.constant 0 : i32
          %cond3A_733 = arith.cmpi ne, %convert_element_type3A_731, %cond3A_732 : i32
          %cond3A_734:5 = scf.if %cond3A_733 -> (vector<16xf32>, vector<16xi32>, vector<16xf32>, vector<16xf32>, vector<16xi32>) {
            %masked_sort3A_931 = arith.constant dense<true> : vector<16xi1>
            %masked_sort3A_932, %masked_sort3A_933, %masked_sort3A_934 = tpu.sort %max3A_451, %add3A_724 masked %masked_sort3A_931 {descending = true} : (vector<16xf32>, vector<16xi32>, vector<16xi1>) -> (vector<16xi1>, vector<16xf32>, vector<16xi32>)
            %lt3A_935 = arith.cmpf olt, %masked_sort3A_933, %cond3A_720#0 : vector<16xf32>
            %select_n3A_936 = arith.select %lt3A_935, %masked_sort3A_933, %cond3A_720#0 : vector<16xi1>, vector<16xf32>
            %select_n3A_937 = arith.select %lt3A_935, %masked_sort3A_934, %cond3A_720#1 : vector<16xi1>, vector<16xi32>
            %select_n3A_938 = arith.select %lt3A_935, %cond3A_720#0, %masked_sort3A_933 : vector<16xi1>, vector<16xf32>
            %select_n3A_939 = arith.select %lt3A_935, %cond3A_720#1, %masked_sort3A_934 : vector<16xi1>, vector<16xi32>
            %masked_sort3A_940 = arith.constant dense<true> : vector<16xi1>
            %masked_sort3A_941, %masked_sort3A_942, %masked_sort3A_943 = tpu.sort %select_n3A_936, %select_n3A_937 masked %masked_sort3A_940 : (vector<16xf32>, vector<16xi32>, vector<16xi1>) -> (vector<16xi1>, vector<16xf32>, vector<16xi32>)
            %slice3A_944 = vector.extract_strided_slice %masked_sort3A_942 {offsets = [15], sizes = [1], strides = [1]} : vector<16xf32> to vector<1xf32>
            %squeeze3A_945 = vector.extract %slice3A_944[0] : f32 from vector<1xf32>
            %broadcast_in_dim3A_946 = vector.broadcast %squeeze3A_945 : f32 to vector<16xf32>
            %lt3A_947 = arith.cmpf olt, %select_n3A_938, %cond3A_720#3 : vector<16xf32>
            %select_n3A_948 = arith.select %lt3A_947, %select_n3A_938, %cond3A_720#3 : vector<16xi1>, vector<16xf32>
            %select_n3A_949 = arith.select %lt3A_947, %select_n3A_939, %cond3A_720#4 : vector<16xi1>, vector<16xi32>
            scf.yield %masked_sort3A_942, %masked_sort3A_943, %broadcast_in_dim3A_946, %select_n3A_948, %select_n3A_949 : vector<16xf32>, vector<16xi32>, vector<16xf32>, vector<16xf32>, vector<16xi32>
          } else {
            %lt3A_931 = arith.cmpf olt, %max3A_451, %cond3A_720#3 : vector<16xf32>
            %select_n3A_932 = arith.select %lt3A_931, %max3A_451, %cond3A_720#3 : vector<16xi1>, vector<16xf32>
            %select_n3A_933 = arith.select %lt3A_931, %add3A_724, %cond3A_720#4 : vector<16xi1>, vector<16xi32>
            scf.yield %cond3A_720#0, %cond3A_720#1, %cond3A_720#2, %select_n3A_932, %select_n3A_933 : vector<16xf32>, vector<16xi32>, vector<16xf32>, vector<16xf32>, vector<16xi32>
          }
          %add3A_735 = arith.constant 32 : i32
          %add3A_736 = arith.addi %mul3A_400, %add3A_735 : i32
          %add3A_737 = vector.broadcast %add3A_736 : i32 to vector<16xi32>
          %add3A_738 = arith.addi %iota3A, %add3A_737 : vector<16xi32>
          %lt3A_739 = arith.cmpf olt, %max3A_489, %cond3A_734#2 : vector<16xf32>
          %all_reduce_population_count3A_740 = tpu.all_reduce %lt3A_739 {dim = 0 : i64, kind = #tpu.reduction_kind<sum>} : vector<16xi1> -> vector<16xi32>
          %slice3A_741 = vector.extract_strided_slice %all_reduce_population_count3A_740 {offsets = [0], sizes = [1], strides = [1]} : vector<16xi32> to vector<1xi32>
          %squeeze3A_742 = vector.extract %slice3A_741[0] : i32 from vector<1xi32>
          %gt3A_743 = arith.constant 0 : i32
          %gt3A_744 = arith.cmpi sgt, %squeeze3A_742, %gt3A_743 : i32
          %convert_element_type3A_745 = arith.extui %gt3A_744 : i1 to i32
          %cond3A_746 = arith.constant 0 : i32
          %cond3A_747 = arith.cmpi ne, %convert_element_type3A_745, %cond3A_746 : i32
          %cond3A_748:5 = scf.if %cond3A_747 -> (vector<16xf32>, vector<16xi32>, vector<16xf32>, vector<16xf32>, vector<16xi32>) {
            %masked_sort3A_931 = arith.constant dense<true> : vector<16xi1>
            %masked_sort3A_932, %masked_sort3A_933, %masked_sort3A_934 = tpu.sort %max3A_489, %add3A_738 masked %masked_sort3A_931 {descending = true} : (vector<16xf32>, vector<16xi32>, vector<16xi1>) -> (vector<16xi1>, vector<16xf32>, vector<16xi32>)
            %lt3A_935 = arith.cmpf olt, %masked_sort3A_933, %cond3A_734#0 : vector<16xf32>
            %select_n3A_936 = arith.select %lt3A_935, %masked_sort3A_933, %cond3A_734#0 : vector<16xi1>, vector<16xf32>
            %select_n3A_937 = arith.select %lt3A_935, %masked_sort3A_934, %cond3A_734#1 : vector<16xi1>, vector<16xi32>
            %select_n3A_938 = arith.select %lt3A_935, %cond3A_734#0, %masked_sort3A_933 : vector<16xi1>, vector<16xf32>
            %select_n3A_939 = arith.select %lt3A_935, %cond3A_734#1, %masked_sort3A_934 : vector<16xi1>, vector<16xi32>
            %masked_sort3A_940 = arith.constant dense<true> : vector<16xi1>
            %masked_sort3A_941, %masked_sort3A_942, %masked_sort3A_943 = tpu.sort %select_n3A_936, %select_n3A_937 masked %masked_sort3A_940 : (vector<16xf32>, vector<16xi32>, vector<16xi1>) -> (vector<16xi1>, vector<16xf32>, vector<16xi32>)
            %slice3A_944 = vector.extract_strided_slice %masked_sort3A_942 {offsets = [15], sizes = [1], strides = [1]} : vector<16xf32> to vector<1xf32>
            %squeeze3A_945 = vector.extract %slice3A_944[0] : f32 from vector<1xf32>
            %broadcast_in_dim3A_946 = vector.broadcast %squeeze3A_945 : f32 to vector<16xf32>
            %lt3A_947 = arith.cmpf olt, %select_n3A_938, %cond3A_734#3 : vector<16xf32>
            %select_n3A_948 = arith.select %lt3A_947, %select_n3A_938, %cond3A_734#3 : vector<16xi1>, vector<16xf32>
            %select_n3A_949 = arith.select %lt3A_947, %select_n3A_939, %cond3A_734#4 : vector<16xi1>, vector<16xi32>
            scf.yield %masked_sort3A_942, %masked_sort3A_943, %broadcast_in_dim3A_946, %select_n3A_948, %select_n3A_949 : vector<16xf32>, vector<16xi32>, vector<16xf32>, vector<16xf32>, vector<16xi32>
          } else {
            %lt3A_931 = arith.cmpf olt, %max3A_489, %cond3A_734#3 : vector<16xf32>
            %select_n3A_932 = arith.select %lt3A_931, %max3A_489, %cond3A_734#3 : vector<16xi1>, vector<16xf32>
            %select_n3A_933 = arith.select %lt3A_931, %add3A_738, %cond3A_734#4 : vector<16xi1>, vector<16xi32>
            scf.yield %cond3A_734#0, %cond3A_734#1, %cond3A_734#2, %select_n3A_932, %select_n3A_933 : vector<16xf32>, vector<16xi32>, vector<16xf32>, vector<16xf32>, vector<16xi32>
          }
          %add3A_749 = arith.constant 48 : i32
          %add3A_750 = arith.addi %mul3A_400, %add3A_749 : i32
          %add3A_751 = vector.broadcast %add3A_750 : i32 to vector<16xi32>
          %add3A_752 = arith.addi %iota3A, %add3A_751 : vector<16xi32>
          %lt3A_753 = arith.cmpf olt, %max3A_527, %cond3A_748#2 : vector<16xf32>
          %all_reduce_population_count3A_754 = tpu.all_reduce %lt3A_753 {dim = 0 : i64, kind = #tpu.reduction_kind<sum>} : vector<16xi1> -> vector<16xi32>
          %slice3A_755 = vector.extract_strided_slice %all_reduce_population_count3A_754 {offsets = [0], sizes = [1], strides = [1]} : vector<16xi32> to vector<1xi32>
          %squeeze3A_756 = vector.extract %slice3A_755[0] : i32 from vector<1xi32>
          %gt3A_757 = arith.constant 0 : i32
          %gt3A_758 = arith.cmpi sgt, %squeeze3A_756, %gt3A_757 : i32
          %convert_element_type3A_759 = arith.extui %gt3A_758 : i1 to i32
          %cond3A_760 = arith.constant 0 : i32
          %cond3A_761 = arith.cmpi ne, %convert_element_type3A_759, %cond3A_760 : i32
          %cond3A_762:5 = scf.if %cond3A_761 -> (vector<16xf32>, vector<16xi32>, vector<16xf32>, vector<16xf32>, vector<16xi32>) {
            %masked_sort3A_931 = arith.constant dense<true> : vector<16xi1>
            %masked_sort3A_932, %masked_sort3A_933, %masked_sort3A_934 = tpu.sort %max3A_527, %add3A_752 masked %masked_sort3A_931 {descending = true} : (vector<16xf32>, vector<16xi32>, vector<16xi1>) -> (vector<16xi1>, vector<16xf32>, vector<16xi32>)
            %lt3A_935 = arith.cmpf olt, %masked_sort3A_933, %cond3A_748#0 : vector<16xf32>
            %select_n3A_936 = arith.select %lt3A_935, %masked_sort3A_933, %cond3A_748#0 : vector<16xi1>, vector<16xf32>
            %select_n3A_937 = arith.select %lt3A_935, %masked_sort3A_934, %cond3A_748#1 : vector<16xi1>, vector<16xi32>
            %select_n3A_938 = arith.select %lt3A_935, %cond3A_748#0, %masked_sort3A_933 : vector<16xi1>, vector<16xf32>
            %select_n3A_939 = arith.select %lt3A_935, %cond3A_748#1, %masked_sort3A_934 : vector<16xi1>, vector<16xi32>
            %masked_sort3A_940 = arith.constant dense<true> : vector<16xi1>
            %masked_sort3A_941, %masked_sort3A_942, %masked_sort3A_943 = tpu.sort %select_n3A_936, %select_n3A_937 masked %masked_sort3A_940 : (vector<16xf32>, vector<16xi32>, vector<16xi1>) -> (vector<16xi1>, vector<16xf32>, vector<16xi32>)
            %slice3A_944 = vector.extract_strided_slice %masked_sort3A_942 {offsets = [15], sizes = [1], strides = [1]} : vector<16xf32> to vector<1xf32>
            %squeeze3A_945 = vector.extract %slice3A_944[0] : f32 from vector<1xf32>
            %broadcast_in_dim3A_946 = vector.broadcast %squeeze3A_945 : f32 to vector<16xf32>
            %lt3A_947 = arith.cmpf olt, %select_n3A_938, %cond3A_748#3 : vector<16xf32>
            %select_n3A_948 = arith.select %lt3A_947, %select_n3A_938, %cond3A_748#3 : vector<16xi1>, vector<16xf32>
            %select_n3A_949 = arith.select %lt3A_947, %select_n3A_939, %cond3A_748#4 : vector<16xi1>, vector<16xi32>
            scf.yield %masked_sort3A_942, %masked_sort3A_943, %broadcast_in_dim3A_946, %select_n3A_948, %select_n3A_949 : vector<16xf32>, vector<16xi32>, vector<16xf32>, vector<16xf32>, vector<16xi32>
          } else {
            %lt3A_931 = arith.cmpf olt, %max3A_527, %cond3A_748#3 : vector<16xf32>
            %select_n3A_932 = arith.select %lt3A_931, %max3A_527, %cond3A_748#3 : vector<16xi1>, vector<16xf32>
            %select_n3A_933 = arith.select %lt3A_931, %add3A_752, %cond3A_748#4 : vector<16xi1>, vector<16xi32>
            scf.yield %cond3A_748#0, %cond3A_748#1, %cond3A_748#2, %select_n3A_932, %select_n3A_933 : vector<16xf32>, vector<16xi32>, vector<16xf32>, vector<16xf32>, vector<16xi32>
          }
          %add3A_763 = arith.constant 64 : i32
          %add3A_764 = arith.addi %mul3A_400, %add3A_763 : i32
          %add3A_765 = vector.broadcast %add3A_764 : i32 to vector<16xi32>
          %add3A_766 = arith.addi %iota3A, %add3A_765 : vector<16xi32>
          %lt3A_767 = arith.cmpf olt, %max3A_565, %cond3A_762#2 : vector<16xf32>
          %all_reduce_population_count3A_768 = tpu.all_reduce %lt3A_767 {dim = 0 : i64, kind = #tpu.reduction_kind<sum>} : vector<16xi1> -> vector<16xi32>
          %slice3A_769 = vector.extract_strided_slice %all_reduce_population_count3A_768 {offsets = [0], sizes = [1], strides = [1]} : vector<16xi32> to vector<1xi32>
          %squeeze3A_770 = vector.extract %slice3A_769[0] : i32 from vector<1xi32>
          %gt3A_771 = arith.constant 0 : i32
          %gt3A_772 = arith.cmpi sgt, %squeeze3A_770, %gt3A_771 : i32
          %convert_element_type3A_773 = arith.extui %gt3A_772 : i1 to i32
          %cond3A_774 = arith.constant 0 : i32
          %cond3A_775 = arith.cmpi ne, %convert_element_type3A_773, %cond3A_774 : i32
          %cond3A_776:5 = scf.if %cond3A_775 -> (vector<16xf32>, vector<16xi32>, vector<16xf32>, vector<16xf32>, vector<16xi32>) {
            %masked_sort3A_931 = arith.constant dense<true> : vector<16xi1>
            %masked_sort3A_932, %masked_sort3A_933, %masked_sort3A_934 = tpu.sort %max3A_565, %add3A_766 masked %masked_sort3A_931 {descending = true} : (vector<16xf32>, vector<16xi32>, vector<16xi1>) -> (vector<16xi1>, vector<16xf32>, vector<16xi32>)
            %lt3A_935 = arith.cmpf olt, %masked_sort3A_933, %cond3A_762#0 : vector<16xf32>
            %select_n3A_936 = arith.select %lt3A_935, %masked_sort3A_933, %cond3A_762#0 : vector<16xi1>, vector<16xf32>
            %select_n3A_937 = arith.select %lt3A_935, %masked_sort3A_934, %cond3A_762#1 : vector<16xi1>, vector<16xi32>
            %select_n3A_938 = arith.select %lt3A_935, %cond3A_762#0, %masked_sort3A_933 : vector<16xi1>, vector<16xf32>
            %select_n3A_939 = arith.select %lt3A_935, %cond3A_762#1, %masked_sort3A_934 : vector<16xi1>, vector<16xi32>
            %masked_sort3A_940 = arith.constant dense<true> : vector<16xi1>
            %masked_sort3A_941, %masked_sort3A_942, %masked_sort3A_943 = tpu.sort %select_n3A_936, %select_n3A_937 masked %masked_sort3A_940 : (vector<16xf32>, vector<16xi32>, vector<16xi1>) -> (vector<16xi1>, vector<16xf32>, vector<16xi32>)
            %slice3A_944 = vector.extract_strided_slice %masked_sort3A_942 {offsets = [15], sizes = [1], strides = [1]} : vector<16xf32> to vector<1xf32>
            %squeeze3A_945 = vector.extract %slice3A_944[0] : f32 from vector<1xf32>
            %broadcast_in_dim3A_946 = vector.broadcast %squeeze3A_945 : f32 to vector<16xf32>
            %lt3A_947 = arith.cmpf olt, %select_n3A_938, %cond3A_762#3 : vector<16xf32>
            %select_n3A_948 = arith.select %lt3A_947, %select_n3A_938, %cond3A_762#3 : vector<16xi1>, vector<16xf32>
            %select_n3A_949 = arith.select %lt3A_947, %select_n3A_939, %cond3A_762#4 : vector<16xi1>, vector<16xi32>
            scf.yield %masked_sort3A_942, %masked_sort3A_943, %broadcast_in_dim3A_946, %select_n3A_948, %select_n3A_949 : vector<16xf32>, vector<16xi32>, vector<16xf32>, vector<16xf32>, vector<16xi32>
          } else {
            %lt3A_931 = arith.cmpf olt, %max3A_565, %cond3A_762#3 : vector<16xf32>
            %select_n3A_932 = arith.select %lt3A_931, %max3A_565, %cond3A_762#3 : vector<16xi1>, vector<16xf32>
            %select_n3A_933 = arith.select %lt3A_931, %add3A_766, %cond3A_762#4 : vector<16xi1>, vector<16xi32>
            scf.yield %cond3A_762#0, %cond3A_762#1, %cond3A_762#2, %select_n3A_932, %select_n3A_933 : vector<16xf32>, vector<16xi32>, vector<16xf32>, vector<16xf32>, vector<16xi32>
          }
          %add3A_777 = arith.constant 80 : i32
          %add3A_778 = arith.addi %mul3A_400, %add3A_777 : i32
          %add3A_779 = vector.broadcast %add3A_778 : i32 to vector<16xi32>
          %add3A_780 = arith.addi %iota3A, %add3A_779 : vector<16xi32>
          %lt3A_781 = arith.cmpf olt, %max3A_603, %cond3A_776#2 : vector<16xf32>
          %all_reduce_population_count3A_782 = tpu.all_reduce %lt3A_781 {dim = 0 : i64, kind = #tpu.reduction_kind<sum>} : vector<16xi1> -> vector<16xi32>
          %slice3A_783 = vector.extract_strided_slice %all_reduce_population_count3A_782 {offsets = [0], sizes = [1], strides = [1]} : vector<16xi32> to vector<1xi32>
          %squeeze3A_784 = vector.extract %slice3A_783[0] : i32 from vector<1xi32>
          %gt3A_785 = arith.constant 0 : i32
          %gt3A_786 = arith.cmpi sgt, %squeeze3A_784, %gt3A_785 : i32
          %convert_element_type3A_787 = arith.extui %gt3A_786 : i1 to i32
          %cond3A_788 = arith.constant 0 : i32
          %cond3A_789 = arith.cmpi ne, %convert_element_type3A_787, %cond3A_788 : i32
          %cond3A_790:5 = scf.if %cond3A_789 -> (vector<16xf32>, vector<16xi32>, vector<16xf32>, vector<16xf32>, vector<16xi32>) {
            %masked_sort3A_931 = arith.constant dense<true> : vector<16xi1>
            %masked_sort3A_932, %masked_sort3A_933, %masked_sort3A_934 = tpu.sort %max3A_603, %add3A_780 masked %masked_sort3A_931 {descending = true} : (vector<16xf32>, vector<16xi32>, vector<16xi1>) -> (vector<16xi1>, vector<16xf32>, vector<16xi32>)
            %lt3A_935 = arith.cmpf olt, %masked_sort3A_933, %cond3A_776#0 : vector<16xf32>
            %select_n3A_936 = arith.select %lt3A_935, %masked_sort3A_933, %cond3A_776#0 : vector<16xi1>, vector<16xf32>
            %select_n3A_937 = arith.select %lt3A_935, %masked_sort3A_934, %cond3A_776#1 : vector<16xi1>, vector<16xi32>
            %select_n3A_938 = arith.select %lt3A_935, %cond3A_776#0, %masked_sort3A_933 : vector<16xi1>, vector<16xf32>
            %select_n3A_939 = arith.select %lt3A_935, %cond3A_776#1, %masked_sort3A_934 : vector<16xi1>, vector<16xi32>
            %masked_sort3A_940 = arith.constant dense<true> : vector<16xi1>
            %masked_sort3A_941, %masked_sort3A_942, %masked_sort3A_943 = tpu.sort %select_n3A_936, %select_n3A_937 masked %masked_sort3A_940 : (vector<16xf32>, vector<16xi32>, vector<16xi1>) -> (vector<16xi1>, vector<16xf32>, vector<16xi32>)
            %slice3A_944 = vector.extract_strided_slice %masked_sort3A_942 {offsets = [15], sizes = [1], strides = [1]} : vector<16xf32> to vector<1xf32>
            %squeeze3A_945 = vector.extract %slice3A_944[0] : f32 from vector<1xf32>
            %broadcast_in_dim3A_946 = vector.broadcast %squeeze3A_945 : f32 to vector<16xf32>
            %lt3A_947 = arith.cmpf olt, %select_n3A_938, %cond3A_776#3 : vector<16xf32>
            %select_n3A_948 = arith.select %lt3A_947, %select_n3A_938, %cond3A_776#3 : vector<16xi1>, vector<16xf32>
            %select_n3A_949 = arith.select %lt3A_947, %select_n3A_939, %cond3A_776#4 : vector<16xi1>, vector<16xi32>
            scf.yield %masked_sort3A_942, %masked_sort3A_943, %broadcast_in_dim3A_946, %select_n3A_948, %select_n3A_949 : vector<16xf32>, vector<16xi32>, vector<16xf32>, vector<16xf32>, vector<16xi32>
          } else {
            %lt3A_931 = arith.cmpf olt, %max3A_603, %cond3A_776#3 : vector<16xf32>
            %select_n3A_932 = arith.select %lt3A_931, %max3A_603, %cond3A_776#3 : vector<16xi1>, vector<16xf32>
            %select_n3A_933 = arith.select %lt3A_931, %add3A_780, %cond3A_776#4 : vector<16xi1>, vector<16xi32>
            scf.yield %cond3A_776#0, %cond3A_776#1, %cond3A_776#2, %select_n3A_932, %select_n3A_933 : vector<16xf32>, vector<16xi32>, vector<16xf32>, vector<16xf32>, vector<16xi32>
          }
          %add3A_791 = arith.constant 96 : i32
          %add3A_792 = arith.addi %mul3A_400, %add3A_791 : i32
          %add3A_793 = vector.broadcast %add3A_792 : i32 to vector<16xi32>
          %add3A_794 = arith.addi %iota3A, %add3A_793 : vector<16xi32>
          %lt3A_795 = arith.cmpf olt, %max3A_641, %cond3A_790#2 : vector<16xf32>
          %all_reduce_population_count3A_796 = tpu.all_reduce %lt3A_795 {dim = 0 : i64, kind = #tpu.reduction_kind<sum>} : vector<16xi1> -> vector<16xi32>
          %slice3A_797 = vector.extract_strided_slice %all_reduce_population_count3A_796 {offsets = [0], sizes = [1], strides = [1]} : vector<16xi32> to vector<1xi32>
          %squeeze3A_798 = vector.extract %slice3A_797[0] : i32 from vector<1xi32>
          %gt3A_799 = arith.constant 0 : i32
          %gt3A_800 = arith.cmpi sgt, %squeeze3A_798, %gt3A_799 : i32
          %convert_element_type3A_801 = arith.extui %gt3A_800 : i1 to i32
          %cond3A_802 = arith.constant 0 : i32
          %cond3A_803 = arith.cmpi ne, %convert_element_type3A_801, %cond3A_802 : i32
          %cond3A_804:5 = scf.if %cond3A_803 -> (vector<16xf32>, vector<16xi32>, vector<16xf32>, vector<16xf32>, vector<16xi32>) {
            %masked_sort3A_931 = arith.constant dense<true> : vector<16xi1>
            %masked_sort3A_932, %masked_sort3A_933, %masked_sort3A_934 = tpu.sort %max3A_641, %add3A_794 masked %masked_sort3A_931 {descending = true} : (vector<16xf32>, vector<16xi32>, vector<16xi1>) -> (vector<16xi1>, vector<16xf32>, vector<16xi32>)
            %lt3A_935 = arith.cmpf olt, %masked_sort3A_933, %cond3A_790#0 : vector<16xf32>
            %select_n3A_936 = arith.select %lt3A_935, %masked_sort3A_933, %cond3A_790#0 : vector<16xi1>, vector<16xf32>
            %select_n3A_937 = arith.select %lt3A_935, %masked_sort3A_934, %cond3A_790#1 : vector<16xi1>, vector<16xi32>
            %select_n3A_938 = arith.select %lt3A_935, %cond3A_790#0, %masked_sort3A_933 : vector<16xi1>, vector<16xf32>
            %select_n3A_939 = arith.select %lt3A_935, %cond3A_790#1, %masked_sort3A_934 : vector<16xi1>, vector<16xi32>
            %masked_sort3A_940 = arith.constant dense<true> : vector<16xi1>
            %masked_sort3A_941, %masked_sort3A_942, %masked_sort3A_943 = tpu.sort %select_n3A_936, %select_n3A_937 masked %masked_sort3A_940 : (vector<16xf32>, vector<16xi32>, vector<16xi1>) -> (vector<16xi1>, vector<16xf32>, vector<16xi32>)
            %slice3A_944 = vector.extract_strided_slice %masked_sort3A_942 {offsets = [15], sizes = [1], strides = [1]} : vector<16xf32> to vector<1xf32>
            %squeeze3A_945 = vector.extract %slice3A_944[0] : f32 from vector<1xf32>
            %broadcast_in_dim3A_946 = vector.broadcast %squeeze3A_945 : f32 to vector<16xf32>
            %lt3A_947 = arith.cmpf olt, %select_n3A_938, %cond3A_790#3 : vector<16xf32>
            %select_n3A_948 = arith.select %lt3A_947, %select_n3A_938, %cond3A_790#3 : vector<16xi1>, vector<16xf32>
            %select_n3A_949 = arith.select %lt3A_947, %select_n3A_939, %cond3A_790#4 : vector<16xi1>, vector<16xi32>
            scf.yield %masked_sort3A_942, %masked_sort3A_943, %broadcast_in_dim3A_946, %select_n3A_948, %select_n3A_949 : vector<16xf32>, vector<16xi32>, vector<16xf32>, vector<16xf32>, vector<16xi32>
          } else {
            %lt3A_931 = arith.cmpf olt, %max3A_641, %cond3A_790#3 : vector<16xf32>
            %select_n3A_932 = arith.select %lt3A_931, %max3A_641, %cond3A_790#3 : vector<16xi1>, vector<16xf32>
            %select_n3A_933 = arith.select %lt3A_931, %add3A_794, %cond3A_790#4 : vector<16xi1>, vector<16xi32>
            scf.yield %cond3A_790#0, %cond3A_790#1, %cond3A_790#2, %select_n3A_932, %select_n3A_933 : vector<16xf32>, vector<16xi32>, vector<16xf32>, vector<16xf32>, vector<16xi32>
          }
          %add3A_805 = arith.constant 112 : i32
          %add3A_806 = arith.addi %mul3A_400, %add3A_805 : i32
          %add3A_807 = vector.broadcast %add3A_806 : i32 to vector<16xi32>
          %add3A_808 = arith.addi %iota3A, %add3A_807 : vector<16xi32>
          %lt3A_809 = arith.cmpf olt, %max3A_679, %cond3A_804#2 : vector<16xf32>
          %all_reduce_population_count3A_810 = tpu.all_reduce %lt3A_809 {dim = 0 : i64, kind = #tpu.reduction_kind<sum>} : vector<16xi1> -> vector<16xi32>
          %slice3A_811 = vector.extract_strided_slice %all_reduce_population_count3A_810 {offsets = [0], sizes = [1], strides = [1]} : vector<16xi32> to vector<1xi32>
          %squeeze3A_812 = vector.extract %slice3A_811[0] : i32 from vector<1xi32>
          %gt3A_813 = arith.constant 0 : i32
          %gt3A_814 = arith.cmpi sgt, %squeeze3A_812, %gt3A_813 : i32
          %convert_element_type3A_815 = arith.extui %gt3A_814 : i1 to i32
          %cond3A_816 = arith.constant 0 : i32
          %cond3A_817 = arith.cmpi ne, %convert_element_type3A_815, %cond3A_816 : i32
          %cond3A_818:5 = scf.if %cond3A_817 -> (vector<16xf32>, vector<16xi32>, vector<16xf32>, vector<16xf32>, vector<16xi32>) {
            %masked_sort3A_931 = arith.constant dense<true> : vector<16xi1>
            %masked_sort3A_932, %masked_sort3A_933, %masked_sort3A_934 = tpu.sort %max3A_679, %add3A_808 masked %masked_sort3A_931 {descending = true} : (vector<16xf32>, vector<16xi32>, vector<16xi1>) -> (vector<16xi1>, vector<16xf32>, vector<16xi32>)
            %lt3A_935 = arith.cmpf olt, %masked_sort3A_933, %cond3A_804#0 : vector<16xf32>
            %select_n3A_936 = arith.select %lt3A_935, %masked_sort3A_933, %cond3A_804#0 : vector<16xi1>, vector<16xf32>
            %select_n3A_937 = arith.select %lt3A_935, %masked_sort3A_934, %cond3A_804#1 : vector<16xi1>, vector<16xi32>
            %select_n3A_938 = arith.select %lt3A_935, %cond3A_804#0, %masked_sort3A_933 : vector<16xi1>, vector<16xf32>
            %select_n3A_939 = arith.select %lt3A_935, %cond3A_804#1, %masked_sort3A_934 : vector<16xi1>, vector<16xi32>
            %masked_sort3A_940 = arith.constant dense<true> : vector<16xi1>
            %masked_sort3A_941, %masked_sort3A_942, %masked_sort3A_943 = tpu.sort %select_n3A_936, %select_n3A_937 masked %masked_sort3A_940 : (vector<16xf32>, vector<16xi32>, vector<16xi1>) -> (vector<16xi1>, vector<16xf32>, vector<16xi32>)
            %slice3A_944 = vector.extract_strided_slice %masked_sort3A_942 {offsets = [15], sizes = [1], strides = [1]} : vector<16xf32> to vector<1xf32>
            %squeeze3A_945 = vector.extract %slice3A_944[0] : f32 from vector<1xf32>
            %broadcast_in_dim3A_946 = vector.broadcast %squeeze3A_945 : f32 to vector<16xf32>
            %lt3A_947 = arith.cmpf olt, %select_n3A_938, %cond3A_804#3 : vector<16xf32>
            %select_n3A_948 = arith.select %lt3A_947, %select_n3A_938, %cond3A_804#3 : vector<16xi1>, vector<16xf32>
            %select_n3A_949 = arith.select %lt3A_947, %select_n3A_939, %cond3A_804#4 : vector<16xi1>, vector<16xi32>
            scf.yield %masked_sort3A_942, %masked_sort3A_943, %broadcast_in_dim3A_946, %select_n3A_948, %select_n3A_949 : vector<16xf32>, vector<16xi32>, vector<16xf32>, vector<16xf32>, vector<16xi32>
          } else {
            %lt3A_931 = arith.cmpf olt, %max3A_679, %cond3A_804#3 : vector<16xf32>
            %select_n3A_932 = arith.select %lt3A_931, %max3A_679, %cond3A_804#3 : vector<16xi1>, vector<16xf32>
            %select_n3A_933 = arith.select %lt3A_931, %add3A_808, %cond3A_804#4 : vector<16xi1>, vector<16xi32>
            scf.yield %cond3A_804#0, %cond3A_804#1, %cond3A_804#2, %select_n3A_932, %select_n3A_933 : vector<16xf32>, vector<16xi32>, vector<16xf32>, vector<16xf32>, vector<16xi32>
          }
          %add3A_819 = arith.constant 0 : i32
          %add3A_820 = arith.addi %mul3A_400, %add3A_819 : i32
          %add3A_821 = vector.broadcast %add3A_820 : i32 to vector<16xi32>
          %add3A_822 = arith.addi %iota3A, %add3A_821 : vector<16xi32>
          %lt3A_823 = arith.cmpf olt, %max3A_429, %scan3A_396 : vector<16xf32>
          %all_reduce_population_count3A_824 = tpu.all_reduce %lt3A_823 {dim = 0 : i64, kind = #tpu.reduction_kind<sum>} : vector<16xi1> -> vector<16xi32>
          %slice3A_825 = vector.extract_strided_slice %all_reduce_population_count3A_824 {offsets = [0], sizes = [1], strides = [1]} : vector<16xi32> to vector<1xi32>
          %squeeze3A_826 = vector.extract %slice3A_825[0] : i32 from vector<1xi32>
          %gt3A_827 = arith.constant 0 : i32
          %gt3A_828 = arith.cmpi sgt, %squeeze3A_826, %gt3A_827 : i32
          %convert_element_type3A_829 = arith.extui %gt3A_828 : i1 to i32
          %cond3A_830 = arith.constant 0 : i32
          %cond3A_831 = arith.cmpi ne, %convert_element_type3A_829, %cond3A_830 : i32
          %cond3A_832:5 = scf.if %cond3A_831 -> (vector<16xf32>, vector<16xi32>, vector<16xf32>, vector<16xf32>, vector<16xi32>) {
            %masked_sort3A_931 = arith.constant dense<true> : vector<16xi1>
            %masked_sort3A_932, %masked_sort3A_933, %masked_sort3A_934 = tpu.sort %max3A_429, %add3A_822 masked %masked_sort3A_931 {descending = true} : (vector<16xf32>, vector<16xi32>, vector<16xi1>) -> (vector<16xi1>, vector<16xf32>, vector<16xi32>)
            %lt3A_935 = arith.cmpf olt, %masked_sort3A_933, %scan3A_394 : vector<16xf32>
            %select_n3A_936 = arith.select %lt3A_935, %masked_sort3A_933, %scan3A_394 : vector<16xi1>, vector<16xf32>
            %select_n3A_937 = arith.select %lt3A_935, %masked_sort3A_934, %scan3A_395 : vector<16xi1>, vector<16xi32>
            %select_n3A_938 = arith.select %lt3A_935, %scan3A_394, %masked_sort3A_933 : vector<16xi1>, vector<16xf32>
            %select_n3A_939 = arith.select %lt3A_935, %scan3A_395, %masked_sort3A_934 : vector<16xi1>, vector<16xi32>
            %masked_sort3A_940 = arith.constant dense<true> : vector<16xi1>
            %masked_sort3A_941, %masked_sort3A_942, %masked_sort3A_943 = tpu.sort %select_n3A_936, %select_n3A_937 masked %masked_sort3A_940 : (vector<16xf32>, vector<16xi32>, vector<16xi1>) -> (vector<16xi1>, vector<16xf32>, vector<16xi32>)
            %slice3A_944 = vector.extract_strided_slice %masked_sort3A_942 {offsets = [15], sizes = [1], strides = [1]} : vector<16xf32> to vector<1xf32>
            %squeeze3A_945 = vector.extract %slice3A_944[0] : f32 from vector<1xf32>
            %broadcast_in_dim3A_946 = vector.broadcast %squeeze3A_945 : f32 to vector<16xf32>
            %lt3A_947 = arith.cmpf olt, %select_n3A_938, %scan3A_397 : vector<16xf32>
            %select_n3A_948 = arith.select %lt3A_947, %select_n3A_938, %scan3A_397 : vector<16xi1>, vector<16xf32>
            %select_n3A_949 = arith.select %lt3A_947, %select_n3A_939, %scan3A_398 : vector<16xi1>, vector<16xi32>
            scf.yield %masked_sort3A_942, %masked_sort3A_943, %broadcast_in_dim3A_946, %select_n3A_948, %select_n3A_949 : vector<16xf32>, vector<16xi32>, vector<16xf32>, vector<16xf32>, vector<16xi32>
          } else {
            %lt3A_931 = arith.cmpf olt, %max3A_429, %scan3A_397 : vector<16xf32>
            %select_n3A_932 = arith.select %lt3A_931, %max3A_429, %scan3A_397 : vector<16xi1>, vector<16xf32>
            %select_n3A_933 = arith.select %lt3A_931, %add3A_822, %scan3A_398 : vector<16xi1>, vector<16xi32>
            scf.yield %scan3A_394, %scan3A_395, %scan3A_396, %select_n3A_932, %select_n3A_933 : vector<16xf32>, vector<16xi32>, vector<16xf32>, vector<16xf32>, vector<16xi32>
          }
          %add3A_833 = arith.constant 16 : i32
          %add3A_834 = arith.addi %mul3A_400, %add3A_833 : i32
          %add3A_835 = vector.broadcast %add3A_834 : i32 to vector<16xi32>
          %add3A_836 = arith.addi %iota3A, %add3A_835 : vector<16xi32>
          %lt3A_837 = arith.cmpf olt, %max3A_461, %cond3A_832#2 : vector<16xf32>
          %all_reduce_population_count3A_838 = tpu.all_reduce %lt3A_837 {dim = 0 : i64, kind = #tpu.reduction_kind<sum>} : vector<16xi1> -> vector<16xi32>
          %slice3A_839 = vector.extract_strided_slice %all_reduce_population_count3A_838 {offsets = [0], sizes = [1], strides = [1]} : vector<16xi32> to vector<1xi32>
          %squeeze3A_840 = vector.extract %slice3A_839[0] : i32 from vector<1xi32>
          %gt3A_841 = arith.constant 0 : i32
          %gt3A_842 = arith.cmpi sgt, %squeeze3A_840, %gt3A_841 : i32
          %convert_element_type3A_843 = arith.extui %gt3A_842 : i1 to i32
          %cond3A_844 = arith.constant 0 : i32
          %cond3A_845 = arith.cmpi ne, %convert_element_type3A_843, %cond3A_844 : i32
          %cond3A_846:5 = scf.if %cond3A_845 -> (vector<16xf32>, vector<16xi32>, vector<16xf32>, vector<16xf32>, vector<16xi32>) {
            %masked_sort3A_931 = arith.constant dense<true> : vector<16xi1>
            %masked_sort3A_932, %masked_sort3A_933, %masked_sort3A_934 = tpu.sort %max3A_461, %add3A_836 masked %masked_sort3A_931 {descending = true} : (vector<16xf32>, vector<16xi32>, vector<16xi1>) -> (vector<16xi1>, vector<16xf32>, vector<16xi32>)
            %lt3A_935 = arith.cmpf olt, %masked_sort3A_933, %cond3A_832#0 : vector<16xf32>
            %select_n3A_936 = arith.select %lt3A_935, %masked_sort3A_933, %cond3A_832#0 : vector<16xi1>, vector<16xf32>
            %select_n3A_937 = arith.select %lt3A_935, %masked_sort3A_934, %cond3A_832#1 : vector<16xi1>, vector<16xi32>
            %select_n3A_938 = arith.select %lt3A_935, %cond3A_832#0, %masked_sort3A_933 : vector<16xi1>, vector<16xf32>
            %select_n3A_939 = arith.select %lt3A_935, %cond3A_832#1, %masked_sort3A_934 : vector<16xi1>, vector<16xi32>
            %masked_sort3A_940 = arith.constant dense<true> : vector<16xi1>
            %masked_sort3A_941, %masked_sort3A_942, %masked_sort3A_943 = tpu.sort %select_n3A_936, %select_n3A_937 masked %masked_sort3A_940 : (vector<16xf32>, vector<16xi32>, vector<16xi1>) -> (vector<16xi1>, vector<16xf32>, vector<16xi32>)
            %slice3A_944 = vector.extract_strided_slice %masked_sort3A_942 {offsets = [15], sizes = [1], strides = [1]} : vector<16xf32> to vector<1xf32>
            %squeeze3A_945 = vector.extract %slice3A_944[0] : f32 from vector<1xf32>
            %broadcast_in_dim3A_946 = vector.broadcast %squeeze3A_945 : f32 to vector<16xf32>
            %lt3A_947 = arith.cmpf olt, %select_n3A_938, %cond3A_832#3 : vector<16xf32>
            %select_n3A_948 = arith.select %lt3A_947, %select_n3A_938, %cond3A_832#3 : vector<16xi1>, vector<16xf32>
            %select_n3A_949 = arith.select %lt3A_947, %select_n3A_939, %cond3A_832#4 : vector<16xi1>, vector<16xi32>
            scf.yield %masked_sort3A_942, %masked_sort3A_943, %broadcast_in_dim3A_946, %select_n3A_948, %select_n3A_949 : vector<16xf32>, vector<16xi32>, vector<16xf32>, vector<16xf32>, vector<16xi32>
          } else {
            %lt3A_931 = arith.cmpf olt, %max3A_461, %cond3A_832#3 : vector<16xf32>
            %select_n3A_932 = arith.select %lt3A_931, %max3A_461, %cond3A_832#3 : vector<16xi1>, vector<16xf32>
            %select_n3A_933 = arith.select %lt3A_931, %add3A_836, %cond3A_832#4 : vector<16xi1>, vector<16xi32>
            scf.yield %cond3A_832#0, %cond3A_832#1, %cond3A_832#2, %select_n3A_932, %select_n3A_933 : vector<16xf32>, vector<16xi32>, vector<16xf32>, vector<16xf32>, vector<16xi32>
          }
          %add3A_847 = arith.constant 32 : i32
          %add3A_848 = arith.addi %mul3A_400, %add3A_847 : i32
          %add3A_849 = vector.broadcast %add3A_848 : i32 to vector<16xi32>
          %add3A_850 = arith.addi %iota3A, %add3A_849 : vector<16xi32>
          %lt3A_851 = arith.cmpf olt, %max3A_499, %cond3A_846#2 : vector<16xf32>
          %all_reduce_population_count3A_852 = tpu.all_reduce %lt3A_851 {dim = 0 : i64, kind = #tpu.reduction_kind<sum>} : vector<16xi1> -> vector<16xi32>
          %slice3A_853 = vector.extract_strided_slice %all_reduce_population_count3A_852 {offsets = [0], sizes = [1], strides = [1]} : vector<16xi32> to vector<1xi32>
          %squeeze3A_854 = vector.extract %slice3A_853[0] : i32 from vector<1xi32>
          %gt3A_855 = arith.constant 0 : i32
          %gt3A_856 = arith.cmpi sgt, %squeeze3A_854, %gt3A_855 : i32
          %convert_element_type3A_857 = arith.extui %gt3A_856 : i1 to i32
          %cond3A_858 = arith.constant 0 : i32
          %cond3A_859 = arith.cmpi ne, %convert_element_type3A_857, %cond3A_858 : i32
          %cond3A_860:5 = scf.if %cond3A_859 -> (vector<16xf32>, vector<16xi32>, vector<16xf32>, vector<16xf32>, vector<16xi32>) {
            %masked_sort3A_931 = arith.constant dense<true> : vector<16xi1>
            %masked_sort3A_932, %masked_sort3A_933, %masked_sort3A_934 = tpu.sort %max3A_499, %add3A_850 masked %masked_sort3A_931 {descending = true} : (vector<16xf32>, vector<16xi32>, vector<16xi1>) -> (vector<16xi1>, vector<16xf32>, vector<16xi32>)
            %lt3A_935 = arith.cmpf olt, %masked_sort3A_933, %cond3A_846#0 : vector<16xf32>
            %select_n3A_936 = arith.select %lt3A_935, %masked_sort3A_933, %cond3A_846#0 : vector<16xi1>, vector<16xf32>
            %select_n3A_937 = arith.select %lt3A_935, %masked_sort3A_934, %cond3A_846#1 : vector<16xi1>, vector<16xi32>
            %select_n3A_938 = arith.select %lt3A_935, %cond3A_846#0, %masked_sort3A_933 : vector<16xi1>, vector<16xf32>
            %select_n3A_939 = arith.select %lt3A_935, %cond3A_846#1, %masked_sort3A_934 : vector<16xi1>, vector<16xi32>
            %masked_sort3A_940 = arith.constant dense<true> : vector<16xi1>
            %masked_sort3A_941, %masked_sort3A_942, %masked_sort3A_943 = tpu.sort %select_n3A_936, %select_n3A_937 masked %masked_sort3A_940 : (vector<16xf32>, vector<16xi32>, vector<16xi1>) -> (vector<16xi1>, vector<16xf32>, vector<16xi32>)
            %slice3A_944 = vector.extract_strided_slice %masked_sort3A_942 {offsets = [15], sizes = [1], strides = [1]} : vector<16xf32> to vector<1xf32>
            %squeeze3A_945 = vector.extract %slice3A_944[0] : f32 from vector<1xf32>
            %broadcast_in_dim3A_946 = vector.broadcast %squeeze3A_945 : f32 to vector<16xf32>
            %lt3A_947 = arith.cmpf olt, %select_n3A_938, %cond3A_846#3 : vector<16xf32>
            %select_n3A_948 = arith.select %lt3A_947, %select_n3A_938, %cond3A_846#3 : vector<16xi1>, vector<16xf32>
            %select_n3A_949 = arith.select %lt3A_947, %select_n3A_939, %cond3A_846#4 : vector<16xi1>, vector<16xi32>
            scf.yield %masked_sort3A_942, %masked_sort3A_943, %broadcast_in_dim3A_946, %select_n3A_948, %select_n3A_949 : vector<16xf32>, vector<16xi32>, vector<16xf32>, vector<16xf32>, vector<16xi32>
          } else {
            %lt3A_931 = arith.cmpf olt, %max3A_499, %cond3A_846#3 : vector<16xf32>
            %select_n3A_932 = arith.select %lt3A_931, %max3A_499, %cond3A_846#3 : vector<16xi1>, vector<16xf32>
            %select_n3A_933 = arith.select %lt3A_931, %add3A_850, %cond3A_846#4 : vector<16xi1>, vector<16xi32>
            scf.yield %cond3A_846#0, %cond3A_846#1, %cond3A_846#2, %select_n3A_932, %select_n3A_933 : vector<16xf32>, vector<16xi32>, vector<16xf32>, vector<16xf32>, vector<16xi32>
          }
          %add3A_861 = arith.constant 48 : i32
          %add3A_862 = arith.addi %mul3A_400, %add3A_861 : i32
          %add3A_863 = vector.broadcast %add3A_862 : i32 to vector<16xi32>
          %add3A_864 = arith.addi %iota3A, %add3A_863 : vector<16xi32>
          %lt3A_865 = arith.cmpf olt, %max3A_537, %cond3A_860#2 : vector<16xf32>
          %all_reduce_population_count3A_866 = tpu.all_reduce %lt3A_865 {dim = 0 : i64, kind = #tpu.reduction_kind<sum>} : vector<16xi1> -> vector<16xi32>
          %slice3A_867 = vector.extract_strided_slice %all_reduce_population_count3A_866 {offsets = [0], sizes = [1], strides = [1]} : vector<16xi32> to vector<1xi32>
          %squeeze3A_868 = vector.extract %slice3A_867[0] : i32 from vector<1xi32>
          %gt3A_869 = arith.constant 0 : i32
          %gt3A_870 = arith.cmpi sgt, %squeeze3A_868, %gt3A_869 : i32
          %convert_element_type3A_871 = arith.extui %gt3A_870 : i1 to i32
          %cond3A_872 = arith.constant 0 : i32
          %cond3A_873 = arith.cmpi ne, %convert_element_type3A_871, %cond3A_872 : i32
          %cond3A_874:5 = scf.if %cond3A_873 -> (vector<16xf32>, vector<16xi32>, vector<16xf32>, vector<16xf32>, vector<16xi32>) {
            %masked_sort3A_931 = arith.constant dense<true> : vector<16xi1>
            %masked_sort3A_932, %masked_sort3A_933, %masked_sort3A_934 = tpu.sort %max3A_537, %add3A_864 masked %masked_sort3A_931 {descending = true} : (vector<16xf32>, vector<16xi32>, vector<16xi1>) -> (vector<16xi1>, vector<16xf32>, vector<16xi32>)
            %lt3A_935 = arith.cmpf olt, %masked_sort3A_933, %cond3A_860#0 : vector<16xf32>
            %select_n3A_936 = arith.select %lt3A_935, %masked_sort3A_933, %cond3A_860#0 : vector<16xi1>, vector<16xf32>
            %select_n3A_937 = arith.select %lt3A_935, %masked_sort3A_934, %cond3A_860#1 : vector<16xi1>, vector<16xi32>
            %select_n3A_938 = arith.select %lt3A_935, %cond3A_860#0, %masked_sort3A_933 : vector<16xi1>, vector<16xf32>
            %select_n3A_939 = arith.select %lt3A_935, %cond3A_860#1, %masked_sort3A_934 : vector<16xi1>, vector<16xi32>
            %masked_sort3A_940 = arith.constant dense<true> : vector<16xi1>
            %masked_sort3A_941, %masked_sort3A_942, %masked_sort3A_943 = tpu.sort %select_n3A_936, %select_n3A_937 masked %masked_sort3A_940 : (vector<16xf32>, vector<16xi32>, vector<16xi1>) -> (vector<16xi1>, vector<16xf32>, vector<16xi32>)
            %slice3A_944 = vector.extract_strided_slice %masked_sort3A_942 {offsets = [15], sizes = [1], strides = [1]} : vector<16xf32> to vector<1xf32>
            %squeeze3A_945 = vector.extract %slice3A_944[0] : f32 from vector<1xf32>
            %broadcast_in_dim3A_946 = vector.broadcast %squeeze3A_945 : f32 to vector<16xf32>
            %lt3A_947 = arith.cmpf olt, %select_n3A_938, %cond3A_860#3 : vector<16xf32>
            %select_n3A_948 = arith.select %lt3A_947, %select_n3A_938, %cond3A_860#3 : vector<16xi1>, vector<16xf32>
            %select_n3A_949 = arith.select %lt3A_947, %select_n3A_939, %cond3A_860#4 : vector<16xi1>, vector<16xi32>
            scf.yield %masked_sort3A_942, %masked_sort3A_943, %broadcast_in_dim3A_946, %select_n3A_948, %select_n3A_949 : vector<16xf32>, vector<16xi32>, vector<16xf32>, vector<16xf32>, vector<16xi32>
          } else {
            %lt3A_931 = arith.cmpf olt, %max3A_537, %cond3A_860#3 : vector<16xf32>
            %select_n3A_932 = arith.select %lt3A_931, %max3A_537, %cond3A_860#3 : vector<16xi1>, vector<16xf32>
            %select_n3A_933 = arith.select %lt3A_931, %add3A_864, %cond3A_860#4 : vector<16xi1>, vector<16xi32>
            scf.yield %cond3A_860#0, %cond3A_860#1, %cond3A_860#2, %select_n3A_932, %select_n3A_933 : vector<16xf32>, vector<16xi32>, vector<16xf32>, vector<16xf32>, vector<16xi32>
          }
          %add3A_875 = arith.constant 64 : i32
          %add3A_876 = arith.addi %mul3A_400, %add3A_875 : i32
          %add3A_877 = vector.broadcast %add3A_876 : i32 to vector<16xi32>
          %add3A_878 = arith.addi %iota3A, %add3A_877 : vector<16xi32>
          %lt3A_879 = arith.cmpf olt, %max3A_575, %cond3A_874#2 : vector<16xf32>
          %all_reduce_population_count3A_880 = tpu.all_reduce %lt3A_879 {dim = 0 : i64, kind = #tpu.reduction_kind<sum>} : vector<16xi1> -> vector<16xi32>
          %slice3A_881 = vector.extract_strided_slice %all_reduce_population_count3A_880 {offsets = [0], sizes = [1], strides = [1]} : vector<16xi32> to vector<1xi32>
          %squeeze3A_882 = vector.extract %slice3A_881[0] : i32 from vector<1xi32>
          %gt3A_883 = arith.constant 0 : i32
          %gt3A_884 = arith.cmpi sgt, %squeeze3A_882, %gt3A_883 : i32
          %convert_element_type3A_885 = arith.extui %gt3A_884 : i1 to i32
          %cond3A_886 = arith.constant 0 : i32
          %cond3A_887 = arith.cmpi ne, %convert_element_type3A_885, %cond3A_886 : i32
          %cond3A_888:5 = scf.if %cond3A_887 -> (vector<16xf32>, vector<16xi32>, vector<16xf32>, vector<16xf32>, vector<16xi32>) {
            %masked_sort3A_931 = arith.constant dense<true> : vector<16xi1>
            %masked_sort3A_932, %masked_sort3A_933, %masked_sort3A_934 = tpu.sort %max3A_575, %add3A_878 masked %masked_sort3A_931 {descending = true} : (vector<16xf32>, vector<16xi32>, vector<16xi1>) -> (vector<16xi1>, vector<16xf32>, vector<16xi32>)
            %lt3A_935 = arith.cmpf olt, %masked_sort3A_933, %cond3A_874#0 : vector<16xf32>
            %select_n3A_936 = arith.select %lt3A_935, %masked_sort3A_933, %cond3A_874#0 : vector<16xi1>, vector<16xf32>
            %select_n3A_937 = arith.select %lt3A_935, %masked_sort3A_934, %cond3A_874#1 : vector<16xi1>, vector<16xi32>
            %select_n3A_938 = arith.select %lt3A_935, %cond3A_874#0, %masked_sort3A_933 : vector<16xi1>, vector<16xf32>
            %select_n3A_939 = arith.select %lt3A_935, %cond3A_874#1, %masked_sort3A_934 : vector<16xi1>, vector<16xi32>
            %masked_sort3A_940 = arith.constant dense<true> : vector<16xi1>
            %masked_sort3A_941, %masked_sort3A_942, %masked_sort3A_943 = tpu.sort %select_n3A_936, %select_n3A_937 masked %masked_sort3A_940 : (vector<16xf32>, vector<16xi32>, vector<16xi1>) -> (vector<16xi1>, vector<16xf32>, vector<16xi32>)
            %slice3A_944 = vector.extract_strided_slice %masked_sort3A_942 {offsets = [15], sizes = [1], strides = [1]} : vector<16xf32> to vector<1xf32>
            %squeeze3A_945 = vector.extract %slice3A_944[0] : f32 from vector<1xf32>
            %broadcast_in_dim3A_946 = vector.broadcast %squeeze3A_945 : f32 to vector<16xf32>
            %lt3A_947 = arith.cmpf olt, %select_n3A_938, %cond3A_874#3 : vector<16xf32>
            %select_n3A_948 = arith.select %lt3A_947, %select_n3A_938, %cond3A_874#3 : vector<16xi1>, vector<16xf32>
            %select_n3A_949 = arith.select %lt3A_947, %select_n3A_939, %cond3A_874#4 : vector<16xi1>, vector<16xi32>
            scf.yield %masked_sort3A_942, %masked_sort3A_943, %broadcast_in_dim3A_946, %select_n3A_948, %select_n3A_949 : vector<16xf32>, vector<16xi32>, vector<16xf32>, vector<16xf32>, vector<16xi32>
          } else {
            %lt3A_931 = arith.cmpf olt, %max3A_575, %cond3A_874#3 : vector<16xf32>
            %select_n3A_932 = arith.select %lt3A_931, %max3A_575, %cond3A_874#3 : vector<16xi1>, vector<16xf32>
            %select_n3A_933 = arith.select %lt3A_931, %add3A_878, %cond3A_874#4 : vector<16xi1>, vector<16xi32>
            scf.yield %cond3A_874#0, %cond3A_874#1, %cond3A_874#2, %select_n3A_932, %select_n3A_933 : vector<16xf32>, vector<16xi32>, vector<16xf32>, vector<16xf32>, vector<16xi32>
          }
          %add3A_889 = arith.constant 80 : i32
          %add3A_890 = arith.addi %mul3A_400, %add3A_889 : i32
          %add3A_891 = vector.broadcast %add3A_890 : i32 to vector<16xi32>
          %add3A_892 = arith.addi %iota3A, %add3A_891 : vector<16xi32>
          %lt3A_893 = arith.cmpf olt, %max3A_613, %cond3A_888#2 : vector<16xf32>
          %all_reduce_population_count3A_894 = tpu.all_reduce %lt3A_893 {dim = 0 : i64, kind = #tpu.reduction_kind<sum>} : vector<16xi1> -> vector<16xi32>
          %slice3A_895 = vector.extract_strided_slice %all_reduce_population_count3A_894 {offsets = [0], sizes = [1], strides = [1]} : vector<16xi32> to vector<1xi32>
          %squeeze3A_896 = vector.extract %slice3A_895[0] : i32 from vector<1xi32>
          %gt3A_897 = arith.constant 0 : i32
          %gt3A_898 = arith.cmpi sgt, %squeeze3A_896, %gt3A_897 : i32
          %convert_element_type3A_899 = arith.extui %gt3A_898 : i1 to i32
          %cond3A_900 = arith.constant 0 : i32
          %cond3A_901 = arith.cmpi ne, %convert_element_type3A_899, %cond3A_900 : i32
          %cond3A_902:5 = scf.if %cond3A_901 -> (vector<16xf32>, vector<16xi32>, vector<16xf32>, vector<16xf32>, vector<16xi32>) {
            %masked_sort3A_931 = arith.constant dense<true> : vector<16xi1>
            %masked_sort3A_932, %masked_sort3A_933, %masked_sort3A_934 = tpu.sort %max3A_613, %add3A_892 masked %masked_sort3A_931 {descending = true} : (vector<16xf32>, vector<16xi32>, vector<16xi1>) -> (vector<16xi1>, vector<16xf32>, vector<16xi32>)
            %lt3A_935 = arith.cmpf olt, %masked_sort3A_933, %cond3A_888#0 : vector<16xf32>
            %select_n3A_936 = arith.select %lt3A_935, %masked_sort3A_933, %cond3A_888#0 : vector<16xi1>, vector<16xf32>
            %select_n3A_937 = arith.select %lt3A_935, %masked_sort3A_934, %cond3A_888#1 : vector<16xi1>, vector<16xi32>
            %select_n3A_938 = arith.select %lt3A_935, %cond3A_888#0, %masked_sort3A_933 : vector<16xi1>, vector<16xf32>
            %select_n3A_939 = arith.select %lt3A_935, %cond3A_888#1, %masked_sort3A_934 : vector<16xi1>, vector<16xi32>
            %masked_sort3A_940 = arith.constant dense<true> : vector<16xi1>
            %masked_sort3A_941, %masked_sort3A_942, %masked_sort3A_943 = tpu.sort %select_n3A_936, %select_n3A_937 masked %masked_sort3A_940 : (vector<16xf32>, vector<16xi32>, vector<16xi1>) -> (vector<16xi1>, vector<16xf32>, vector<16xi32>)
            %slice3A_944 = vector.extract_strided_slice %masked_sort3A_942 {offsets = [15], sizes = [1], strides = [1]} : vector<16xf32> to vector<1xf32>
            %squeeze3A_945 = vector.extract %slice3A_944[0] : f32 from vector<1xf32>
            %broadcast_in_dim3A_946 = vector.broadcast %squeeze3A_945 : f32 to vector<16xf32>
            %lt3A_947 = arith.cmpf olt, %select_n3A_938, %cond3A_888#3 : vector<16xf32>
            %select_n3A_948 = arith.select %lt3A_947, %select_n3A_938, %cond3A_888#3 : vector<16xi1>, vector<16xf32>
            %select_n3A_949 = arith.select %lt3A_947, %select_n3A_939, %cond3A_888#4 : vector<16xi1>, vector<16xi32>
            scf.yield %masked_sort3A_942, %masked_sort3A_943, %broadcast_in_dim3A_946, %select_n3A_948, %select_n3A_949 : vector<16xf32>, vector<16xi32>, vector<16xf32>, vector<16xf32>, vector<16xi32>
          } else {
            %lt3A_931 = arith.cmpf olt, %max3A_613, %cond3A_888#3 : vector<16xf32>
            %select_n3A_932 = arith.select %lt3A_931, %max3A_613, %cond3A_888#3 : vector<16xi1>, vector<16xf32>
            %select_n3A_933 = arith.select %lt3A_931, %add3A_892, %cond3A_888#4 : vector<16xi1>, vector<16xi32>
            scf.yield %cond3A_888#0, %cond3A_888#1, %cond3A_888#2, %select_n3A_932, %select_n3A_933 : vector<16xf32>, vector<16xi32>, vector<16xf32>, vector<16xf32>, vector<16xi32>
          }
          %add3A_903 = arith.constant 96 : i32
          %add3A_904 = arith.addi %mul3A_400, %add3A_903 : i32
          %add3A_905 = vector.broadcast %add3A_904 : i32 to vector<16xi32>
          %add3A_906 = arith.addi %iota3A, %add3A_905 : vector<16xi32>
          %lt3A_907 = arith.cmpf olt, %max3A_651, %cond3A_902#2 : vector<16xf32>
          %all_reduce_population_count3A_908 = tpu.all_reduce %lt3A_907 {dim = 0 : i64, kind = #tpu.reduction_kind<sum>} : vector<16xi1> -> vector<16xi32>
          %slice3A_909 = vector.extract_strided_slice %all_reduce_population_count3A_908 {offsets = [0], sizes = [1], strides = [1]} : vector<16xi32> to vector<1xi32>
          %squeeze3A_910 = vector.extract %slice3A_909[0] : i32 from vector<1xi32>
          %gt3A_911 = arith.constant 0 : i32
          %gt3A_912 = arith.cmpi sgt, %squeeze3A_910, %gt3A_911 : i32
          %convert_element_type3A_913 = arith.extui %gt3A_912 : i1 to i32
          %cond3A_914 = arith.constant 0 : i32
          %cond3A_915 = arith.cmpi ne, %convert_element_type3A_913, %cond3A_914 : i32
          %cond3A_916:5 = scf.if %cond3A_915 -> (vector<16xf32>, vector<16xi32>, vector<16xf32>, vector<16xf32>, vector<16xi32>) {
            %masked_sort3A_931 = arith.constant dense<true> : vector<16xi1>
            %masked_sort3A_932, %masked_sort3A_933, %masked_sort3A_934 = tpu.sort %max3A_651, %add3A_906 masked %masked_sort3A_931 {descending = true} : (vector<16xf32>, vector<16xi32>, vector<16xi1>) -> (vector<16xi1>, vector<16xf32>, vector<16xi32>)
            %lt3A_935 = arith.cmpf olt, %masked_sort3A_933, %cond3A_902#0 : vector<16xf32>
            %select_n3A_936 = arith.select %lt3A_935, %masked_sort3A_933, %cond3A_902#0 : vector<16xi1>, vector<16xf32>
            %select_n3A_937 = arith.select %lt3A_935, %masked_sort3A_934, %cond3A_902#1 : vector<16xi1>, vector<16xi32>
            %select_n3A_938 = arith.select %lt3A_935, %cond3A_902#0, %masked_sort3A_933 : vector<16xi1>, vector<16xf32>
            %select_n3A_939 = arith.select %lt3A_935, %cond3A_902#1, %masked_sort3A_934 : vector<16xi1>, vector<16xi32>
            %masked_sort3A_940 = arith.constant dense<true> : vector<16xi1>
            %masked_sort3A_941, %masked_sort3A_942, %masked_sort3A_943 = tpu.sort %select_n3A_936, %select_n3A_937 masked %masked_sort3A_940 : (vector<16xf32>, vector<16xi32>, vector<16xi1>) -> (vector<16xi1>, vector<16xf32>, vector<16xi32>)
            %slice3A_944 = vector.extract_strided_slice %masked_sort3A_942 {offsets = [15], sizes = [1], strides = [1]} : vector<16xf32> to vector<1xf32>
            %squeeze3A_945 = vector.extract %slice3A_944[0] : f32 from vector<1xf32>
            %broadcast_in_dim3A_946 = vector.broadcast %squeeze3A_945 : f32 to vector<16xf32>
            %lt3A_947 = arith.cmpf olt, %select_n3A_938, %cond3A_902#3 : vector<16xf32>
            %select_n3A_948 = arith.select %lt3A_947, %select_n3A_938, %cond3A_902#3 : vector<16xi1>, vector<16xf32>
            %select_n3A_949 = arith.select %lt3A_947, %select_n3A_939, %cond3A_902#4 : vector<16xi1>, vector<16xi32>
            scf.yield %masked_sort3A_942, %masked_sort3A_943, %broadcast_in_dim3A_946, %select_n3A_948, %select_n3A_949 : vector<16xf32>, vector<16xi32>, vector<16xf32>, vector<16xf32>, vector<16xi32>
          } else {
            %lt3A_931 = arith.cmpf olt, %max3A_651, %cond3A_902#3 : vector<16xf32>
            %select_n3A_932 = arith.select %lt3A_931, %max3A_651, %cond3A_902#3 : vector<16xi1>, vector<16xf32>
            %select_n3A_933 = arith.select %lt3A_931, %add3A_906, %cond3A_902#4 : vector<16xi1>, vector<16xi32>
            scf.yield %cond3A_902#0, %cond3A_902#1, %cond3A_902#2, %select_n3A_932, %select_n3A_933 : vector<16xf32>, vector<16xi32>, vector<16xf32>, vector<16xf32>, vector<16xi32>
          }
          %add3A_917 = arith.constant 112 : i32
          %add3A_918 = arith.addi %mul3A_400, %add3A_917 : i32
          %add3A_919 = vector.broadcast %add3A_918 : i32 to vector<16xi32>
          %add3A_920 = arith.addi %iota3A, %add3A_919 : vector<16xi32>
          %lt3A_921 = arith.cmpf olt, %max3A_689, %cond3A_916#2 : vector<16xf32>
          %all_reduce_population_count3A_922 = tpu.all_reduce %lt3A_921 {dim = 0 : i64, kind = #tpu.reduction_kind<sum>} : vector<16xi1> -> vector<16xi32>
          %slice3A_923 = vector.extract_strided_slice %all_reduce_population_count3A_922 {offsets = [0], sizes = [1], strides = [1]} : vector<16xi32> to vector<1xi32>
          %squeeze3A_924 = vector.extract %slice3A_923[0] : i32 from vector<1xi32>
          %gt3A_925 = arith.constant 0 : i32
          %gt3A_926 = arith.cmpi sgt, %squeeze3A_924, %gt3A_925 : i32
          %convert_element_type3A_927 = arith.extui %gt3A_926 : i1 to i32
          %cond3A_928 = arith.constant 0 : i32
          %cond3A_929 = arith.cmpi ne, %convert_element_type3A_927, %cond3A_928 : i32
          %cond3A_930:5 = scf.if %cond3A_929 -> (vector<16xf32>, vector<16xi32>, vector<16xf32>, vector<16xf32>, vector<16xi32>) {
            %masked_sort3A_931 = arith.constant dense<true> : vector<16xi1>
            %masked_sort3A_932, %masked_sort3A_933, %masked_sort3A_934 = tpu.sort %max3A_689, %add3A_920 masked %masked_sort3A_931 {descending = true} : (vector<16xf32>, vector<16xi32>, vector<16xi1>) -> (vector<16xi1>, vector<16xf32>, vector<16xi32>)
            %lt3A_935 = arith.cmpf olt, %masked_sort3A_933, %cond3A_916#0 : vector<16xf32>
            %select_n3A_936 = arith.select %lt3A_935, %masked_sort3A_933, %cond3A_916#0 : vector<16xi1>, vector<16xf32>
            %select_n3A_937 = arith.select %lt3A_935, %masked_sort3A_934, %cond3A_916#1 : vector<16xi1>, vector<16xi32>
            %select_n3A_938 = arith.select %lt3A_935, %cond3A_916#0, %masked_sort3A_933 : vector<16xi1>, vector<16xf32>
            %select_n3A_939 = arith.select %lt3A_935, %cond3A_916#1, %masked_sort3A_934 : vector<16xi1>, vector<16xi32>
            %masked_sort3A_940 = arith.constant dense<true> : vector<16xi1>
            %masked_sort3A_941, %masked_sort3A_942, %masked_sort3A_943 = tpu.sort %select_n3A_936, %select_n3A_937 masked %masked_sort3A_940 : (vector<16xf32>, vector<16xi32>, vector<16xi1>) -> (vector<16xi1>, vector<16xf32>, vector<16xi32>)
            %slice3A_944 = vector.extract_strided_slice %masked_sort3A_942 {offsets = [15], sizes = [1], strides = [1]} : vector<16xf32> to vector<1xf32>
            %squeeze3A_945 = vector.extract %slice3A_944[0] : f32 from vector<1xf32>
            %broadcast_in_dim3A_946 = vector.broadcast %squeeze3A_945 : f32 to vector<16xf32>
            %lt3A_947 = arith.cmpf olt, %select_n3A_938, %cond3A_916#3 : vector<16xf32>
            %select_n3A_948 = arith.select %lt3A_947, %select_n3A_938, %cond3A_916#3 : vector<16xi1>, vector<16xf32>
            %select_n3A_949 = arith.select %lt3A_947, %select_n3A_939, %cond3A_916#4 : vector<16xi1>, vector<16xi32>
            scf.yield %masked_sort3A_942, %masked_sort3A_943, %broadcast_in_dim3A_946, %select_n3A_948, %select_n3A_949 : vector<16xf32>, vector<16xi32>, vector<16xf32>, vector<16xf32>, vector<16xi32>
          } else {
            %lt3A_931 = arith.cmpf olt, %max3A_689, %cond3A_916#3 : vector<16xf32>
            %select_n3A_932 = arith.select %lt3A_931, %max3A_689, %cond3A_916#3 : vector<16xi1>, vector<16xf32>
            %select_n3A_933 = arith.select %lt3A_931, %add3A_920, %cond3A_916#4 : vector<16xi1>, vector<16xi32>
            scf.yield %cond3A_916#0, %cond3A_916#1, %cond3A_916#2, %select_n3A_932, %select_n3A_933 : vector<16xf32>, vector<16xi32>, vector<16xf32>, vector<16xf32>, vector<16xi32>
          }
          scf.yield %cond3A_818#0, %cond3A_818#1, %cond3A_818#2, %cond3A_818#3, %cond3A_818#4, %cond3A_930#0, %cond3A_930#1, %cond3A_930#2, %cond3A_930#3, %cond3A_930#4 : vector<16xf32>, vector<16xi32>, vector<16xf32>, vector<16xf32>, vector<16xi32>, vector<16xf32>, vector<16xi32>, vector<16xf32>, vector<16xf32>, vector<16xi32>
        } else {
          %lt3A_707 = arith.cmpf olt, %select_n3A_694, %scan3A_392 : vector<16xf32>
          %select_n3A_708 = arith.select %lt3A_707, %select_n3A_694, %scan3A_392 : vector<16xi1>, vector<16xf32>
          %select_n3A_709 = arith.select %lt3A_707, %select_n3A_692, %scan3A_393 : vector<16xi1>, vector<16xi32>
          %lt3A_710 = arith.cmpf olt, %select_n3A_695, %scan3A_397 : vector<16xf32>
          %select_n3A_711 = arith.select %lt3A_710, %select_n3A_695, %scan3A_397 : vector<16xi1>, vector<16xf32>
          %select_n3A_712 = arith.select %lt3A_710, %select_n3A_693, %scan3A_398 : vector<16xi1>, vector<16xi32>
          scf.yield %scan3A_389, %scan3A_390, %scan3A_391, %select_n3A_708, %select_n3A_709, %scan3A_394, %scan3A_395, %scan3A_396, %select_n3A_711, %select_n3A_712 : vector<16xf32>, vector<16xi32>, vector<16xf32>, vector<16xf32>, vector<16xi32>, vector<16xf32>, vector<16xi32>, vector<16xf32>, vector<16xf32>, vector<16xi32>
        }
        scf.yield %cond3A_706#0, %cond3A_706#1, %cond3A_706#2, %cond3A_706#3, %cond3A_706#4, %cond3A_706#5, %cond3A_706#6, %cond3A_706#7, %cond3A_706#8, %cond3A_706#9 : vector<16xf32>, vector<16xi32>, vector<16xf32>, vector<16xf32>, vector<16xi32>, vector<16xf32>, vector<16xi32>, vector<16xf32>, vector<16xf32>, vector<16xi32>
      }
      %scan3A_302 = arith.constant 32 : i32
      %masked_sort3A = arith.constant dense<true> : vector<16xi1>
      %masked_sort3A_303, %masked_sort3A_304, %masked_sort3A_305 = tpu.sort %scan3A_301#3, %scan3A_301#4 masked %masked_sort3A : (vector<16xf32>, vector<16xi32>, vector<16xi1>) -> (vector<16xi1>, vector<16xf32>, vector<16xi32>)
      %slice3A = vector.extract_strided_slice %masked_sort3A_304 {offsets = [0], sizes = [1], strides = [1]} : vector<16xf32> to vector<1xf32>
      %squeeze3A = vector.extract %slice3A[0] : f32 from vector<1xf32>
      %broadcast_in_dim3A_306 = vector.broadcast %squeeze3A : f32 to vector<16xf32>
      %eq3A = arith.cmpf oeq, %masked_sort3A_304, %broadcast_in_dim3A_306 : vector<16xf32>
      %select_n3A = arith.select %eq3A, %masked_sort3A_305, %broadcast_in_dim3A_10 : vector<16xi1>, vector<16xi32>
      %masked_sort3A_307 = arith.constant dense<true> : vector<16xi1>
      %masked_sort3A_308 = arith.constant -2147483648 : i32
      %masked_sort3A_309 = vector.broadcast %masked_sort3A_308 : i32 to vector<16xi32>
      %masked_sort3A_310 = arith.xori %select_n3A, %masked_sort3A_309 : vector<16xi32>
      %masked_sort3A_311, %masked_sort3A_312, %masked_sort3A_313 = tpu.sort %masked_sort3A_310, %select_n3A masked %masked_sort3A_307 : (vector<16xi32>, vector<16xi32>, vector<16xi1>) -> (vector<16xi1>, vector<16xi32>, vector<16xi32>)
      %masked_sort3A_314 = arith.xori %masked_sort3A_312, %masked_sort3A_309 : vector<16xi32>
      %slice3A_315 = vector.extract_strided_slice %masked_sort3A_314 {offsets = [0], sizes = [1], strides = [1]} : vector<16xi32> to vector<1xi32>
      %squeeze3A_316 = vector.extract %slice3A_315[0] : i32 from vector<1xi32>
      %broadcast_in_dim3A_317 = vector.broadcast %squeeze3A_316 : i32 to vector<16xi32>
      %eq3A_318 = arith.constant 0.000000e+00 : f32
      %eq3A_319 = vector.broadcast %eq3A_318 : f32 to vector<16xf32>
      %eq3A_320 = arith.cmpf oeq, %scan3A_301#0, %eq3A_319 : vector<16xf32>
      %select_n3A_321 = arith.select %eq3A_320, %scan3A_301#1, %broadcast_in_dim3A_10 : vector<16xi1>, vector<16xi32>
      %masked_sort3A_322 = arith.constant dense<true> : vector<16xi1>
      %masked_sort3A_323 = arith.constant -2147483648 : i32
      %masked_sort3A_324 = vector.broadcast %masked_sort3A_323 : i32 to vector<16xi32>
      %masked_sort3A_325 = arith.xori %select_n3A_321, %masked_sort3A_324 : vector<16xi32>
      %masked_sort3A_326, %masked_sort3A_327, %masked_sort3A_328 = tpu.sort %masked_sort3A_325, %select_n3A_321 masked %masked_sort3A_322 : (vector<16xi32>, vector<16xi32>, vector<16xi1>) -> (vector<16xi1>, vector<16xi32>, vector<16xi32>)
      %masked_sort3A_329 = arith.xori %masked_sort3A_327, %masked_sort3A_324 : vector<16xi32>
      %slice3A_330 = vector.extract_strided_slice %masked_sort3A_329 {offsets = [0], sizes = [1], strides = [1]} : vector<16xi32> to vector<1xi32>
      %squeeze3A_331 = vector.extract %slice3A_330[0] : i32 from vector<1xi32>
      %broadcast_in_dim3A_332 = vector.broadcast %squeeze3A_331 : i32 to vector<16xi32>
      %lt3A = arith.cmpi slt, %broadcast_in_dim3A_332, %broadcast_in_dim3A_10 : vector<16xi32>
      %eq3A_333 = arith.cmpi eq, %scan3A_301#1, %broadcast_in_dim3A_332 : vector<16xi32>
      %eq3A_334 = arith.constant 0 : i32
      %eq3A_335 = vector.broadcast %eq3A_334 : i32 to vector<16xi32>
      %eq3A_336 = arith.cmpi eq, %iota3A, %eq3A_335 : vector<16xi32>
      %select_n3A_337 = arith.select %lt3A, %eq3A_333, %eq3A_336 : vector<16xi1>, vector<16xi1>
      %select_n3A_338 = arith.select %select_n3A_337, %broadcast_in_dim3A_317, %scan3A_301#1 : vector<16xi1>, vector<16xi32>
      %mul3A_339 = arith.constant 16 : i32
      %mul3A_340 = arith.muli %mul3A_273, %mul3A_339 : i32
      %swap3A = arith.index_cast %mul3A_340 : i32 to index
      %swap3A_341 = tpu.vector_load %arg17[%swap3A] {strides = array<i32>} : memref<2048xi32, #tpu.memory_space<vmem>>, vector<16xi32>,
      tpu.vector_store %arg17[%swap3A], %select_n3A_338 {strides = array<i32>} : memref<2048xi32, #tpu.memory_space<vmem>>, vector<16xi32>,
      %masked_sort3A_342 = arith.constant dense<true> : vector<16xi1>
      %masked_sort3A_343, %masked_sort3A_344, %masked_sort3A_345 = tpu.sort %scan3A_301#8, %scan3A_301#9 masked %masked_sort3A_342 : (vector<16xf32>, vector<16xi32>, vector<16xi1>) -> (vector<16xi1>, vector<16xf32>, vector<16xi32>)
      %slice3A_346 = vector.extract_strided_slice %masked_sort3A_344 {offsets = [0], sizes = [1], strides = [1]} : vector<16xf32> to vector<1xf32>
      %squeeze3A_347 = vector.extract %slice3A_346[0] : f32 from vector<1xf32>
      %broadcast_in_dim3A_348 = vector.broadcast %squeeze3A_347 : f32 to vector<16xf32>
      %eq3A_349 = arith.cmpf oeq, %masked_sort3A_344, %broadcast_in_dim3A_348 : vector<16xf32>
      %select_n3A_350 = arith.select %eq3A_349, %masked_sort3A_345, %broadcast_in_dim3A_10 : vector<16xi1>, vector<16xi32>
      %masked_sort3A_351 = arith.constant dense<true> : vector<16xi1>
      %masked_sort3A_352 = arith.constant -2147483648 : i32
      %masked_sort3A_353 = vector.broadcast %masked_sort3A_352 : i32 to vector<16xi32>
      %masked_sort3A_354 = arith.xori %select_n3A_350, %masked_sort3A_353 : vector<16xi32>
      %masked_sort3A_355, %masked_sort3A_356, %masked_sort3A_357 = tpu.sort %masked_sort3A_354, %select_n3A_350 masked %masked_sort3A_351 : (vector<16xi32>, vector<16xi32>, vector<16xi1>) -> (vector<16xi1>, vector<16xi32>, vector<16xi32>)
      %masked_sort3A_358 = arith.xori %masked_sort3A_356, %masked_sort3A_353 : vector<16xi32>
      %slice3A_359 = vector.extract_strided_slice %masked_sort3A_358 {offsets = [0], sizes = [1], strides = [1]} : vector<16xi32> to vector<1xi32>
      %squeeze3A_360 = vector.extract %slice3A_359[0] : i32 from vector<1xi32>
      %broadcast_in_dim3A_361 = vector.broadcast %squeeze3A_360 : i32 to vector<16xi32>
      %eq3A_362 = arith.constant 0.000000e+00 : f32
      %eq3A_363 = vector.broadcast %eq3A_362 : f32 to vector<16xf32>
      %eq3A_364 = arith.cmpf oeq, %scan3A_301#5, %eq3A_363 : vector<16xf32>
      %select_n3A_365 = arith.select %eq3A_364, %scan3A_301#6, %broadcast_in_dim3A_10 : vector<16xi1>, vector<16xi32>
      %masked_sort3A_366 = arith.constant dense<true> : vector<16xi1>
      %masked_sort3A_367 = arith.constant -2147483648 : i32
      %masked_sort3A_368 = vector.broadcast %masked_sort3A_367 : i32 to vector<16xi32>
      %masked_sort3A_369 = arith.xori %select_n3A_365, %masked_sort3A_368 : vector<16xi32>
      %masked_sort3A_370, %masked_sort3A_371, %masked_sort3A_372 = tpu.sort %masked_sort3A_369, %select_n3A_365 masked %masked_sort3A_366 : (vector<16xi32>, vector<16xi32>, vector<16xi1>) -> (vector<16xi1>, vector<16xi32>, vector<16xi32>)
      %masked_sort3A_373 = arith.xori %masked_sort3A_371, %masked_sort3A_368 : vector<16xi32>
      %slice3A_374 = vector.extract_strided_slice %masked_sort3A_373 {offsets = [0], sizes = [1], strides = [1]} : vector<16xi32> to vector<1xi32>
      %squeeze3A_375 = vector.extract %slice3A_374[0] : i32 from vector<1xi32>
      %broadcast_in_dim3A_376 = vector.broadcast %squeeze3A_375 : i32 to vector<16xi32>
      %lt3A_377 = arith.cmpi slt, %broadcast_in_dim3A_376, %broadcast_in_dim3A_10 : vector<16xi32>
      %eq3A_378 = arith.cmpi eq, %scan3A_301#6, %broadcast_in_dim3A_376 : vector<16xi32>
      %eq3A_379 = arith.constant 0 : i32
      %eq3A_380 = vector.broadcast %eq3A_379 : i32 to vector<16xi32>
      %eq3A_381 = arith.cmpi eq, %iota3A, %eq3A_380 : vector<16xi32>
      %select_n3A_382 = arith.select %lt3A_377, %eq3A_378, %eq3A_381 : vector<16xi1>, vector<16xi1>
      %select_n3A_383 = arith.select %select_n3A_382, %broadcast_in_dim3A_361, %scan3A_301#6 : vector<16xi1>, vector<16xi32>
      %mul3A_384 = arith.constant 16 : i32
      %mul3A_385 = arith.muli %add3A_275, %mul3A_384 : i32
      %swap3A_386 = arith.index_cast %mul3A_385 : i32 to index
      %swap3A_387 = tpu.vector_load %arg17[%swap3A_386] {strides = array<i32>} : memref<2048xi32, #tpu.memory_space<vmem>>, vector<16xi32>,
      tpu.vector_store %arg17[%swap3A_386], %select_n3A_383 {strides = array<i32>} : memref<2048xi32, #tpu.memory_space<vmem>>, vector<16xi32>,
    }
    %scan3A_16 = arith.constant 64 : i32
    %dma_start3A = arith.constant 0 : i32
    %dma_start3A_17 = tpu.memref_slice %arg17[%dma_start3A] : memref<2048xi32, #tpu.memory_space<vmem>> -> memref<128xi32, #tpu.memory_space<vmem>>
    %dma_start3A_18 = arith.constant 0 : i32
    %dma_start3A_19 = arith.constant 0 : i32
    %dma_start3A_20 = tpu.memref_slice %arg8[%dma_start3A_18, %dma_start3A_19] : memref<4096x256xf32, #tpu.memory_space<hbm>> -> memref<4096x256xf32, #tpu.memory_space<hbm>>
    tpu.enqueue_indirect_dma source(%dma_start3A_20 : memref<4096x256xf32, #tpu.memory_space<hbm>>) target(%arg18 : memref<128x256xf32, #tpu.memory_space<vmem>>) offsets(%dma_start3A_17 : memref<128xi32, #tpu.memory_space<vmem>>) semaphore(%arg20 : memref<!tpu.dma_semaphore, #tpu.memory_space<semaphore_mem>>)
    %dma_wait3A = arith.constant 0 : i32
    %dma_wait3A_21 = tpu.memref_slice %arg17[%dma_wait3A] : memref<2048xi32, #tpu.memory_space<vmem>> -> memref<128xi32, #tpu.memory_space<vmem>>
    %dma_wait3A_22 = arith.constant 0 : i32
    %dma_wait3A_23 = arith.constant 0 : i32
    %dma_wait3A_24 = tpu.memref_slice %arg8[%dma_wait3A_22, %dma_wait3A_23] : memref<4096x256xf32, #tpu.memory_space<hbm>> -> memref<4096x256xf32, #tpu.memory_space<hbm>>
    tpu.wait_indirect_dma semaphore(%arg20 : memref<!tpu.dma_semaphore, #tpu.memory_space<semaphore_mem>>) src(%dma_wait3A_24 : memref<4096x256xf32, #tpu.memory_space<hbm>>) dst(%arg18 : memref<128x256xf32, #tpu.memory_space<vmem>>)
    %dma_start3A_25 = arith.constant 128 : i32
    %dma_start3A_26 = tpu.memref_slice %arg17[%dma_start3A_25] : memref<2048xi32, #tpu.memory_space<vmem>> -> memref<128xi32, #tpu.memory_space<vmem>>
    %dma_start3A_27 = arith.constant 0 : i32
    %dma_start3A_28 = arith.constant 0 : i32
    %dma_start3A_29 = tpu.memref_slice %arg8[%dma_start3A_27, %dma_start3A_28] : memref<4096x256xf32, #tpu.memory_space<hbm>> -> memref<4096x256xf32, #tpu.memory_space<hbm>>
    tpu.enqueue_indirect_dma source(%dma_start3A_29 : memref<4096x256xf32, #tpu.memory_space<hbm>>) target(%arg19 : memref<128x256xf32, #tpu.memory_space<vmem>>) offsets(%dma_start3A_26 : memref<128xi32, #tpu.memory_space<vmem>>) semaphore(%arg21 : memref<!tpu.dma_semaphore, #tpu.memory_space<semaphore_mem>>)
    %mul3A_30 = arith.constant 128 : i32
    %mul3A_31 = arith.muli %add3A, %mul3A_30 : i32
    %mul3A_32 = arith.constant 16 : i32
    %mul3A_33 = arith.muli %mul3A_31, %mul3A_32 : i32
    %add3A_34 = arith.constant 0 : i32
    %add3A_35 = arith.addi %mul3A_33, %add3A_34 : i32
    "tpu.region"() ({
      %run_scoped3A = tpu.sem_alloc : memref<!tpu.dma_semaphore, #tpu.memory_space<semaphore_mem>>
      %dma_start3A_271 = arith.constant 0 : i32
      %dma_start3A_272 = tpu.memref_slice %arg9[%add3A_35, %dma_start3A_271] : memref<65536x256xf32, #tpu.memory_space<hbm>> -> memref<128x256xf32, #tpu.memory_space<hbm>>
      %dma_start3A_273 = arith.constant 0 : i32
      %dma_start3A_274 = tpu.memref_slice %arg9[%add3A_35, %dma_start3A_273] : memref<65536x256xf32, #tpu.memory_space<hbm>> -> memref<128x256xf32, #tpu.memory_space<hbm>>
      tpu.enqueue_dma source(%arg18 : memref<128x256xf32, #tpu.memory_space<vmem>>) target(%dma_start3A_274 : memref<128x256xf32, #tpu.memory_space<hbm>>) target_semaphore(%run_scoped3A : memref<!tpu.dma_semaphore, #tpu.memory_space<semaphore_mem>>)
      %dma_wait3A_275 = arith.constant 0 : i32
      %dma_wait3A_276 = tpu.memref_slice %arg9[%add3A_35, %dma_wait3A_275] : memref<65536x256xf32, #tpu.memory_space<hbm>> -> memref<128x256xf32, #tpu.memory_space<hbm>>
      %dma_wait3A_277 = arith.constant 0 : i32
      %dma_wait3A_278 = tpu.memref_slice %arg9[%add3A_35, %dma_wait3A_277] : memref<65536x256xf32, #tpu.memory_space<hbm>> -> memref<128x256xf32, #tpu.memory_space<hbm>>
      tpu.wait_dma2 semaphore(%run_scoped3A : memref<!tpu.dma_semaphore, #tpu.memory_space<semaphore_mem>>) src(%arg18 : memref<128x256xf32, #tpu.memory_space<vmem>>) dst(%dma_wait3A_278 : memref<128x256xf32, #tpu.memory_space<hbm>>)
      tpu.yield
    }) : () -> ()
    %dma_wait3A_36 = arith.constant 128 : i32
    %dma_wait3A_37 = tpu.memref_slice %arg17[%dma_wait3A_36] : memref<2048xi32, #tpu.memory_space<vmem>> -> memref<128xi32, #tpu.memory_space<vmem>>
    %dma_wait3A_38 = arith.constant 0 : i32
    %dma_wait3A_39 = arith.constant 0 : i32
    %dma_wait3A_40 = tpu.memref_slice %arg8[%dma_wait3A_38, %dma_wait3A_39] : memref<4096x256xf32, #tpu.memory_space<hbm>> -> memref<4096x256xf32, #tpu.memory_space<hbm>>
    tpu.wait_indirect_dma semaphore(%arg21 : memref<!tpu.dma_semaphore, #tpu.memory_space<semaphore_mem>>) src(%dma_wait3A_40 : memref<4096x256xf32, #tpu.memory_space<hbm>>) dst(%arg19 : memref<128x256xf32, #tpu.memory_space<vmem>>)
    %dma_start3A_41 = arith.constant 256 : i32
    %dma_start3A_42 = tpu.memref_slice %arg17[%dma_start3A_41] : memref<2048xi32, #tpu.memory_space<vmem>> -> memref<128xi32, #tpu.memory_space<vmem>>
    %dma_start3A_43 = arith.constant 0 : i32
    %dma_start3A_44 = arith.constant 0 : i32
    %dma_start3A_45 = tpu.memref_slice %arg8[%dma_start3A_43, %dma_start3A_44] : memref<4096x256xf32, #tpu.memory_space<hbm>> -> memref<4096x256xf32, #tpu.memory_space<hbm>>
    tpu.enqueue_indirect_dma source(%dma_start3A_45 : memref<4096x256xf32, #tpu.memory_space<hbm>>) target(%arg18 : memref<128x256xf32, #tpu.memory_space<vmem>>) offsets(%dma_start3A_42 : memref<128xi32, #tpu.memory_space<vmem>>) semaphore(%arg20 : memref<!tpu.dma_semaphore, #tpu.memory_space<semaphore_mem>>)
    %mul3A_46 = arith.constant 128 : i32
    %mul3A_47 = arith.muli %add3A, %mul3A_46 : i32
    %mul3A_48 = arith.constant 16 : i32
    %mul3A_49 = arith.muli %mul3A_47, %mul3A_48 : i32
    %add3A_50 = arith.constant 128 : i32
    %add3A_51 = arith.addi %mul3A_49, %add3A_50 : i32
    "tpu.region"() ({
      %run_scoped3A = tpu.sem_alloc : memref<!tpu.dma_semaphore, #tpu.memory_space<semaphore_mem>>
      %dma_start3A_271 = arith.constant 0 : i32
      %dma_start3A_272 = tpu.memref_slice %arg9[%add3A_51, %dma_start3A_271] : memref<65536x256xf32, #tpu.memory_space<hbm>> -> memref<128x256xf32, #tpu.memory_space<hbm>>
      %dma_start3A_273 = arith.constant 0 : i32
      %dma_start3A_274 = tpu.memref_slice %arg9[%add3A_51, %dma_start3A_273] : memref<65536x256xf32, #tpu.memory_space<hbm>> -> memref<128x256xf32, #tpu.memory_space<hbm>>
      tpu.enqueue_dma source(%arg19 : memref<128x256xf32, #tpu.memory_space<vmem>>) target(%dma_start3A_274 : memref<128x256xf32, #tpu.memory_space<hbm>>) target_semaphore(%run_scoped3A : memref<!tpu.dma_semaphore, #tpu.memory_space<semaphore_mem>>)
      %dma_wait3A_275 = arith.constant 0 : i32
      %dma_wait3A_276 = tpu.memref_slice %arg9[%add3A_51, %dma_wait3A_275] : memref<65536x256xf32, #tpu.memory_space<hbm>> -> memref<128x256xf32, #tpu.memory_space<hbm>>
      %dma_wait3A_277 = arith.constant 0 : i32
      %dma_wait3A_278 = tpu.memref_slice %arg9[%add3A_51, %dma_wait3A_277] : memref<65536x256xf32, #tpu.memory_space<hbm>> -> memref<128x256xf32, #tpu.memory_space<hbm>>
      tpu.wait_dma2 semaphore(%run_scoped3A : memref<!tpu.dma_semaphore, #tpu.memory_space<semaphore_mem>>) src(%arg19 : memref<128x256xf32, #tpu.memory_space<vmem>>) dst(%dma_wait3A_278 : memref<128x256xf32, #tpu.memory_space<hbm>>)
      tpu.yield
    }) : () -> ()
    %dma_wait3A_52 = arith.constant 256 : i32
    %dma_wait3A_53 = tpu.memref_slice %arg17[%dma_wait3A_52] : memref<2048xi32, #tpu.memory_space<vmem>> -> memref<128xi32, #tpu.memory_space<vmem>>
    %dma_wait3A_54 = arith.constant 0 : i32
    %dma_wait3A_55 = arith.constant 0 : i32
    %dma_wait3A_56 = tpu.memref_slice %arg8[%dma_wait3A_54, %dma_wait3A_55] : memref<4096x256xf32, #tpu.memory_space<hbm>> -> memref<4096x256xf32, #tpu.memory_space<hbm>>
    tpu.wait_indirect_dma semaphore(%arg20 : memref<!tpu.dma_semaphore, #tpu.memory_space<semaphore_mem>>) src(%dma_wait3A_56 : memref<4096x256xf32, #tpu.memory_space<hbm>>) dst(%arg18 : memref<128x256xf32, #tpu.memory_space<vmem>>)
    %dma_start3A_57 = arith.constant 384 : i32
    %dma_start3A_58 = tpu.memref_slice %arg17[%dma_start3A_57] : memref<2048xi32, #tpu.memory_space<vmem>> -> memref<128xi32, #tpu.memory_space<vmem>>
    %dma_start3A_59 = arith.constant 0 : i32
    %dma_start3A_60 = arith.constant 0 : i32
    %dma_start3A_61 = tpu.memref_slice %arg8[%dma_start3A_59, %dma_start3A_60] : memref<4096x256xf32, #tpu.memory_space<hbm>> -> memref<4096x256xf32, #tpu.memory_space<hbm>>
    tpu.enqueue_indirect_dma source(%dma_start3A_61 : memref<4096x256xf32, #tpu.memory_space<hbm>>) target(%arg19 : memref<128x256xf32, #tpu.memory_space<vmem>>) offsets(%dma_start3A_58 : memref<128xi32, #tpu.memory_space<vmem>>) semaphore(%arg21 : memref<!tpu.dma_semaphore, #tpu.memory_space<semaphore_mem>>)
    %mul3A_62 = arith.constant 128 : i32
    %mul3A_63 = arith.muli %add3A, %mul3A_62 : i32
    %mul3A_64 = arith.constant 16 : i32
    %mul3A_65 = arith.muli %mul3A_63, %mul3A_64 : i32
    %add3A_66 = arith.constant 256 : i32
    %add3A_67 = arith.addi %mul3A_65, %add3A_66 : i32
    "tpu.region"() ({
      %run_scoped3A = tpu.sem_alloc : memref<!tpu.dma_semaphore, #tpu.memory_space<semaphore_mem>>
      %dma_start3A_271 = arith.constant 0 : i32
      %dma_start3A_272 = tpu.memref_slice %arg9[%add3A_67, %dma_start3A_271] : memref<65536x256xf32, #tpu.memory_space<hbm>> -> memref<128x256xf32, #tpu.memory_space<hbm>>
      %dma_start3A_273 = arith.constant 0 : i32
      %dma_start3A_274 = tpu.memref_slice %arg9[%add3A_67, %dma_start3A_273] : memref<65536x256xf32, #tpu.memory_space<hbm>> -> memref<128x256xf32, #tpu.memory_space<hbm>>
      tpu.enqueue_dma source(%arg18 : memref<128x256xf32, #tpu.memory_space<vmem>>) target(%dma_start3A_274 : memref<128x256xf32, #tpu.memory_space<hbm>>) target_semaphore(%run_scoped3A : memref<!tpu.dma_semaphore, #tpu.memory_space<semaphore_mem>>)
      %dma_wait3A_275 = arith.constant 0 : i32
      %dma_wait3A_276 = tpu.memref_slice %arg9[%add3A_67, %dma_wait3A_275] : memref<65536x256xf32, #tpu.memory_space<hbm>> -> memref<128x256xf32, #tpu.memory_space<hbm>>
      %dma_wait3A_277 = arith.constant 0 : i32
      %dma_wait3A_278 = tpu.memref_slice %arg9[%add3A_67, %dma_wait3A_277] : memref<65536x256xf32, #tpu.memory_space<hbm>> -> memref<128x256xf32, #tpu.memory_space<hbm>>
      tpu.wait_dma2 semaphore(%run_scoped3A : memref<!tpu.dma_semaphore, #tpu.memory_space<semaphore_mem>>) src(%arg18 : memref<128x256xf32, #tpu.memory_space<vmem>>) dst(%dma_wait3A_278 : memref<128x256xf32, #tpu.memory_space<hbm>>)
      tpu.yield
    }) : () -> ()
    %dma_wait3A_68 = arith.constant 384 : i32
    %dma_wait3A_69 = tpu.memref_slice %arg17[%dma_wait3A_68] : memref<2048xi32, #tpu.memory_space<vmem>> -> memref<128xi32, #tpu.memory_space<vmem>>
    %dma_wait3A_70 = arith.constant 0 : i32
    %dma_wait3A_71 = arith.constant 0 : i32
    %dma_wait3A_72 = tpu.memref_slice %arg8[%dma_wait3A_70, %dma_wait3A_71] : memref<4096x256xf32, #tpu.memory_space<hbm>> -> memref<4096x256xf32, #tpu.memory_space<hbm>>
    tpu.wait_indirect_dma semaphore(%arg21 : memref<!tpu.dma_semaphore, #tpu.memory_space<semaphore_mem>>) src(%dma_wait3A_72 : memref<4096x256xf32, #tpu.memory_space<hbm>>) dst(%arg19 : memref<128x256xf32, #tpu.memory_space<vmem>>)
    %dma_start3A_73 = arith.constant 512 : i32
    %dma_start3A_74 = tpu.memref_slice %arg17[%dma_start3A_73] : memref<2048xi32, #tpu.memory_space<vmem>> -> memref<128xi32, #tpu.memory_space<vmem>>
    %dma_start3A_75 = arith.constant 0 : i32
    %dma_start3A_76 = arith.constant 0 : i32
    %dma_start3A_77 = tpu.memref_slice %arg8[%dma_start3A_75, %dma_start3A_76] : memref<4096x256xf32, #tpu.memory_space<hbm>> -> memref<4096x256xf32, #tpu.memory_space<hbm>>
    tpu.enqueue_indirect_dma source(%dma_start3A_77 : memref<4096x256xf32, #tpu.memory_space<hbm>>) target(%arg18 : memref<128x256xf32, #tpu.memory_space<vmem>>) offsets(%dma_start3A_74 : memref<128xi32, #tpu.memory_space<vmem>>) semaphore(%arg20 : memref<!tpu.dma_semaphore, #tpu.memory_space<semaphore_mem>>)
    %mul3A_78 = arith.constant 128 : i32
    %mul3A_79 = arith.muli %add3A, %mul3A_78 : i32
    %mul3A_80 = arith.constant 16 : i32
    %mul3A_81 = arith.muli %mul3A_79, %mul3A_80 : i32
    %add3A_82 = arith.constant 384 : i32
    %add3A_83 = arith.addi %mul3A_81, %add3A_82 : i32
    "tpu.region"() ({
      %run_scoped3A = tpu.sem_alloc : memref<!tpu.dma_semaphore, #tpu.memory_space<semaphore_mem>>
      %dma_start3A_271 = arith.constant 0 : i32
      %dma_start3A_272 = tpu.memref_slice %arg9[%add3A_83, %dma_start3A_271] : memref<65536x256xf32, #tpu.memory_space<hbm>> -> memref<128x256xf32, #tpu.memory_space<hbm>>
      %dma_start3A_273 = arith.constant 0 : i32
      %dma_start3A_274 = tpu.memref_slice %arg9[%add3A_83, %dma_start3A_273] : memref<65536x256xf32, #tpu.memory_space<hbm>> -> memref<128x256xf32, #tpu.memory_space<hbm>>
      tpu.enqueue_dma source(%arg19 : memref<128x256xf32, #tpu.memory_space<vmem>>) target(%dma_start3A_274 : memref<128x256xf32, #tpu.memory_space<hbm>>) target_semaphore(%run_scoped3A : memref<!tpu.dma_semaphore, #tpu.memory_space<semaphore_mem>>)
      %dma_wait3A_275 = arith.constant 0 : i32
      %dma_wait3A_276 = tpu.memref_slice %arg9[%add3A_83, %dma_wait3A_275] : memref<65536x256xf32, #tpu.memory_space<hbm>> -> memref<128x256xf32, #tpu.memory_space<hbm>>
      %dma_wait3A_277 = arith.constant 0 : i32
      %dma_wait3A_278 = tpu.memref_slice %arg9[%add3A_83, %dma_wait3A_277] : memref<65536x256xf32, #tpu.memory_space<hbm>> -> memref<128x256xf32, #tpu.memory_space<hbm>>
      tpu.wait_dma2 semaphore(%run_scoped3A : memref<!tpu.dma_semaphore, #tpu.memory_space<semaphore_mem>>) src(%arg19 : memref<128x256xf32, #tpu.memory_space<vmem>>) dst(%dma_wait3A_278 : memref<128x256xf32, #tpu.memory_space<hbm>>)
      tpu.yield
    }) : () -> ()
    %dma_wait3A_84 = arith.constant 512 : i32
    %dma_wait3A_85 = tpu.memref_slice %arg17[%dma_wait3A_84] : memref<2048xi32, #tpu.memory_space<vmem>> -> memref<128xi32, #tpu.memory_space<vmem>>
    %dma_wait3A_86 = arith.constant 0 : i32
    %dma_wait3A_87 = arith.constant 0 : i32
    %dma_wait3A_88 = tpu.memref_slice %arg8[%dma_wait3A_86, %dma_wait3A_87] : memref<4096x256xf32, #tpu.memory_space<hbm>> -> memref<4096x256xf32, #tpu.memory_space<hbm>>
    tpu.wait_indirect_dma semaphore(%arg20 : memref<!tpu.dma_semaphore, #tpu.memory_space<semaphore_mem>>) src(%dma_wait3A_88 : memref<4096x256xf32, #tpu.memory_space<hbm>>) dst(%arg18 : memref<128x256xf32, #tpu.memory_space<vmem>>)
    %dma_start3A_89 = arith.constant 640 : i32
    %dma_start3A_90 = tpu.memref_slice %arg17[%dma_start3A_89] : memref<2048xi32, #tpu.memory_space<vmem>> -> memref<128xi32, #tpu.memory_space<vmem>>
    %dma_start3A_91 = arith.constant 0 : i32
    %dma_start3A_92 = arith.constant 0 : i32
    %dma_start3A_93 = tpu.memref_slice %arg8[%dma_start3A_91, %dma_start3A_92] : memref<4096x256xf32, #tpu.memory_space<hbm>> -> memref<4096x256xf32, #tpu.memory_space<hbm>>
    tpu.enqueue_indirect_dma source(%dma_start3A_93 : memref<4096x256xf32, #tpu.memory_space<hbm>>) target(%arg19 : memref<128x256xf32, #tpu.memory_space<vmem>>) offsets(%dma_start3A_90 : memref<128xi32, #tpu.memory_space<vmem>>) semaphore(%arg21 : memref<!tpu.dma_semaphore, #tpu.memory_space<semaphore_mem>>)
    %mul3A_94 = arith.constant 128 : i32
    %mul3A_95 = arith.muli %add3A, %mul3A_94 : i32
    %mul3A_96 = arith.constant 16 : i32
    %mul3A_97 = arith.muli %mul3A_95, %mul3A_96 : i32
    %add3A_98 = arith.constant 512 : i32
    %add3A_99 = arith.addi %mul3A_97, %add3A_98 : i32
    "tpu.region"() ({
      %run_scoped3A = tpu.sem_alloc : memref<!tpu.dma_semaphore, #tpu.memory_space<semaphore_mem>>
      %dma_start3A_271 = arith.constant 0 : i32
      %dma_start3A_272 = tpu.memref_slice %arg9[%add3A_99, %dma_start3A_271] : memref<65536x256xf32, #tpu.memory_space<hbm>> -> memref<128x256xf32, #tpu.memory_space<hbm>>
      %dma_start3A_273 = arith.constant 0 : i32
      %dma_start3A_274 = tpu.memref_slice %arg9[%add3A_99, %dma_start3A_273] : memref<65536x256xf32, #tpu.memory_space<hbm>> -> memref<128x256xf32, #tpu.memory_space<hbm>>
      tpu.enqueue_dma source(%arg18 : memref<128x256xf32, #tpu.memory_space<vmem>>) target(%dma_start3A_274 : memref<128x256xf32, #tpu.memory_space<hbm>>) target_semaphore(%run_scoped3A : memref<!tpu.dma_semaphore, #tpu.memory_space<semaphore_mem>>)
      %dma_wait3A_275 = arith.constant 0 : i32
      %dma_wait3A_276 = tpu.memref_slice %arg9[%add3A_99, %dma_wait3A_275] : memref<65536x256xf32, #tpu.memory_space<hbm>> -> memref<128x256xf32, #tpu.memory_space<hbm>>
      %dma_wait3A_277 = arith.constant 0 : i32
      %dma_wait3A_278 = tpu.memref_slice %arg9[%add3A_99, %dma_wait3A_277] : memref<65536x256xf32, #tpu.memory_space<hbm>> -> memref<128x256xf32, #tpu.memory_space<hbm>>
      tpu.wait_dma2 semaphore(%run_scoped3A : memref<!tpu.dma_semaphore, #tpu.memory_space<semaphore_mem>>) src(%arg18 : memref<128x256xf32, #tpu.memory_space<vmem>>) dst(%dma_wait3A_278 : memref<128x256xf32, #tpu.memory_space<hbm>>)
      tpu.yield
    }) : () -> ()
    %dma_wait3A_100 = arith.constant 640 : i32
    %dma_wait3A_101 = tpu.memref_slice %arg17[%dma_wait3A_100] : memref<2048xi32, #tpu.memory_space<vmem>> -> memref<128xi32, #tpu.memory_space<vmem>>
    %dma_wait3A_102 = arith.constant 0 : i32
    %dma_wait3A_103 = arith.constant 0 : i32
    %dma_wait3A_104 = tpu.memref_slice %arg8[%dma_wait3A_102, %dma_wait3A_103] : memref<4096x256xf32, #tpu.memory_space<hbm>> -> memref<4096x256xf32, #tpu.memory_space<hbm>>
    tpu.wait_indirect_dma semaphore(%arg21 : memref<!tpu.dma_semaphore, #tpu.memory_space<semaphore_mem>>) src(%dma_wait3A_104 : memref<4096x256xf32, #tpu.memory_space<hbm>>) dst(%arg19 : memref<128x256xf32, #tpu.memory_space<vmem>>)
    %dma_start3A_105 = arith.constant 768 : i32
    %dma_start3A_106 = tpu.memref_slice %arg17[%dma_start3A_105] : memref<2048xi32, #tpu.memory_space<vmem>> -> memref<128xi32, #tpu.memory_space<vmem>>
    %dma_start3A_107 = arith.constant 0 : i32
    %dma_start3A_108 = arith.constant 0 : i32
    %dma_start3A_109 = tpu.memref_slice %arg8[%dma_start3A_107, %dma_start3A_108] : memref<4096x256xf32, #tpu.memory_space<hbm>> -> memref<4096x256xf32, #tpu.memory_space<hbm>>
    tpu.enqueue_indirect_dma source(%dma_start3A_109 : memref<4096x256xf32, #tpu.memory_space<hbm>>) target(%arg18 : memref<128x256xf32, #tpu.memory_space<vmem>>) offsets(%dma_start3A_106 : memref<128xi32, #tpu.memory_space<vmem>>) semaphore(%arg20 : memref<!tpu.dma_semaphore, #tpu.memory_space<semaphore_mem>>)
    %mul3A_110 = arith.constant 128 : i32
    %mul3A_111 = arith.muli %add3A, %mul3A_110 : i32
    %mul3A_112 = arith.constant 16 : i32
    %mul3A_113 = arith.muli %mul3A_111, %mul3A_112 : i32
    %add3A_114 = arith.constant 640 : i32
    %add3A_115 = arith.addi %mul3A_113, %add3A_114 : i32
    "tpu.region"() ({
      %run_scoped3A = tpu.sem_alloc : memref<!tpu.dma_semaphore, #tpu.memory_space<semaphore_mem>>
      %dma_start3A_271 = arith.constant 0 : i32
      %dma_start3A_272 = tpu.memref_slice %arg9[%add3A_115, %dma_start3A_271] : memref<65536x256xf32, #tpu.memory_space<hbm>> -> memref<128x256xf32, #tpu.memory_space<hbm>>
      %dma_start3A_273 = arith.constant 0 : i32
      %dma_start3A_274 = tpu.memref_slice %arg9[%add3A_115, %dma_start3A_273] : memref<65536x256xf32, #tpu.memory_space<hbm>> -> memref<128x256xf32, #tpu.memory_space<hbm>>
      tpu.enqueue_dma source(%arg19 : memref<128x256xf32, #tpu.memory_space<vmem>>) target(%dma_start3A_274 : memref<128x256xf32, #tpu.memory_space<hbm>>) target_semaphore(%run_scoped3A : memref<!tpu.dma_semaphore, #tpu.memory_space<semaphore_mem>>)
      %dma_wait3A_275 = arith.constant 0 : i32
      %dma_wait3A_276 = tpu.memref_slice %arg9[%add3A_115, %dma_wait3A_275] : memref<65536x256xf32, #tpu.memory_space<hbm>> -> memref<128x256xf32, #tpu.memory_space<hbm>>
      %dma_wait3A_277 = arith.constant 0 : i32
      %dma_wait3A_278 = tpu.memref_slice %arg9[%add3A_115, %dma_wait3A_277] : memref<65536x256xf32, #tpu.memory_space<hbm>> -> memref<128x256xf32, #tpu.memory_space<hbm>>
      tpu.wait_dma2 semaphore(%run_scoped3A : memref<!tpu.dma_semaphore, #tpu.memory_space<semaphore_mem>>) src(%arg19 : memref<128x256xf32, #tpu.memory_space<vmem>>) dst(%dma_wait3A_278 : memref<128x256xf32, #tpu.memory_space<hbm>>)
      tpu.yield
    }) : () -> ()
    %dma_wait3A_116 = arith.constant 768 : i32
    %dma_wait3A_117 = tpu.memref_slice %arg17[%dma_wait3A_116] : memref<2048xi32, #tpu.memory_space<vmem>> -> memref<128xi32, #tpu.memory_space<vmem>>
    %dma_wait3A_118 = arith.constant 0 : i32
    %dma_wait3A_119 = arith.constant 0 : i32
    %dma_wait3A_120 = tpu.memref_slice %arg8[%dma_wait3A_118, %dma_wait3A_119] : memref<4096x256xf32, #tpu.memory_space<hbm>> -> memref<4096x256xf32, #tpu.memory_space<hbm>>
    tpu.wait_indirect_dma semaphore(%arg20 : memref<!tpu.dma_semaphore, #tpu.memory_space<semaphore_mem>>) src(%dma_wait3A_120 : memref<4096x256xf32, #tpu.memory_space<hbm>>) dst(%arg18 : memref<128x256xf32, #tpu.memory_space<vmem>>)
    %dma_start3A_121 = arith.constant 896 : i32
    %dma_start3A_122 = tpu.memref_slice %arg17[%dma_start3A_121] : memref<2048xi32, #tpu.memory_space<vmem>> -> memref<128xi32, #tpu.memory_space<vmem>>
    %dma_start3A_123 = arith.constant 0 : i32
    %dma_start3A_124 = arith.constant 0 : i32
    %dma_start3A_125 = tpu.memref_slice %arg8[%dma_start3A_123, %dma_start3A_124] : memref<4096x256xf32, #tpu.memory_space<hbm>> -> memref<4096x256xf32, #tpu.memory_space<hbm>>
    tpu.enqueue_indirect_dma source(%dma_start3A_125 : memref<4096x256xf32, #tpu.memory_space<hbm>>) target(%arg19 : memref<128x256xf32, #tpu.memory_space<vmem>>) offsets(%dma_start3A_122 : memref<128xi32, #tpu.memory_space<vmem>>) semaphore(%arg21 : memref<!tpu.dma_semaphore, #tpu.memory_space<semaphore_mem>>)
    %mul3A_126 = arith.constant 128 : i32
    %mul3A_127 = arith.muli %add3A, %mul3A_126 : i32
    %mul3A_128 = arith.constant 16 : i32
    %mul3A_129 = arith.muli %mul3A_127, %mul3A_128 : i32
    %add3A_130 = arith.constant 768 : i32
    %add3A_131 = arith.addi %mul3A_129, %add3A_130 : i32
    "tpu.region"() ({
      %run_scoped3A = tpu.sem_alloc : memref<!tpu.dma_semaphore, #tpu.memory_space<semaphore_mem>>
      %dma_start3A_271 = arith.constant 0 : i32
      %dma_start3A_272 = tpu.memref_slice %arg9[%add3A_131, %dma_start3A_271] : memref<65536x256xf32, #tpu.memory_space<hbm>> -> memref<128x256xf32, #tpu.memory_space<hbm>>
      %dma_start3A_273 = arith.constant 0 : i32
      %dma_start3A_274 = tpu.memref_slice %arg9[%add3A_131, %dma_start3A_273] : memref<65536x256xf32, #tpu.memory_space<hbm>> -> memref<128x256xf32, #tpu.memory_space<hbm>>
      tpu.enqueue_dma source(%arg18 : memref<128x256xf32, #tpu.memory_space<vmem>>) target(%dma_start3A_274 : memref<128x256xf32, #tpu.memory_space<hbm>>) target_semaphore(%run_scoped3A : memref<!tpu.dma_semaphore, #tpu.memory_space<semaphore_mem>>)
      %dma_wait3A_275 = arith.constant 0 : i32
      %dma_wait3A_276 = tpu.memref_slice %arg9[%add3A_131, %dma_wait3A_275] : memref<65536x256xf32, #tpu.memory_space<hbm>> -> memref<128x256xf32, #tpu.memory_space<hbm>>
      %dma_wait3A_277 = arith.constant 0 : i32
      %dma_wait3A_278 = tpu.memref_slice %arg9[%add3A_131, %dma_wait3A_277] : memref<65536x256xf32, #tpu.memory_space<hbm>> -> memref<128x256xf32, #tpu.memory_space<hbm>>
      tpu.wait_dma2 semaphore(%run_scoped3A : memref<!tpu.dma_semaphore, #tpu.memory_space<semaphore_mem>>) src(%arg18 : memref<128x256xf32, #tpu.memory_space<vmem>>) dst(%dma_wait3A_278 : memref<128x256xf32, #tpu.memory_space<hbm>>)
      tpu.yield
    }) : () -> ()
    %dma_wait3A_132 = arith.constant 896 : i32
    %dma_wait3A_133 = tpu.memref_slice %arg17[%dma_wait3A_132] : memref<2048xi32, #tpu.memory_space<vmem>> -> memref<128xi32, #tpu.memory_space<vmem>>
    %dma_wait3A_134 = arith.constant 0 : i32
    %dma_wait3A_135 = arith.constant 0 : i32
    %dma_wait3A_136 = tpu.memref_slice %arg8[%dma_wait3A_134, %dma_wait3A_135] : memref<4096x256xf32, #tpu.memory_space<hbm>> -> memref<4096x256xf32, #tpu.memory_space<hbm>>
    tpu.wait_indirect_dma semaphore(%arg21 : memref<!tpu.dma_semaphore, #tpu.memory_space<semaphore_mem>>) src(%dma_wait3A_136 : memref<4096x256xf32, #tpu.memory_space<hbm>>) dst(%arg19 : memref<128x256xf32, #tpu.memory_space<vmem>>)
    %dma_start3A_137 = arith.constant 1024 : i32
    %dma_start3A_138 = tpu.memref_slice %arg17[%dma_start3A_137] : memref<2048xi32, #tpu.memory_space<vmem>> -> memref<128xi32, #tpu.memory_space<vmem>>
    %dma_start3A_139 = arith.constant 0 : i32
    %dma_start3A_140 = arith.constant 0 : i32
    %dma_start3A_141 = tpu.memref_slice %arg8[%dma_start3A_139, %dma_start3A_140] : memref<4096x256xf32, #tpu.memory_space<hbm>> -> memref<4096x256xf32, #tpu.memory_space<hbm>>
    tpu.enqueue_indirect_dma source(%dma_start3A_141 : memref<4096x256xf32, #tpu.memory_space<hbm>>) target(%arg18 : memref<128x256xf32, #tpu.memory_space<vmem>>) offsets(%dma_start3A_138 : memref<128xi32, #tpu.memory_space<vmem>>) semaphore(%arg20 : memref<!tpu.dma_semaphore, #tpu.memory_space<semaphore_mem>>)
    %mul3A_142 = arith.constant 128 : i32
    %mul3A_143 = arith.muli %add3A, %mul3A_142 : i32
    %mul3A_144 = arith.constant 16 : i32
    %mul3A_145 = arith.muli %mul3A_143, %mul3A_144 : i32
    %add3A_146 = arith.constant 896 : i32
    %add3A_147 = arith.addi %mul3A_145, %add3A_146 : i32
    "tpu.region"() ({
      %run_scoped3A = tpu.sem_alloc : memref<!tpu.dma_semaphore, #tpu.memory_space<semaphore_mem>>
      %dma_start3A_271 = arith.constant 0 : i32
      %dma_start3A_272 = tpu.memref_slice %arg9[%add3A_147, %dma_start3A_271] : memref<65536x256xf32, #tpu.memory_space<hbm>> -> memref<128x256xf32, #tpu.memory_space<hbm>>
      %dma_start3A_273 = arith.constant 0 : i32
      %dma_start3A_274 = tpu.memref_slice %arg9[%add3A_147, %dma_start3A_273] : memref<65536x256xf32, #tpu.memory_space<hbm>> -> memref<128x256xf32, #tpu.memory_space<hbm>>
      tpu.enqueue_dma source(%arg19 : memref<128x256xf32, #tpu.memory_space<vmem>>) target(%dma_start3A_274 : memref<128x256xf32, #tpu.memory_space<hbm>>) target_semaphore(%run_scoped3A : memref<!tpu.dma_semaphore, #tpu.memory_space<semaphore_mem>>)
      %dma_wait3A_275 = arith.constant 0 : i32
      %dma_wait3A_276 = tpu.memref_slice %arg9[%add3A_147, %dma_wait3A_275] : memref<65536x256xf32, #tpu.memory_space<hbm>> -> memref<128x256xf32, #tpu.memory_space<hbm>>
      %dma_wait3A_277 = arith.constant 0 : i32
      %dma_wait3A_278 = tpu.memref_slice %arg9[%add3A_147, %dma_wait3A_277] : memref<65536x256xf32, #tpu.memory_space<hbm>> -> memref<128x256xf32, #tpu.memory_space<hbm>>
      tpu.wait_dma2 semaphore(%run_scoped3A : memref<!tpu.dma_semaphore, #tpu.memory_space<semaphore_mem>>) src(%arg19 : memref<128x256xf32, #tpu.memory_space<vmem>>) dst(%dma_wait3A_278 : memref<128x256xf32, #tpu.memory_space<hbm>>)
      tpu.yield
    }) : () -> ()
    %dma_wait3A_148 = arith.constant 1024 : i32
    %dma_wait3A_149 = tpu.memref_slice %arg17[%dma_wait3A_148] : memref<2048xi32, #tpu.memory_space<vmem>> -> memref<128xi32, #tpu.memory_space<vmem>>
    %dma_wait3A_150 = arith.constant 0 : i32
    %dma_wait3A_151 = arith.constant 0 : i32
    %dma_wait3A_152 = tpu.memref_slice %arg8[%dma_wait3A_150, %dma_wait3A_151] : memref<4096x256xf32, #tpu.memory_space<hbm>> -> memref<4096x256xf32, #tpu.memory_space<hbm>>
    tpu.wait_indirect_dma semaphore(%arg20 : memref<!tpu.dma_semaphore, #tpu.memory_space<semaphore_mem>>) src(%dma_wait3A_152 : memref<4096x256xf32, #tpu.memory_space<hbm>>) dst(%arg18 : memref<128x256xf32, #tpu.memory_space<vmem>>)
    %dma_start3A_153 = arith.constant 1152 : i32
    %dma_start3A_154 = tpu.memref_slice %arg17[%dma_start3A_153] : memref<2048xi32, #tpu.memory_space<vmem>> -> memref<128xi32, #tpu.memory_space<vmem>>
    %dma_start3A_155 = arith.constant 0 : i32
    %dma_start3A_156 = arith.constant 0 : i32
    %dma_start3A_157 = tpu.memref_slice %arg8[%dma_start3A_155, %dma_start3A_156] : memref<4096x256xf32, #tpu.memory_space<hbm>> -> memref<4096x256xf32, #tpu.memory_space<hbm>>
    tpu.enqueue_indirect_dma source(%dma_start3A_157 : memref<4096x256xf32, #tpu.memory_space<hbm>>) target(%arg19 : memref<128x256xf32, #tpu.memory_space<vmem>>) offsets(%dma_start3A_154 : memref<128xi32, #tpu.memory_space<vmem>>) semaphore(%arg21 : memref<!tpu.dma_semaphore, #tpu.memory_space<semaphore_mem>>)
    %mul3A_158 = arith.constant 128 : i32
    %mul3A_159 = arith.muli %add3A, %mul3A_158 : i32
    %mul3A_160 = arith.constant 16 : i32
    %mul3A_161 = arith.muli %mul3A_159, %mul3A_160 : i32
    %add3A_162 = arith.constant 1024 : i32
    %add3A_163 = arith.addi %mul3A_161, %add3A_162 : i32
    "tpu.region"() ({
      %run_scoped3A = tpu.sem_alloc : memref<!tpu.dma_semaphore, #tpu.memory_space<semaphore_mem>>
      %dma_start3A_271 = arith.constant 0 : i32
      %dma_start3A_272 = tpu.memref_slice %arg9[%add3A_163, %dma_start3A_271] : memref<65536x256xf32, #tpu.memory_space<hbm>> -> memref<128x256xf32, #tpu.memory_space<hbm>>
      %dma_start3A_273 = arith.constant 0 : i32
      %dma_start3A_274 = tpu.memref_slice %arg9[%add3A_163, %dma_start3A_273] : memref<65536x256xf32, #tpu.memory_space<hbm>> -> memref<128x256xf32, #tpu.memory_space<hbm>>
      tpu.enqueue_dma source(%arg18 : memref<128x256xf32, #tpu.memory_space<vmem>>) target(%dma_start3A_274 : memref<128x256xf32, #tpu.memory_space<hbm>>) target_semaphore(%run_scoped3A : memref<!tpu.dma_semaphore, #tpu.memory_space<semaphore_mem>>)
      %dma_wait3A_275 = arith.constant 0 : i32
      %dma_wait3A_276 = tpu.memref_slice %arg9[%add3A_163, %dma_wait3A_275] : memref<65536x256xf32, #tpu.memory_space<hbm>> -> memref<128x256xf32, #tpu.memory_space<hbm>>
      %dma_wait3A_277 = arith.constant 0 : i32
      %dma_wait3A_278 = tpu.memref_slice %arg9[%add3A_163, %dma_wait3A_277] : memref<65536x256xf32, #tpu.memory_space<hbm>> -> memref<128x256xf32, #tpu.memory_space<hbm>>
      tpu.wait_dma2 semaphore(%run_scoped3A : memref<!tpu.dma_semaphore, #tpu.memory_space<semaphore_mem>>) src(%arg18 : memref<128x256xf32, #tpu.memory_space<vmem>>) dst(%dma_wait3A_278 : memref<128x256xf32, #tpu.memory_space<hbm>>)
      tpu.yield
    }) : () -> ()
    %dma_wait3A_164 = arith.constant 1152 : i32
    %dma_wait3A_165 = tpu.memref_slice %arg17[%dma_wait3A_164] : memref<2048xi32, #tpu.memory_space<vmem>> -> memref<128xi32, #tpu.memory_space<vmem>>
    %dma_wait3A_166 = arith.constant 0 : i32
    %dma_wait3A_167 = arith.constant 0 : i32
    %dma_wait3A_168 = tpu.memref_slice %arg8[%dma_wait3A_166, %dma_wait3A_167] : memref<4096x256xf32, #tpu.memory_space<hbm>> -> memref<4096x256xf32, #tpu.memory_space<hbm>>
    tpu.wait_indirect_dma semaphore(%arg21 : memref<!tpu.dma_semaphore, #tpu.memory_space<semaphore_mem>>) src(%dma_wait3A_168 : memref<4096x256xf32, #tpu.memory_space<hbm>>) dst(%arg19 : memref<128x256xf32, #tpu.memory_space<vmem>>)
    %dma_start3A_169 = arith.constant 1280 : i32
    %dma_start3A_170 = tpu.memref_slice %arg17[%dma_start3A_169] : memref<2048xi32, #tpu.memory_space<vmem>> -> memref<128xi32, #tpu.memory_space<vmem>>
    %dma_start3A_171 = arith.constant 0 : i32
    %dma_start3A_172 = arith.constant 0 : i32
    %dma_start3A_173 = tpu.memref_slice %arg8[%dma_start3A_171, %dma_start3A_172] : memref<4096x256xf32, #tpu.memory_space<hbm>> -> memref<4096x256xf32, #tpu.memory_space<hbm>>
    tpu.enqueue_indirect_dma source(%dma_start3A_173 : memref<4096x256xf32, #tpu.memory_space<hbm>>) target(%arg18 : memref<128x256xf32, #tpu.memory_space<vmem>>) offsets(%dma_start3A_170 : memref<128xi32, #tpu.memory_space<vmem>>) semaphore(%arg20 : memref<!tpu.dma_semaphore, #tpu.memory_space<semaphore_mem>>)
    %mul3A_174 = arith.constant 128 : i32
    %mul3A_175 = arith.muli %add3A, %mul3A_174 : i32
    %mul3A_176 = arith.constant 16 : i32
    %mul3A_177 = arith.muli %mul3A_175, %mul3A_176 : i32
    %add3A_178 = arith.constant 1152 : i32
    %add3A_179 = arith.addi %mul3A_177, %add3A_178 : i32
    "tpu.region"() ({
      %run_scoped3A = tpu.sem_alloc : memref<!tpu.dma_semaphore, #tpu.memory_space<semaphore_mem>>
      %dma_start3A_271 = arith.constant 0 : i32
      %dma_start3A_272 = tpu.memref_slice %arg9[%add3A_179, %dma_start3A_271] : memref<65536x256xf32, #tpu.memory_space<hbm>> -> memref<128x256xf32, #tpu.memory_space<hbm>>
      %dma_start3A_273 = arith.constant 0 : i32
      %dma_start3A_274 = tpu.memref_slice %arg9[%add3A_179, %dma_start3A_273] : memref<65536x256xf32, #tpu.memory_space<hbm>> -> memref<128x256xf32, #tpu.memory_space<hbm>>
      tpu.enqueue_dma source(%arg19 : memref<128x256xf32, #tpu.memory_space<vmem>>) target(%dma_start3A_274 : memref<128x256xf32, #tpu.memory_space<hbm>>) target_semaphore(%run_scoped3A : memref<!tpu.dma_semaphore, #tpu.memory_space<semaphore_mem>>)
      %dma_wait3A_275 = arith.constant 0 : i32
      %dma_wait3A_276 = tpu.memref_slice %arg9[%add3A_179, %dma_wait3A_275] : memref<65536x256xf32, #tpu.memory_space<hbm>> -> memref<128x256xf32, #tpu.memory_space<hbm>>
      %dma_wait3A_277 = arith.constant 0 : i32
      %dma_wait3A_278 = tpu.memref_slice %arg9[%add3A_179, %dma_wait3A_277] : memref<65536x256xf32, #tpu.memory_space<hbm>> -> memref<128x256xf32, #tpu.memory_space<hbm>>
      tpu.wait_dma2 semaphore(%run_scoped3A : memref<!tpu.dma_semaphore, #tpu.memory_space<semaphore_mem>>) src(%arg19 : memref<128x256xf32, #tpu.memory_space<vmem>>) dst(%dma_wait3A_278 : memref<128x256xf32, #tpu.memory_space<hbm>>)
      tpu.yield
    }) : () -> ()
    %dma_wait3A_180 = arith.constant 1280 : i32
    %dma_wait3A_181 = tpu.memref_slice %arg17[%dma_wait3A_180] : memref<2048xi32, #tpu.memory_space<vmem>> -> memref<128xi32, #tpu.memory_space<vmem>>
    %dma_wait3A_182 = arith.constant 0 : i32
    %dma_wait3A_183 = arith.constant 0 : i32
    %dma_wait3A_184 = tpu.memref_slice %arg8[%dma_wait3A_182, %dma_wait3A_183] : memref<4096x256xf32, #tpu.memory_space<hbm>> -> memref<4096x256xf32, #tpu.memory_space<hbm>>
    tpu.wait_indirect_dma semaphore(%arg20 : memref<!tpu.dma_semaphore, #tpu.memory_space<semaphore_mem>>) src(%dma_wait3A_184 : memref<4096x256xf32, #tpu.memory_space<hbm>>) dst(%arg18 : memref<128x256xf32, #tpu.memory_space<vmem>>)
    %dma_start3A_185 = arith.constant 1408 : i32
    %dma_start3A_186 = tpu.memref_slice %arg17[%dma_start3A_185] : memref<2048xi32, #tpu.memory_space<vmem>> -> memref<128xi32, #tpu.memory_space<vmem>>
    %dma_start3A_187 = arith.constant 0 : i32
    %dma_start3A_188 = arith.constant 0 : i32
    %dma_start3A_189 = tpu.memref_slice %arg8[%dma_start3A_187, %dma_start3A_188] : memref<4096x256xf32, #tpu.memory_space<hbm>> -> memref<4096x256xf32, #tpu.memory_space<hbm>>
    tpu.enqueue_indirect_dma source(%dma_start3A_189 : memref<4096x256xf32, #tpu.memory_space<hbm>>) target(%arg19 : memref<128x256xf32, #tpu.memory_space<vmem>>) offsets(%dma_start3A_186 : memref<128xi32, #tpu.memory_space<vmem>>) semaphore(%arg21 : memref<!tpu.dma_semaphore, #tpu.memory_space<semaphore_mem>>)
    %mul3A_190 = arith.constant 128 : i32
    %mul3A_191 = arith.muli %add3A, %mul3A_190 : i32
    %mul3A_192 = arith.constant 16 : i32
    %mul3A_193 = arith.muli %mul3A_191, %mul3A_192 : i32
    %add3A_194 = arith.constant 1280 : i32
    %add3A_195 = arith.addi %mul3A_193, %add3A_194 : i32
    "tpu.region"() ({
      %run_scoped3A = tpu.sem_alloc : memref<!tpu.dma_semaphore, #tpu.memory_space<semaphore_mem>>
      %dma_start3A_271 = arith.constant 0 : i32
      %dma_start3A_272 = tpu.memref_slice %arg9[%add3A_195, %dma_start3A_271] : memref<65536x256xf32, #tpu.memory_space<hbm>> -> memref<128x256xf32, #tpu.memory_space<hbm>>
      %dma_start3A_273 = arith.constant 0 : i32
      %dma_start3A_274 = tpu.memref_slice %arg9[%add3A_195, %dma_start3A_273] : memref<65536x256xf32, #tpu.memory_space<hbm>> -> memref<128x256xf32, #tpu.memory_space<hbm>>
      tpu.enqueue_dma source(%arg18 : memref<128x256xf32, #tpu.memory_space<vmem>>) target(%dma_start3A_274 : memref<128x256xf32, #tpu.memory_space<hbm>>) target_semaphore(%run_scoped3A : memref<!tpu.dma_semaphore, #tpu.memory_space<semaphore_mem>>)
      %dma_wait3A_275 = arith.constant 0 : i32
      %dma_wait3A_276 = tpu.memref_slice %arg9[%add3A_195, %dma_wait3A_275] : memref<65536x256xf32, #tpu.memory_space<hbm>> -> memref<128x256xf32, #tpu.memory_space<hbm>>
      %dma_wait3A_277 = arith.constant 0 : i32
      %dma_wait3A_278 = tpu.memref_slice %arg9[%add3A_195, %dma_wait3A_277] : memref<65536x256xf32, #tpu.memory_space<hbm>> -> memref<128x256xf32, #tpu.memory_space<hbm>>
      tpu.wait_dma2 semaphore(%run_scoped3A : memref<!tpu.dma_semaphore, #tpu.memory_space<semaphore_mem>>) src(%arg18 : memref<128x256xf32, #tpu.memory_space<vmem>>) dst(%dma_wait3A_278 : memref<128x256xf32, #tpu.memory_space<hbm>>)
      tpu.yield
    }) : () -> ()
    %dma_wait3A_196 = arith.constant 1408 : i32
    %dma_wait3A_197 = tpu.memref_slice %arg17[%dma_wait3A_196] : memref<2048xi32, #tpu.memory_space<vmem>> -> memref<128xi32, #tpu.memory_space<vmem>>
    %dma_wait3A_198 = arith.constant 0 : i32
    %dma_wait3A_199 = arith.constant 0 : i32
    %dma_wait3A_200 = tpu.memref_slice %arg8[%dma_wait3A_198, %dma_wait3A_199] : memref<4096x256xf32, #tpu.memory_space<hbm>> -> memref<4096x256xf32, #tpu.memory_space<hbm>>
    tpu.wait_indirect_dma semaphore(%arg21 : memref<!tpu.dma_semaphore, #tpu.memory_space<semaphore_mem>>) src(%dma_wait3A_200 : memref<4096x256xf32, #tpu.memory_space<hbm>>) dst(%arg19 : memref<128x256xf32, #tpu.memory_space<vmem>>)
    %dma_start3A_201 = arith.constant 1536 : i32
    %dma_start3A_202 = tpu.memref_slice %arg17[%dma_start3A_201] : memref<2048xi32, #tpu.memory_space<vmem>> -> memref<128xi32, #tpu.memory_space<vmem>>
    %dma_start3A_203 = arith.constant 0 : i32
    %dma_start3A_204 = arith.constant 0 : i32
    %dma_start3A_205 = tpu.memref_slice %arg8[%dma_start3A_203, %dma_start3A_204] : memref<4096x256xf32, #tpu.memory_space<hbm>> -> memref<4096x256xf32, #tpu.memory_space<hbm>>
    tpu.enqueue_indirect_dma source(%dma_start3A_205 : memref<4096x256xf32, #tpu.memory_space<hbm>>) target(%arg18 : memref<128x256xf32, #tpu.memory_space<vmem>>) offsets(%dma_start3A_202 : memref<128xi32, #tpu.memory_space<vmem>>) semaphore(%arg20 : memref<!tpu.dma_semaphore, #tpu.memory_space<semaphore_mem>>)
    %mul3A_206 = arith.constant 128 : i32
    %mul3A_207 = arith.muli %add3A, %mul3A_206 : i32
    %mul3A_208 = arith.constant 16 : i32
    %mul3A_209 = arith.muli %mul3A_207, %mul3A_208 : i32
    %add3A_210 = arith.constant 1408 : i32
    %add3A_211 = arith.addi %mul3A_209, %add3A_210 : i32
    "tpu.region"() ({
      %run_scoped3A = tpu.sem_alloc : memref<!tpu.dma_semaphore, #tpu.memory_space<semaphore_mem>>
      %dma_start3A_271 = arith.constant 0 : i32
      %dma_start3A_272 = tpu.memref_slice %arg9[%add3A_211, %dma_start3A_271] : memref<65536x256xf32, #tpu.memory_space<hbm>> -> memref<128x256xf32, #tpu.memory_space<hbm>>
      %dma_start3A_273 = arith.constant 0 : i32
      %dma_start3A_274 = tpu.memref_slice %arg9[%add3A_211, %dma_start3A_273] : memref<65536x256xf32, #tpu.memory_space<hbm>> -> memref<128x256xf32, #tpu.memory_space<hbm>>
      tpu.enqueue_dma source(%arg19 : memref<128x256xf32, #tpu.memory_space<vmem>>) target(%dma_start3A_274 : memref<128x256xf32, #tpu.memory_space<hbm>>) target_semaphore(%run_scoped3A : memref<!tpu.dma_semaphore, #tpu.memory_space<semaphore_mem>>)
      %dma_wait3A_275 = arith.constant 0 : i32
      %dma_wait3A_276 = tpu.memref_slice %arg9[%add3A_211, %dma_wait3A_275] : memref<65536x256xf32, #tpu.memory_space<hbm>> -> memref<128x256xf32, #tpu.memory_space<hbm>>
      %dma_wait3A_277 = arith.constant 0 : i32
      %dma_wait3A_278 = tpu.memref_slice %arg9[%add3A_211, %dma_wait3A_277] : memref<65536x256xf32, #tpu.memory_space<hbm>> -> memref<128x256xf32, #tpu.memory_space<hbm>>
      tpu.wait_dma2 semaphore(%run_scoped3A : memref<!tpu.dma_semaphore, #tpu.memory_space<semaphore_mem>>) src(%arg19 : memref<128x256xf32, #tpu.memory_space<vmem>>) dst(%dma_wait3A_278 : memref<128x256xf32, #tpu.memory_space<hbm>>)
      tpu.yield
    }) : () -> ()
    %dma_wait3A_212 = arith.constant 1536 : i32
    %dma_wait3A_213 = tpu.memref_slice %arg17[%dma_wait3A_212] : memref<2048xi32, #tpu.memory_space<vmem>> -> memref<128xi32, #tpu.memory_space<vmem>>
    %dma_wait3A_214 = arith.constant 0 : i32
    %dma_wait3A_215 = arith.constant 0 : i32
    %dma_wait3A_216 = tpu.memref_slice %arg8[%dma_wait3A_214, %dma_wait3A_215] : memref<4096x256xf32, #tpu.memory_space<hbm>> -> memref<4096x256xf32, #tpu.memory_space<hbm>>
    tpu.wait_indirect_dma semaphore(%arg20 : memref<!tpu.dma_semaphore, #tpu.memory_space<semaphore_mem>>) src(%dma_wait3A_216 : memref<4096x256xf32, #tpu.memory_space<hbm>>) dst(%arg18 : memref<128x256xf32, #tpu.memory_space<vmem>>)
    %dma_start3A_217 = arith.constant 1664 : i32
    %dma_start3A_218 = tpu.memref_slice %arg17[%dma_start3A_217] : memref<2048xi32, #tpu.memory_space<vmem>> -> memref<128xi32, #tpu.memory_space<vmem>>
    %dma_start3A_219 = arith.constant 0 : i32
    %dma_start3A_220 = arith.constant 0 : i32
    %dma_start3A_221 = tpu.memref_slice %arg8[%dma_start3A_219, %dma_start3A_220] : memref<4096x256xf32, #tpu.memory_space<hbm>> -> memref<4096x256xf32, #tpu.memory_space<hbm>>
    tpu.enqueue_indirect_dma source(%dma_start3A_221 : memref<4096x256xf32, #tpu.memory_space<hbm>>) target(%arg19 : memref<128x256xf32, #tpu.memory_space<vmem>>) offsets(%dma_start3A_218 : memref<128xi32, #tpu.memory_space<vmem>>) semaphore(%arg21 : memref<!tpu.dma_semaphore, #tpu.memory_space<semaphore_mem>>)
    %mul3A_222 = arith.constant 128 : i32
    %mul3A_223 = arith.muli %add3A, %mul3A_222 : i32
    %mul3A_224 = arith.constant 16 : i32
    %mul3A_225 = arith.muli %mul3A_223, %mul3A_224 : i32
    %add3A_226 = arith.constant 1536 : i32
    %add3A_227 = arith.addi %mul3A_225, %add3A_226 : i32
    "tpu.region"() ({
      %run_scoped3A = tpu.sem_alloc : memref<!tpu.dma_semaphore, #tpu.memory_space<semaphore_mem>>
      %dma_start3A_271 = arith.constant 0 : i32
      %dma_start3A_272 = tpu.memref_slice %arg9[%add3A_227, %dma_start3A_271] : memref<65536x256xf32, #tpu.memory_space<hbm>> -> memref<128x256xf32, #tpu.memory_space<hbm>>
      %dma_start3A_273 = arith.constant 0 : i32
      %dma_start3A_274 = tpu.memref_slice %arg9[%add3A_227, %dma_start3A_273] : memref<65536x256xf32, #tpu.memory_space<hbm>> -> memref<128x256xf32, #tpu.memory_space<hbm>>
      tpu.enqueue_dma source(%arg18 : memref<128x256xf32, #tpu.memory_space<vmem>>) target(%dma_start3A_274 : memref<128x256xf32, #tpu.memory_space<hbm>>) target_semaphore(%run_scoped3A : memref<!tpu.dma_semaphore, #tpu.memory_space<semaphore_mem>>)
      %dma_wait3A_275 = arith.constant 0 : i32
      %dma_wait3A_276 = tpu.memref_slice %arg9[%add3A_227, %dma_wait3A_275] : memref<65536x256xf32, #tpu.memory_space<hbm>> -> memref<128x256xf32, #tpu.memory_space<hbm>>
      %dma_wait3A_277 = arith.constant 0 : i32
      %dma_wait3A_278 = tpu.memref_slice %arg9[%add3A_227, %dma_wait3A_277] : memref<65536x256xf32, #tpu.memory_space<hbm>> -> memref<128x256xf32, #tpu.memory_space<hbm>>
      tpu.wait_dma2 semaphore(%run_scoped3A : memref<!tpu.dma_semaphore, #tpu.memory_space<semaphore_mem>>) src(%arg18 : memref<128x256xf32, #tpu.memory_space<vmem>>) dst(%dma_wait3A_278 : memref<128x256xf32, #tpu.memory_space<hbm>>)
      tpu.yield
    }) : () -> ()
    %dma_wait3A_228 = arith.constant 1664 : i32
    %dma_wait3A_229 = tpu.memref_slice %arg17[%dma_wait3A_228] : memref<2048xi32, #tpu.memory_space<vmem>> -> memref<128xi32, #tpu.memory_space<vmem>>
    %dma_wait3A_230 = arith.constant 0 : i32
    %dma_wait3A_231 = arith.constant 0 : i32
    %dma_wait3A_232 = tpu.memref_slice %arg8[%dma_wait3A_230, %dma_wait3A_231] : memref<4096x256xf32, #tpu.memory_space<hbm>> -> memref<4096x256xf32, #tpu.memory_space<hbm>>
    tpu.wait_indirect_dma semaphore(%arg21 : memref<!tpu.dma_semaphore, #tpu.memory_space<semaphore_mem>>) src(%dma_wait3A_232 : memref<4096x256xf32, #tpu.memory_space<hbm>>) dst(%arg19 : memref<128x256xf32, #tpu.memory_space<vmem>>)
    %dma_start3A_233 = arith.constant 1792 : i32
    %dma_start3A_234 = tpu.memref_slice %arg17[%dma_start3A_233] : memref<2048xi32, #tpu.memory_space<vmem>> -> memref<128xi32, #tpu.memory_space<vmem>>
    %dma_start3A_235 = arith.constant 0 : i32
    %dma_start3A_236 = arith.constant 0 : i32
    %dma_start3A_237 = tpu.memref_slice %arg8[%dma_start3A_235, %dma_start3A_236] : memref<4096x256xf32, #tpu.memory_space<hbm>> -> memref<4096x256xf32, #tpu.memory_space<hbm>>
    tpu.enqueue_indirect_dma source(%dma_start3A_237 : memref<4096x256xf32, #tpu.memory_space<hbm>>) target(%arg18 : memref<128x256xf32, #tpu.memory_space<vmem>>) offsets(%dma_start3A_234 : memref<128xi32, #tpu.memory_space<vmem>>) semaphore(%arg20 : memref<!tpu.dma_semaphore, #tpu.memory_space<semaphore_mem>>)
    %mul3A_238 = arith.constant 128 : i32
    %mul3A_239 = arith.muli %add3A, %mul3A_238 : i32
    %mul3A_240 = arith.constant 16 : i32
    %mul3A_241 = arith.muli %mul3A_239, %mul3A_240 : i32
    %add3A_242 = arith.constant 1664 : i32
    %add3A_243 = arith.addi %mul3A_241, %add3A_242 : i32
    "tpu.region"() ({
      %run_scoped3A = tpu.sem_alloc : memref<!tpu.dma_semaphore, #tpu.memory_space<semaphore_mem>>
      %dma_start3A_271 = arith.constant 0 : i32
      %dma_start3A_272 = tpu.memref_slice %arg9[%add3A_243, %dma_start3A_271] : memref<65536x256xf32, #tpu.memory_space<hbm>> -> memref<128x256xf32, #tpu.memory_space<hbm>>
      %dma_start3A_273 = arith.constant 0 : i32
      %dma_start3A_274 = tpu.memref_slice %arg9[%add3A_243, %dma_start3A_273] : memref<65536x256xf32, #tpu.memory_space<hbm>> -> memref<128x256xf32, #tpu.memory_space<hbm>>
      tpu.enqueue_dma source(%arg19 : memref<128x256xf32, #tpu.memory_space<vmem>>) target(%dma_start3A_274 : memref<128x256xf32, #tpu.memory_space<hbm>>) target_semaphore(%run_scoped3A : memref<!tpu.dma_semaphore, #tpu.memory_space<semaphore_mem>>)
      %dma_wait3A_275 = arith.constant 0 : i32
      %dma_wait3A_276 = tpu.memref_slice %arg9[%add3A_243, %dma_wait3A_275] : memref<65536x256xf32, #tpu.memory_space<hbm>> -> memref<128x256xf32, #tpu.memory_space<hbm>>
      %dma_wait3A_277 = arith.constant 0 : i32
      %dma_wait3A_278 = tpu.memref_slice %arg9[%add3A_243, %dma_wait3A_277] : memref<65536x256xf32, #tpu.memory_space<hbm>> -> memref<128x256xf32, #tpu.memory_space<hbm>>
      tpu.wait_dma2 semaphore(%run_scoped3A : memref<!tpu.dma_semaphore, #tpu.memory_space<semaphore_mem>>) src(%arg19 : memref<128x256xf32, #tpu.memory_space<vmem>>) dst(%dma_wait3A_278 : memref<128x256xf32, #tpu.memory_space<hbm>>)
      tpu.yield
    }) : () -> ()
    %dma_wait3A_244 = arith.constant 1792 : i32
    %dma_wait3A_245 = tpu.memref_slice %arg17[%dma_wait3A_244] : memref<2048xi32, #tpu.memory_space<vmem>> -> memref<128xi32, #tpu.memory_space<vmem>>
    %dma_wait3A_246 = arith.constant 0 : i32
    %dma_wait3A_247 = arith.constant 0 : i32
    %dma_wait3A_248 = tpu.memref_slice %arg8[%dma_wait3A_246, %dma_wait3A_247] : memref<4096x256xf32, #tpu.memory_space<hbm>> -> memref<4096x256xf32, #tpu.memory_space<hbm>>
    tpu.wait_indirect_dma semaphore(%arg20 : memref<!tpu.dma_semaphore, #tpu.memory_space<semaphore_mem>>) src(%dma_wait3A_248 : memref<4096x256xf32, #tpu.memory_space<hbm>>) dst(%arg18 : memref<128x256xf32, #tpu.memory_space<vmem>>)
    %dma_start3A_249 = arith.constant 1920 : i32
    %dma_start3A_250 = tpu.memref_slice %arg17[%dma_start3A_249] : memref<2048xi32, #tpu.memory_space<vmem>> -> memref<128xi32, #tpu.memory_space<vmem>>
    %dma_start3A_251 = arith.constant 0 : i32
    %dma_start3A_252 = arith.constant 0 : i32
    %dma_start3A_253 = tpu.memref_slice %arg8[%dma_start3A_251, %dma_start3A_252] : memref<4096x256xf32, #tpu.memory_space<hbm>> -> memref<4096x256xf32, #tpu.memory_space<hbm>>
    tpu.enqueue_indirect_dma source(%dma_start3A_253 : memref<4096x256xf32, #tpu.memory_space<hbm>>) target(%arg19 : memref<128x256xf32, #tpu.memory_space<vmem>>) offsets(%dma_start3A_250 : memref<128xi32, #tpu.memory_space<vmem>>) semaphore(%arg21 : memref<!tpu.dma_semaphore, #tpu.memory_space<semaphore_mem>>)
    %mul3A_254 = arith.constant 128 : i32
    %mul3A_255 = arith.muli %add3A, %mul3A_254 : i32
    %mul3A_256 = arith.constant 16 : i32
    %mul3A_257 = arith.muli %mul3A_255, %mul3A_256 : i32
    %add3A_258 = arith.constant 1792 : i32
    %add3A_259 = arith.addi %mul3A_257, %add3A_258 : i32
    "tpu.region"() ({
      %run_scoped3A = tpu.sem_alloc : memref<!tpu.dma_semaphore, #tpu.memory_space<semaphore_mem>>
      %dma_start3A_271 = arith.constant 0 : i32
      %dma_start3A_272 = tpu.memref_slice %arg9[%add3A_259, %dma_start3A_271] : memref<65536x256xf32, #tpu.memory_space<hbm>> -> memref<128x256xf32, #tpu.memory_space<hbm>>
      %dma_start3A_273 = arith.constant 0 : i32
      %dma_start3A_274 = tpu.memref_slice %arg9[%add3A_259, %dma_start3A_273] : memref<65536x256xf32, #tpu.memory_space<hbm>> -> memref<128x256xf32, #tpu.memory_space<hbm>>
      tpu.enqueue_dma source(%arg18 : memref<128x256xf32, #tpu.memory_space<vmem>>) target(%dma_start3A_274 : memref<128x256xf32, #tpu.memory_space<hbm>>) target_semaphore(%run_scoped3A : memref<!tpu.dma_semaphore, #tpu.memory_space<semaphore_mem>>)
      %dma_wait3A_275 = arith.constant 0 : i32
      %dma_wait3A_276 = tpu.memref_slice %arg9[%add3A_259, %dma_wait3A_275] : memref<65536x256xf32, #tpu.memory_space<hbm>> -> memref<128x256xf32, #tpu.memory_space<hbm>>
      %dma_wait3A_277 = arith.constant 0 : i32
      %dma_wait3A_278 = tpu.memref_slice %arg9[%add3A_259, %dma_wait3A_277] : memref<65536x256xf32, #tpu.memory_space<hbm>> -> memref<128x256xf32, #tpu.memory_space<hbm>>
      tpu.wait_dma2 semaphore(%run_scoped3A : memref<!tpu.dma_semaphore, #tpu.memory_space<semaphore_mem>>) src(%arg18 : memref<128x256xf32, #tpu.memory_space<vmem>>) dst(%dma_wait3A_278 : memref<128x256xf32, #tpu.memory_space<hbm>>)
      tpu.yield
    }) : () -> ()
    %dma_wait3A_260 = arith.constant 1920 : i32
    %dma_wait3A_261 = tpu.memref_slice %arg17[%dma_wait3A_260] : memref<2048xi32, #tpu.memory_space<vmem>> -> memref<128xi32, #tpu.memory_space<vmem>>
    %dma_wait3A_262 = arith.constant 0 : i32
    %dma_wait3A_263 = arith.constant 0 : i32
    %dma_wait3A_264 = tpu.memref_slice %arg8[%dma_wait3A_262, %dma_wait3A_263] : memref<4096x256xf32, #tpu.memory_space<hbm>> -> memref<4096x256xf32, #tpu.memory_space<hbm>>
    tpu.wait_indirect_dma semaphore(%arg21 : memref<!tpu.dma_semaphore, #tpu.memory_space<semaphore_mem>>) src(%dma_wait3A_264 : memref<4096x256xf32, #tpu.memory_space<hbm>>) dst(%arg19 : memref<128x256xf32, #tpu.memory_space<vmem>>)
    %mul3A_265 = arith.constant 128 : i32
    %mul3A_266 = arith.muli %add3A, %mul3A_265 : i32
    %mul3A_267 = arith.constant 16 : i32
    %mul3A_268 = arith.muli %mul3A_266, %mul3A_267 : i32
    %add3A_269 = arith.constant 1920 : i32
    %add3A_270 = arith.addi %mul3A_268, %add3A_269 : i32
    "tpu.region"() ({
      %run_scoped3A = tpu.sem_alloc : memref<!tpu.dma_semaphore, #tpu.memory_space<semaphore_mem>>
      %dma_start3A_271 = arith.constant 0 : i32
      %dma_start3A_272 = tpu.memref_slice %arg9[%add3A_270, %dma_start3A_271] : memref<65536x256xf32, #tpu.memory_space<hbm>> -> memref<128x256xf32, #tpu.memory_space<hbm>>
      %dma_start3A_273 = arith.constant 0 : i32
      %dma_start3A_274 = tpu.memref_slice %arg9[%add3A_270, %dma_start3A_273] : memref<65536x256xf32, #tpu.memory_space<hbm>> -> memref<128x256xf32, #tpu.memory_space<hbm>>
      tpu.enqueue_dma source(%arg19 : memref<128x256xf32, #tpu.memory_space<vmem>>) target(%dma_start3A_274 : memref<128x256xf32, #tpu.memory_space<hbm>>) target_semaphore(%run_scoped3A : memref<!tpu.dma_semaphore, #tpu.memory_space<semaphore_mem>>)
      %dma_wait3A_275 = arith.constant 0 : i32
      %dma_wait3A_276 = tpu.memref_slice %arg9[%add3A_270, %dma_wait3A_275] : memref<65536x256xf32, #tpu.memory_space<hbm>> -> memref<128x256xf32, #tpu.memory_space<hbm>>
      %dma_wait3A_277 = arith.constant 0 : i32
      %dma_wait3A_278 = tpu.memref_slice %arg9[%add3A_270, %dma_wait3A_277] : memref<65536x256xf32, #tpu.memory_space<hbm>> -> memref<128x256xf32, #tpu.memory_space<hbm>>
      tpu.wait_dma2 semaphore(%run_scoped3A : memref<!tpu.dma_semaphore, #tpu.memory_space<semaphore_mem>>) src(%arg19 : memref<128x256xf32, #tpu.memory_space<vmem>>) dst(%dma_wait3A_278 : memref<128x256xf32, #tpu.memory_space<hbm>>)
      tpu.yield
    }) : () -> ()
    return
  }
}

module attributes {stable_mosaic.version = 14 : i64} {
  func.func @_mlp_body(%arg0: i32, %arg1: memref<4096x256xf32, #tpu.memory_space<vmem>>, %arg2: memref<256x256xf32, #tpu.memory_space<vmem>>, %arg3: memref<256x128xf32, #tpu.memory_space<vmem>>, %arg4: memref<1x128xf32, #tpu.memory_space<vmem>>, %arg5: memref<256x128xf32, #tpu.memory_space<vmem>>) attributes {dimension_semantics = [#tpu.dimension_semantics<arbitrary>], iteration_bounds = array<i64: 16>, scalar_prefetch = 0 : i64, scratch_operands = 0 : i64, tpu.core_type = #tpu.core_type<tc>, window_params = [{transform_indices = @transform_0, window_bounds = array<i64: 4096, 256>}, {transform_indices = @transform_1, window_bounds = array<i64: 256, 256>}, {pipeline_mode = #tpu.pipeline_mode<synchronous>, transform_indices = @transform_2, window_bounds = array<i64: 256, 128>}, {pipeline_mode = #tpu.pipeline_mode<synchronous>, transform_indices = @transform_3, window_bounds = array<i64: 1, 128>}, {transform_indices = @transform_4, window_bounds = array<i64: 256, 128>}]} {
    %get3A = arith.constant 0 : index
    %get3A_0 = arith.constant 0 : index
    %get3A_1 = vector.load %arg1[%get3A, %get3A_0] : memref<4096x256xf32, #tpu.memory_space<vmem>>, vector<4096x256xf32>
    %reshape3A = vector.shape_cast %get3A_1 : vector<4096x256xf32> to vector<256x16x256xf32>
    %get3A_2 = arith.constant 0 : index
    %get3A_3 = arith.constant 0 : index
    %get3A_4 = vector.load %arg2[%get3A_2, %get3A_3] : memref<256x256xf32, #tpu.memory_space<vmem>>, vector<256x256xf32>
    %broadcast_in_dim3A = vector.shape_cast %get3A_4 : vector<256x256xf32> to vector<256x1x256xf32>
    %add3A = vector.broadcast %broadcast_in_dim3A : vector<256x1x256xf32> to vector<256x16x256xf32>
    %add3A_5 = arith.addf %reshape3A, %add3A : vector<256x16x256xf32>
    %mul3A = arith.constant 5.000000e-01 : f32
    %mul3A_6 = vector.broadcast %mul3A : f32 to vector<256x16x256xf32>
    %mul3A_7 = arith.mulf %mul3A_6, %add3A_5 : vector<256x16x256xf32>
    %mul3A_8 = arith.constant 0.707106769 : f32
    %mul3A_9 = vector.broadcast %mul3A_8 : f32 to vector<256x16x256xf32>
    %mul3A_10 = arith.mulf %add3A_5, %mul3A_9 : vector<256x16x256xf32>
    %erf3A = math.erf %mul3A_10 : vector<256x16x256xf32>
    %add3A_11 = arith.constant 1.000000e+00 : f32
    %add3A_12 = vector.broadcast %add3A_11 : f32 to vector<256x16x256xf32>
    %add3A_13 = arith.addf %add3A_12, %erf3A : vector<256x16x256xf32>
    %mul3A_14 = arith.mulf %mul3A_7, %add3A_13 : vector<256x16x256xf32>
    %reshape3A_15 = vector.shape_cast %mul3A_14 : vector<256x16x256xf32> to vector<4096x256xf32>
    %get3A_16 = arith.constant 0 : index
    %get3A_17 = arith.constant 0 : index
    %get3A_18 = vector.load %arg3[%get3A_16, %get3A_17] : memref<256x128xf32, #tpu.memory_space<vmem>>, vector<256x128xf32>
    %dot_general3A = arith.constant dense<0.000000e+00> : vector<4096x128xf32>
    %dot_general3A_19 = tpu.matmul %reshape3A_15, %get3A_18, %dot_general3A {dimension_numbers = #tpu.dot_dimension_numbers<[1], [0], [0], [1], [0, 0, 1, 1], [], []>, precision = #tpu.contract_precision<fp32>, transpose_lhs_hint = false} : vector<4096x256xf32>, vector<256x128xf32>, vector<4096x128xf32> -> vector<4096x128xf32>
    %get3A_20 = arith.constant 0 : index
    %get3A_21 = arith.constant 0 : index
    %get3A_22 = vector.load %arg4[%get3A_20, %get3A_21] : memref<1x128xf32, #tpu.memory_space<vmem>>, vector<1x128xf32>
    %add3A_23 = vector.broadcast %get3A_22 : vector<1x128xf32> to vector<4096x128xf32>
    %add3A_24 = arith.addf %dot_general3A_19, %add3A_23 : vector<4096x128xf32>
    %mul3A_25 = arith.constant 5.000000e-01 : f32
    %mul3A_26 = vector.broadcast %mul3A_25 : f32 to vector<4096x128xf32>
    %mul3A_27 = arith.mulf %mul3A_26, %add3A_24 : vector<4096x128xf32>
    %mul3A_28 = arith.constant 0.707106769 : f32
    %mul3A_29 = vector.broadcast %mul3A_28 : f32 to vector<4096x128xf32>
    %mul3A_30 = arith.mulf %add3A_24, %mul3A_29 : vector<4096x128xf32>
    %erf3A_31 = math.erf %mul3A_30 : vector<4096x128xf32>
    %add3A_32 = arith.constant 1.000000e+00 : f32
    %add3A_33 = vector.broadcast %add3A_32 : f32 to vector<4096x128xf32>
    %add3A_34 = arith.addf %add3A_33, %erf3A_31 : vector<4096x128xf32>
    %mul3A_35 = arith.mulf %mul3A_27, %add3A_34 : vector<4096x128xf32>
    %reshape3A_36 = vector.shape_cast %mul3A_35 : vector<4096x128xf32> to vector<256x16x128xf32>
    %reduce_sum3A = arith.constant dense<0.000000e+00> : vector<256x128xf32>
    %reduce_sum3A_37 = vector.multi_reduction <add>, %reshape3A_36, %reduce_sum3A [1] : vector<256x16x128xf32> to vector<256x128xf32>
    %div3A = arith.constant 1.600000e+01 : f32
    %div3A_38 = vector.broadcast %div3A : f32 to vector<256x128xf32>
    %div3A_39 = arith.divf %reduce_sum3A_37, %div3A_38 : vector<256x128xf32>
    %swap3A = arith.constant 0 : index
    %swap3A_40 = arith.constant 0 : index
    %swap3A_41 = vector.load %arg5[%swap3A, %swap3A_40] : memref<256x128xf32, #tpu.memory_space<vmem>>, vector<256x128xf32>
    tpu.vector_store %arg5[%swap3A, %swap3A_40], %div3A_39 {strides = array<i32>} : memref<256x128xf32, #tpu.memory_space<vmem>>, vector<256x128xf32>,
    return
  }
  func.func @transform_0(%arg0: i32) -> (i32, i32) {
    %c0_i32 = arith.constant 0 : i32
    %c0_i32_0 = arith.constant 0 : i32
    return %arg0, %c0_i32 : i32, i32
  }
  func.func @transform_1(%arg0: i32) -> (i32, i32) {
    %c0_i32 = arith.constant 0 : i32
    %c0_i32_0 = arith.constant 0 : i32
    return %arg0, %c0_i32 : i32, i32
  }
  func.func @transform_2(%arg0: i32) -> (i32, i32) {
    %c0_i32 = arith.constant 0 : i32
    %c0_i32_0 = arith.constant 0 : i32
    %c0_i32_1 = arith.constant 0 : i32
    return %c0_i32, %c0_i32_0 : i32, i32
  }
  func.func @transform_3(%arg0: i32) -> (i32, i32) {
    %c0_i32 = arith.constant 0 : i32
    %c0_i32_0 = arith.constant 0 : i32
    %c0_i32_1 = arith.constant 0 : i32
    return %c0_i32, %c0_i32_0 : i32, i32
  }
  func.func @transform_4(%arg0: i32) -> (i32, i32) {
    %c0_i32 = arith.constant 0 : i32
    %c0_i32_0 = arith.constant 0 : i32
    return %arg0, %c0_i32 : i32, i32
  }
}

module attributes {stable_mosaic.version = 14 : i64} {
  func.func @_prep_body(%arg0: memref<4096x128xf32, #tpu.memory_space<vmem>>, %arg1: memref<128x256xf32, #tpu.memory_space<vmem>>, %arg2: memref<128x256xf32, #tpu.memory_space<vmem>>, %arg3: memref<1x256xf32, #tpu.memory_space<vmem>>, %arg4: memref<4096x256xf32, #tpu.memory_space<vmem>>, %arg5: memref<4096x256xf32, #tpu.memory_space<vmem>>) attributes {dimension_semantics = [], scalar_prefetch = 0 : i64, scratch_operands = 0 : i64, tpu.core_type = #tpu.core_type<tc>} {
    %get3A = arith.constant 0 : index
    %get3A_0 = arith.constant 0 : index
    %get3A_1 = vector.load %arg0[%get3A, %get3A_0] : memref<4096x128xf32, #tpu.memory_space<vmem>>, vector<4096x128xf32>
    %get3A_2 = arith.constant 0 : index
    %get3A_3 = arith.constant 0 : index
    %get3A_4 = vector.load %arg1[%get3A_2, %get3A_3] : memref<128x256xf32, #tpu.memory_space<vmem>>, vector<128x256xf32>
    %dot_general3A = arith.constant dense<0.000000e+00> : vector<4096x256xf32>
    %dot_general3A_5 = tpu.matmul %get3A_1, %get3A_4, %dot_general3A {dimension_numbers = #tpu.dot_dimension_numbers<[1], [0], [0], [1], [0, 0, 1, 1], [], []>, precision = #tpu.contract_precision<fp32>, transpose_lhs_hint = false} : vector<4096x128xf32>, vector<128x256xf32>, vector<4096x256xf32> -> vector<4096x256xf32>
    %swap3A = arith.constant 0 : index
    %swap3A_6 = arith.constant 0 : index
    %swap3A_7 = vector.load %arg4[%swap3A, %swap3A_6] : memref<4096x256xf32, #tpu.memory_space<vmem>>, vector<4096x256xf32>
    tpu.vector_store %arg4[%swap3A, %swap3A_6], %dot_general3A_5 {strides = array<i32>} : memref<4096x256xf32, #tpu.memory_space<vmem>>, vector<4096x256xf32>,
    %get3A_8 = arith.constant 0 : index
    %get3A_9 = arith.constant 0 : index
    %get3A_10 = vector.load %arg2[%get3A_8, %get3A_9] : memref<128x256xf32, #tpu.memory_space<vmem>>, vector<128x256xf32>
    %dot_general3A_11 = arith.constant dense<0.000000e+00> : vector<4096x256xf32>
    %dot_general3A_12 = tpu.matmul %get3A_1, %get3A_10, %dot_general3A_11 {dimension_numbers = #tpu.dot_dimension_numbers<[1], [0], [0], [1], [0, 0, 1, 1], [], []>, precision = #tpu.contract_precision<fp32>, transpose_lhs_hint = false} : vector<4096x128xf32>, vector<128x256xf32>, vector<4096x256xf32> -> vector<4096x256xf32>
    %get3A_13 = arith.constant 0 : index
    %get3A_14 = arith.constant 0 : index
    %get3A_15 = vector.load %arg3[%get3A_13, %get3A_14] : memref<1x256xf32, #tpu.memory_space<vmem>>, vector<1x256xf32>
    %add3A = vector.broadcast %get3A_15 : vector<1x256xf32> to vector<4096x256xf32>
    %add3A_16 = arith.addf %dot_general3A_12, %add3A : vector<4096x256xf32>
    %swap3A_17 = arith.constant 0 : index
    %swap3A_18 = arith.constant 0 : index
    %swap3A_19 = vector.load %arg5[%swap3A_17, %swap3A_18] : memref<4096x256xf32, #tpu.memory_space<vmem>>, vector<4096x256xf32>
    tpu.vector_store %arg5[%swap3A_17, %swap3A_18], %add3A_16 {strides = array<i32>} : memref<4096x256xf32, #tpu.memory_space<vmem>>, vector<4096x256xf32>,
    return
  }
}

</mosaic_0001>

<sc_bundles>
// kernel: kernel.5.cloned.1.call-start
scs
__scs_entry_jumppad:
0x0: {  	(pc) =	sbr.rel $0x88, $3  }
0x1: {  	(tag) =	ssettag $0x0;
	lr =	simm.s32 $0x1  }
0x2: {  	[smem:$0x3F9B] =	sst lr;
	_ =	strace $0xD0000000  }
0x3: {  	_ = 	snop  }
0x4: {  	_ = 	snop  }
0x5: {  	_ = 	snop  }
0x6: {  	_ = 	snop  }
0x7: {  	_ = 	snop  }
__scs_overlays_trampoline_lowered:
0x8: {  	[smem:$0x3FAA] =	sst s0  }
0x9: {  	[smem:$0x3FAB] =	sst s1  }
0xa: {  	[smem:$0x3FAC] =	sst s2  }
0xb: {  	[smem:$0x3FAD] =	sst s3  }
0xc: {  	[smem:$0x3FAE] =	sst s4  }
0xd: {  	[smem:$0x3FAF] =	sst s5  }
0xe: {  	[smem:$0x3FB0] =	sst s6  }
0xf: {  	[smem:$0x3FB1] =	sst s7  }
0x10: {  	[smem:$0x3FB2] =	sst s8  }
0x11: {  	[smem:$0x3FB3] =	sst s9;
	s0 =	simm.s32 @!p0 $0x0  }
0x12: {  	s1 =	sld [smem:$0x3F99];
	s0 =	simm.s32 @p0 $0x1  }
0x13: {  	[smem:$0x3FB4] =	sst s0;
	s0 =	simm.s32 @!p1 $0x0  }
0x14: {  	s2 =	sld [smem:$0x3F98];
	s0 =	simm.s32 @p1 $0x1  }
0x15: {  	[smem:$0x3FB5] =	sst s0;
	s0 =	simm.s32 @!p2 $0x0  }
0x16: {  	s3 =	sld [smem:$0x3FDB];
	s0 =	simm.s32 @p2 $0x1  }
0x17: {  	s4 =	simm.s32 $0x1BF5;
	[smem:$0x3FB7] =	sst s0  }
0x18: {  	s0 =	sld [smem:$0x3F9A];
	_ =	swait.ge [sflag:s4], $0x0  }
0x19: {  	s7 =	sld [smem:$0x3F9B]  }
0x1a: {  	s8 =	sadd.s32 $0xFFFFE003, lr  }
0x1b: {  	s9 =	sadd.s32 $0xFFFFFEF7, lr;
	s5 =	simm.s32 $0xFFFFFFFF;
	p2 =	slt.u32 s8, $0xFFFFF086  }
0x1c: {  	p1 =	slt.u32 s9, $0xF7A;
	s5 =	simm.s32 @!p2 $0x0  }
0x1d: {  	s5 =	simm.s32 @p1 $0x1;
	p0 =	seq.s32 s7, s2  }
0x1e: {  	s7 =	smul.u32 @!p0 $0xF7A, s2;
	p2 =	seq.s32 @!p0 s5, $0x0  }
0x1f: {  	s9 =	smul.u32 $0xF7A, s1;
	s8 =	simm.s32 @!p0 $0x1BF5;
	p2 =	por !p2, p0  }
0x20: {  	[sflag:s8] =	ssyncset.s32 @!p0 $0xFFFFF086;
	s6 =	sadd.s32 @!p0 s3, s7;
	s7 =	simm.s32 @!p0 $0x108  }
0x21: {  	s3 =	sadd.s32 s3, s9;
	s6 =	sadd.s32 @!p0 $0x88, s6;
	s7 =	simm.s32 @p2 $0x1082  }
0x22: {  	[simem:s7], [sflag:s8] =	dma.local @!p0 [hbm:s6], $0xF7A  }
0x23: {  	s9 =	sor.u32 $0xD0000000, s2;
	s6 =	simm.s32 $0x108;
	_ =	swait.ge @!p0 [sflag:s8], $0x0  }
0x24: {  	s3 =	sadd.s32 $0x88, s3;
	s6 =	simm.s32 @!p1 $0x1082;
	[sflag:s4] =	ssyncset.s32 $0xFFFFF086  }
0x25: {  	[simem:s6], [sflag:s4] =	dma.local [hbm:s3], $0xF7A  }
0x26: {  	[smem:$0x3F9B] =	sst s1;
	(tag) =	ssettag s2;
	_ =	strace s9  }
0x27: {  	s1 =	sld [smem:$0x3FAB]  }
0x28: {  	s2 =	sld [smem:$0x3FAC]  }
0x29: {  	s4 =	sld [smem:$0x3FAE]  }
0x2a: {  	p0 =	seq.s32 s5, $0x0;
	s5 =	sld [smem:$0x3FAF]  }
0x2b: {  	s6 =	sld [smem:$0x3FB0]  }
0x2c: {  	s7 =	sld [smem:$0x3FB1]  }
0x2d: {  	s3 =	simm.s32 $0x108;
	s8 =	sld [smem:$0x3FB2]  }
0x2e: {  	s3 =	simm.s32 @!p0 $0x1082;
	s9 =	sld [smem:$0x3FB3]  }
0x2f: {  	lr =	sadd.s32 s0, s3;
	s0 =	sld [smem:$0x3FAA]  }
0x30: {  	s3 =	sld [smem:$0x3FAD]  }
0x31: {  	[smem:$0x3FB6] =	sst s10  }
0x32: {  	s10 =	sld [smem:$0x3FB4];
	_ =	sdelay $0x3  }
0x33: {  	p0 =	seq.s32 s10, $0x1;
	s10 =	sld [smem:$0x3FB6];
	_ =	sdelay $0x3  }
0x34: {  	[smem:$0x3FB6] =	sst s10  }
0x35: {  	s10 =	sld [smem:$0x3FB5];
	_ =	sdelay $0x3  }
0x36: {  	p1 =	seq.s32 s10, $0x1;
	s10 =	sld [smem:$0x3FB6];
	_ =	sdelay $0x3  }
0x37: {  	[smem:$0x3FB6] =	sst s10  }
0x38: {  	s10 =	sld [smem:$0x3FB7]  }
0x39: {  	_ = 	snop;
	(pc) =	sbr.ind lr, $3  }
0x3a: {  	_ = 	snop  }
0x3b: {  	_ = 	snop  }
0x3c: {  	p2 =	seq.s32 s10, $0x1;
	s10 =	sld [smem:$0x3FB6]  }
0x3d: {  	_ =	shalt  }
0x3e: {  	_ =	shalt  }
0x3f: {  	_ =	shalt  }
0x40: {  	_ =	shalt  }
0x41: {  	_ =	shalt  }
0x42: {  	_ =	shalt  }
0x43: {  	_ =	shalt  }
0x44: {  	_ =	shalt  }
0x45: {  	_ =	shalt  }
0x46: {  	_ =	shalt  }
0x47: {  	_ =	shalt  }
0x48: {  	_ =	shalt  }
0x49: {  	_ =	shalt  }
0x4a: {  	_ =	shalt  }
0x4b: {  	_ =	shalt  }
0x4c: {  	_ =	shalt  }
0x4d: {  	_ =	shalt  }
0x4e: {  	_ =	shalt  }
0x4f: {  	_ =	shalt  }
0x50: {  	_ =	shalt  }
0x51: {  	_ =	shalt  }
0x52: {  	_ =	shalt  }
0x53: {  	_ =	shalt  }
0x54: {  	_ =	shalt  }
0x55: {  	_ =	shalt  }
0x56: {  	_ =	shalt  }
0x57: {  	_ =	shalt  }
0x58: {  	_ =	shalt  }
0x59: {  	_ =	shalt  }
0x5a: {  	_ =	shalt  }
0x5b: {  	_ =	shalt  }
0x5c: {  	_ =	shalt  }
0x5d: {  	_ =	shalt  }
0x5e: {  	_ =	shalt  }
0x5f: {  	_ =	shalt  }
0x60: {  	_ =	shalt  }
0x61: {  	_ =	shalt  }
0x62: {  	_ =	shalt  }
0x63: {  	_ =	shalt  }
0x64: {  	_ =	shalt  }
0x65: {  	_ =	shalt  }
0x66: {  	_ =	shalt  }
0x67: {  	_ =	shalt  }
0x68: {  	_ =	shalt  }
0x69: {  	_ =	shalt  }
0x6a: {  	_ =	shalt  }
0x6b: {  	_ =	shalt  }
0x6c: {  	_ =	shalt  }
0x6d: {  	_ =	shalt  }
0x6e: {  	_ =	shalt  }
0x6f: {  	_ =	shalt  }
0x70: {  	_ =	shalt  }
0x71: {  	_ =	shalt  }
0x72: {  	_ =	shalt  }
0x73: {  	_ =	shalt  }
0x74: {  	_ =	shalt  }
0x75: {  	_ =	shalt  }
0x76: {  	_ =	shalt  }
0x77: {  	_ =	shalt  }
0x78: {  	_ =	shalt  }
0x79: {  	_ =	shalt  }
0x7a: {  	_ =	shalt  }
0x7b: {  	_ =	shalt  }
0x7c: {  	_ =	shalt  }
0x7d: {  	_ =	shalt  }
0x7e: {  	_ =	shalt  }
0x7f: {  	_ =	shalt  }
0x80: {  	_ =	shalt  }
0x81: {  	_ =	shalt  }
0x82: {  	_ =	shalt  }
0x83: {  	_ =	shalt  }
0x84: {  	_ =	shalt  }
0x85: {  	_ =	shalt  }
0x86: {  	_ =	shalt  }
0x87: {  	_ =	shalt  }
.Lfunc_end0:
.L_simem_size_0:
called_computation_lowered:
.L_overlay_start_0:
0x88: {  	s2 =	sld [smem:$0x3FD9]  }
0x89: {  	s3 =	sld [smem:$0x3FFE];
	_ =	sdelay $0x1  }
0x8a: {  	s1 =	srdreg.scid  }
0x8b: {  	s0 =	sand.u32 $0x1, s1  }
0x8c: {  	s17 =	sshll.u32 s0, $0xA;
	s2 =	sadd.s32 s3, s2  }
0x8d: {  	s2 =	sadd.s32 s2, s17  }
0x8e: {  	[smem:$0x3FC2] =	sst s2  }
0x8f: {  	_ = 	snop  }
0x90: {  	s2 =	sld [smem:$0x3FD0];
	(tm) =	ssettm $0x1  }
0x91: {  	s18 =	sld [smem:$0x3FFB];
	_ =	sdelay $0x3  }
0x92: {  	_ =	strace s18  }
0x93: {  	s3 =	sld [smem:$0x3FFC];
	_ =	sdelay $0x3  }
0x94: {  	_ =	strace s3  }
0x95: {  	s3 =	sld [smem:$0x3FFD];
	_ =	sdelay $0x3  }
0x96: {  	_ =	strace s3  }
0x97: {  	_ =	strace $0x8FFFFFFF  }
0x98: {  	s19 =	sld [smem:$0x3FDB];
	_ =	sdelay $0x1  }
0x99: {  	s4 =	simm.s32 $_scs_section_size  }
0x9a: {  	s5 =	simm.s32 $_size__tile_overlayer_lowered;
	s6 =	simm.s32 $_tile_overlayer_lowered  }
0x9b: {  	s22 =	simm.s32 $0x1BFF;
	s21 =	sshll.u32 s6, $0x1;
	s3 =	sadd.s32 s4, s19  }
0x9c: {  	s7 =	simm.s32 $0x0;
	s20 =	sshll.u32 s5, $0x1;
	s5 =	sadd.s32 s21, s3  }
0x9d: {  	[timem:s7], [sflag:s22] =	dma.local [hbm:s5], s20  }
0x9e: {  	_ =	swait.ge [sflag:s22], s20  }
0x9f: {  	s4 =	ssub.s32 $0x0, s20;
	[sflag:s22] =	ssyncset.done $0x0  }
0xa0: {  	[sflag:s22] =	ssyncadd.s32 s4;
	_ =	sdelay $0x1  }
0xa1: {  	s23 =	simm.s32 $0x1B8B  }
0xa2: {  	_ =	swait.ge [sflag:s23], $0x1  }
0xa3: {  	[sflag:s23] =	ssyncset.done $0x0  }
0xa4: {  	s25 =	simm.s32 $0x1B8E;
	s24 =	sld [smem:$0x3FFE];
	[sflag:s23] =	ssyncadd.s32 $0xFFFFFFFF  }
0xa5: {  	s26 =	simm.s32 $execute0_lowered;
	[smem:$0x3FD2] =	sst s25  }
0xa6: {  	s5 =	sshll.u32 s26, $0x1;
	_ =	strace $0x80000046;
	[dreg:$0x1] =	wrdreg $0xFFFFFFFF  }
0xa7: {  	s28 =	simm.s32 $_size_execute0_lowered;
	s3 =	sadd.s32 s3, s5;
	[dreg:$0x0] =	wrdreg $0x0  }
0xa8: {  	s5 =	sshll.u32 s28, $0x1;
	[dreg:$0x2] =	wrdreg s3  }
0xa9: {  	[dreg:$0x3] =	wrdreg s5  }
0xaa: {  	[dreg:$0x4] =	wrdreg $0xC0  }
0xab: {  	_ =	task [dreg:s7], $0x5FFFF  }
0xac: {  	[dreg:$0x1] =	wrdreg $0xFFFFFFFF  }
0xad: {  	[dreg:$0x0] =	wrdreg $0x60  }
0xae: {  	[dreg:$0x2] =	wrdreg s24  }
0xaf: {  	[dreg:$0x3] =	wrdreg s2  }
0xb0: {  	[dreg:$0x4] =	wrdreg $0x9  }
0xb1: {  	_ =	task.clear_ibuf [dreg:s7], $0x5FFFF;
	_ =	strace $0x90000046  }
0xb2: {  	s29 =	simm.s32 $0x9;
	_ =	strace $0x80000048  }
0xb3: {  	_ =	swait.ge [sflag:s29], $0x1  }
0xb4: {  	[sflag:s29] =	ssyncadd.s32 $0xFFFFFFFF  }
0xb5: {  	_ =	strace $0x90000048  }
0xb6: {  	_ =	sfence  }
0xb7: {  	s30 =	sld [smem:$0x0];
	_ =	sdelay $0x2  }
0xb8: {  	s31 =	sshll.u32 s1, $0xD;
	s1 =	sshrl.u32 s1, $0x2  }
0xb9: {  	s3 =	sand.u32 $0x4000, s31;
	s1 =	sadd.s32 s1, s30  }
0xba: {  	s0 =	sor.u32 s3, s0;
	s1 =	sshll.u32 s1, $0x11  }
0xbb: {  	s0 =	sor.u32 s1, s0  }
0xbc: {  	s0 =	sadd.s32 $0x8F2B, s0  }
0xbd: {  	[sflag:s0] =	ssyncadd.remote.s32 $0x1  }
0xbe: {  	_ =	sfence.sel $0xFFFF  }
0xbf: {  	[dreg:$0x0] =	wrdreg $0xFFFFFFFF;
	(pc) =	sbr.abs _section_cstart, $3  }
0xc0: {  	[dreg:$0x1] =	wrdreg $0xFFFFFFFF  }
0xc1: {  	_ =	task.clear_ibuf [dreg:s7], $0x2FFFF;
	_ =	strace $0x9FFFFFFF  }
0xc2: {  	(tm) =	ssettm $0x7FFFFFFF  }
0xc3: {  	_ =	shalt  }
tec
execute0_lowered:
.L_overlay_start_1:
0x0: {  	(tag) =	ssettag $0x1  }
0x1: {  	s0 =	rddreg [dreg:$0x0];
	s2 =	simm.s32 $0x0;
	s9 =	srdreg.scid  }
0x2: {  	s3 =	stileid.u32;
	[smem:$0x7FF] =	sst s2;
	s1 =	sadd.s32 $0x1800, s0  }
0x3: {  	s8 =	sadd.s32 $0x1600, s0;
	s4 =	sadd.s32 $0x1E00, s0;
	s3 =	sshll.u32 s3, $0x1  }
0x4: {  	_ =	strace $0x80000047;
	[dreg:$0x3] =	wrdreg s1;
	s1 =	sand.u32 $0x1, s9  }
0x5: {  	s10 =	sadd.s32 $0x1C00, s0;
	[dreg:$0x4] =	wrdreg s8;
	s3 =	sor.u32 s1, s3  }
0x6: {  	s11 =	sadd.s32 $0x1A00, s0;
	[dreg:$0x5] =	wrdreg s4;
	s12 =	sshll.u32 s3, $0x10  }
0x7: {  	[dreg:$0x6] =	wrdreg s10;
	s9 =	sadd.s32 $0x2000, s0;
	s0 =	sadd.s32 s12, s0  }
0x8: {  	[dreg:$0x7] =	wrdreg s11;
	s13 =	sadd.s32 $0x22000, s0  }
0x9: {  	s14 =	sadd.s32 $0x23000, s0;
	[dreg:$0x8] =	wrdreg s13  }
0xa: {  	s15 =	sadd.s32 $0x24000, s0;
	[dreg:$0x9] =	wrdreg s14  }
0xb: {  	s16 =	sadd.s32 $0x25000, s0;
	[dreg:$0xa] =	wrdreg s15  }
0xc: {  	s17 =	sadd.s32 $0x26000, s0;
	[dreg:$0xb] =	wrdreg s16  }
0xd: {  	s18 =	sadd.s32 $0x27000, s0;
	[dreg:$0xc] =	wrdreg s17  }
0xe: {  	s19 =	sadd.s32 $0x28000, s0;
	[dreg:$0xd] =	wrdreg s18  }
0xf: {  	s20 =	sadd.s32 $0x29000, s0;
	[dreg:$0xe] =	wrdreg s19  }
0x10: {  	s29 =	simm.s32 $0x3;
	s21 =	sadd.s32 $0x2A000, s0;
	[dreg:$0xf] =	wrdreg s20  }
0x11: {  	s30 =	simm.s32 $0x6000;
	s22 =	sadd.s32 $0x2B000, s0;
	[dreg:$0x10] =	wrdreg s21  }
0x12: {  	s1 =	ssub.s32 $0x2, s1;
	s23 =	sadd.s32 $0x2C000, s0;
	[dreg:$0x11] =	wrdreg s22  }
0x13: {  	s5 =	sshrl.u32 s1, $0x1;
	s24 =	sadd.s32 $0x2D000, s0;
	[dreg:$0x12] =	wrdreg s23  }
0x14: {  	s10 =	sshll.u32 s3, $0x7;
	s25 =	sadd.s32 $0x2E000, s0;
	[dreg:$0x13] =	wrdreg s24  }
0x15: {  	s3 =	simm.s32 $0x4000;
	s26 =	sadd.s32 $0x2F000, s0;
	[dreg:$0x14] =	wrdreg s25  }
.Ltmp0:
0x16: {  	s28 =	sadd.s32 $0x30000, s0;
	[dreg:$0x15] =	wrdreg s26;
	(pc) =	sbr.rel .LBB2_1-.Ltmp0, $4  }
0x17: {  	s1 =	ssub.s32 s1, s5;
	s0 =	sadd.s32 $0x31000, s0;
	[dreg:$0x16] =	wrdreg s28  }
0x18: {  	s5 =	simm.s32 $0x0;
	s31 =	smax.u32 s1, $0x1;
	[dreg:$0x17] =	wrdreg s0  }
0x19: {  	s1 =	simm.s32 $0x5000;
	[dreg:$0x18] =	wrdreg s31;
	s0 =	simm.s32 $0x3000  }
0x1a: {  	s21 =	simm.s32 $0x1;
	s16 =	simm.s32 $0x2;
	s22 =	simm.s32 $0x7800  }
.LBB2_10:
0x1b: {  	v0 =	vld [tilespmem:$0x7000];
	_ =	sdelay $0x4  }
0x1c: {  	v1 =	vshll.u32 v0, $0x1  }
0x1d: {  	v3 =	vlaneseq.u32;
	v0 =	vand.u32 $0x7, v0;
	v1 =	vand.u32 $0xFFFFFFF0, v1  }
0x1e: {  	v2 =	vshrl.u32 v3, $0x3;
	v0 =	vor.u32 v0, v1;
	v1 =	vand.u32 $0x7, v3  }
0x1f: {  	v2 =	vmul.u32 $0x8, v2;
	v4 =	vperm.xlane v0, v1  }
0x20: {  	v3 =	vor.u32 $0x8, v3  }
0x21: {  	v0 =	vperm.xlane v0, v3;
	v4 =	vadd.s32 v2, v4;
	_ =	sdelay $0x1  }
0x22: {  	v0 =	vadd.s32 v2, v0;
	_ =	sdelay $0x1  }
0x23: {  	vm0 =	vmmov $0xffff  }
0x24: {  	[tilespmem:s22], [sflag:$0x1] =	stream.indirect_vreg.gather [hbm4b:s9+s2], $0x80, v4, vm0, $0xb8;
	[tilespmem:$0x17800] =	vst v63  }
0x25: {  	s4 =	simm.s32 $0x8000  }
0x26: {  	[tilespmem:s4], [sflag:$0x1] =	stream.indirect_vreg.gather [hbm4b:s9+s2], $0x80, v0, vm0, $0xb8;
	[tilespmem:$0x17800] =	vst v63  }
0x27: {  	v0 =	vld [tilespmem:$0x7010];
	_ =	sdelay $0x4  }
0x28: {  	v34 =	vshll.u32 v0, $0x1  }
0x29: {  	v0 =	vand.u32 $0x7, v0;
	v4 =	vand.u32 $0xFFFFFFF0, v34  }
0x2a: {  	v0 =	vor.u32 v0, v4  }
0x2b: {  	v4 =	vperm.xlane v0, v1;
	_ =	sdelay $0x1  }
0x2c: {  	v0 =	vperm.xlane v0, v3;
	v4 =	vadd.s32 v2, v4;
	_ =	sdelay $0x1  }
0x2d: {  	v0 =	vadd.s32 v2, v0;
	_ =	sdelay $0x1  }
0x2e: {  	s17 =	simm.s32 $0x8800  }
0x2f: {  	[tilespmem:s17], [sflag:$0x1] =	stream.indirect_vreg.gather [hbm4b:s9+s2], $0x80, v4, vm0, $0xb8;
	[tilespmem:$0x17800] =	vst v63  }
0x30: {  	s18 =	simm.s32 $0x9000  }
0x31: {  	[tilespmem:s18], [sflag:$0x1] =	stream.indirect_vreg.gather [hbm4b:s9+s2], $0x80, v0, vm0, $0xb8;
	[tilespmem:$0x17800] =	vst v63  }
0x32: {  	v0 =	vld [tilespmem:$0x7020];
	_ =	sdelay $0x4  }
0x33: {  	v35 =	vshll.u32 v0, $0x1  }
0x34: {  	v0 =	vand.u32 $0x7, v0;
	v4 =	vand.u32 $0xFFFFFFF0, v35  }
0x35: {  	v0 =	vor.u32 v0, v4  }
0x36: {  	v4 =	vperm.xlane v0, v1;
	_ =	sdelay $0x1  }
0x37: {  	v0 =	vperm.xlane v0, v3;
	v4 =	vadd.s32 v2, v4;
	_ =	sdelay $0x1  }
0x38: {  	v0 =	vadd.s32 v2, v0;
	_ =	sdelay $0x1  }
0x39: {  	s19 =	simm.s32 $0x9800  }
0x3a: {  	[tilespmem:s19], [sflag:$0x1] =	stream.indirect_vreg.gather [hbm4b:s9+s2], $0x80, v4, vm0, $0xb8;
	[tilespmem:$0x17800] =	vst v63  }
0x3b: {  	s20 =	simm.s32 $0xA000  }
0x3c: {  	[tilespmem:s20], [sflag:$0x1] =	stream.indirect_vreg.gather [hbm4b:s9+s2], $0x80, v0, vm0, $0xb8;
	[tilespmem:$0x17800] =	vst v63  }
0x3d: {  	v0 =	vld [tilespmem:$0x7030];
	_ =	sdelay $0x4  }
0x3e: {  	v36 =	vshll.u32 v0, $0x1  }
0x3f: {  	v0 =	vand.u32 $0x7, v0;
	v4 =	vand.u32 $0xFFFFFFF0, v36  }
0x40: {  	v0 =	vor.u32 v0, v4  }
0x41: {  	v4 =	vperm.xlane v0, v1;
	_ =	sdelay $0x1  }
0x42: {  	v0 =	vperm.xlane v0, v3;
	v4 =	vadd.s32 v2, v4;
	_ =	sdelay $0x1  }
0x43: {  	v0 =	vadd.s32 v2, v0;
	_ =	sdelay $0x1  }
0x44: {  	s23 =	simm.s32 $0xA800  }
0x45: {  	[tilespmem:s23], [sflag:$0x1] =	stream.indirect_vreg.gather [hbm4b:s9+s2], $0x80, v4, vm0, $0xb8;
	[tilespmem:$0x17800] =	vst v63  }
0x46: {  	s24 =	simm.s32 $0xB000  }
0x47: {  	[tilespmem:s24], [sflag:$0x1] =	stream.indirect_vreg.gather [hbm4b:s9+s2], $0x80, v0, vm0, $0xb8;
	[tilespmem:$0x17800] =	vst v63  }
0x48: {  	v0 =	vld [tilespmem:$0x7040];
	_ =	sdelay $0x4  }
0x49: {  	v37 =	vshll.u32 v0, $0x1  }
0x4a: {  	v0 =	vand.u32 $0x7, v0;
	v4 =	vand.u32 $0xFFFFFFF0, v37  }
0x4b: {  	v0 =	vor.u32 v0, v4  }
0x4c: {  	v4 =	vperm.xlane v0, v1;
	_ =	sdelay $0x1  }
0x4d: {  	v0 =	vperm.xlane v0, v3;
	v4 =	vadd.s32 v2, v4;
	_ =	sdelay $0x1  }
0x4e: {  	v0 =	vadd.s32 v2, v0;
	_ =	sdelay $0x1  }
0x4f: {  	s26 =	simm.s32 $0xB800  }
0x50: {  	[tilespmem:s26], [sflag:$0x1] =	stream.indirect_vreg.gather [hbm4b:s9+s2], $0x80, v4, vm0, $0xb8;
	[tilespmem:$0x17800] =	vst v63  }
0x51: {  	s28 =	simm.s32 $0xC000  }
0x52: {  	[tilespmem:s28], [sflag:$0x1] =	stream.indirect_vreg.gather [hbm4b:s9+s2], $0x80, v0, vm0, $0xb8;
	[tilespmem:$0x17800] =	vst v63  }
0x53: {  	v0 =	vld [tilespmem:$0x7050];
	_ =	sdelay $0x4  }
0x54: {  	v38 =	vshll.u32 v0, $0x1  }
0x55: {  	v0 =	vand.u32 $0x7, v0;
	v4 =	vand.u32 $0xFFFFFFF0, v38  }
0x56: {  	v0 =	vor.u32 v0, v4  }
0x57: {  	v4 =	vperm.xlane v0, v1;
	_ =	sdelay $0x1  }
0x58: {  	v0 =	vperm.xlane v0, v3;
	v4 =	vadd.s32 v2, v4;
	_ =	sdelay $0x1  }
0x59: {  	v0 =	vadd.s32 v2, v0;
	_ =	sdelay $0x1  }
0x5a: {  	s31 =	simm.s32 $0xC800  }
0x5b: {  	[tilespmem:s31], [sflag:$0x1] =	stream.indirect_vreg.gather [hbm4b:s9+s2], $0x80, v4, vm0, $0xb8;
	[tilespmem:$0x17800] =	vst v63  }
0x5c: {  	s5 =	simm.s32 $0xD000  }
0x5d: {  	[tilespmem:s5], [sflag:$0x1] =	stream.indirect_vreg.gather [hbm4b:s9+s2], $0x80, v0, vm0, $0xb8;
	[tilespmem:$0x17800] =	vst v63  }
0x5e: {  	v0 =	vld [tilespmem:$0x7060];
	_ =	sdelay $0x4  }
0x5f: {  	v39 =	vshll.u32 v0, $0x1  }
0x60: {  	v0 =	vand.u32 $0x7, v0;
	v4 =	vand.u32 $0xFFFFFFF0, v39  }
0x61: {  	v0 =	vor.u32 v0, v4  }
0x62: {  	v4 =	vperm.xlane v0, v1;
	_ =	sdelay $0x1  }
0x63: {  	v0 =	vperm.xlane v0, v3;
	v4 =	vadd.s32 v2, v4;
	_ =	sdelay $0x1  }
0x64: {  	v0 =	vadd.s32 v2, v0;
	_ =	sdelay $0x1  }
0x65: {  	s12 =	simm.s32 $0xD800  }
0x66: {  	[tilespmem:s12], [sflag:$0x1] =	stream.indirect_vreg.gather [hbm4b:s9+s2], $0x80, v4, vm0, $0xb8;
	[tilespmem:$0x17800] =	vst v63  }
0x67: {  	s13 =	simm.s32 $0xE000  }
0x68: {  	[tilespmem:s13], [sflag:$0x1] =	stream.indirect_vreg.gather [hbm4b:s9+s2], $0x80, v0, vm0, $0xb8;
	[tilespmem:$0x17800] =	vst v63  }
0x69: {  	v0 =	vld [tilespmem:$0x7070];
	_ =	sdelay $0x4  }
0x6a: {  	v40 =	vshll.u32 v0, $0x1  }
0x6b: {  	v0 =	vand.u32 $0x7, v0;
	v4 =	vand.u32 $0xFFFFFFF0, v40  }
0x6c: {  	v0 =	vor.u32 v0, v4  }
0x6d: {  	v4 =	vperm.xlane v0, v1;
	_ =	sdelay $0x1  }
0x6e: {  	v0 =	vperm.xlane v0, v3;
	v4 =	vadd.s32 v2, v4;
	_ =	sdelay $0x1  }
0x6f: {  	v0 =	vadd.s32 v2, v0;
	_ =	sdelay $0x1  }
0x70: {  	s23 =	simm.s32 $0xE800  }
0x71: {  	[tilespmem:s23], [sflag:$0x1] =	stream.indirect_vreg.gather [hbm4b:s9+s2], $0x80, v4, vm0, $0xb8;
	[tilespmem:$0x17800] =	vst v63  }
0x72: {  	s26 =	simm.s32 $0xF000  }
0x73: {  	[tilespmem:s26], [sflag:$0x1] =	stream.indirect_vreg.gather [hbm4b:s9+s2], $0x80, v0, vm0, $0xb8;
	[tilespmem:$0x17800] =	vst v63  }
0x74: {  	_ =	swait.ge [sflag:s21], $0x8000  }
0x75: {  	[sflag:s21] =	ssyncset.done $0x0  }
0x76: {  	[sflag:s21] =	ssyncadd.s32 $0xFFFF8000  }
0x77: {  	v41 =	vld [tilespmem:$0x7080];
	_ =	sdelay $0x4  }
0x78: {  	v42 =	vshll.u32 v41, $0x1  }
0x79: {  	v0 =	vand.u32 $0x7, v41;
	v4 =	vand.u32 $0xFFFFFFF0, v42  }
0x7a: {  	v0 =	vor.u32 v0, v4  }
0x7b: {  	v4 =	vperm.xlane v0, v1;
	_ =	sdelay $0x1  }
0x7c: {  	v0 =	vperm.xlane v0, v3;
	v4 =	vadd.s32 v2, v4;
	_ =	sdelay $0x1  }
0x7d: {  	v0 =	vadd.s32 v2, v0;
	_ =	sdelay $0x1  }
0x7e: {  	s5 =	simm.s32 $0xF800  }
0x7f: {  	[tilespmem:s5], [sflag:$0x2] =	stream.indirect_vreg.gather [hbm4b:s9+s2], $0x80, v4, vm0, $0xb8;
	[tilespmem:$0x17800] =	vst v63  }
0x80: {  	s28 =	simm.s32 $0x10000  }
0x81: {  	[tilespmem:s28], [sflag:$0x2] =	stream.indirect_vreg.gather [hbm4b:s9+s2], $0x80, v0, vm0, $0xb8;
	[tilespmem:$0x17800] =	vst v63  }
0x82: {  	v0 =	vld [tilespmem:$0x7090];
	_ =	sdelay $0x4  }
0x83: {  	v43 =	vshll.u32 v0, $0x1  }
0x84: {  	v0 =	vand.u32 $0x7, v0;
	v4 =	vand.u32 $0xFFFFFFF0, v43  }
0x85: {  	v0 =	vor.u32 v0, v4  }
0x86: {  	v4 =	vperm.xlane v0, v1;
	_ =	sdelay $0x1  }
0x87: {  	v0 =	vperm.xlane v0, v3;
	v4 =	vadd.s32 v2, v4;
	_ =	sdelay $0x1  }
0x88: {  	v0 =	vadd.s32 v2, v0;
	_ =	sdelay $0x1  }
0x89: {  	s31 =	simm.s32 $0x10800  }
0x8a: {  	[tilespmem:s31], [sflag:$0x2] =	stream.indirect_vreg.gather [hbm4b:s9+s2], $0x80, v4, vm0, $0xb8;
	[tilespmem:$0x17800] =	vst v63  }
0x8b: {  	s26 =	simm.s32 $0x11000  }
0x8c: {  	[tilespmem:s26], [sflag:$0x2] =	stream.indirect_vreg.gather [hbm4b:s9+s2], $0x80, v0, vm0, $0xb8;
	[tilespmem:$0x17800] =	vst v63  }
0x8d: {  	v0 =	vld [tilespmem:$0x70A0];
	_ =	sdelay $0x4  }
0x8e: {  	v44 =	vshll.u32 v0, $0x1  }
0x8f: {  	v0 =	vand.u32 $0x7, v0;
	v4 =	vand.u32 $0xFFFFFFF0, v44  }
0x90: {  	v0 =	vor.u32 v0, v4  }
0x91: {  	v4 =	vperm.xlane v0, v1;
	_ =	sdelay $0x1  }
0x92: {  	v0 =	vperm.xlane v0, v3;
	v4 =	vadd.s32 v2, v4;
	_ =	sdelay $0x1  }
0x93: {  	v0 =	vadd.s32 v2, v0;
	_ =	sdelay $0x1  }
0x94: {  	s28 =	simm.s32 $0x11800  }
0x95: {  	[tilespmem:s28], [sflag:$0x2] =	stream.indirect_vreg.gather [hbm4b:s9+s2], $0x80, v4, vm0, $0xb8;
	[tilespmem:$0x17800] =	vst v63  }
0x96: {  	s31 =	simm.s32 $0x12000  }
0x97: {  	[tilespmem:s31], [sflag:$0x2] =	stream.indirect_vreg.gather [hbm4b:s9+s2], $0x80, v0, vm0, $0xb8;
	[tilespmem:$0x17800] =	vst v63  }
0x98: {  	v0 =	vld [tilespmem:$0x70B0];
	_ =	sdelay $0x4  }
0x99: {  	v45 =	vshll.u32 v0, $0x1  }
0x9a: {  	v0 =	vand.u32 $0x7, v0;
	v4 =	vand.u32 $0xFFFFFFF0, v45  }
0x9b: {  	v0 =	vor.u32 v0, v4  }
0x9c: {  	v4 =	vperm.xlane v0, v1;
	_ =	sdelay $0x1  }
0x9d: {  	v0 =	vperm.xlane v0, v3;
	v4 =	vadd.s32 v2, v4;
	_ =	sdelay $0x1  }
0x9e: {  	v0 =	vadd.s32 v2, v0;
	_ =	sdelay $0x1  }
0x9f: {  	s28 =	simm.s32 $0x12800  }
0xa0: {  	[tilespmem:s28], [sflag:$0x2] =	stream.indirect_vreg.gather [hbm4b:s9+s2], $0x80, v4, vm0, $0xb8;
	[tilespmem:$0x17800] =	vst v63  }
0xa1: {  	s28 =	simm.s32 $0x13000  }
0xa2: {  	[tilespmem:s28], [sflag:$0x2] =	stream.indirect_vreg.gather [hbm4b:s9+s2], $0x80, v0, vm0, $0xb8;
	[tilespmem:$0x17800] =	vst v63  }
0xa3: {  	v0 =	vld [tilespmem:$0x70C0];
	_ =	sdelay $0x4  }
0xa4: {  	v46 =	vshll.u32 v0, $0x1  }
0xa5: {  	v0 =	vand.u32 $0x7, v0;
	v4 =	vand.u32 $0xFFFFFFF0, v46  }
0xa6: {  	v0 =	vor.u32 v0, v4  }
0xa7: {  	v4 =	vperm.xlane v0, v1;
	_ =	sdelay $0x1  }
0xa8: {  	v0 =	vperm.xlane v0, v3;
	v4 =	vadd.s32 v2, v4;
	_ =	sdelay $0x1  }
0xa9: {  	v0 =	vadd.s32 v2, v0;
	_ =	sdelay $0x1  }
0xaa: {  	s28 =	simm.s32 $0x13800  }
0xab: {  	[tilespmem:s28], [sflag:$0x2] =	stream.indirect_vreg.gather [hbm4b:s9+s2], $0x80, v4, vm0, $0xb8;
	[tilespmem:$0x17800] =	vst v63  }
0xac: {  	s28 =	simm.s32 $0x14000  }
0xad: {  	[tilespmem:s28], [sflag:$0x2] =	stream.indirect_vreg.gather [hbm4b:s9+s2], $0x80, v0, vm0, $0xb8;
	[tilespmem:$0x17800] =	vst v63  }
0xae: {  	v0 =	vld [tilespmem:$0x70D0];
	_ =	sdelay $0x4  }
0xaf: {  	v47 =	vshll.u32 v0, $0x1  }
0xb0: {  	v0 =	vand.u32 $0x7, v0;
	v4 =	vand.u32 $0xFFFFFFF0, v47  }
0xb1: {  	v0 =	vor.u32 v0, v4  }
0xb2: {  	v4 =	vperm.xlane v0, v1;
	_ =	sdelay $0x1  }
0xb3: {  	v0 =	vperm.xlane v0, v3;
	v4 =	vadd.s32 v2, v4;
	_ =	sdelay $0x1  }
0xb4: {  	v0 =	vadd.s32 v2, v0;
	_ =	sdelay $0x1  }
0xb5: {  	s28 =	simm.s32 $0x14800  }
0xb6: {  	[tilespmem:s28], [sflag:$0x2] =	stream.indirect_vreg.gather [hbm4b:s9+s2], $0x80, v4, vm0, $0xb8;
	[tilespmem:$0x17800] =	vst v63  }
0xb7: {  	s28 =	simm.s32 $0x15000  }
0xb8: {  	[tilespmem:s28], [sflag:$0x2] =	stream.indirect_vreg.gather [hbm4b:s9+s2], $0x80, v0, vm0, $0xb8;
	[tilespmem:$0x17800] =	vst v63  }
0xb9: {  	v0 =	vld [tilespmem:$0x70E0];
	_ =	sdelay $0x4  }
0xba: {  	v48 =	vshll.u32 v0, $0x1  }
0xbb: {  	v0 =	vand.u32 $0x7, v0;
	v4 =	vand.u32 $0xFFFFFFF0, v48  }
0xbc: {  	v0 =	vor.u32 v0, v4  }
0xbd: {  	v4 =	vperm.xlane v0, v1;
	_ =	sdelay $0x1  }
0xbe: {  	v0 =	vperm.xlane v0, v3;
	v4 =	vadd.s32 v2, v4;
	_ =	sdelay $0x1  }
0xbf: {  	v0 =	vadd.s32 v2, v0;
	_ =	sdelay $0x1  }
0xc0: {  	s4 =	simm.s32 $0x15800  }
0xc1: {  	[tilespmem:s4], [sflag:$0x2] =	stream.indirect_vreg.gather [hbm4b:s9+s2], $0x80, v4, vm0, $0xb8;
	[tilespmem:$0x17800] =	vst v63  }
0xc2: {  	s4 =	simm.s32 $0x16000  }
0xc3: {  	[tilespmem:s4], [sflag:$0x2] =	stream.indirect_vreg.gather [hbm4b:s9+s2], $0x80, v0, vm0, $0xb8;
	[tilespmem:$0x17800] =	vst v63  }
0xc4: {  	v0 =	vld [tilespmem:$0x70F0];
	_ =	sdelay $0x4  }
0xc5: {  	v49 =	vshll.u32 v0, $0x1  }
0xc6: {  	v0 =	vand.u32 $0x7, v0;
	v4 =	vand.u32 $0xFFFFFFF0, v49  }
0xc7: {  	v0 =	vor.u32 v0, v4  }
0xc8: {  	v4 =	vperm.xlane v0, v1;
	_ =	sdelay $0x1  }
0xc9: {  	v0 =	vperm.xlane v0, v3;
	v4 =	vadd.s32 v2, v4;
	_ =	sdelay $0x1  }
0xca: {  	v0 =	vadd.s32 v2, v0;
	_ =	sdelay $0x1  }
0xcb: {  	s4 =	simm.s32 $0x16800  }
0xcc: {  	[tilespmem:s4], [sflag:$0x2] =	stream.indirect_vreg.gather [hbm4b:s9+s2], $0x80, v4, vm0, $0xb8;
	[tilespmem:$0x17800] =	vst v63  }
0xcd: {  	s4 =	simm.s32 $0x17000  }
0xce: {  	[tilespmem:s4], [sflag:$0x2] =	stream.indirect_vreg.gather [hbm4b:s9+s2], $0x80, v0, vm0, $0xb8;
	[tilespmem:$0x17800] =	vst v63  }
0xcf: {  	s4 =	rddreg [dreg:$0x8]  }
0xd0: {  	[hbm4b:s4+s2] =	stream.linear.scatter [tilespmem:s22], [sflag:$0x3], $0x8000, $0x38;
	[tilespmem:$0x17800] =	vst v63  }
0xd1: {  	_ =	swait.ge [sflag:s29], $0x8000  }
0xd2: {  	[sflag:s29] =	ssyncset.done $0x0  }
0xd3: {  	[sflag:s29] =	ssyncadd.s32 $0xFFFF8000  }
0xd4: {  	_ =	swait.ge [sflag:s16], $0x8000  }
0xd5: {  	[sflag:s16] =	ssyncset.done $0x0  }
0xd6: {  	[sflag:s16] =	ssyncadd.s32 $0xFFFF8000  }
0xd7: {  	v50 =	vld [tilespmem:$0x7100];
	_ =	sdelay $0x4  }
0xd8: {  	v51 =	vshll.u32 v50, $0x1  }
0xd9: {  	v0 =	vand.u32 $0x7, v50;
	v4 =	vand.u32 $0xFFFFFFF0, v51  }
0xda: {  	v0 =	vor.u32 v0, v4  }
0xdb: {  	v4 =	vperm.xlane v0, v1;
	_ =	sdelay $0x1  }
0xdc: {  	v0 =	vperm.xlane v0, v3;
	v4 =	vadd.s32 v2, v4;
	_ =	sdelay $0x1  }
0xdd: {  	v0 =	vadd.s32 v2, v0;
	_ =	sdelay $0x2  }
0xde: {  	[tilespmem:s22], [sflag:$0x1] =	stream.indirect_vreg.gather [hbm4b:s9+s2], $0x80, v4, vm0, $0xb8;
	[tilespmem:$0x17800] =	vst v63  }
0xdf: {  	s6 =	simm.s32 $0x8000  }
0xe0: {  	[tilespmem:s6], [sflag:$0x1] =	stream.indirect_vreg.gather [hbm4b:s9+s2], $0x80, v0, vm0, $0xb8;
	[tilespmem:$0x17800] =	vst v63  }
0xe1: {  	v0 =	vld [tilespmem:$0x7110];
	_ =	sdelay $0x4  }
0xe2: {  	v52 =	vshll.u32 v0, $0x1  }
0xe3: {  	v0 =	vand.u32 $0x7, v0;
	v4 =	vand.u32 $0xFFFFFFF0, v52  }
0xe4: {  	v0 =	vor.u32 v0, v4  }
0xe5: {  	v4 =	vperm.xlane v0, v1;
	_ =	sdelay $0x1  }
0xe6: {  	v0 =	vperm.xlane v0, v3;
	v4 =	vadd.s32 v2, v4;
	_ =	sdelay $0x1  }
0xe7: {  	v0 =	vadd.s32 v2, v0;
	_ =	sdelay $0x1  }
0xe8: {  	s25 =	simm.s32 $0x8800  }
0xe9: {  	[tilespmem:s25], [sflag:$0x1] =	stream.indirect_vreg.gather [hbm4b:s9+s2], $0x80, v4, vm0, $0xb8;
	[tilespmem:$0x17800] =	vst v63  }
0xea: {  	s7 =	simm.s32 $0x9000  }
0xeb: {  	[tilespmem:s7], [sflag:$0x1] =	stream.indirect_vreg.gather [hbm4b:s9+s2], $0x80, v0, vm0, $0xb8;
	[tilespmem:$0x17800] =	vst v63  }
0xec: {  	v0 =	vld [tilespmem:$0x7120];
	_ =	sdelay $0x4  }
0xed: {  	v53 =	vshll.u32 v0, $0x1  }
0xee: {  	v0 =	vand.u32 $0x7, v0;
	v4 =	vand.u32 $0xFFFFFFF0, v53  }
0xef: {  	v0 =	vor.u32 v0, v4  }
0xf0: {  	v4 =	vperm.xlane v0, v1;
	_ =	sdelay $0x1  }
0xf1: {  	v0 =	vperm.xlane v0, v3;
	v4 =	vadd.s32 v2, v4;
	_ =	sdelay $0x1  }
0xf2: {  	v0 =	vadd.s32 v2, v0;
	_ =	sdelay $0x1  }
0xf3: {  	s17 =	simm.s32 $0x9800  }
0xf4: {  	[tilespmem:s17], [sflag:$0x1] =	stream.indirect_vreg.gather [hbm4b:s9+s2], $0x80, v4, vm0, $0xb8;
	[tilespmem:$0x17800] =	vst v63  }
0xf5: {  	s8 =	simm.s32 $0xA000  }
0xf6: {  	[tilespmem:s8], [sflag:$0x1] =	stream.indirect_vreg.gather [hbm4b:s9+s2], $0x80, v0, vm0, $0xb8;
	[tilespmem:$0x17800] =	vst v63  }
0xf7: {  	v0 =	vld [tilespmem:$0x7130];
	_ =	sdelay $0x4  }
0xf8: {  	v54 =	vshll.u32 v0, $0x1  }
0xf9: {  	v0 =	vand.u32 $0x7, v0;
	v4 =	vand.u32 $0xFFFFFFF0, v54  }
0xfa: {  	v0 =	vor.u32 v0, v4  }
0xfb: {  	v4 =	vperm.xlane v0, v1;
	_ =	sdelay $0x1  }
0xfc: {  	v0 =	vperm.xlane v0, v3;
	v4 =	vadd.s32 v2, v4;
	_ =	sdelay $0x1  }
0xfd: {  	v0 =	vadd.s32 v2, v0;
	_ =	sdelay $0x1  }
0xfe: {  	s18 =	simm.s32 $0xA800  }
0xff: {  	[tilespmem:s18], [sflag:$0x1] =	stream.indirect_vreg.gather [hbm4b:s9+s2], $0x80, v4, vm0, $0xb8;
	[tilespmem:$0x17800] =	vst v63  }
0x100: {  	s11 =	simm.s32 $0xB000  }
0x101: {  	[tilespmem:s11], [sflag:$0x1] =	stream.indirect_vreg.gather [hbm4b:s9+s2], $0x80, v0, vm0, $0xb8;
	[tilespmem:$0x17800] =	vst v63  }
0x102: {  	v0 =	vld [tilespmem:$0x7140];
	_ =	sdelay $0x4  }
0x103: {  	v55 =	vshll.u32 v0, $0x1  }
0x104: {  	v0 =	vand.u32 $0x7, v0;
	v4 =	vand.u32 $0xFFFFFFF0, v55  }
0x105: {  	v0 =	vor.u32 v0, v4  }
0x106: {  	v4 =	vperm.xlane v0, v1;
	_ =	sdelay $0x1  }
0x107: {  	v0 =	vperm.xlane v0, v3;
	v4 =	vadd.s32 v2, v4;
	_ =	sdelay $0x1  }
0x108: {  	v0 =	vadd.s32 v2, v0;
	_ =	sdelay $0x1  }
0x109: {  	s19 =	simm.s32 $0xB800  }
0x10a: {  	[tilespmem:s19], [sflag:$0x1] =	stream.indirect_vreg.gather [hbm4b:s9+s2], $0x80, v4, vm0, $0xb8;
	[tilespmem:$0x17800] =	vst v63  }
0x10b: {  	s14 =	simm.s32 $0xC000  }
0x10c: {  	[tilespmem:s14], [sflag:$0x1] =	stream.indirect_vreg.gather [hbm4b:s9+s2], $0x80, v0, vm0, $0xb8;
	[tilespmem:$0x17800] =	vst v63  }
0x10d: {  	v0 =	vld [tilespmem:$0x7150];
	_ =	sdelay $0x4  }
0x10e: {  	v56 =	vshll.u32 v0, $0x1  }
0x10f: {  	v0 =	vand.u32 $0x7, v0;
	v4 =	vand.u32 $0xFFFFFFF0, v56  }
0x110: {  	v0 =	vor.u32 v0, v4  }
0x111: {  	v4 =	vperm.xlane v0, v1;
	_ =	sdelay $0x1  }
0x112: {  	v0 =	vperm.xlane v0, v3;
	v4 =	vadd.s32 v2, v4;
	_ =	sdelay $0x1  }
0x113: {  	v0 =	vadd.s32 v2, v0;
	_ =	sdelay $0x1  }
0x114: {  	s24 =	simm.s32 $0xC800  }
0x115: {  	[tilespmem:s24], [sflag:$0x1] =	stream.indirect_vreg.gather [hbm4b:s9+s2], $0x80, v4, vm0, $0xb8;
	[tilespmem:$0x17800] =	vst v63  }
0x116: {  	s15 =	simm.s32 $0xD000  }
0x117: {  	[tilespmem:s15], [sflag:$0x1] =	stream.indirect_vreg.gather [hbm4b:s9+s2], $0x80, v0, vm0, $0xb8;
	[tilespmem:$0x17800] =	vst v63  }
0x118: {  	v0 =	vld [tilespmem:$0x7160];
	_ =	sdelay $0x4  }
0x119: {  	v57 =	vshll.u32 v0, $0x1  }
0x11a: {  	v0 =	vand.u32 $0x7, v0;
	v4 =	vand.u32 $0xFFFFFFF0, v57  }
0x11b: {  	v0 =	vor.u32 v0, v4  }
0x11c: {  	v4 =	vperm.xlane v0, v1;
	_ =	sdelay $0x1  }
0x11d: {  	v0 =	vperm.xlane v0, v3;
	v4 =	vadd.s32 v2, v4;
	_ =	sdelay $0x1  }
0x11e: {  	v0 =	vadd.s32 v2, v0;
	_ =	sdelay $0x1  }
0x11f: {  	s20 =	simm.s32 $0xD800  }
0x120: {  	[tilespmem:s20], [sflag:$0x1] =	stream.indirect_vreg.gather [hbm4b:s9+s2], $0x80, v4, vm0, $0xb8;
	[tilespmem:$0x17800] =	vst v63  }
0x121: {  	s12 =	simm.s32 $0xE000  }
0x122: {  	[tilespmem:s12], [sflag:$0x1] =	stream.indirect_vreg.gather [hbm4b:s9+s2], $0x80, v0, vm0, $0xb8;
	[tilespmem:$0x17800] =	vst v63  }
0x123: {  	v0 =	vld [tilespmem:$0x7170];
	_ =	sdelay $0x4  }
0x124: {  	v58 =	vshll.u32 v0, $0x1  }
0x125: {  	v0 =	vand.u32 $0x7, v0;
	v4 =	vand.u32 $0xFFFFFFF0, v58  }
0x126: {  	v0 =	vor.u32 v0, v4  }
0x127: {  	v4 =	vperm.xlane v0, v1;
	_ =	sdelay $0x1  }
0x128: {  	v0 =	vperm.xlane v0, v3;
	v4 =	vadd.s32 v2, v4;
	_ =	sdelay $0x1  }
0x129: {  	v0 =	vadd.s32 v2, v0;
	_ =	sdelay $0x1  }
0x12a: {  	s23 =	simm.s32 $0xE800  }
0x12b: {  	[tilespmem:s23], [sflag:$0x1] =	stream.indirect_vreg.gather [hbm4b:s9+s2], $0x80, v4, vm0, $0xb8;
	[tilespmem:$0x17800] =	vst v63  }
0x12c: {  	s13 =	simm.s32 $0xF000  }
0x12d: {  	[tilespmem:s13], [sflag:$0x1] =	stream.indirect_vreg.gather [hbm4b:s9+s2], $0x80, v0, vm0, $0xb8;
	[tilespmem:$0x17800] =	vst v63  }
0x12e: {  	s13 =	rddreg [dreg:$0x9]  }
0x12f: {  	[hbm4b:s13+s2] =	stream.linear.scatter [tilespmem:s5], [sflag:$0x3], $0x8000, $0x38;
	[tilespmem:$0x17800] =	vst v63  }
0x130: {  	_ =	swait.ge [sflag:s29], $0x8000  }
0x131: {  	[sflag:s29] =	ssyncset.done $0x0  }
0x132: {  	[sflag:s29] =	ssyncadd.s32 $0xFFFF8000  }
0x133: {  	_ =	swait.ge [sflag:s21], $0x8000  }
0x134: {  	[sflag:s21] =	ssyncset.done $0x0  }
0x135: {  	[sflag:s21] =	ssyncadd.s32 $0xFFFF8000  }
0x136: {  	v59 =	vld [tilespmem:$0x7180];
	_ =	sdelay $0x4  }
0x137: {  	v60 =	vshll.u32 v59, $0x1  }
0x138: {  	v0 =	vand.u32 $0x7, v59;
	v4 =	vand.u32 $0xFFFFFFF0, v60  }
0x139: {  	v0 =	vor.u32 v0, v4  }
0x13a: {  	v4 =	vperm.xlane v0, v1;
	_ =	sdelay $0x1  }
0x13b: {  	v0 =	vperm.xlane v0, v3;
	v4 =	vadd.s32 v2, v4;
	_ =	sdelay $0x1  }
0x13c: {  	v0 =	vadd.s32 v2, v0;
	_ =	sdelay $0x2  }
0x13d: {  	[tilespmem:s5], [sflag:$0x2] =	stream.indirect_vreg.gather [hbm4b:s9+s2], $0x80, v4, vm0, $0xb8;
	[tilespmem:$0x17800] =	vst v63  }
0x13e: {  	s14 =	simm.s32 $0x10000  }
0x13f: {  	[tilespmem:s14], [sflag:$0x2] =	stream.indirect_vreg.gather [hbm4b:s9+s2], $0x80, v0, vm0, $0xb8;
	[tilespmem:$0x17800] =	vst v63  }
0x140: {  	v0 =	vld [tilespmem:$0x7190];
	_ =	sdelay $0x4  }
0x141: {  	v61 =	vshll.u32 v0, $0x1  }
0x142: {  	v0 =	vand.u32 $0x7, v0;
	v4 =	vand.u32 $0xFFFFFFF0, v61  }
0x143: {  	v0 =	vor.u32 v0, v4  }
0x144: {  	v4 =	vperm.xlane v0, v1;
	_ =	sdelay $0x1  }
0x145: {  	v0 =	vperm.xlane v0, v3;
	v4 =	vadd.s32 v2, v4;
	_ =	sdelay $0x1  }
0x146: {  	v0 =	vadd.s32 v2, v0;
	_ =	sdelay $0x1  }
0x147: {  	s15 =	simm.s32 $0x10800  }
0x148: {  	[tilespmem:s15], [sflag:$0x2] =	stream.indirect_vreg.gather [hbm4b:s9+s2], $0x80, v4, vm0, $0xb8;
	[tilespmem:$0x17800] =	vst v63  }
0x149: {  	s26 =	simm.s32 $0x11000  }
0x14a: {  	[tilespmem:s26], [sflag:$0x2] =	stream.indirect_vreg.gather [hbm4b:s9+s2], $0x80, v0, vm0, $0xb8;
	[tilespmem:$0x17800] =	vst v63  }
0x14b: {  	v0 =	vld [tilespmem:$0x71A0];
	_ =	sdelay $0x4  }
0x14c: {  	v62 =	vshll.u32 v0, $0x1  }
0x14d: {  	v0 =	vand.u32 $0x7, v0;
	v4 =	vand.u32 $0xFFFFFFF0, v62  }
0x14e: {  	v0 =	vor.u32 v0, v4  }
0x14f: {  	v4 =	vperm.xlane v0, v1;
	_ =	sdelay $0x1  }
0x150: {  	v0 =	vperm.xlane v0, v3;
	v4 =	vadd.s32 v2, v4;
	_ =	sdelay $0x1  }
0x151: {  	v0 =	vadd.s32 v2, v0;
	_ =	sdelay $0x1  }
0x152: {  	s17 =	simm.s32 $0x11800  }
0x153: {  	[tilespmem:s17], [sflag:$0x2] =	stream.indirect_vreg.gather [hbm4b:s9+s2], $0x80, v4, vm0, $0xb8;
	[tilespmem:$0x17800] =	vst v63  }
0x154: {  	s31 =	simm.s32 $0x12000  }
0x155: {  	[tilespmem:s31], [sflag:$0x2] =	stream.indirect_vreg.gather [hbm4b:s9+s2], $0x80, v0, vm0, $0xb8;
	[tilespmem:$0x17800] =	vst v63  }
0x156: {  	v0 =	vld [tilespmem:$0x71B0];
	_ =	sdelay $0x4  }
0x157: {  	v63 =	vshll.u32 v0, $0x1  }
0x158: {  	v0 =	vand.u32 $0x7, v0;
	v4 =	vand.u32 $0xFFFFFFF0, v63  }
0x159: {  	v0 =	vor.u32 v0, v4  }
0x15a: {  	v4 =	vperm.xlane v0, v1;
	_ =	sdelay $0x1  }
0x15b: {  	v0 =	vperm.xlane v0, v3;
	v4 =	vadd.s32 v2, v4;
	_ =	sdelay $0x1  }
0x15c: {  	v0 =	vadd.s32 v2, v0;
	_ =	sdelay $0x1  }
0x15d: {  	s18 =	simm.s32 $0x12800  }
0x15e: {  	[tilespmem:s18], [sflag:$0x2] =	stream.indirect_vreg.gather [hbm4b:s9+s2], $0x80, v4, vm0, $0xb8;
	[tilespmem:$0x17800] =	vst v63  }
0x15f: {  	s19 =	simm.s32 $0x13000  }
0x160: {  	[tilespmem:s19], [sflag:$0x2] =	stream.indirect_vreg.gather [hbm4b:s9+s2], $0x80, v0, vm0, $0xb8;
	[tilespmem:$0x17800] =	vst v63  }
0x161: {  	v0 =	vld [tilespmem:$0x71C0];
	_ =	sdelay $0x4  }
0x162: {  	v8 =	vshll.u32 v0, $0x1  }
0x163: {  	v0 =	vand.u32 $0x7, v0;
	v4 =	vand.u32 $0xFFFFFFF0, v8  }
0x164: {  	v0 =	vor.u32 v0, v4  }
0x165: {  	v4 =	vperm.xlane v0, v1;
	_ =	sdelay $0x1  }
0x166: {  	v0 =	vperm.xlane v0, v3;
	v4 =	vadd.s32 v2, v4;
	_ =	sdelay $0x1  }
0x167: {  	v0 =	vadd.s32 v2, v0;
	_ =	sdelay $0x1  }
0x168: {  	s20 =	simm.s32 $0x13800  }
0x169: {  	[tilespmem:s20], [sflag:$0x2] =	stream.indirect_vreg.gather [hbm4b:s9+s2], $0x80, v4, vm0, $0xb8;
	[tilespmem:$0x17800] =	vst v63  }
0x16a: {  	s23 =	simm.s32 $0x14000  }
0x16b: {  	[tilespmem:s23], [sflag:$0x2] =	stream.indirect_vreg.gather [hbm4b:s9+s2], $0x80, v0, vm0, $0xb8;
	[tilespmem:$0x17800] =	vst v63  }
0x16c: {  	v0 =	vld [tilespmem:$0x71D0];
	_ =	sdelay $0x4  }
0x16d: {  	v9 =	vshll.u32 v0, $0x1  }
0x16e: {  	v0 =	vand.u32 $0x7, v0;
	v4 =	vand.u32 $0xFFFFFFF0, v9  }
0x16f: {  	v0 =	vor.u32 v0, v4  }
0x170: {  	v4 =	vperm.xlane v0, v1;
	_ =	sdelay $0x1  }
0x171: {  	v0 =	vperm.xlane v0, v3;
	v4 =	vadd.s32 v2, v4;
	_ =	sdelay $0x1  }
0x172: {  	v0 =	vadd.s32 v2, v0;
	_ =	sdelay $0x1  }
0x173: {  	s26 =	simm.s32 $0x14800  }
0x174: {  	[tilespmem:s26], [sflag:$0x2] =	stream.indirect_vreg.gather [hbm4b:s9+s2], $0x80, v4, vm0, $0xb8;
	[tilespmem:$0x17800] =	vst v63  }
0x175: {  	s28 =	simm.s32 $0x15000  }
0x176: {  	[tilespmem:s28], [sflag:$0x2] =	stream.indirect_vreg.gather [hbm4b:s9+s2], $0x80, v0, vm0, $0xb8;
	[tilespmem:$0x17800] =	vst v63  }
0x177: {  	v0 =	vld [tilespmem:$0x71E0];
	_ =	sdelay $0x4  }
0x178: {  	v10 =	vshll.u32 v0, $0x1  }
0x179: {  	v0 =	vand.u32 $0x7, v0;
	v4 =	vand.u32 $0xFFFFFFF0, v10  }
0x17a: {  	v0 =	vor.u32 v0, v4  }
0x17b: {  	v4 =	vperm.xlane v0, v1;
	_ =	sdelay $0x1  }
0x17c: {  	v0 =	vperm.xlane v0, v3;
	v4 =	vadd.s32 v2, v4;
	_ =	sdelay $0x1  }
0x17d: {  	v0 =	vadd.s32 v2, v0;
	_ =	sdelay $0x1  }
0x17e: {  	s28 =	simm.s32 $0x15800  }
0x17f: {  	[tilespmem:s28], [sflag:$0x2] =	stream.indirect_vreg.gather [hbm4b:s9+s2], $0x80, v4, vm0, $0xb8;
	[tilespmem:$0x17800] =	vst v63  }
0x180: {  	s31 =	simm.s32 $0x16000  }
0x181: {  	[tilespmem:s31], [sflag:$0x2] =	stream.indirect_vreg.gather [hbm4b:s9+s2], $0x80, v0, vm0, $0xb8;
	[tilespmem:$0x17800] =	vst v63  }
0x182: {  	v0 =	vld [tilespmem:$0x71F0];
	_ =	sdelay $0x4  }
0x183: {  	v11 =	vshll.u32 v0, $0x1  }
0x184: {  	v0 =	vand.u32 $0x7, v0;
	v4 =	vand.u32 $0xFFFFFFF0, v11  }
0x185: {  	v0 =	vor.u32 v0, v4  }
0x186: {  	v4 =	vperm.xlane v0, v1;
	_ =	sdelay $0x1  }
0x187: {  	v0 =	vperm.xlane v0, v3;
	v4 =	vadd.s32 v2, v4;
	_ =	sdelay $0x1  }
0x188: {  	v0 =	vadd.s32 v2, v0;
	_ =	sdelay $0x1  }
0x189: {  	s7 =	simm.s32 $0x16800  }
0x18a: {  	[tilespmem:s7], [sflag:$0x2] =	stream.indirect_vreg.gather [hbm4b:s9+s2], $0x80, v4, vm0, $0xb8;
	[tilespmem:$0x17800] =	vst v63  }
0x18b: {  	s26 =	simm.s32 $0x17000  }
0x18c: {  	[tilespmem:s26], [sflag:$0x2] =	stream.indirect_vreg.gather [hbm4b:s9+s2], $0x80, v0, vm0, $0xb8;
	[tilespmem:$0x17800] =	vst v63  }
0x18d: {  	s28 =	rddreg [dreg:$0xa]  }
0x18e: {  	[hbm4b:s28+s2] =	stream.linear.scatter [tilespmem:s22], [sflag:$0x3], $0x8000, $0x38;
	[tilespmem:$0x17800] =	vst v63  }
0x18f: {  	_ =	swait.ge [sflag:s29], $0x8000  }
0x190: {  	[sflag:s29] =	ssyncset.done $0x0  }
0x191: {  	[sflag:s29] =	ssyncadd.s32 $0xFFFF8000  }
0x192: {  	_ =	swait.ge [sflag:s16], $0x8000  }
0x193: {  	[sflag:s16] =	ssyncset.done $0x0  }
0x194: {  	[sflag:s16] =	ssyncadd.s32 $0xFFFF8000  }
0x195: {  	v12 =	vld [tilespmem:$0x7200];
	_ =	sdelay $0x4  }
0x196: {  	v13 =	vshll.u32 v12, $0x1  }
0x197: {  	v0 =	vand.u32 $0x7, v12;
	v4 =	vand.u32 $0xFFFFFFF0, v13  }
0x198: {  	v0 =	vor.u32 v0, v4  }
0x199: {  	v4 =	vperm.xlane v0, v1;
	_ =	sdelay $0x1  }
0x19a: {  	v0 =	vperm.xlane v0, v3;
	v4 =	vadd.s32 v2, v4;
	_ =	sdelay $0x1  }
0x19b: {  	v0 =	vadd.s32 v2, v0;
	_ =	sdelay $0x2  }
0x19c: {  	[tilespmem:s22], [sflag:$0x1] =	stream.indirect_vreg.gather [hbm4b:s9+s2], $0x80, v4, vm0, $0xb8;
	[tilespmem:$0x17800] =	vst v63  }
0x19d: {  	s31 =	simm.s32 $0x8000  }
0x19e: {  	[tilespmem:s31], [sflag:$0x1] =	stream.indirect_vreg.gather [hbm4b:s9+s2], $0x80, v0, vm0, $0xb8;
	[tilespmem:$0x17800] =	vst v63  }
0x19f: {  	v0 =	vld [tilespmem:$0x7210];
	_ =	sdelay $0x4  }
0x1a0: {  	v14 =	vshll.u32 v0, $0x1  }
0x1a1: {  	v0 =	vand.u32 $0x7, v0;
	v4 =	vand.u32 $0xFFFFFFF0, v14  }
0x1a2: {  	v0 =	vor.u32 v0, v4  }
0x1a3: {  	v4 =	vperm.xlane v0, v1;
	_ =	sdelay $0x1  }
0x1a4: {  	v0 =	vperm.xlane v0, v3;
	v4 =	vadd.s32 v2, v4;
	_ =	sdelay $0x1  }
0x1a5: {  	v0 =	vadd.s32 v2, v0;
	_ =	sdelay $0x1  }
0x1a6: {  	s25 =	simm.s32 $0x8800  }
0x1a7: {  	[tilespmem:s25], [sflag:$0x1] =	stream.indirect_vreg.gather [hbm4b:s9+s2], $0x80, v4, vm0, $0xb8;
	[tilespmem:$0x17800] =	vst v63  }
0x1a8: {  	s26 =	simm.s32 $0x9000  }
0x1a9: {  	[tilespmem:s26], [sflag:$0x1] =	stream.indirect_vreg.gather [hbm4b:s9+s2], $0x80, v0, vm0, $0xb8;
	[tilespmem:$0x17800] =	vst v63  }
0x1aa: {  	v0 =	vld [tilespmem:$0x7220];
	_ =	sdelay $0x4  }
0x1ab: {  	v15 =	vshll.u32 v0, $0x1  }
0x1ac: {  	v0 =	vand.u32 $0x7, v0;
	v4 =	vand.u32 $0xFFFFFFF0, v15  }
0x1ad: {  	v0 =	vor.u32 v0, v4  }
0x1ae: {  	v4 =	vperm.xlane v0, v1;
	_ =	sdelay $0x1  }
0x1af: {  	v0 =	vperm.xlane v0, v3;
	v4 =	vadd.s32 v2, v4;
	_ =	sdelay $0x1  }
0x1b0: {  	v0 =	vadd.s32 v2, v0;
	_ =	sdelay $0x1  }
0x1b1: {  	s31 =	simm.s32 $0x9800  }
0x1b2: {  	[tilespmem:s31], [sflag:$0x1] =	stream.indirect_vreg.gather [hbm4b:s9+s2], $0x80, v4, vm0, $0xb8;
	[tilespmem:$0x17800] =	vst v63  }
0x1b3: {  	s25 =	simm.s32 $0xA000  }
0x1b4: {  	[tilespmem:s25], [sflag:$0x1] =	stream.indirect_vreg.gather [hbm4b:s9+s2], $0x80, v0, vm0, $0xb8;
	[tilespmem:$0x17800] =	vst v63  }
0x1b5: {  	v0 =	vld [tilespmem:$0x7230];
	_ =	sdelay $0x4  }
0x1b6: {  	v16 =	vshll.u32 v0, $0x1  }
0x1b7: {  	v0 =	vand.u32 $0x7, v0;
	v4 =	vand.u32 $0xFFFFFFF0, v16  }
0x1b8: {  	v0 =	vor.u32 v0, v4  }
0x1b9: {  	v4 =	vperm.xlane v0, v1;
	_ =	sdelay $0x1  }
0x1ba: {  	v0 =	vperm.xlane v0, v3;
	v4 =	vadd.s32 v2, v4;
	_ =	sdelay $0x1  }
0x1bb: {  	v0 =	vadd.s32 v2, v0;
	_ =	sdelay $0x1  }
0x1bc: {  	s26 =	simm.s32 $0xA800  }
0x1bd: {  	[tilespmem:s26], [sflag:$0x1] =	stream.indirect_vreg.gather [hbm4b:s9+s2], $0x80, v4, vm0, $0xb8;
	[tilespmem:$0x17800] =	vst v63  }
0x1be: {  	s25 =	simm.s32 $0xB000  }
0x1bf: {  	[tilespmem:s25], [sflag:$0x1] =	stream.indirect_vreg.gather [hbm4b:s9+s2], $0x80, v0, vm0, $0xb8;
	[tilespmem:$0x17800] =	vst v63  }
0x1c0: {  	v0 =	vld [tilespmem:$0x7240];
	_ =	sdelay $0x4  }
0x1c1: {  	v17 =	vshll.u32 v0, $0x1  }
0x1c2: {  	v0 =	vand.u32 $0x7, v0;
	v4 =	vand.u32 $0xFFFFFFF0, v17  }
0x1c3: {  	v0 =	vor.u32 v0, v4  }
0x1c4: {  	v4 =	vperm.xlane v0, v1;
	_ =	sdelay $0x1  }
0x1c5: {  	v0 =	vperm.xlane v0, v3;
	v4 =	vadd.s32 v2, v4;
	_ =	sdelay $0x1  }
0x1c6: {  	v0 =	vadd.s32 v2, v0;
	_ =	sdelay $0x1  }
0x1c7: {  	s26 =	simm.s32 $0xB800  }
0x1c8: {  	[tilespmem:s26], [sflag:$0x1] =	stream.indirect_vreg.gather [hbm4b:s9+s2], $0x80, v4, vm0, $0xb8;
	[tilespmem:$0x17800] =	vst v63  }
0x1c9: {  	s25 =	simm.s32 $0xC000  }
0x1ca: {  	[tilespmem:s25], [sflag:$0x1] =	stream.indirect_vreg.gather [hbm4b:s9+s2], $0x80, v0, vm0, $0xb8;
	[tilespmem:$0x17800] =	vst v63  }
0x1cb: {  	v0 =	vld [tilespmem:$0x7250];
	_ =	sdelay $0x4  }
0x1cc: {  	v18 =	vshll.u32 v0, $0x1  }
0x1cd: {  	v0 =	vand.u32 $0x7, v0;
	v4 =	vand.u32 $0xFFFFFFF0, v18  }
0x1ce: {  	v0 =	vor.u32 v0, v4  }
0x1cf: {  	v4 =	vperm.xlane v0, v1;
	_ =	sdelay $0x1  }
0x1d0: {  	v0 =	vperm.xlane v0, v3;
	v4 =	vadd.s32 v2, v4;
	_ =	sdelay $0x1  }
0x1d1: {  	v0 =	vadd.s32 v2, v0;
	_ =	sdelay $0x1  }
0x1d2: {  	s26 =	simm.s32 $0xC800  }
0x1d3: {  	[tilespmem:s26], [sflag:$0x1] =	stream.indirect_vreg.gather [hbm4b:s9+s2], $0x80, v4, vm0, $0xb8;
	[tilespmem:$0x17800] =	vst v63  }
0x1d4: {  	s25 =	simm.s32 $0xD000  }
0x1d5: {  	[tilespmem:s25], [sflag:$0x1] =	stream.indirect_vreg.gather [hbm4b:s9+s2], $0x80, v0, vm0, $0xb8;
	[tilespmem:$0x17800] =	vst v63  }
0x1d6: {  	v0 =	vld [tilespmem:$0x7260];
	_ =	sdelay $0x4  }
0x1d7: {  	v19 =	vshll.u32 v0, $0x1  }
0x1d8: {  	v0 =	vand.u32 $0x7, v0;
	v4 =	vand.u32 $0xFFFFFFF0, v19  }
0x1d9: {  	v0 =	vor.u32 v0, v4  }
0x1da: {  	v4 =	vperm.xlane v0, v1;
	_ =	sdelay $0x1  }
0x1db: {  	v0 =	vperm.xlane v0, v3;
	v4 =	vadd.s32 v2, v4;
	_ =	sdelay $0x1  }
0x1dc: {  	v0 =	vadd.s32 v2, v0;
	_ =	sdelay $0x1  }
0x1dd: {  	s26 =	simm.s32 $0xD800  }
0x1de: {  	[tilespmem:s26], [sflag:$0x1] =	stream.indirect_vreg.gather [hbm4b:s9+s2], $0x80, v4, vm0, $0xb8;
	[tilespmem:$0x17800] =	vst v63  }
0x1df: {  	s25 =	simm.s32 $0xE000  }
0x1e0: {  	[tilespmem:s25], [sflag:$0x1] =	stream.indirect_vreg.gather [hbm4b:s9+s2], $0x80, v0, vm0, $0xb8;
	[tilespmem:$0x17800] =	vst v63  }
0x1e1: {  	v0 =	vld [tilespmem:$0x7270];
	_ =	sdelay $0x4  }
0x1e2: {  	v20 =	vshll.u32 v0, $0x1  }
0x1e3: {  	v0 =	vand.u32 $0x7, v0;
	v4 =	vand.u32 $0xFFFFFFF0, v20  }
0x1e4: {  	v0 =	vor.u32 v0, v4  }
0x1e5: {  	v4 =	vperm.xlane v0, v1;
	_ =	sdelay $0x1  }
0x1e6: {  	v0 =	vperm.xlane v0, v3;
	v4 =	vadd.s32 v2, v4;
	_ =	sdelay $0x1  }
0x1e7: {  	v0 =	vadd.s32 v2, v0;
	_ =	sdelay $0x1  }
0x1e8: {  	s26 =	simm.s32 $0xE800  }
0x1e9: {  	[tilespmem:s26], [sflag:$0x1] =	stream.indirect_vreg.gather [hbm4b:s9+s2], $0x80, v4, vm0, $0xb8;
	[tilespmem:$0x17800] =	vst v63  }
0x1ea: {  	s25 =	simm.s32 $0xF000  }
0x1eb: {  	[tilespmem:s25], [sflag:$0x1] =	stream.indirect_vreg.gather [hbm4b:s9+s2], $0x80, v0, vm0, $0xb8;
	[tilespmem:$0x17800] =	vst v63  }
0x1ec: {  	s26 =	rddreg [dreg:$0xb]  }
0x1ed: {  	[hbm4b:s26+s2] =	stream.linear.scatter [tilespmem:s5], [sflag:$0x3], $0x8000, $0x38;
	[tilespmem:$0x17800] =	vst v63  }
0x1ee: {  	_ =	swait.ge [sflag:s29], $0x8000  }
0x1ef: {  	[sflag:s29] =	ssyncset.done $0x0  }
0x1f0: {  	[sflag:s29] =	ssyncadd.s32 $0xFFFF8000  }
0x1f1: {  	_ =	swait.ge [sflag:s21], $0x8000  }
0x1f2: {  	[sflag:s21] =	ssyncset.done $0x0  }
0x1f3: {  	[sflag:s21] =	ssyncadd.s32 $0xFFFF8000  }
0x1f4: {  	v21 =	vld [tilespmem:$0x7280];
	_ =	sdelay $0x4  }
0x1f5: {  	v22 =	vshll.u32 v21, $0x1  }
0x1f6: {  	v0 =	vand.u32 $0x7, v21;
	v4 =	vand.u32 $0xFFFFFFF0, v22  }
0x1f7: {  	v0 =	vor.u32 v0, v4  }
0x1f8: {  	v4 =	vperm.xlane v0, v1;
	_ =	sdelay $0x1  }
0x1f9: {  	v0 =	vperm.xlane v0, v3;
	v4 =	vadd.s32 v2, v4;
	_ =	sdelay $0x1  }
0x1fa: {  	v0 =	vadd.s32 v2, v0;
	_ =	sdelay $0x2  }
0x1fb: {  	[tilespmem:s5], [sflag:$0x2] =	stream.indirect_vreg.gather [hbm4b:s9+s2], $0x80, v4, vm0, $0xb8;
	[tilespmem:$0x17800] =	vst v63  }
0x1fc: {  	s8 =	simm.s32 $0x10000  }
0x1fd: {  	[tilespmem:s8], [sflag:$0x2] =	stream.indirect_vreg.gather [hbm4b:s9+s2], $0x80, v0, vm0, $0xb8;
	[tilespmem:$0x17800] =	vst v63  }
0x1fe: {  	v0 =	vld [tilespmem:$0x7290];
	_ =	sdelay $0x4  }
0x1ff: {  	v23 =	vshll.u32 v0, $0x1  }
0x200: {  	v0 =	vand.u32 $0x7, v0;
	v4 =	vand.u32 $0xFFFFFFF0, v23  }
0x201: {  	v0 =	vor.u32 v0, v4  }
0x202: {  	v4 =	vperm.xlane v0, v1;
	_ =	sdelay $0x1  }
0x203: {  	v0 =	vperm.xlane v0, v3;
	v4 =	vadd.s32 v2, v4;
	_ =	sdelay $0x1  }
0x204: {  	v0 =	vadd.s32 v2, v0;
	_ =	sdelay $0x1  }
0x205: {  	s6 =	simm.s32 $0x10800  }
0x206: {  	[tilespmem:s6], [sflag:$0x2] =	stream.indirect_vreg.gather [hbm4b:s9+s2], $0x80, v4, vm0, $0xb8;
	[tilespmem:$0x17800] =	vst v63  }
0x207: {  	s11 =	simm.s32 $0x11000  }
0x208: {  	[tilespmem:s11], [sflag:$0x2] =	stream.indirect_vreg.gather [hbm4b:s9+s2], $0x80, v0, vm0, $0xb8;
	[tilespmem:$0x17800] =	vst v63  }
0x209: {  	v0 =	vld [tilespmem:$0x72A0];
	_ =	sdelay $0x4  }
0x20a: {  	v24 =	vshll.u32 v0, $0x1  }
0x20b: {  	v0 =	vand.u32 $0x7, v0;
	v4 =	vand.u32 $0xFFFFFFF0, v24  }
0x20c: {  	v0 =	vor.u32 v0, v4  }
0x20d: {  	v4 =	vperm.xlane v0, v1;
	_ =	sdelay $0x1  }
0x20e: {  	v0 =	vperm.xlane v0, v3;
	v4 =	vadd.s32 v2, v4;
	_ =	sdelay $0x1  }
0x20f: {  	v0 =	vadd.s32 v2, v0;
	_ =	sdelay $0x1  }
0x210: {  	s13 =	simm.s32 $0x11800  }
0x211: {  	[tilespmem:s13], [sflag:$0x2] =	stream.indirect_vreg.gather [hbm4b:s9+s2], $0x80, v4, vm0, $0xb8;
	[tilespmem:$0x17800] =	vst v63  }
0x212: {  	s15 =	simm.s32 $0x12000  }
0x213: {  	[tilespmem:s15], [sflag:$0x2] =	stream.indirect_vreg.gather [hbm4b:s9+s2], $0x80, v0, vm0, $0xb8;
	[tilespmem:$0x17800] =	vst v63  }
0x214: {  	v0 =	vld [tilespmem:$0x72B0];
	_ =	sdelay $0x4  }
0x215: {  	v25 =	vshll.u32 v0, $0x1  }
0x216: {  	v0 =	vand.u32 $0x7, v0;
	v4 =	vand.u32 $0xFFFFFFF0, v25  }
0x217: {  	v0 =	vor.u32 v0, v4  }
0x218: {  	v4 =	vperm.xlane v0, v1;
	_ =	sdelay $0x1  }
0x219: {  	v0 =	vperm.xlane v0, v3;
	v4 =	vadd.s32 v2, v4;
	_ =	sdelay $0x1  }
0x21a: {  	v0 =	vadd.s32 v2, v0;
	_ =	sdelay $0x1  }
0x21b: {  	s14 =	simm.s32 $0x12800  }
0x21c: {  	[tilespmem:s14], [sflag:$0x2] =	stream.indirect_vreg.gather [hbm4b:s9+s2], $0x80, v4, vm0, $0xb8;
	[tilespmem:$0x17800] =	vst v63  }
0x21d: {  	s24 =	simm.s32 $0x13000  }
0x21e: {  	[tilespmem:s24], [sflag:$0x2] =	stream.indirect_vreg.gather [hbm4b:s9+s2], $0x80, v0, vm0, $0xb8;
	[tilespmem:$0x17800] =	vst v63  }
0x21f: {  	v0 =	vld [tilespmem:$0x72C0];
	_ =	sdelay $0x4  }
0x220: {  	v26 =	vshll.u32 v0, $0x1  }
0x221: {  	v0 =	vand.u32 $0x7, v0;
	v4 =	vand.u32 $0xFFFFFFF0, v26  }
0x222: {  	v0 =	vor.u32 v0, v4  }
0x223: {  	v4 =	vperm.xlane v0, v1;
	_ =	sdelay $0x1  }
0x224: {  	v0 =	vperm.xlane v0, v3;
	v4 =	vadd.s32 v2, v4;
	_ =	sdelay $0x1  }
0x225: {  	v0 =	vadd.s32 v2, v0;
	_ =	sdelay $0x1  }
0x226: {  	s18 =	simm.s32 $0x13800  }
0x227: {  	[tilespmem:s18], [sflag:$0x2] =	stream.indirect_vreg.gather [hbm4b:s9+s2], $0x80, v4, vm0, $0xb8;
	[tilespmem:$0x17800] =	vst v63  }
0x228: {  	s17 =	simm.s32 $0x14000  }
0x229: {  	[tilespmem:s17], [sflag:$0x2] =	stream.indirect_vreg.gather [hbm4b:s9+s2], $0x80, v0, vm0, $0xb8;
	[tilespmem:$0x17800] =	vst v63  }
0x22a: {  	v0 =	vld [tilespmem:$0x72D0];
	_ =	sdelay $0x4  }
0x22b: {  	v27 =	vshll.u32 v0, $0x1  }
0x22c: {  	v0 =	vand.u32 $0x7, v0;
	v4 =	vand.u32 $0xFFFFFFF0, v27  }
0x22d: {  	v0 =	vor.u32 v0, v4  }
0x22e: {  	v4 =	vperm.xlane v0, v1;
	_ =	sdelay $0x1  }
0x22f: {  	v0 =	vperm.xlane v0, v3;
	v4 =	vadd.s32 v2, v4;
	_ =	sdelay $0x1  }
0x230: {  	v0 =	vadd.s32 v2, v0;
	_ =	sdelay $0x1  }
0x231: {  	s23 =	simm.s32 $0x14800  }
0x232: {  	[tilespmem:s23], [sflag:$0x2] =	stream.indirect_vreg.gather [hbm4b:s9+s2], $0x80, v4, vm0, $0xb8;
	[tilespmem:$0x17800] =	vst v63  }
0x233: {  	s19 =	simm.s32 $0x15000  }
0x234: {  	[tilespmem:s19], [sflag:$0x2] =	stream.indirect_vreg.gather [hbm4b:s9+s2], $0x80, v0, vm0, $0xb8;
	[tilespmem:$0x17800] =	vst v63  }
0x235: {  	v0 =	vld [tilespmem:$0x72E0];
	_ =	sdelay $0x4  }
0x236: {  	v28 =	vshll.u32 v0, $0x1  }
0x237: {  	v0 =	vand.u32 $0x7, v0;
	v4 =	vand.u32 $0xFFFFFFF0, v28  }
0x238: {  	v0 =	vor.u32 v0, v4  }
0x239: {  	v4 =	vperm.xlane v0, v1;
	_ =	sdelay $0x1  }
0x23a: {  	v0 =	vperm.xlane v0, v3;
	v4 =	vadd.s32 v2, v4;
	_ =	sdelay $0x1  }
0x23b: {  	v0 =	vadd.s32 v2, v0;
	_ =	sdelay $0x1  }
0x23c: {  	s20 =	simm.s32 $0x15800  }
0x23d: {  	[tilespmem:s20], [sflag:$0x2] =	stream.indirect_vreg.gather [hbm4b:s9+s2], $0x80, v4, vm0, $0xb8;
	[tilespmem:$0x17800] =	vst v63  }
0x23e: {  	s12 =	simm.s32 $0x16000  }
0x23f: {  	[tilespmem:s12], [sflag:$0x2] =	stream.indirect_vreg.gather [hbm4b:s9+s2], $0x80, v0, vm0, $0xb8;
	[tilespmem:$0x17800] =	vst v63  }
0x240: {  	v0 =	vld [tilespmem:$0x72F0];
	_ =	sdelay $0x4  }
0x241: {  	v29 =	vshll.u32 v0, $0x1  }
0x242: {  	v0 =	vand.u32 $0x7, v0;
	v4 =	vand.u32 $0xFFFFFFF0, v29  }
0x243: {  	v0 =	vor.u32 v0, v4  }
0x244: {  	v4 =	vperm.xlane v0, v1;
	_ =	sdelay $0x1  }
0x245: {  	v0 =	vperm.xlane v0, v3;
	v4 =	vadd.s32 v2, v4;
	_ =	sdelay $0x1  }
0x246: {  	v0 =	vadd.s32 v2, v0;
	_ =	sdelay $0x1  }
0x247: {  	s7 =	simm.s32 $0x16800  }
0x248: {  	[tilespmem:s7], [sflag:$0x2] =	stream.indirect_vreg.gather [hbm4b:s9+s2], $0x80, v4, vm0, $0xb8;
	[tilespmem:$0x17800] =	vst v63  }
0x249: {  	s24 =	simm.s32 $0x17000  }
0x24a: {  	[tilespmem:s24], [sflag:$0x2] =	stream.indirect_vreg.gather [hbm4b:s9+s2], $0x80, v0, vm0, $0xb8;
	[tilespmem:$0x17800] =	vst v63  }
0x24b: {  	s13 =	rddreg [dreg:$0xc]  }
0x24c: {  	[hbm4b:s13+s2] =	stream.linear.scatter [tilespmem:s22], [sflag:$0x3], $0x8000, $0x38;
	[tilespmem:$0x17800] =	vst v63  }
0x24d: {  	_ =	swait.ge [sflag:s29], $0x8000  }
0x24e: {  	[sflag:s29] =	ssyncset.done $0x0  }
0x24f: {  	[sflag:s29] =	ssyncadd.s32 $0xFFFF8000  }
0x250: {  	_ =	swait.ge [sflag:s16], $0x8000  }
0x251: {  	[sflag:s16] =	ssyncset.done $0x0  }
0x252: {  	[sflag:s16] =	ssyncadd.s32 $0xFFFF8000  }
0x253: {  	v30 =	vld [tilespmem:$0x7300];
	_ =	sdelay $0x4  }
0x254: {  	v31 =	vshll.u32 v30, $0x1  }
0x255: {  	v0 =	vand.u32 $0x7, v30;
	v4 =	vand.u32 $0xFFFFFFF0, v31  }
0x256: {  	v0 =	vor.u32 v0, v4  }
0x257: {  	v4 =	vperm.xlane v0, v1;
	_ =	sdelay $0x1  }
0x258: {  	v0 =	vperm.xlane v0, v3;
	v4 =	vadd.s32 v2, v4;
	_ =	sdelay $0x1  }
0x259: {  	v0 =	vadd.s32 v2, v0;
	_ =	sdelay $0x2  }
0x25a: {  	[tilespmem:s22], [sflag:$0x1] =	stream.indirect_vreg.gather [hbm4b:s9+s2], $0x80, v4, vm0, $0xb8;
	[tilespmem:$0x17800] =	vst v63  }
0x25b: {  	s24 =	simm.s32 $0x8000  }
0x25c: {  	[tilespmem:s24], [sflag:$0x1] =	stream.indirect_vreg.gather [hbm4b:s9+s2], $0x80, v0, vm0, $0xb8;
	[tilespmem:$0x17800] =	vst v63  }
0x25d: {  	v0 =	vld [tilespmem:$0x7310];
	_ =	sdelay $0x4  }
0x25e: {  	v32 =	vshll.u32 v0, $0x1  }
0x25f: {  	v0 =	vand.u32 $0x7, v0;
	v4 =	vand.u32 $0xFFFFFFF0, v32  }
0x260: {  	v0 =	vor.u32 v0, v4  }
0x261: {  	v4 =	vperm.xlane v0, v1;
	_ =	sdelay $0x1  }
0x262: {  	v0 =	vperm.xlane v0, v3;
	v4 =	vadd.s32 v2, v4;
	_ =	sdelay $0x1  }
0x263: {  	v0 =	vadd.s32 v2, v0;
	_ =	sdelay $0x1  }
0x264: {  	s28 =	simm.s32 $0x8800  }
0x265: {  	[tilespmem:s28], [sflag:$0x1] =	stream.indirect_vreg.gather [hbm4b:s9+s2], $0x80, v4, vm0, $0xb8;
	[tilespmem:$0x17800] =	vst v63  }
0x266: {  	s28 =	simm.s32 $0x9000  }
0x267: {  	[tilespmem:s28], [sflag:$0x1] =	stream.indirect_vreg.gather [hbm4b:s9+s2], $0x80, v0, vm0, $0xb8;
	[tilespmem:$0x17800] =	vst v63  }
0x268: {  	v0 =	vld [tilespmem:$0x7320];
	_ =	sdelay $0x4  }
0x269: {  	v33 =	vshll.u32 v0, $0x1  }
0x26a: {  	v0 =	vand.u32 $0x7, v0;
	v4 =	vand.u32 $0xFFFFFFF0, v33  }
0x26b: {  	v0 =	vor.u32 v0, v4  }
0x26c: {  	v4 =	vperm.xlane v0, v1;
	_ =	sdelay $0x1  }
0x26d: {  	v0 =	vperm.xlane v0, v3;
	v4 =	vadd.s32 v2, v4;
	_ =	sdelay $0x1  }
0x26e: {  	v0 =	vadd.s32 v2, v0;
	_ =	sdelay $0x1  }
0x26f: {  	s31 =	simm.s32 $0x9800  }
0x270: {  	[tilespmem:s31], [sflag:$0x1] =	stream.indirect_vreg.gather [hbm4b:s9+s2], $0x80, v4, vm0, $0xb8;
	[tilespmem:$0x17800] =	vst v63  }
0x271: {  	s24 =	simm.s32 $0xA000  }
0x272: {  	[tilespmem:s24], [sflag:$0x1] =	stream.indirect_vreg.gather [hbm4b:s9+s2], $0x80, v0, vm0, $0xb8;
	[tilespmem:$0x17800] =	vst v63  }
0x273: {  	v0 =	vld [tilespmem:$0x7330];
	_ =	sdelay $0x4  }
0x274: {  	v34 =	vshll.u32 v0, $0x1  }
0x275: {  	v0 =	vand.u32 $0x7, v0;
	v4 =	vand.u32 $0xFFFFFFF0, v34  }
0x276: {  	v0 =	vor.u32 v0, v4  }
0x277: {  	v4 =	vperm.xlane v0, v1;
	_ =	sdelay $0x1  }
0x278: {  	v0 =	vperm.xlane v0, v3;
	v4 =	vadd.s32 v2, v4;
	_ =	sdelay $0x1  }
0x279: {  	v0 =	vadd.s32 v2, v0;
	_ =	sdelay $0x1  }
0x27a: {  	s28 =	simm.s32 $0xA800  }
0x27b: {  	[tilespmem:s28], [sflag:$0x1] =	stream.indirect_vreg.gather [hbm4b:s9+s2], $0x80, v4, vm0, $0xb8;
	[tilespmem:$0x17800] =	vst v63  }
0x27c: {  	s24 =	simm.s32 $0xB000  }
0x27d: {  	[tilespmem:s24], [sflag:$0x1] =	stream.indirect_vreg.gather [hbm4b:s9+s2], $0x80, v0, vm0, $0xb8;
	[tilespmem:$0x17800] =	vst v63  }
0x27e: {  	v0 =	vld [tilespmem:$0x7340];
	_ =	sdelay $0x4  }
0x27f: {  	v35 =	vshll.u32 v0, $0x1  }
0x280: {  	v0 =	vand.u32 $0x7, v0;
	v4 =	vand.u32 $0xFFFFFFF0, v35  }
0x281: {  	v0 =	vor.u32 v0, v4  }
0x282: {  	v4 =	vperm.xlane v0, v1;
	_ =	sdelay $0x1  }
0x283: {  	v0 =	vperm.xlane v0, v3;
	v4 =	vadd.s32 v2, v4;
	_ =	sdelay $0x1  }
0x284: {  	v0 =	vadd.s32 v2, v0;
	_ =	sdelay $0x1  }
0x285: {  	s28 =	simm.s32 $0xB800  }
0x286: {  	[tilespmem:s28], [sflag:$0x1] =	stream.indirect_vreg.gather [hbm4b:s9+s2], $0x80, v4, vm0, $0xb8;
	[tilespmem:$0x17800] =	vst v63  }
0x287: {  	s24 =	simm.s32 $0xC000  }
0x288: {  	[tilespmem:s24], [sflag:$0x1] =	stream.indirect_vreg.gather [hbm4b:s9+s2], $0x80, v0, vm0, $0xb8;
	[tilespmem:$0x17800] =	vst v63  }
0x289: {  	v0 =	vld [tilespmem:$0x7350];
	_ =	sdelay $0x4  }
0x28a: {  	v36 =	vshll.u32 v0, $0x1  }
0x28b: {  	v0 =	vand.u32 $0x7, v0;
	v4 =	vand.u32 $0xFFFFFFF0, v36  }
0x28c: {  	v0 =	vor.u32 v0, v4  }
0x28d: {  	v4 =	vperm.xlane v0, v1;
	_ =	sdelay $0x1  }
0x28e: {  	v0 =	vperm.xlane v0, v3;
	v4 =	vadd.s32 v2, v4;
	_ =	sdelay $0x1  }
0x28f: {  	v0 =	vadd.s32 v2, v0;
	_ =	sdelay $0x1  }
0x290: {  	s28 =	simm.s32 $0xC800  }
0x291: {  	[tilespmem:s28], [sflag:$0x1] =	stream.indirect_vreg.gather [hbm4b:s9+s2], $0x80, v4, vm0, $0xb8;
	[tilespmem:$0x17800] =	vst v63  }
0x292: {  	s24 =	simm.s32 $0xD000  }
0x293: {  	[tilespmem:s24], [sflag:$0x1] =	stream.indirect_vreg.gather [hbm4b:s9+s2], $0x80, v0, vm0, $0xb8;
	[tilespmem:$0x17800] =	vst v63  }
0x294: {  	v0 =	vld [tilespmem:$0x7360];
	_ =	sdelay $0x4  }
0x295: {  	v37 =	vshll.u32 v0, $0x1  }
0x296: {  	v0 =	vand.u32 $0x7, v0;
	v4 =	vand.u32 $0xFFFFFFF0, v37  }
0x297: {  	v0 =	vor.u32 v0, v4  }
0x298: {  	v4 =	vperm.xlane v0, v1;
	_ =	sdelay $0x1  }
0x299: {  	v0 =	vperm.xlane v0, v3;
	v4 =	vadd.s32 v2, v4;
	_ =	sdelay $0x1  }
0x29a: {  	v0 =	vadd.s32 v2, v0;
	_ =	sdelay $0x1  }
0x29b: {  	s28 =	simm.s32 $0xD800  }
0x29c: {  	[tilespmem:s28], [sflag:$0x1] =	stream.indirect_vreg.gather [hbm4b:s9+s2], $0x80, v4, vm0, $0xb8;
	[tilespmem:$0x17800] =	vst v63  }
0x29d: {  	s24 =	simm.s32 $0xE000  }
0x29e: {  	[tilespmem:s24], [sflag:$0x1] =	stream.indirect_vreg.gather [hbm4b:s9+s2], $0x80, v0, vm0, $0xb8;
	[tilespmem:$0x17800] =	vst v63  }
0x29f: {  	v0 =	vld [tilespmem:$0x7370];
	_ =	sdelay $0x4  }
0x2a0: {  	v38 =	vshll.u32 v0, $0x1  }
0x2a1: {  	v0 =	vand.u32 $0x7, v0;
	v4 =	vand.u32 $0xFFFFFFF0, v38  }
0x2a2: {  	v0 =	vor.u32 v0, v4  }
0x2a3: {  	v4 =	vperm.xlane v0, v1;
	_ =	sdelay $0x1  }
0x2a4: {  	v0 =	vperm.xlane v0, v3;
	v4 =	vadd.s32 v2, v4;
	_ =	sdelay $0x1  }
0x2a5: {  	v0 =	vadd.s32 v2, v0;
	_ =	sdelay $0x1  }
0x2a6: {  	s28 =	simm.s32 $0xE800  }
0x2a7: {  	[tilespmem:s28], [sflag:$0x1] =	stream.indirect_vreg.gather [hbm4b:s9+s2], $0x80, v4, vm0, $0xb8;
	[tilespmem:$0x17800] =	vst v63  }
0x2a8: {  	s24 =	simm.s32 $0xF000  }
0x2a9: {  	[tilespmem:s24], [sflag:$0x1] =	stream.indirect_vreg.gather [hbm4b:s9+s2], $0x80, v0, vm0, $0xb8;
	[tilespmem:$0x17800] =	vst v63  }
0x2aa: {  	s28 =	rddreg [dreg:$0xd]  }
0x2ab: {  	[hbm4b:s28+s2] =	stream.linear.scatter [tilespmem:s5], [sflag:$0x3], $0x8000, $0x38;
	[tilespmem:$0x17800] =	vst v63  }
0x2ac: {  	_ =	swait.ge [sflag:s29], $0x8000  }
0x2ad: {  	[sflag:s29] =	ssyncset.done $0x0  }
0x2ae: {  	[sflag:s29] =	ssyncadd.s32 $0xFFFF8000  }
0x2af: {  	_ =	swait.ge [sflag:s21], $0x8000  }
0x2b0: {  	[sflag:s21] =	ssyncset.done $0x0  }
0x2b1: {  	[sflag:s21] =	ssyncadd.s32 $0xFFFF8000  }
0x2b2: {  	v39 =	vld [tilespmem:$0x7380];
	_ =	sdelay $0x4  }
0x2b3: {  	v40 =	vshll.u32 v39, $0x1  }
0x2b4: {  	v0 =	vand.u32 $0x7, v39;
	v4 =	vand.u32 $0xFFFFFFF0, v40  }
0x2b5: {  	v0 =	vor.u32 v0, v4  }
0x2b6: {  	v4 =	vperm.xlane v0, v1;
	_ =	sdelay $0x1  }
0x2b7: {  	v0 =	vperm.xlane v0, v3;
	v4 =	vadd.s32 v2, v4;
	_ =	sdelay $0x1  }
0x2b8: {  	v0 =	vadd.s32 v2, v0;
	_ =	sdelay $0x2  }
0x2b9: {  	[tilespmem:s5], [sflag:$0x2] =	stream.indirect_vreg.gather [hbm4b:s9+s2], $0x80, v4, vm0, $0xb8;
	[tilespmem:$0x17800] =	vst v63  }
0x2ba: {  	s25 =	simm.s32 $0x10000  }
0x2bb: {  	[tilespmem:s25], [sflag:$0x2] =	stream.indirect_vreg.gather [hbm4b:s9+s2], $0x80, v0, vm0, $0xb8;
	[tilespmem:$0x17800] =	vst v63  }
0x2bc: {  	v0 =	vld [tilespmem:$0x7390];
	_ =	sdelay $0x4  }
0x2bd: {  	v41 =	vshll.u32 v0, $0x1  }
0x2be: {  	v0 =	vand.u32 $0x7, v0;
	v4 =	vand.u32 $0xFFFFFFF0, v41  }
0x2bf: {  	v0 =	vor.u32 v0, v4  }
0x2c0: {  	v4 =	vperm.xlane v0, v1;
	_ =	sdelay $0x1  }
0x2c1: {  	v0 =	vperm.xlane v0, v3;
	v4 =	vadd.s32 v2, v4;
	_ =	sdelay $0x1  }
0x2c2: {  	v0 =	vadd.s32 v2, v0;
	_ =	sdelay $0x1  }
0x2c3: {  	s26 =	simm.s32 $0x10800  }
0x2c4: {  	[tilespmem:s26], [sflag:$0x2] =	stream.indirect_vreg.gather [hbm4b:s9+s2], $0x80, v4, vm0, $0xb8;
	[tilespmem:$0x17800] =	vst v63  }
0x2c5: {  	s11 =	simm.s32 $0x11000  }
0x2c6: {  	[tilespmem:s11], [sflag:$0x2] =	stream.indirect_vreg.gather [hbm4b:s9+s2], $0x80, v0, vm0, $0xb8;
	[tilespmem:$0x17800] =	vst v63  }
0x2c7: {  	v0 =	vld [tilespmem:$0x73A0];
	_ =	sdelay $0x4  }
0x2c8: {  	v42 =	vshll.u32 v0, $0x1  }
0x2c9: {  	v0 =	vand.u32 $0x7, v0;
	v4 =	vand.u32 $0xFFFFFFF0, v42  }
0x2ca: {  	v0 =	vor.u32 v0, v4  }
0x2cb: {  	v4 =	vperm.xlane v0, v1;
	_ =	sdelay $0x1  }
0x2cc: {  	v0 =	vperm.xlane v0, v3;
	v4 =	vadd.s32 v2, v4;
	_ =	sdelay $0x1  }
0x2cd: {  	v0 =	vadd.s32 v2, v0;
	_ =	sdelay $0x1  }
0x2ce: {  	s6 =	simm.s32 $0x11800  }
0x2cf: {  	[tilespmem:s6], [sflag:$0x2] =	stream.indirect_vreg.gather [hbm4b:s9+s2], $0x80, v4, vm0, $0xb8;
	[tilespmem:$0x17800] =	vst v63  }
0x2d0: {  	s15 =	simm.s32 $0x12000  }
0x2d1: {  	[tilespmem:s15], [sflag:$0x2] =	stream.indirect_vreg.gather [hbm4b:s9+s2], $0x80, v0, vm0, $0xb8;
	[tilespmem:$0x17800] =	vst v63  }
0x2d2: {  	v0 =	vld [tilespmem:$0x73B0];
	_ =	sdelay $0x4  }
0x2d3: {  	v43 =	vshll.u32 v0, $0x1  }
0x2d4: {  	v0 =	vand.u32 $0x7, v0;
	v4 =	vand.u32 $0xFFFFFFF0, v43  }
0x2d5: {  	v0 =	vor.u32 v0, v4  }
0x2d6: {  	v4 =	vperm.xlane v0, v1;
	_ =	sdelay $0x1  }
0x2d7: {  	v0 =	vperm.xlane v0, v3;
	v4 =	vadd.s32 v2, v4;
	_ =	sdelay $0x1  }
0x2d8: {  	v0 =	vadd.s32 v2, v0;
	_ =	sdelay $0x1  }
0x2d9: {  	s8 =	simm.s32 $0x12800  }
0x2da: {  	[tilespmem:s8], [sflag:$0x2] =	stream.indirect_vreg.gather [hbm4b:s9+s2], $0x80, v4, vm0, $0xb8;
	[tilespmem:$0x17800] =	vst v63  }
0x2db: {  	s14 =	simm.s32 $0x13000  }
0x2dc: {  	[tilespmem:s14], [sflag:$0x2] =	stream.indirect_vreg.gather [hbm4b:s9+s2], $0x80, v0, vm0, $0xb8;
	[tilespmem:$0x17800] =	vst v63  }
0x2dd: {  	v0 =	vld [tilespmem:$0x73C0];
	_ =	sdelay $0x4  }
0x2de: {  	v44 =	vshll.u32 v0, $0x1  }
0x2df: {  	v0 =	vand.u32 $0x7, v0;
	v4 =	vand.u32 $0xFFFFFFF0, v44  }
0x2e0: {  	v0 =	vor.u32 v0, v4  }
0x2e1: {  	v4 =	vperm.xlane v0, v1;
	_ =	sdelay $0x1  }
0x2e2: {  	v0 =	vperm.xlane v0, v3;
	v4 =	vadd.s32 v2, v4;
	_ =	sdelay $0x1  }
0x2e3: {  	v0 =	vadd.s32 v2, v0;
	_ =	sdelay $0x1  }
0x2e4: {  	s18 =	simm.s32 $0x13800  }
0x2e5: {  	[tilespmem:s18], [sflag:$0x2] =	stream.indirect_vreg.gather [hbm4b:s9+s2], $0x80, v4, vm0, $0xb8;
	[tilespmem:$0x17800] =	vst v63  }
0x2e6: {  	s17 =	simm.s32 $0x14000  }
0x2e7: {  	[tilespmem:s17], [sflag:$0x2] =	stream.indirect_vreg.gather [hbm4b:s9+s2], $0x80, v0, vm0, $0xb8;
	[tilespmem:$0x17800] =	vst v63  }
0x2e8: {  	v0 =	vld [tilespmem:$0x73D0];
	_ =	sdelay $0x4  }
0x2e9: {  	v45 =	vshll.u32 v0, $0x1  }
0x2ea: {  	v0 =	vand.u32 $0x7, v0;
	v4 =	vand.u32 $0xFFFFFFF0, v45  }
0x2eb: {  	v0 =	vor.u32 v0, v4  }
0x2ec: {  	v4 =	vperm.xlane v0, v1;
	_ =	sdelay $0x1  }
0x2ed: {  	v0 =	vperm.xlane v0, v3;
	v4 =	vadd.s32 v2, v4;
	_ =	sdelay $0x1  }
0x2ee: {  	v0 =	vadd.s32 v2, v0;
	_ =	sdelay $0x1  }
0x2ef: {  	s23 =	simm.s32 $0x14800  }
0x2f0: {  	[tilespmem:s23], [sflag:$0x2] =	stream.indirect_vreg.gather [hbm4b:s9+s2], $0x80, v4, vm0, $0xb8;
	[tilespmem:$0x17800] =	vst v63  }
0x2f1: {  	s19 =	simm.s32 $0x15000  }
0x2f2: {  	[tilespmem:s19], [sflag:$0x2] =	stream.indirect_vreg.gather [hbm4b:s9+s2], $0x80, v0, vm0, $0xb8;
	[tilespmem:$0x17800] =	vst v63  }
0x2f3: {  	v0 =	vld [tilespmem:$0x73E0];
	_ =	sdelay $0x4  }
0x2f4: {  	v46 =	vshll.u32 v0, $0x1  }
0x2f5: {  	v0 =	vand.u32 $0x7, v0;
	v4 =	vand.u32 $0xFFFFFFF0, v46  }
0x2f6: {  	v0 =	vor.u32 v0, v4  }
0x2f7: {  	v4 =	vperm.xlane v0, v1;
	_ =	sdelay $0x1  }
0x2f8: {  	v0 =	vperm.xlane v0, v3;
	v4 =	vadd.s32 v2, v4;
	_ =	sdelay $0x1  }
0x2f9: {  	v0 =	vadd.s32 v2, v0;
	_ =	sdelay $0x1  }
0x2fa: {  	s20 =	simm.s32 $0x15800  }
0x2fb: {  	[tilespmem:s20], [sflag:$0x2] =	stream.indirect_vreg.gather [hbm4b:s9+s2], $0x80, v4, vm0, $0xb8;
	[tilespmem:$0x17800] =	vst v63  }
0x2fc: {  	s12 =	simm.s32 $0x16000  }
0x2fd: {  	[tilespmem:s12], [sflag:$0x2] =	stream.indirect_vreg.gather [hbm4b:s9+s2], $0x80, v0, vm0, $0xb8;
	[tilespmem:$0x17800] =	vst v63  }
0x2fe: {  	v0 =	vld [tilespmem:$0x73F0];
	_ =	sdelay $0x4  }
0x2ff: {  	v47 =	vshll.u32 v0, $0x1  }
0x300: {  	v0 =	vand.u32 $0x7, v0;
	v4 =	vand.u32 $0xFFFFFFF0, v47  }
0x301: {  	v0 =	vor.u32 v0, v4  }
0x302: {  	v4 =	vperm.xlane v0, v1;
	_ =	sdelay $0x1  }
0x303: {  	v0 =	vperm.xlane v0, v3;
	v4 =	vadd.s32 v2, v4;
	_ =	sdelay $0x1  }
0x304: {  	v0 =	vadd.s32 v2, v0;
	_ =	sdelay $0x1  }
0x305: {  	s7 =	simm.s32 $0x16800  }
0x306: {  	[tilespmem:s7], [sflag:$0x2] =	stream.indirect_vreg.gather [hbm4b:s9+s2], $0x80, v4, vm0, $0xb8;
	[tilespmem:$0x17800] =	vst v63  }
0x307: {  	s12 =	simm.s32 $0x17000  }
0x308: {  	[tilespmem:s12], [sflag:$0x2] =	stream.indirect_vreg.gather [hbm4b:s9+s2], $0x80, v0, vm0, $0xb8;
	[tilespmem:$0x17800] =	vst v63  }
0x309: {  	s20 =	rddreg [dreg:$0xe]  }
0x30a: {  	[hbm4b:s20+s2] =	stream.linear.scatter [tilespmem:s22], [sflag:$0x3], $0x8000, $0x38;
	[tilespmem:$0x17800] =	vst v63  }
0x30b: {  	_ =	swait.ge [sflag:s29], $0x8000  }
0x30c: {  	[sflag:s29] =	ssyncset.done $0x0  }
0x30d: {  	[sflag:s29] =	ssyncadd.s32 $0xFFFF8000  }
0x30e: {  	_ =	swait.ge [sflag:s16], $0x8000  }
0x30f: {  	[sflag:s16] =	ssyncset.done $0x0  }
0x310: {  	[sflag:s16] =	ssyncadd.s32 $0xFFFF8000  }
0x311: {  	v48 =	vld [tilespmem:$0x7400];
	_ =	sdelay $0x4  }
0x312: {  	v49 =	vshll.u32 v48, $0x1  }
0x313: {  	v0 =	vand.u32 $0x7, v48;
	v4 =	vand.u32 $0xFFFFFFF0, v49  }
0x314: {  	v0 =	vor.u32 v0, v4  }
0x315: {  	v4 =	vperm.xlane v0, v1;
	_ =	sdelay $0x1  }
0x316: {  	v0 =	vperm.xlane v0, v3;
	v4 =	vadd.s32 v2, v4;
	_ =	sdelay $0x1  }
0x317: {  	v0 =	vadd.s32 v2, v0;
	_ =	sdelay $0x2  }
0x318: {  	[tilespmem:s22], [sflag:$0x1] =	stream.indirect_vreg.gather [hbm4b:s9+s2], $0x80, v4, vm0, $0xb8;
	[tilespmem:$0x17800] =	vst v63  }
0x319: {  	s12 =	simm.s32 $0x8000  }
0x31a: {  	[tilespmem:s12], [sflag:$0x1] =	stream.indirect_vreg.gather [hbm4b:s9+s2], $0x80, v0, vm0, $0xb8;
	[tilespmem:$0x17800] =	vst v63  }
0x31b: {  	v0 =	vld [tilespmem:$0x7410];
	_ =	sdelay $0x4  }
0x31c: {  	v50 =	vshll.u32 v0, $0x1  }
0x31d: {  	v0 =	vand.u32 $0x7, v0;
	v4 =	vand.u32 $0xFFFFFFF0, v50  }
0x31e: {  	v0 =	vor.u32 v0, v4  }
0x31f: {  	v4 =	vperm.xlane v0, v1;
	_ =	sdelay $0x1  }
0x320: {  	v0 =	vperm.xlane v0, v3;
	v4 =	vadd.s32 v2, v4;
	_ =	sdelay $0x1  }
0x321: {  	v0 =	vadd.s32 v2, v0;
	_ =	sdelay $0x1  }
0x322: {  	s13 =	simm.s32 $0x8800  }
0x323: {  	[tilespmem:s13], [sflag:$0x1] =	stream.indirect_vreg.gather [hbm4b:s9+s2], $0x80, v4, vm0, $0xb8;
	[tilespmem:$0x17800] =	vst v63  }
0x324: {  	s13 =	simm.s32 $0x9000  }
0x325: {  	[tilespmem:s13], [sflag:$0x1] =	stream.indirect_vreg.gather [hbm4b:s9+s2], $0x80, v0, vm0, $0xb8;
	[tilespmem:$0x17800] =	vst v63  }
0x326: {  	v0 =	vld [tilespmem:$0x7420];
	_ =	sdelay $0x4  }
0x327: {  	v51 =	vshll.u32 v0, $0x1  }
0x328: {  	v0 =	vand.u32 $0x7, v0;
	v4 =	vand.u32 $0xFFFFFFF0, v51  }
0x329: {  	v0 =	vor.u32 v0, v4  }
0x32a: {  	v4 =	vperm.xlane v0, v1;
	_ =	sdelay $0x1  }
0x32b: {  	v0 =	vperm.xlane v0, v3;
	v4 =	vadd.s32 v2, v4;
	_ =	sdelay $0x1  }
0x32c: {  	v0 =	vadd.s32 v2, v0;
	_ =	sdelay $0x1  }
0x32d: {  	s31 =	simm.s32 $0x9800  }
0x32e: {  	[tilespmem:s31], [sflag:$0x1] =	stream.indirect_vreg.gather [hbm4b:s9+s2], $0x80, v4, vm0, $0xb8;
	[tilespmem:$0x17800] =	vst v63  }
0x32f: {  	s20 =	simm.s32 $0xA000  }
0x330: {  	[tilespmem:s20], [sflag:$0x1] =	stream.indirect_vreg.gather [hbm4b:s9+s2], $0x80, v0, vm0, $0xb8;
	[tilespmem:$0x17800] =	vst v63  }
0x331: {  	v0 =	vld [tilespmem:$0x7430];
	_ =	sdelay $0x4  }
0x332: {  	v52 =	vshll.u32 v0, $0x1  }
0x333: {  	v0 =	vand.u32 $0x7, v0;
	v4 =	vand.u32 $0xFFFFFFF0, v52  }
0x334: {  	v0 =	vor.u32 v0, v4  }
0x335: {  	v4 =	vperm.xlane v0, v1;
	_ =	sdelay $0x1  }
0x336: {  	v0 =	vperm.xlane v0, v3;
	v4 =	vadd.s32 v2, v4;
	_ =	sdelay $0x1  }
0x337: {  	v0 =	vadd.s32 v2, v0;
	_ =	sdelay $0x1  }
0x338: {  	s13 =	simm.s32 $0xA800  }
0x339: {  	[tilespmem:s13], [sflag:$0x1] =	stream.indirect_vreg.gather [hbm4b:s9+s2], $0x80, v4, vm0, $0xb8;
	[tilespmem:$0x17800] =	vst v63  }
0x33a: {  	s20 =	simm.s32 $0xB000  }
0x33b: {  	[tilespmem:s20], [sflag:$0x1] =	stream.indirect_vreg.gather [hbm4b:s9+s2], $0x80, v0, vm0, $0xb8;
	[tilespmem:$0x17800] =	vst v63  }
0x33c: {  	v0 =	vld [tilespmem:$0x7440];
	_ =	sdelay $0x4  }
0x33d: {  	v53 =	vshll.u32 v0, $0x1  }
0x33e: {  	v0 =	vand.u32 $0x7, v0;
	v4 =	vand.u32 $0xFFFFFFF0, v53  }
0x33f: {  	v0 =	vor.u32 v0, v4  }
0x340: {  	v4 =	vperm.xlane v0, v1;
	_ =	sdelay $0x1  }
0x341: {  	v0 =	vperm.xlane v0, v3;
	v4 =	vadd.s32 v2, v4;
	_ =	sdelay $0x1  }
0x342: {  	v0 =	vadd.s32 v2, v0;
	_ =	sdelay $0x1  }
0x343: {  	s13 =	simm.s32 $0xB800  }
0x344: {  	[tilespmem:s13], [sflag:$0x1] =	stream.indirect_vreg.gather [hbm4b:s9+s2], $0x80, v4, vm0, $0xb8;
	[tilespmem:$0x17800] =	vst v63  }
0x345: {  	s20 =	simm.s32 $0xC000  }
0x346: {  	[tilespmem:s20], [sflag:$0x1] =	stream.indirect_vreg.gather [hbm4b:s9+s2], $0x80, v0, vm0, $0xb8;
	[tilespmem:$0x17800] =	vst v63  }
0x347: {  	v0 =	vld [tilespmem:$0x7450];
	_ =	sdelay $0x4  }
0x348: {  	v54 =	vshll.u32 v0, $0x1  }
0x349: {  	v0 =	vand.u32 $0x7, v0;
	v4 =	vand.u32 $0xFFFFFFF0, v54  }
0x34a: {  	v0 =	vor.u32 v0, v4  }
0x34b: {  	v4 =	vperm.xlane v0, v1;
	_ =	sdelay $0x1  }
0x34c: {  	v0 =	vperm.xlane v0, v3;
	v4 =	vadd.s32 v2, v4;
	_ =	sdelay $0x1  }
0x34d: {  	v0 =	vadd.s32 v2, v0;
	_ =	sdelay $0x1  }
0x34e: {  	s13 =	simm.s32 $0xC800  }
0x34f: {  	[tilespmem:s13], [sflag:$0x1] =	stream.indirect_vreg.gather [hbm4b:s9+s2], $0x80, v4, vm0, $0xb8;
	[tilespmem:$0x17800] =	vst v63  }
0x350: {  	s20 =	simm.s32 $0xD000  }
0x351: {  	[tilespmem:s20], [sflag:$0x1] =	stream.indirect_vreg.gather [hbm4b:s9+s2], $0x80, v0, vm0, $0xb8;
	[tilespmem:$0x17800] =	vst v63  }
0x352: {  	v0 =	vld [tilespmem:$0x7460];
	_ =	sdelay $0x4  }
0x353: {  	v55 =	vshll.u32 v0, $0x1  }
0x354: {  	v0 =	vand.u32 $0x7, v0;
	v4 =	vand.u32 $0xFFFFFFF0, v55  }
0x355: {  	v0 =	vor.u32 v0, v4  }
0x356: {  	v4 =	vperm.xlane v0, v1;
	_ =	sdelay $0x1  }
0x357: {  	v0 =	vperm.xlane v0, v3;
	v4 =	vadd.s32 v2, v4;
	_ =	sdelay $0x1  }
0x358: {  	v0 =	vadd.s32 v2, v0;
	_ =	sdelay $0x1  }
0x359: {  	s13 =	simm.s32 $0xD800  }
0x35a: {  	[tilespmem:s13], [sflag:$0x1] =	stream.indirect_vreg.gather [hbm4b:s9+s2], $0x80, v4, vm0, $0xb8;
	[tilespmem:$0x17800] =	vst v63  }
0x35b: {  	s20 =	simm.s32 $0xE000  }
0x35c: {  	[tilespmem:s20], [sflag:$0x1] =	stream.indirect_vreg.gather [hbm4b:s9+s2], $0x80, v0, vm0, $0xb8;
	[tilespmem:$0x17800] =	vst v63  }
0x35d: {  	v0 =	vld [tilespmem:$0x7470];
	_ =	sdelay $0x4  }
0x35e: {  	v56 =	vshll.u32 v0, $0x1  }
0x35f: {  	v0 =	vand.u32 $0x7, v0;
	v4 =	vand.u32 $0xFFFFFFF0, v56  }
0x360: {  	v0 =	vor.u32 v0, v4  }
0x361: {  	v4 =	vperm.xlane v0, v1;
	_ =	sdelay $0x1  }
0x362: {  	v0 =	vperm.xlane v0, v3;
	v4 =	vadd.s32 v2, v4;
	_ =	sdelay $0x1  }
0x363: {  	v0 =	vadd.s32 v2, v0;
	_ =	sdelay $0x1  }
0x364: {  	s13 =	simm.s32 $0xE800  }
0x365: {  	[tilespmem:s13], [sflag:$0x1] =	stream.indirect_vreg.gather [hbm4b:s9+s2], $0x80, v4, vm0, $0xb8;
	[tilespmem:$0x17800] =	vst v63  }
0x366: {  	s20 =	simm.s32 $0xF000  }
0x367: {  	[tilespmem:s20], [sflag:$0x1] =	stream.indirect_vreg.gather [hbm4b:s9+s2], $0x80, v0, vm0, $0xb8;
	[tilespmem:$0x17800] =	vst v63  }
0x368: {  	s13 =	rddreg [dreg:$0xf]  }
0x369: {  	[hbm4b:s13+s2] =	stream.linear.scatter [tilespmem:s5], [sflag:$0x3], $0x8000, $0x38;
	[tilespmem:$0x17800] =	vst v63  }
0x36a: {  	_ =	swait.ge [sflag:s29], $0x8000  }
0x36b: {  	[sflag:s29] =	ssyncset.done $0x0  }
0x36c: {  	[sflag:s29] =	ssyncadd.s32 $0xFFFF8000  }
0x36d: {  	_ =	swait.ge [sflag:s21], $0x8000  }
0x36e: {  	[sflag:s21] =	ssyncset.done $0x0  }
0x36f: {  	[sflag:s21] =	ssyncadd.s32 $0xFFFF8000  }
0x370: {  	v57 =	vld [tilespmem:$0x7480];
	_ =	sdelay $0x4  }
0x371: {  	v58 =	vshll.u32 v57, $0x1  }
0x372: {  	v0 =	vand.u32 $0x7, v57;
	v4 =	vand.u32 $0xFFFFFFF0, v58  }
0x373: {  	v0 =	vor.u32 v0, v4  }
0x374: {  	v4 =	vperm.xlane v0, v1;
	_ =	sdelay $0x1  }
0x375: {  	v0 =	vperm.xlane v0, v3;
	v4 =	vadd.s32 v2, v4;
	_ =	sdelay $0x1  }
0x376: {  	v0 =	vadd.s32 v2, v0;
	_ =	sdelay $0x2  }
0x377: {  	[tilespmem:s5], [sflag:$0x2] =	stream.indirect_vreg.gather [hbm4b:s9+s2], $0x80, v4, vm0, $0xb8;
	[tilespmem:$0x17800] =	vst v63  }
0x378: {  	s28 =	simm.s32 $0x10000  }
0x379: {  	[tilespmem:s28], [sflag:$0x2] =	stream.indirect_vreg.gather [hbm4b:s9+s2], $0x80, v0, vm0, $0xb8;
	[tilespmem:$0x17800] =	vst v63  }
0x37a: {  	v0 =	vld [tilespmem:$0x7490];
	_ =	sdelay $0x4  }
0x37b: {  	v59 =	vshll.u32 v0, $0x1  }
0x37c: {  	v0 =	vand.u32 $0x7, v0;
	v4 =	vand.u32 $0xFFFFFFF0, v59  }
0x37d: {  	v0 =	vor.u32 v0, v4  }
0x37e: {  	v4 =	vperm.xlane v0, v1;
	_ =	sdelay $0x1  }
0x37f: {  	v0 =	vperm.xlane v0, v3;
	v4 =	vadd.s32 v2, v4;
	_ =	sdelay $0x1  }
0x380: {  	v0 =	vadd.s32 v2, v0;
	_ =	sdelay $0x1  }
0x381: {  	s25 =	simm.s32 $0x10800  }
0x382: {  	[tilespmem:s25], [sflag:$0x2] =	stream.indirect_vreg.gather [hbm4b:s9+s2], $0x80, v4, vm0, $0xb8;
	[tilespmem:$0x17800] =	vst v63  }
0x383: {  	s26 =	simm.s32 $0x11000  }
0x384: {  	[tilespmem:s26], [sflag:$0x2] =	stream.indirect_vreg.gather [hbm4b:s9+s2], $0x80, v0, vm0, $0xb8;
	[tilespmem:$0x17800] =	vst v63  }
0x385: {  	v0 =	vld [tilespmem:$0x74A0];
	_ =	sdelay $0x4  }
0x386: {  	v60 =	vshll.u32 v0, $0x1  }
0x387: {  	v0 =	vand.u32 $0x7, v0;
	v4 =	vand.u32 $0xFFFFFFF0, v60  }
0x388: {  	v0 =	vor.u32 v0, v4  }
0x389: {  	v4 =	vperm.xlane v0, v1;
	_ =	sdelay $0x1  }
0x38a: {  	v0 =	vperm.xlane v0, v3;
	v4 =	vadd.s32 v2, v4;
	_ =	sdelay $0x1  }
0x38b: {  	v0 =	vadd.s32 v2, v0;
	_ =	sdelay $0x1  }
0x38c: {  	s6 =	simm.s32 $0x11800  }
0x38d: {  	[tilespmem:s6], [sflag:$0x2] =	stream.indirect_vreg.gather [hbm4b:s9+s2], $0x80, v4, vm0, $0xb8;
	[tilespmem:$0x17800] =	vst v63  }
0x38e: {  	s24 =	simm.s32 $0x12000  }
0x38f: {  	[tilespmem:s24], [sflag:$0x2] =	stream.indirect_vreg.gather [hbm4b:s9+s2], $0x80, v0, vm0, $0xb8;
	[tilespmem:$0x17800] =	vst v63  }
0x390: {  	v0 =	vld [tilespmem:$0x74B0];
	_ =	sdelay $0x4  }
0x391: {  	v61 =	vshll.u32 v0, $0x1  }
0x392: {  	v0 =	vand.u32 $0x7, v0;
	v4 =	vand.u32 $0xFFFFFFF0, v61  }
0x393: {  	v0 =	vor.u32 v0, v4  }
0x394: {  	v4 =	vperm.xlane v0, v1;
	_ =	sdelay $0x1  }
0x395: {  	v0 =	vperm.xlane v0, v3;
	v4 =	vadd.s32 v2, v4;
	_ =	sdelay $0x1  }
0x396: {  	v0 =	vadd.s32 v2, v0;
	_ =	sdelay $0x1  }
0x397: {  	s8 =	simm.s32 $0x12800  }
0x398: {  	[tilespmem:s8], [sflag:$0x2] =	stream.indirect_vreg.gather [hbm4b:s9+s2], $0x80, v4, vm0, $0xb8;
	[tilespmem:$0x17800] =	vst v63  }
0x399: {  	s15 =	simm.s32 $0x13000  }
0x39a: {  	[tilespmem:s15], [sflag:$0x2] =	stream.indirect_vreg.gather [hbm4b:s9+s2], $0x80, v0, vm0, $0xb8;
	[tilespmem:$0x17800] =	vst v63  }
0x39b: {  	v0 =	vld [tilespmem:$0x74C0];
	_ =	sdelay $0x4  }
0x39c: {  	v62 =	vshll.u32 v0, $0x1  }
0x39d: {  	v0 =	vand.u32 $0x7, v0;
	v4 =	vand.u32 $0xFFFFFFF0, v62  }
0x39e: {  	v0 =	vor.u32 v0, v4  }
0x39f: {  	v4 =	vperm.xlane v0, v1;
	_ =	sdelay $0x1  }
0x3a0: {  	v0 =	vperm.xlane v0, v3;
	v4 =	vadd.s32 v2, v4;
	_ =	sdelay $0x1  }
0x3a1: {  	v0 =	vadd.s32 v2, v0;
	_ =	sdelay $0x1  }
0x3a2: {  	s18 =	simm.s32 $0x13800  }
0x3a3: {  	[tilespmem:s18], [sflag:$0x2] =	stream.indirect_vreg.gather [hbm4b:s9+s2], $0x80, v4, vm0, $0xb8;
	[tilespmem:$0x17800] =	vst v63  }
0x3a4: {  	s14 =	simm.s32 $0x14000  }
0x3a5: {  	[tilespmem:s14], [sflag:$0x2] =	stream.indirect_vreg.gather [hbm4b:s9+s2], $0x80, v0, vm0, $0xb8;
	[tilespmem:$0x17800] =	vst v63  }
0x3a6: {  	v0 =	vld [tilespmem:$0x74D0];
	_ =	sdelay $0x4  }
0x3a7: {  	v63 =	vshll.u32 v0, $0x1  }
0x3a8: {  	v0 =	vand.u32 $0x7, v0;
	v4 =	vand.u32 $0xFFFFFFF0, v63  }
0x3a9: {  	v0 =	vor.u32 v0, v4  }
0x3aa: {  	v4 =	vperm.xlane v0, v1;
	_ =	sdelay $0x1  }
0x3ab: {  	v0 =	vperm.xlane v0, v3;
	v4 =	vadd.s32 v2, v4;
	_ =	sdelay $0x1  }
0x3ac: {  	v0 =	vadd.s32 v2, v0;
	_ =	sdelay $0x1  }
0x3ad: {  	s23 =	simm.s32 $0x14800  }
0x3ae: {  	[tilespmem:s23], [sflag:$0x2] =	stream.indirect_vreg.gather [hbm4b:s9+s2], $0x80, v4, vm0, $0xb8;
	[tilespmem:$0x17800] =	vst v63  }
0x3af: {  	s17 =	simm.s32 $0x15000  }
0x3b0: {  	[tilespmem:s17], [sflag:$0x2] =	stream.indirect_vreg.gather [hbm4b:s9+s2], $0x80, v0, vm0, $0xb8;
	[tilespmem:$0x17800] =	vst v63  }
0x3b1: {  	v0 =	vld [tilespmem:$0x74E0];
	_ =	sdelay $0x4  }
0x3b2: {  	v8 =	vshll.u32 v0, $0x1  }
0x3b3: {  	v0 =	vand.u32 $0x7, v0;
	v4 =	vand.u32 $0xFFFFFFF0, v8  }
0x3b4: {  	v0 =	vor.u32 v0, v4  }
0x3b5: {  	v4 =	vperm.xlane v0, v1;
	_ =	sdelay $0x1  }
0x3b6: {  	v0 =	vperm.xlane v0, v3;
	v4 =	vadd.s32 v2, v4;
	_ =	sdelay $0x1  }
0x3b7: {  	v0 =	vadd.s32 v2, v0;
	_ =	sdelay $0x1  }
0x3b8: {  	s19 =	simm.s32 $0x15800  }
0x3b9: {  	[tilespmem:s19], [sflag:$0x2] =	stream.indirect_vreg.gather [hbm4b:s9+s2], $0x80, v4, vm0, $0xb8;
	[tilespmem:$0x17800] =	vst v63  }
0x3ba: {  	s11 =	simm.s32 $0x16000  }
0x3bb: {  	[tilespmem:s11], [sflag:$0x2] =	stream.indirect_vreg.gather [hbm4b:s9+s2], $0x80, v0, vm0, $0xb8;
	[tilespmem:$0x17800] =	vst v63  }
0x3bc: {  	v0 =	vld [tilespmem:$0x74F0];
	_ =	sdelay $0x4  }
0x3bd: {  	v9 =	vshll.u32 v0, $0x1  }
0x3be: {  	v0 =	vand.u32 $0x7, v0;
	v4 =	vand.u32 $0xFFFFFFF0, v9  }
0x3bf: {  	v0 =	vor.u32 v0, v4  }
0x3c0: {  	v4 =	vperm.xlane v0, v1;
	_ =	sdelay $0x1  }
0x3c1: {  	v0 =	vperm.xlane v0, v3;
	v4 =	vadd.s32 v2, v4;
	_ =	sdelay $0x1  }
0x3c2: {  	v0 =	vadd.s32 v2, v0;
	_ =	sdelay $0x1  }
0x3c3: {  	s7 =	simm.s32 $0x16800  }
0x3c4: {  	[tilespmem:s7], [sflag:$0x2] =	stream.indirect_vreg.gather [hbm4b:s9+s2], $0x80, v4, vm0, $0xb8;
	[tilespmem:$0x17800] =	vst v63  }
0x3c5: {  	s19 =	simm.s32 $0x17000  }
0x3c6: {  	[tilespmem:s19], [sflag:$0x2] =	stream.indirect_vreg.gather [hbm4b:s9+s2], $0x80, v0, vm0, $0xb8;
	[tilespmem:$0x17800] =	vst v63  }
0x3c7: {  	s24 =	rddreg [dreg:$0x10]  }
0x3c8: {  	[hbm4b:s24+s2] =	stream.linear.scatter [tilespmem:s22], [sflag:$0x3], $0x8000, $0x38;
	[tilespmem:$0x17800] =	vst v63  }
0x3c9: {  	_ =	swait.ge [sflag:s29], $0x8000  }
0x3ca: {  	[sflag:s29] =	ssyncset.done $0x0  }
0x3cb: {  	[sflag:s29] =	ssyncadd.s32 $0xFFFF8000  }
0x3cc: {  	_ =	swait.ge [sflag:s16], $0x8000  }
0x3cd: {  	[sflag:s16] =	ssyncset.done $0x0  }
0x3ce: {  	[sflag:s16] =	ssyncadd.s32 $0xFFFF8000  }
0x3cf: {  	v10 =	vld [tilespmem:$0x7500];
	_ =	sdelay $0x4  }
0x3d0: {  	v11 =	vshll.u32 v10, $0x1  }
0x3d1: {  	v0 =	vand.u32 $0x7, v10;
	v4 =	vand.u32 $0xFFFFFFF0, v11  }
0x3d2: {  	v0 =	vor.u32 v0, v4  }
0x3d3: {  	v4 =	vperm.xlane v0, v1;
	_ =	sdelay $0x1  }
0x3d4: {  	v0 =	vperm.xlane v0, v3;
	v4 =	vadd.s32 v2, v4;
	_ =	sdelay $0x1  }
0x3d5: {  	v0 =	vadd.s32 v2, v0;
	_ =	sdelay $0x2  }
0x3d6: {  	[tilespmem:s22], [sflag:$0x1] =	stream.indirect_vreg.gather [hbm4b:s9+s2], $0x80, v4, vm0, $0xb8;
	[tilespmem:$0x17800] =	vst v63  }
0x3d7: {  	s19 =	simm.s32 $0x8000  }
0x3d8: {  	[tilespmem:s19], [sflag:$0x1] =	stream.indirect_vreg.gather [hbm4b:s9+s2], $0x80, v0, vm0, $0xb8;
	[tilespmem:$0x17800] =	vst v63  }
0x3d9: {  	v0 =	vld [tilespmem:$0x7510];
	_ =	sdelay $0x4  }
0x3da: {  	v12 =	vshll.u32 v0, $0x1  }
0x3db: {  	v0 =	vand.u32 $0x7, v0;
	v4 =	vand.u32 $0xFFFFFFF0, v12  }
0x3dc: {  	v0 =	vor.u32 v0, v4  }
0x3dd: {  	v4 =	vperm.xlane v0, v1;
	_ =	sdelay $0x1  }
0x3de: {  	v0 =	vperm.xlane v0, v3;
	v4 =	vadd.s32 v2, v4;
	_ =	sdelay $0x1  }
0x3df: {  	v0 =	vadd.s32 v2, v0;
	_ =	sdelay $0x1  }
0x3e0: {  	s12 =	simm.s32 $0x8800  }
0x3e1: {  	[tilespmem:s12], [sflag:$0x1] =	stream.indirect_vreg.gather [hbm4b:s9+s2], $0x80, v4, vm0, $0xb8;
	[tilespmem:$0x17800] =	vst v63  }
0x3e2: {  	s24 =	simm.s32 $0x9000  }
0x3e3: {  	[tilespmem:s24], [sflag:$0x1] =	stream.indirect_vreg.gather [hbm4b:s9+s2], $0x80, v0, vm0, $0xb8;
	[tilespmem:$0x17800] =	vst v63  }
0x3e4: {  	v0 =	vld [tilespmem:$0x7520];
	_ =	sdelay $0x4  }
0x3e5: {  	v13 =	vshll.u32 v0, $0x1  }
0x3e6: {  	v0 =	vand.u32 $0x7, v0;
	v4 =	vand.u32 $0xFFFFFFF0, v13  }
0x3e7: {  	v0 =	vor.u32 v0, v4  }
0x3e8: {  	v4 =	vperm.xlane v0, v1;
	_ =	sdelay $0x1  }
0x3e9: {  	v0 =	vperm.xlane v0, v3;
	v4 =	vadd.s32 v2, v4;
	_ =	sdelay $0x1  }
0x3ea: {  	v0 =	vadd.s32 v2, v0;
	_ =	sdelay $0x1  }
0x3eb: {  	s31 =	simm.s32 $0x9800  }
0x3ec: {  	[tilespmem:s31], [sflag:$0x1] =	stream.indirect_vreg.gather [hbm4b:s9+s2], $0x80, v4, vm0, $0xb8;
	[tilespmem:$0x17800] =	vst v63  }
0x3ed: {  	s31 =	simm.s32 $0xA000  }
0x3ee: {  	[tilespmem:s31], [sflag:$0x1] =	stream.indirect_vreg.gather [hbm4b:s9+s2], $0x80, v0, vm0, $0xb8;
	[tilespmem:$0x17800] =	vst v63  }
0x3ef: {  	v0 =	vld [tilespmem:$0x7530];
	_ =	sdelay $0x4  }
0x3f0: {  	v14 =	vshll.u32 v0, $0x1  }
0x3f1: {  	v0 =	vand.u32 $0x7, v0;
	v4 =	vand.u32 $0xFFFFFFF0, v14  }
0x3f2: {  	v0 =	vor.u32 v0, v4  }
0x3f3: {  	v4 =	vperm.xlane v0, v1;
	_ =	sdelay $0x1  }
0x3f4: {  	v0 =	vperm.xlane v0, v3;
	v4 =	vadd.s32 v2, v4;
	_ =	sdelay $0x1  }
0x3f5: {  	v0 =	vadd.s32 v2, v0;
	_ =	sdelay $0x1  }
0x3f6: {  	s12 =	simm.s32 $0xA800  }
0x3f7: {  	[tilespmem:s12], [sflag:$0x1] =	stream.indirect_vreg.gather [hbm4b:s9+s2], $0x80, v4, vm0, $0xb8;
	[tilespmem:$0x17800] =	vst v63  }
0x3f8: {  	s31 =	simm.s32 $0xB000  }
0x3f9: {  	[tilespmem:s31], [sflag:$0x1] =	stream.indirect_vreg.gather [hbm4b:s9+s2], $0x80, v0, vm0, $0xb8;
	[tilespmem:$0x17800] =	vst v63  }
0x3fa: {  	v0 =	vld [tilespmem:$0x7540];
	_ =	sdelay $0x4  }
0x3fb: {  	v15 =	vshll.u32 v0, $0x1  }
0x3fc: {  	v0 =	vand.u32 $0x7, v0;
	v4 =	vand.u32 $0xFFFFFFF0, v15  }
0x3fd: {  	v0 =	vor.u32 v0, v4  }
0x3fe: {  	v4 =	vperm.xlane v0, v1;
	_ =	sdelay $0x1  }
0x3ff: {  	v0 =	vperm.xlane v0, v3;
	v4 =	vadd.s32 v2, v4;
	_ =	sdelay $0x1  }
0x400: {  	v0 =	vadd.s32 v2, v0;
	_ =	sdelay $0x1  }
0x401: {  	s12 =	simm.s32 $0xB800  }
0x402: {  	[tilespmem:s12], [sflag:$0x1] =	stream.indirect_vreg.gather [hbm4b:s9+s2], $0x80, v4, vm0, $0xb8;
	[tilespmem:$0x17800] =	vst v63  }
0x403: {  	s31 =	simm.s32 $0xC000  }
0x404: {  	[tilespmem:s31], [sflag:$0x1] =	stream.indirect_vreg.gather [hbm4b:s9+s2], $0x80, v0, vm0, $0xb8;
	[tilespmem:$0x17800] =	vst v63  }
0x405: {  	v0 =	vld [tilespmem:$0x7550];
	_ =	sdelay $0x4  }
0x406: {  	v16 =	vshll.u32 v0, $0x1  }
0x407: {  	v0 =	vand.u32 $0x7, v0;
	v4 =	vand.u32 $0xFFFFFFF0, v16  }
0x408: {  	v0 =	vor.u32 v0, v4  }
0x409: {  	v4 =	vperm.xlane v0, v1;
	_ =	sdelay $0x1  }
0x40a: {  	v0 =	vperm.xlane v0, v3;
	v4 =	vadd.s32 v2, v4;
	_ =	sdelay $0x1  }
0x40b: {  	v0 =	vadd.s32 v2, v0;
	_ =	sdelay $0x1  }
0x40c: {  	s12 =	simm.s32 $0xC800  }
0x40d: {  	[tilespmem:s12], [sflag:$0x1] =	stream.indirect_vreg.gather [hbm4b:s9+s2], $0x80, v4, vm0, $0xb8;
	[tilespmem:$0x17800] =	vst v63  }
0x40e: {  	s31 =	simm.s32 $0xD000  }
0x40f: {  	[tilespmem:s31], [sflag:$0x1] =	stream.indirect_vreg.gather [hbm4b:s9+s2], $0x80, v0, vm0, $0xb8;
	[tilespmem:$0x17800] =	vst v63  }
0x410: {  	v0 =	vld [tilespmem:$0x7560];
	_ =	sdelay $0x4  }
0x411: {  	v17 =	vshll.u32 v0, $0x1  }
0x412: {  	v0 =	vand.u32 $0x7, v0;
	v4 =	vand.u32 $0xFFFFFFF0, v17  }
0x413: {  	v0 =	vor.u32 v0, v4  }
0x414: {  	v4 =	vperm.xlane v0, v1;
	_ =	sdelay $0x1  }
0x415: {  	v0 =	vperm.xlane v0, v3;
	v4 =	vadd.s32 v2, v4;
	_ =	sdelay $0x1  }
0x416: {  	v0 =	vadd.s32 v2, v0;
	_ =	sdelay $0x1  }
0x417: {  	s12 =	simm.s32 $0xD800  }
0x418: {  	[tilespmem:s12], [sflag:$0x1] =	stream.indirect_vreg.gather [hbm4b:s9+s2], $0x80, v4, vm0, $0xb8;
	[tilespmem:$0x17800] =	vst v63  }
0x419: {  	s31 =	simm.s32 $0xE000  }
0x41a: {  	[tilespmem:s31], [sflag:$0x1] =	stream.indirect_vreg.gather [hbm4b:s9+s2], $0x80, v0, vm0, $0xb8;
	[tilespmem:$0x17800] =	vst v63  }
0x41b: {  	v0 =	vld [tilespmem:$0x7570];
	_ =	sdelay $0x4  }
0x41c: {  	v18 =	vshll.u32 v0, $0x1  }
0x41d: {  	v0 =	vand.u32 $0x7, v0;
	v4 =	vand.u32 $0xFFFFFFF0, v18  }
0x41e: {  	v0 =	vor.u32 v0, v4  }
0x41f: {  	v4 =	vperm.xlane v0, v1;
	_ =	sdelay $0x1  }
0x420: {  	v0 =	vperm.xlane v0, v3;
	v4 =	vadd.s32 v2, v4;
	_ =	sdelay $0x1  }
0x421: {  	v0 =	vadd.s32 v2, v0;
	_ =	sdelay $0x1  }
0x422: {  	s12 =	simm.s32 $0xE800  }
0x423: {  	[tilespmem:s12], [sflag:$0x1] =	stream.indirect_vreg.gather [hbm4b:s9+s2], $0x80, v4, vm0, $0xb8;
	[tilespmem:$0x17800] =	vst v63  }
0x424: {  	s31 =	simm.s32 $0xF000  }
0x425: {  	[tilespmem:s31], [sflag:$0x1] =	stream.indirect_vreg.gather [hbm4b:s9+s2], $0x80, v0, vm0, $0xb8;
	[tilespmem:$0x17800] =	vst v63  }
0x426: {  	s12 =	rddreg [dreg:$0x11]  }
0x427: {  	[hbm4b:s12+s2] =	stream.linear.scatter [tilespmem:s5], [sflag:$0x3], $0x8000, $0x38;
	[tilespmem:$0x17800] =	vst v63  }
0x428: {  	_ =	swait.ge [sflag:s29], $0x8000  }
0x429: {  	[sflag:s29] =	ssyncset.done $0x0  }
0x42a: {  	[sflag:s29] =	ssyncadd.s32 $0xFFFF8000  }
0x42b: {  	_ =	swait.ge [sflag:s21], $0x8000  }
0x42c: {  	[sflag:s21] =	ssyncset.done $0x0  }
0x42d: {  	[sflag:s21] =	ssyncadd.s32 $0xFFFF8000  }
0x42e: {  	v19 =	vld [tilespmem:$0x7580];
	_ =	sdelay $0x4  }
0x42f: {  	v20 =	vshll.u32 v19, $0x1  }
0x430: {  	v0 =	vand.u32 $0x7, v19;
	v4 =	vand.u32 $0xFFFFFFF0, v20  }
0x431: {  	v0 =	vor.u32 v0, v4  }
0x432: {  	v4 =	vperm.xlane v0, v1;
	_ =	sdelay $0x1  }
0x433: {  	v0 =	vperm.xlane v0, v3;
	v4 =	vadd.s32 v2, v4;
	_ =	sdelay $0x1  }
0x434: {  	v0 =	vadd.s32 v2, v0;
	_ =	sdelay $0x2  }
0x435: {  	[tilespmem:s5], [sflag:$0x2] =	stream.indirect_vreg.gather [hbm4b:s9+s2], $0x80, v4, vm0, $0xb8;
	[tilespmem:$0x17800] =	vst v63  }
0x436: {  	s13 =	simm.s32 $0x10000  }
0x437: {  	[tilespmem:s13], [sflag:$0x2] =	stream.indirect_vreg.gather [hbm4b:s9+s2], $0x80, v0, vm0, $0xb8;
	[tilespmem:$0x17800] =	vst v63  }
0x438: {  	v0 =	vld [tilespmem:$0x7590];
	_ =	sdelay $0x4  }
0x439: {  	v21 =	vshll.u32 v0, $0x1  }
0x43a: {  	v0 =	vand.u32 $0x7, v0;
	v4 =	vand.u32 $0xFFFFFFF0, v21  }
0x43b: {  	v0 =	vor.u32 v0, v4  }
0x43c: {  	v4 =	vperm.xlane v0, v1;
	_ =	sdelay $0x1  }
0x43d: {  	v0 =	vperm.xlane v0, v3;
	v4 =	vadd.s32 v2, v4;
	_ =	sdelay $0x1  }
0x43e: {  	v0 =	vadd.s32 v2, v0;
	_ =	sdelay $0x1  }
0x43f: {  	s28 =	simm.s32 $0x10800  }
0x440: {  	[tilespmem:s28], [sflag:$0x2] =	stream.indirect_vreg.gather [hbm4b:s9+s2], $0x80, v4, vm0, $0xb8;
	[tilespmem:$0x17800] =	vst v63  }
0x441: {  	s25 =	simm.s32 $0x11000  }
0x442: {  	[tilespmem:s25], [sflag:$0x2] =	stream.indirect_vreg.gather [hbm4b:s9+s2], $0x80, v0, vm0, $0xb8;
	[tilespmem:$0x17800] =	vst v63  }
0x443: {  	v0 =	vld [tilespmem:$0x75A0];
	_ =	sdelay $0x4  }
0x444: {  	v22 =	vshll.u32 v0, $0x1  }
0x445: {  	v0 =	vand.u32 $0x7, v0;
	v4 =	vand.u32 $0xFFFFFFF0, v22  }
0x446: {  	v0 =	vor.u32 v0, v4  }
0x447: {  	v4 =	vperm.xlane v0, v1;
	_ =	sdelay $0x1  }
0x448: {  	v0 =	vperm.xlane v0, v3;
	v4 =	vadd.s32 v2, v4;
	_ =	sdelay $0x1  }
0x449: {  	v0 =	vadd.s32 v2, v0;
	_ =	sdelay $0x1  }
0x44a: {  	s6 =	simm.s32 $0x11800  }
0x44b: {  	[tilespmem:s6], [sflag:$0x2] =	stream.indirect_vreg.gather [hbm4b:s9+s2], $0x80, v4, vm0, $0xb8;
	[tilespmem:$0x17800] =	vst v63  }
0x44c: {  	s26 =	simm.s32 $0x12000  }
0x44d: {  	[tilespmem:s26], [sflag:$0x2] =	stream.indirect_vreg.gather [hbm4b:s9+s2], $0x80, v0, vm0, $0xb8;
	[tilespmem:$0x17800] =	vst v63  }
0x44e: {  	v0 =	vld [tilespmem:$0x75B0];
	_ =	sdelay $0x4  }
0x44f: {  	v23 =	vshll.u32 v0, $0x1  }
0x450: {  	v0 =	vand.u32 $0x7, v0;
	v4 =	vand.u32 $0xFFFFFFF0, v23  }
0x451: {  	v0 =	vor.u32 v0, v4  }
0x452: {  	v4 =	vperm.xlane v0, v1;
	_ =	sdelay $0x1  }
0x453: {  	v0 =	vperm.xlane v0, v3;
	v4 =	vadd.s32 v2, v4;
	_ =	sdelay $0x1  }
0x454: {  	v0 =	vadd.s32 v2, v0;
	_ =	sdelay $0x1  }
0x455: {  	s8 =	simm.s32 $0x12800  }
0x456: {  	[tilespmem:s8], [sflag:$0x2] =	stream.indirect_vreg.gather [hbm4b:s9+s2], $0x80, v4, vm0, $0xb8;
	[tilespmem:$0x17800] =	vst v63  }
0x457: {  	s20 =	simm.s32 $0x13000  }
0x458: {  	[tilespmem:s20], [sflag:$0x2] =	stream.indirect_vreg.gather [hbm4b:s9+s2], $0x80, v0, vm0, $0xb8;
	[tilespmem:$0x17800] =	vst v63  }
0x459: {  	v0 =	vld [tilespmem:$0x75C0];
	_ =	sdelay $0x4  }
0x45a: {  	v24 =	vshll.u32 v0, $0x1  }
0x45b: {  	v0 =	vand.u32 $0x7, v0;
	v4 =	vand.u32 $0xFFFFFFF0, v24  }
0x45c: {  	v0 =	vor.u32 v0, v4  }
0x45d: {  	v4 =	vperm.xlane v0, v1;
	_ =	sdelay $0x1  }
0x45e: {  	v0 =	vperm.xlane v0, v3;
	v4 =	vadd.s32 v2, v4;
	_ =	sdelay $0x1  }
0x45f: {  	v0 =	vadd.s32 v2, v0;
	_ =	sdelay $0x1  }
0x460: {  	s15 =	simm.s32 $0x13800  }
0x461: {  	[tilespmem:s15], [sflag:$0x2] =	stream.indirect_vreg.gather [hbm4b:s9+s2], $0x80, v4, vm0, $0xb8;
	[tilespmem:$0x17800] =	vst v63  }
0x462: {  	s14 =	simm.s32 $0x14000  }
0x463: {  	[tilespmem:s14], [sflag:$0x2] =	stream.indirect_vreg.gather [hbm4b:s9+s2], $0x80, v0, vm0, $0xb8;
	[tilespmem:$0x17800] =	vst v63  }
0x464: {  	v0 =	vld [tilespmem:$0x75D0];
	_ =	sdelay $0x4  }
0x465: {  	v25 =	vshll.u32 v0, $0x1  }
0x466: {  	v0 =	vand.u32 $0x7, v0;
	v4 =	vand.u32 $0xFFFFFFF0, v25  }
0x467: {  	v0 =	vor.u32 v0, v4  }
0x468: {  	v4 =	vperm.xlane v0, v1;
	_ =	sdelay $0x1  }
0x469: {  	v0 =	vperm.xlane v0, v3;
	v4 =	vadd.s32 v2, v4;
	_ =	sdelay $0x1  }
0x46a: {  	v0 =	vadd.s32 v2, v0;
	_ =	sdelay $0x1  }
0x46b: {  	s23 =	simm.s32 $0x14800  }
0x46c: {  	[tilespmem:s23], [sflag:$0x2] =	stream.indirect_vreg.gather [hbm4b:s9+s2], $0x80, v4, vm0, $0xb8;
	[tilespmem:$0x17800] =	vst v63  }
0x46d: {  	s17 =	simm.s32 $0x15000  }
0x46e: {  	[tilespmem:s17], [sflag:$0x2] =	stream.indirect_vreg.gather [hbm4b:s9+s2], $0x80, v0, vm0, $0xb8;
	[tilespmem:$0x17800] =	vst v63  }
0x46f: {  	v0 =	vld [tilespmem:$0x75E0];
	_ =	sdelay $0x4  }
0x470: {  	v26 =	vshll.u32 v0, $0x1  }
0x471: {  	v0 =	vand.u32 $0x7, v0;
	v4 =	vand.u32 $0xFFFFFFF0, v26  }
0x472: {  	v0 =	vor.u32 v0, v4  }
0x473: {  	v4 =	vperm.xlane v0, v1;
	_ =	sdelay $0x1  }
0x474: {  	v0 =	vperm.xlane v0, v3;
	v4 =	vadd.s32 v2, v4;
	_ =	sdelay $0x1  }
0x475: {  	v0 =	vadd.s32 v2, v0;
	_ =	sdelay $0x1  }
0x476: {  	s18 =	simm.s32 $0x15800  }
0x477: {  	[tilespmem:s18], [sflag:$0x2] =	stream.indirect_vreg.gather [hbm4b:s9+s2], $0x80, v4, vm0, $0xb8;
	[tilespmem:$0x17800] =	vst v63  }
0x478: {  	s11 =	simm.s32 $0x16000  }
0x479: {  	[tilespmem:s11], [sflag:$0x2] =	stream.indirect_vreg.gather [hbm4b:s9+s2], $0x80, v0, vm0, $0xb8;
	[tilespmem:$0x17800] =	vst v63  }
0x47a: {  	v0 =	vld [tilespmem:$0x75F0];
	_ =	sdelay $0x4  }
0x47b: {  	v27 =	vshll.u32 v0, $0x1  }
0x47c: {  	v0 =	vand.u32 $0x7, v0;
	v4 =	vand.u32 $0xFFFFFFF0, v27  }
0x47d: {  	v0 =	vor.u32 v0, v4  }
0x47e: {  	v4 =	vperm.xlane v0, v1;
	_ =	sdelay $0x1  }
0x47f: {  	v0 =	vperm.xlane v0, v3;
	v4 =	vadd.s32 v2, v4;
	_ =	sdelay $0x1  }
0x480: {  	v0 =	vadd.s32 v2, v0;
	_ =	sdelay $0x1  }
0x481: {  	s7 =	simm.s32 $0x16800  }
0x482: {  	[tilespmem:s7], [sflag:$0x2] =	stream.indirect_vreg.gather [hbm4b:s9+s2], $0x80, v4, vm0, $0xb8;
	[tilespmem:$0x17800] =	vst v63  }
0x483: {  	s18 =	simm.s32 $0x17000  }
0x484: {  	[tilespmem:s18], [sflag:$0x2] =	stream.indirect_vreg.gather [hbm4b:s9+s2], $0x80, v0, vm0, $0xb8;
	[tilespmem:$0x17800] =	vst v63  }
0x485: {  	s23 =	rddreg [dreg:$0x12]  }
0x486: {  	[hbm4b:s23+s2] =	stream.linear.scatter [tilespmem:s22], [sflag:$0x3], $0x8000, $0x38;
	[tilespmem:$0x17800] =	vst v63  }
0x487: {  	_ =	swait.ge [sflag:s29], $0x8000  }
0x488: {  	[sflag:s29] =	ssyncset.done $0x0  }
0x489: {  	[sflag:s29] =	ssyncadd.s32 $0xFFFF8000  }
0x48a: {  	_ =	swait.ge [sflag:s16], $0x8000  }
0x48b: {  	[sflag:s16] =	ssyncset.done $0x0  }
0x48c: {  	[sflag:s16] =	ssyncadd.s32 $0xFFFF8000  }
0x48d: {  	v28 =	vld [tilespmem:$0x7600];
	_ =	sdelay $0x4  }
0x48e: {  	v29 =	vshll.u32 v28, $0x1  }
0x48f: {  	v0 =	vand.u32 $0x7, v28;
	v4 =	vand.u32 $0xFFFFFFF0, v29  }
0x490: {  	v0 =	vor.u32 v0, v4  }
0x491: {  	v4 =	vperm.xlane v0, v1;
	_ =	sdelay $0x1  }
0x492: {  	v0 =	vperm.xlane v0, v3;
	v4 =	vadd.s32 v2, v4;
	_ =	sdelay $0x1  }
0x493: {  	v0 =	vadd.s32 v2, v0;
	_ =	sdelay $0x2  }
0x494: {  	[tilespmem:s22], [sflag:$0x1] =	stream.indirect_vreg.gather [hbm4b:s9+s2], $0x80, v4, vm0, $0xb8;
	[tilespmem:$0x17800] =	vst v63  }
0x495: {  	s7 =	simm.s32 $0x8000  }
0x496: {  	[tilespmem:s7], [sflag:$0x1] =	stream.indirect_vreg.gather [hbm4b:s9+s2], $0x80, v0, vm0, $0xb8;
	[tilespmem:$0x17800] =	vst v63  }
0x497: {  	v0 =	vld [tilespmem:$0x7610];
	_ =	sdelay $0x4  }
0x498: {  	v30 =	vshll.u32 v0, $0x1  }
0x499: {  	v0 =	vand.u32 $0x7, v0;
	v4 =	vand.u32 $0xFFFFFFF0, v30  }
0x49a: {  	v0 =	vor.u32 v0, v4  }
0x49b: {  	v4 =	vperm.xlane v0, v1;
	_ =	sdelay $0x1  }
0x49c: {  	v0 =	vperm.xlane v0, v3;
	v4 =	vadd.s32 v2, v4;
	_ =	sdelay $0x1  }
0x49d: {  	v0 =	vadd.s32 v2, v0;
	_ =	sdelay $0x1  }
0x49e: {  	s19 =	simm.s32 $0x8800  }
0x49f: {  	[tilespmem:s19], [sflag:$0x1] =	stream.indirect_vreg.gather [hbm4b:s9+s2], $0x80, v4, vm0, $0xb8;
	[tilespmem:$0x17800] =	vst v63  }
0x4a0: {  	s11 =	simm.s32 $0x9000  }
0x4a1: {  	[tilespmem:s11], [sflag:$0x1] =	stream.indirect_vreg.gather [hbm4b:s9+s2], $0x80, v0, vm0, $0xb8;
	[tilespmem:$0x17800] =	vst v63  }
0x4a2: {  	v0 =	vld [tilespmem:$0x7620];
	_ =	sdelay $0x4  }
0x4a3: {  	v31 =	vshll.u32 v0, $0x1  }
0x4a4: {  	v0 =	vand.u32 $0x7, v0;
	v4 =	vand.u32 $0xFFFFFFF0, v31  }
0x4a5: {  	v0 =	vor.u32 v0, v4  }
0x4a6: {  	v4 =	vperm.xlane v0, v1;
	_ =	sdelay $0x1  }
0x4a7: {  	v0 =	vperm.xlane v0, v3;
	v4 =	vadd.s32 v2, v4;
	_ =	sdelay $0x1  }
0x4a8: {  	v0 =	vadd.s32 v2, v0;
	_ =	sdelay $0x1  }
0x4a9: {  	s24 =	simm.s32 $0x9800  }
0x4aa: {  	[tilespmem:s24], [sflag:$0x1] =	stream.indirect_vreg.gather [hbm4b:s9+s2], $0x80, v4, vm0, $0xb8;
	[tilespmem:$0x17800] =	vst v63  }
0x4ab: {  	s18 =	simm.s32 $0xA000  }
0x4ac: {  	[tilespmem:s18], [sflag:$0x1] =	stream.indirect_vreg.gather [hbm4b:s9+s2], $0x80, v0, vm0, $0xb8;
	[tilespmem:$0x17800] =	vst v63  }
0x4ad: {  	v0 =	vld [tilespmem:$0x7630];
	_ =	sdelay $0x4  }
0x4ae: {  	v32 =	vshll.u32 v0, $0x1  }
0x4af: {  	v0 =	vand.u32 $0x7, v0;
	v4 =	vand.u32 $0xFFFFFFF0, v32  }
0x4b0: {  	v0 =	vor.u32 v0, v4  }
0x4b1: {  	v4 =	vperm.xlane v0, v1;
	_ =	sdelay $0x1  }
0x4b2: {  	v0 =	vperm.xlane v0, v3;
	v4 =	vadd.s32 v2, v4;
	_ =	sdelay $0x1  }
0x4b3: {  	v0 =	vadd.s32 v2, v0;
	_ =	sdelay $0x1  }
0x4b4: {  	s19 =	simm.s32 $0xA800  }
0x4b5: {  	[tilespmem:s19], [sflag:$0x1] =	stream.indirect_vreg.gather [hbm4b:s9+s2], $0x80, v4, vm0, $0xb8;
	[tilespmem:$0x17800] =	vst v63  }
0x4b6: {  	s23 =	simm.s32 $0xB000  }
0x4b7: {  	[tilespmem:s23], [sflag:$0x1] =	stream.indirect_vreg.gather [hbm4b:s9+s2], $0x80, v0, vm0, $0xb8;
	[tilespmem:$0x17800] =	vst v63  }
0x4b8: {  	v0 =	vld [tilespmem:$0x7640];
	_ =	sdelay $0x4  }
0x4b9: {  	v33 =	vshll.u32 v0, $0x1  }
0x4ba: {  	v0 =	vand.u32 $0x7, v0;
	v4 =	vand.u32 $0xFFFFFFF0, v33  }
0x4bb: {  	v0 =	vor.u32 v0, v4  }
0x4bc: {  	v4 =	vperm.xlane v0, v1;
	_ =	sdelay $0x1  }
0x4bd: {  	v0 =	vperm.xlane v0, v3;
	v4 =	vadd.s32 v2, v4;
	_ =	sdelay $0x1  }
0x4be: {  	v0 =	vadd.s32 v2, v0;
	_ =	sdelay $0x1  }
0x4bf: {  	s24 =	simm.s32 $0xB800  }
0x4c0: {  	[tilespmem:s24], [sflag:$0x1] =	stream.indirect_vreg.gather [hbm4b:s9+s2], $0x80, v4, vm0, $0xb8;
	[tilespmem:$0x17800] =	vst v63  }
0x4c1: {  	s18 =	simm.s32 $0xC000  }
0x4c2: {  	[tilespmem:s18], [sflag:$0x1] =	stream.indirect_vreg.gather [hbm4b:s9+s2], $0x80, v0, vm0, $0xb8;
	[tilespmem:$0x17800] =	vst v63  }
0x4c3: {  	v0 =	vld [tilespmem:$0x7650];
	_ =	sdelay $0x4  }
0x4c4: {  	v34 =	vshll.u32 v0, $0x1  }
0x4c5: {  	v0 =	vand.u32 $0x7, v0;
	v4 =	vand.u32 $0xFFFFFFF0, v34  }
0x4c6: {  	v0 =	vor.u32 v0, v4  }
0x4c7: {  	v4 =	vperm.xlane v0, v1;
	_ =	sdelay $0x1  }
0x4c8: {  	v0 =	vperm.xlane v0, v3;
	v4 =	vadd.s32 v2, v4;
	_ =	sdelay $0x1  }
0x4c9: {  	v0 =	vadd.s32 v2, v0;
	_ =	sdelay $0x1  }
0x4ca: {  	s19 =	simm.s32 $0xC800  }
0x4cb: {  	[tilespmem:s19], [sflag:$0x1] =	stream.indirect_vreg.gather [hbm4b:s9+s2], $0x80, v4, vm0, $0xb8;
	[tilespmem:$0x17800] =	vst v63  }
0x4cc: {  	s23 =	simm.s32 $0xD000  }
0x4cd: {  	[tilespmem:s23], [sflag:$0x1] =	stream.indirect_vreg.gather [hbm4b:s9+s2], $0x80, v0, vm0, $0xb8;
	[tilespmem:$0x17800] =	vst v63  }
0x4ce: {  	v0 =	vld [tilespmem:$0x7660];
	_ =	sdelay $0x4  }
0x4cf: {  	v35 =	vshll.u32 v0, $0x1  }
0x4d0: {  	v0 =	vand.u32 $0x7, v0;
	v4 =	vand.u32 $0xFFFFFFF0, v35  }
0x4d1: {  	v0 =	vor.u32 v0, v4  }
0x4d2: {  	v4 =	vperm.xlane v0, v1;
	_ =	sdelay $0x1  }
0x4d3: {  	v0 =	vperm.xlane v0, v3;
	v4 =	vadd.s32 v2, v4;
	_ =	sdelay $0x1  }
0x4d4: {  	v0 =	vadd.s32 v2, v0;
	_ =	sdelay $0x1  }
0x4d5: {  	s24 =	simm.s32 $0xD800  }
0x4d6: {  	[tilespmem:s24], [sflag:$0x1] =	stream.indirect_vreg.gather [hbm4b:s9+s2], $0x80, v4, vm0, $0xb8;
	[tilespmem:$0x17800] =	vst v63  }
0x4d7: {  	s18 =	simm.s32 $0xE000  }
0x4d8: {  	[tilespmem:s18], [sflag:$0x1] =	stream.indirect_vreg.gather [hbm4b:s9+s2], $0x80, v0, vm0, $0xb8;
	[tilespmem:$0x17800] =	vst v63  }
0x4d9: {  	v0 =	vld [tilespmem:$0x7670];
	_ =	sdelay $0x4  }
0x4da: {  	v36 =	vshll.u32 v0, $0x1  }
0x4db: {  	v0 =	vand.u32 $0x7, v0;
	v4 =	vand.u32 $0xFFFFFFF0, v36  }
0x4dc: {  	v0 =	vor.u32 v0, v4  }
0x4dd: {  	v4 =	vperm.xlane v0, v1;
	_ =	sdelay $0x1  }
0x4de: {  	v0 =	vperm.xlane v0, v3;
	v4 =	vadd.s32 v2, v4;
	_ =	sdelay $0x1  }
0x4df: {  	v0 =	vadd.s32 v2, v0;
	_ =	sdelay $0x1  }
0x4e0: {  	s19 =	simm.s32 $0xE800  }
0x4e1: {  	[tilespmem:s19], [sflag:$0x1] =	stream.indirect_vreg.gather [hbm4b:s9+s2], $0x80, v4, vm0, $0xb8;
	[tilespmem:$0x17800] =	vst v63  }
0x4e2: {  	s23 =	simm.s32 $0xF000  }
0x4e3: {  	[tilespmem:s23], [sflag:$0x1] =	stream.indirect_vreg.gather [hbm4b:s9+s2], $0x80, v0, vm0, $0xb8;
	[tilespmem:$0x17800] =	vst v63  }
0x4e4: {  	s24 =	rddreg [dreg:$0x13]  }
0x4e5: {  	[hbm4b:s24+s2] =	stream.linear.scatter [tilespmem:s5], [sflag:$0x3], $0x8000, $0x38;
	[tilespmem:$0x17800] =	vst v63  }
0x4e6: {  	_ =	swait.ge [sflag:s29], $0x8000  }
0x4e7: {  	[sflag:s29] =	ssyncset.done $0x0  }
0x4e8: {  	[sflag:s29] =	ssyncadd.s32 $0xFFFF8000  }
0x4e9: {  	_ =	swait.ge [sflag:s21], $0x8000  }
0x4ea: {  	[sflag:s21] =	ssyncset.done $0x0  }
0x4eb: {  	[sflag:s21] =	ssyncadd.s32 $0xFFFF8000  }
0x4ec: {  	v37 =	vld [tilespmem:$0x7680];
	_ =	sdelay $0x4  }
0x4ed: {  	v38 =	vshll.u32 v37, $0x1  }
0x4ee: {  	v0 =	vand.u32 $0x7, v37;
	v4 =	vand.u32 $0xFFFFFFF0, v38  }
0x4ef: {  	v0 =	vor.u32 v0, v4  }
0x4f0: {  	v4 =	vperm.xlane v0, v1;
	_ =	sdelay $0x1  }
0x4f1: {  	v0 =	vperm.xlane v0, v3;
	v4 =	vadd.s32 v2, v4;
	_ =	sdelay $0x1  }
0x4f2: {  	v0 =	vadd.s32 v2, v0;
	_ =	sdelay $0x2  }
0x4f3: {  	[tilespmem:s5], [sflag:$0x2] =	stream.indirect_vreg.gather [hbm4b:s9+s2], $0x80, v4, vm0, $0xb8;
	[tilespmem:$0x17800] =	vst v63  }
0x4f4: {  	s12 =	simm.s32 $0x10000  }
0x4f5: {  	[tilespmem:s12], [sflag:$0x2] =	stream.indirect_vreg.gather [hbm4b:s9+s2], $0x80, v0, vm0, $0xb8;
	[tilespmem:$0x17800] =	vst v63  }
0x4f6: {  	v0 =	vld [tilespmem:$0x7690];
	_ =	sdelay $0x4  }
0x4f7: {  	v39 =	vshll.u32 v0, $0x1  }
0x4f8: {  	v0 =	vand.u32 $0x7, v0;
	v4 =	vand.u32 $0xFFFFFFF0, v39  }
0x4f9: {  	v0 =	vor.u32 v0, v4  }
0x4fa: {  	v4 =	vperm.xlane v0, v1;
	_ =	sdelay $0x1  }
0x4fb: {  	v0 =	vperm.xlane v0, v3;
	v4 =	vadd.s32 v2, v4;
	_ =	sdelay $0x1  }
0x4fc: {  	v0 =	vadd.s32 v2, v0;
	_ =	sdelay $0x1  }
0x4fd: {  	s31 =	simm.s32 $0x10800  }
0x4fe: {  	[tilespmem:s31], [sflag:$0x2] =	stream.indirect_vreg.gather [hbm4b:s9+s2], $0x80, v4, vm0, $0xb8;
	[tilespmem:$0x17800] =	vst v63  }
0x4ff: {  	s25 =	simm.s32 $0x11000  }
0x500: {  	[tilespmem:s25], [sflag:$0x2] =	stream.indirect_vreg.gather [hbm4b:s9+s2], $0x80, v0, vm0, $0xb8;
	[tilespmem:$0x17800] =	vst v63  }
0x501: {  	v0 =	vld [tilespmem:$0x76A0];
	_ =	sdelay $0x4  }
0x502: {  	v40 =	vshll.u32 v0, $0x1  }
0x503: {  	v0 =	vand.u32 $0x7, v0;
	v4 =	vand.u32 $0xFFFFFFF0, v40  }
0x504: {  	v0 =	vor.u32 v0, v4  }
0x505: {  	v4 =	vperm.xlane v0, v1;
	_ =	sdelay $0x1  }
0x506: {  	v0 =	vperm.xlane v0, v3;
	v4 =	vadd.s32 v2, v4;
	_ =	sdelay $0x1  }
0x507: {  	v0 =	vadd.s32 v2, v0;
	_ =	sdelay $0x1  }
0x508: {  	s6 =	simm.s32 $0x11800  }
0x509: {  	[tilespmem:s6], [sflag:$0x2] =	stream.indirect_vreg.gather [hbm4b:s9+s2], $0x80, v4, vm0, $0xb8;
	[tilespmem:$0x17800] =	vst v63  }
0x50a: {  	s25 =	simm.s32 $0x12000  }
0x50b: {  	[tilespmem:s25], [sflag:$0x2] =	stream.indirect_vreg.gather [hbm4b:s9+s2], $0x80, v0, vm0, $0xb8;
	[tilespmem:$0x17800] =	vst v63  }
0x50c: {  	v0 =	vld [tilespmem:$0x76B0];
	_ =	sdelay $0x4  }
0x50d: {  	v41 =	vshll.u32 v0, $0x1  }
0x50e: {  	v0 =	vand.u32 $0x7, v0;
	v4 =	vand.u32 $0xFFFFFFF0, v41  }
0x50f: {  	v0 =	vor.u32 v0, v4  }
0x510: {  	v4 =	vperm.xlane v0, v1;
	_ =	sdelay $0x1  }
0x511: {  	v0 =	vperm.xlane v0, v3;
	v4 =	vadd.s32 v2, v4;
	_ =	sdelay $0x1  }
0x512: {  	v0 =	vadd.s32 v2, v0;
	_ =	sdelay $0x1  }
0x513: {  	s8 =	simm.s32 $0x12800  }
0x514: {  	[tilespmem:s8], [sflag:$0x2] =	stream.indirect_vreg.gather [hbm4b:s9+s2], $0x80, v4, vm0, $0xb8;
	[tilespmem:$0x17800] =	vst v63  }
0x515: {  	s26 =	simm.s32 $0x13000  }
0x516: {  	[tilespmem:s26], [sflag:$0x2] =	stream.indirect_vreg.gather [hbm4b:s9+s2], $0x80, v0, vm0, $0xb8;
	[tilespmem:$0x17800] =	vst v63  }
0x517: {  	v0 =	vld [tilespmem:$0x76C0];
	_ =	sdelay $0x4  }
0x518: {  	v42 =	vshll.u32 v0, $0x1  }
0x519: {  	v0 =	vand.u32 $0x7, v0;
	v4 =	vand.u32 $0xFFFFFFF0, v42  }
0x51a: {  	v0 =	vor.u32 v0, v4  }
0x51b: {  	v4 =	vperm.xlane v0, v1;
	_ =	sdelay $0x1  }
0x51c: {  	v0 =	vperm.xlane v0, v3;
	v4 =	vadd.s32 v2, v4;
	_ =	sdelay $0x1  }
0x51d: {  	v0 =	vadd.s32 v2, v0;
	_ =	sdelay $0x1  }
0x51e: {  	s13 =	simm.s32 $0x13800  }
0x51f: {  	[tilespmem:s13], [sflag:$0x2] =	stream.indirect_vreg.gather [hbm4b:s9+s2], $0x80, v4, vm0, $0xb8;
	[tilespmem:$0x17800] =	vst v63  }
0x520: {  	s15 =	simm.s32 $0x14000  }
0x521: {  	[tilespmem:s15], [sflag:$0x2] =	stream.indirect_vreg.gather [hbm4b:s9+s2], $0x80, v0, vm0, $0xb8;
	[tilespmem:$0x17800] =	vst v63  }
0x522: {  	v0 =	vld [tilespmem:$0x76D0];
	_ =	sdelay $0x4  }
0x523: {  	v43 =	vshll.u32 v0, $0x1  }
0x524: {  	v0 =	vand.u32 $0x7, v0;
	v4 =	vand.u32 $0xFFFFFFF0, v43  }
0x525: {  	v0 =	vor.u32 v0, v4  }
0x526: {  	v4 =	vperm.xlane v0, v1;
	_ =	sdelay $0x1  }
0x527: {  	v0 =	vperm.xlane v0, v3;
	v4 =	vadd.s32 v2, v4;
	_ =	sdelay $0x1  }
0x528: {  	v0 =	vadd.s32 v2, v0;
	_ =	sdelay $0x1  }
0x529: {  	s20 =	simm.s32 $0x14800  }
0x52a: {  	[tilespmem:s20], [sflag:$0x2] =	stream.indirect_vreg.gather [hbm4b:s9+s2], $0x80, v4, vm0, $0xb8;
	[tilespmem:$0x17800] =	vst v63  }
0x52b: {  	s14 =	simm.s32 $0x15000  }
0x52c: {  	[tilespmem:s14], [sflag:$0x2] =	stream.indirect_vreg.gather [hbm4b:s9+s2], $0x80, v0, vm0, $0xb8;
	[tilespmem:$0x17800] =	vst v63  }
0x52d: {  	v0 =	vld [tilespmem:$0x76E0];
	_ =	sdelay $0x4  }
0x52e: {  	v44 =	vshll.u32 v0, $0x1  }
0x52f: {  	v0 =	vand.u32 $0x7, v0;
	v4 =	vand.u32 $0xFFFFFFF0, v44  }
0x530: {  	v0 =	vor.u32 v0, v4  }
0x531: {  	v4 =	vperm.xlane v0, v1;
	_ =	sdelay $0x1  }
0x532: {  	v0 =	vperm.xlane v0, v3;
	v4 =	vadd.s32 v2, v4;
	_ =	sdelay $0x1  }
0x533: {  	v0 =	vadd.s32 v2, v0;
	_ =	sdelay $0x1  }
0x534: {  	s17 =	simm.s32 $0x15800  }
0x535: {  	[tilespmem:s17], [sflag:$0x2] =	stream.indirect_vreg.gather [hbm4b:s9+s2], $0x80, v4, vm0, $0xb8;
	[tilespmem:$0x17800] =	vst v63  }
0x536: {  	s28 =	simm.s32 $0x16000  }
0x537: {  	[tilespmem:s28], [sflag:$0x2] =	stream.indirect_vreg.gather [hbm4b:s9+s2], $0x80, v0, vm0, $0xb8;
	[tilespmem:$0x17800] =	vst v63  }
0x538: {  	v0 =	vld [tilespmem:$0x76F0];
	_ =	sdelay $0x4  }
0x539: {  	v45 =	vshll.u32 v0, $0x1  }
0x53a: {  	v0 =	vand.u32 $0x7, v0;
	v4 =	vand.u32 $0xFFFFFFF0, v45  }
0x53b: {  	v0 =	vor.u32 v0, v4  }
0x53c: {  	v4 =	vperm.xlane v0, v1;
	_ =	sdelay $0x1  }
0x53d: {  	v0 =	vperm.xlane v0, v3;
	v4 =	vadd.s32 v2, v4;
	_ =	sdelay $0x1  }
0x53e: {  	v0 =	vadd.s32 v2, v0;
	_ =	sdelay $0x1  }
0x53f: {  	s28 =	simm.s32 $0x16800  }
0x540: {  	[tilespmem:s28], [sflag:$0x2] =	stream.indirect_vreg.gather [hbm4b:s9+s2], $0x80, v4, vm0, $0xb8;
	[tilespmem:$0x17800] =	vst v63  }
0x541: {  	s14 =	simm.s32 $0x17000  }
0x542: {  	[tilespmem:s14], [sflag:$0x2] =	stream.indirect_vreg.gather [hbm4b:s9+s2], $0x80, v0, vm0, $0xb8;
	[tilespmem:$0x17800] =	vst v63  }
0x543: {  	s26 =	rddreg [dreg:$0x14]  }
0x544: {  	[hbm4b:s26+s2] =	stream.linear.scatter [tilespmem:s22], [sflag:$0x3], $0x8000, $0x38;
	[tilespmem:$0x17800] =	vst v63  }
0x545: {  	_ =	swait.ge [sflag:s29], $0x8000  }
0x546: {  	[sflag:s29] =	ssyncset.done $0x0  }
0x547: {  	[sflag:s29] =	ssyncadd.s32 $0xFFFF8000  }
0x548: {  	_ =	swait.ge [sflag:s16], $0x8000  }
0x549: {  	[sflag:s16] =	ssyncset.done $0x0  }
0x54a: {  	[sflag:s16] =	ssyncadd.s32 $0xFFFF8000  }
0x54b: {  	v46 =	vld [tilespmem:$0x7700];
	_ =	sdelay $0x4  }
0x54c: {  	v47 =	vshll.u32 v46, $0x1  }
0x54d: {  	v0 =	vand.u32 $0x7, v46;
	v4 =	vand.u32 $0xFFFFFFF0, v47  }
0x54e: {  	v0 =	vor.u32 v0, v4  }
0x54f: {  	v4 =	vperm.xlane v0, v1;
	_ =	sdelay $0x1  }
0x550: {  	v0 =	vperm.xlane v0, v3;
	v4 =	vadd.s32 v2, v4;
	_ =	sdelay $0x1  }
0x551: {  	v0 =	vadd.s32 v2, v0;
	_ =	sdelay $0x2  }
0x552: {  	[tilespmem:s22], [sflag:$0x1] =	stream.indirect_vreg.gather [hbm4b:s9+s2], $0x80, v4, vm0, $0xb8;
	[tilespmem:$0x17800] =	vst v63  }
0x553: {  	s28 =	simm.s32 $0x8000  }
0x554: {  	[tilespmem:s28], [sflag:$0x1] =	stream.indirect_vreg.gather [hbm4b:s9+s2], $0x80, v0, vm0, $0xb8;
	[tilespmem:$0x17800] =	vst v63  }
0x555: {  	v0 =	vld [tilespmem:$0x7710];
	_ =	sdelay $0x4  }
0x556: {  	v48 =	vshll.u32 v0, $0x1  }
0x557: {  	v0 =	vand.u32 $0x7, v0;
	v4 =	vand.u32 $0xFFFFFFF0, v48  }
0x558: {  	v0 =	vor.u32 v0, v4  }
0x559: {  	v4 =	vperm.xlane v0, v1;
	_ =	sdelay $0x1  }
0x55a: {  	v0 =	vperm.xlane v0, v3;
	v4 =	vadd.s32 v2, v4;
	_ =	sdelay $0x1  }
0x55b: {  	v0 =	vadd.s32 v2, v0;
	_ =	sdelay $0x1  }
0x55c: {  	s7 =	simm.s32 $0x8800  }
0x55d: {  	[tilespmem:s7], [sflag:$0x1] =	stream.indirect_vreg.gather [hbm4b:s9+s2], $0x80, v4, vm0, $0xb8;
	[tilespmem:$0x17800] =	vst v63  }
0x55e: {  	s7 =	simm.s32 $0x9000  }
0x55f: {  	[tilespmem:s7], [sflag:$0x1] =	stream.indirect_vreg.gather [hbm4b:s9+s2], $0x80, v0, vm0, $0xb8;
	[tilespmem:$0x17800] =	vst v63  }
0x560: {  	v0 =	vld [tilespmem:$0x7720];
	_ =	sdelay $0x4  }
0x561: {  	v49 =	vshll.u32 v0, $0x1  }
0x562: {  	v0 =	vand.u32 $0x7, v0;
	v4 =	vand.u32 $0xFFFFFFF0, v49  }
0x563: {  	v0 =	vor.u32 v0, v4  }
0x564: {  	v4 =	vperm.xlane v0, v1;
	_ =	sdelay $0x1  }
0x565: {  	v0 =	vperm.xlane v0, v3;
	v4 =	vadd.s32 v2, v4;
	_ =	sdelay $0x1  }
0x566: {  	v0 =	vadd.s32 v2, v0;
	_ =	sdelay $0x1  }
0x567: {  	s11 =	simm.s32 $0x9800  }
0x568: {  	[tilespmem:s11], [sflag:$0x1] =	stream.indirect_vreg.gather [hbm4b:s9+s2], $0x80, v4, vm0, $0xb8;
	[tilespmem:$0x17800] =	vst v63  }
0x569: {  	s26 =	simm.s32 $0xA000  }
0x56a: {  	[tilespmem:s26], [sflag:$0x1] =	stream.indirect_vreg.gather [hbm4b:s9+s2], $0x80, v0, vm0, $0xb8;
	[tilespmem:$0x17800] =	vst v63  }
0x56b: {  	v0 =	vld [tilespmem:$0x7730];
	_ =	sdelay $0x4  }
0x56c: {  	v50 =	vshll.u32 v0, $0x1  }
0x56d: {  	v0 =	vand.u32 $0x7, v0;
	v4 =	vand.u32 $0xFFFFFFF0, v50  }
0x56e: {  	v0 =	vor.u32 v0, v4  }
0x56f: {  	v4 =	vperm.xlane v0, v1;
	_ =	sdelay $0x1  }
0x570: {  	v0 =	vperm.xlane v0, v3;
	v4 =	vadd.s32 v2, v4;
	_ =	sdelay $0x1  }
0x571: {  	v0 =	vadd.s32 v2, v0;
	_ =	sdelay $0x1  }
0x572: {  	s28 =	simm.s32 $0xA800  }
0x573: {  	[tilespmem:s28], [sflag:$0x1] =	stream.indirect_vreg.gather [hbm4b:s9+s2], $0x80, v4, vm0, $0xb8;
	[tilespmem:$0x17800] =	vst v63  }
0x574: {  	s7 =	simm.s32 $0xB000  }
0x575: {  	[tilespmem:s7], [sflag:$0x1] =	stream.indirect_vreg.gather [hbm4b:s9+s2], $0x80, v0, vm0, $0xb8;
	[tilespmem:$0x17800] =	vst v63  }
0x576: {  	v0 =	vld [tilespmem:$0x7740];
	_ =	sdelay $0x4  }
0x577: {  	v51 =	vshll.u32 v0, $0x1  }
0x578: {  	v0 =	vand.u32 $0x7, v0;
	v4 =	vand.u32 $0xFFFFFFF0, v51  }
0x579: {  	v0 =	vor.u32 v0, v4  }
0x57a: {  	v4 =	vperm.xlane v0, v1;
	_ =	sdelay $0x1  }
0x57b: {  	v0 =	vperm.xlane v0, v3;
	v4 =	vadd.s32 v2, v4;
	_ =	sdelay $0x1  }
0x57c: {  	v0 =	vadd.s32 v2, v0;
	_ =	sdelay $0x1  }
0x57d: {  	s11 =	simm.s32 $0xB800  }
0x57e: {  	[tilespmem:s11], [sflag:$0x1] =	stream.indirect_vreg.gather [hbm4b:s9+s2], $0x80, v4, vm0, $0xb8;
	[tilespmem:$0x17800] =	vst v63  }
0x57f: {  	s26 =	simm.s32 $0xC000  }
0x580: {  	[tilespmem:s26], [sflag:$0x1] =	stream.indirect_vreg.gather [hbm4b:s9+s2], $0x80, v0, vm0, $0xb8;
	[tilespmem:$0x17800] =	vst v63  }
0x581: {  	v0 =	vld [tilespmem:$0x7750];
	_ =	sdelay $0x4  }
0x582: {  	v52 =	vshll.u32 v0, $0x1  }
0x583: {  	v0 =	vand.u32 $0x7, v0;
	v4 =	vand.u32 $0xFFFFFFF0, v52  }
0x584: {  	v0 =	vor.u32 v0, v4  }
0x585: {  	v4 =	vperm.xlane v0, v1;
	_ =	sdelay $0x1  }
0x586: {  	v0 =	vperm.xlane v0, v3;
	v4 =	vadd.s32 v2, v4;
	_ =	sdelay $0x1  }
0x587: {  	v0 =	vadd.s32 v2, v0;
	_ =	sdelay $0x1  }
0x588: {  	s28 =	simm.s32 $0xC800  }
0x589: {  	[tilespmem:s28], [sflag:$0x1] =	stream.indirect_vreg.gather [hbm4b:s9+s2], $0x80, v4, vm0, $0xb8;
	[tilespmem:$0x17800] =	vst v63  }
0x58a: {  	s7 =	simm.s32 $0xD000  }
0x58b: {  	[tilespmem:s7], [sflag:$0x1] =	stream.indirect_vreg.gather [hbm4b:s9+s2], $0x80, v0, vm0, $0xb8;
	[tilespmem:$0x17800] =	vst v63  }
0x58c: {  	v0 =	vld [tilespmem:$0x7760];
	_ =	sdelay $0x4  }
0x58d: {  	v53 =	vshll.u32 v0, $0x1  }
0x58e: {  	v0 =	vand.u32 $0x7, v0;
	v4 =	vand.u32 $0xFFFFFFF0, v53  }
0x58f: {  	v0 =	vor.u32 v0, v4  }
0x590: {  	v4 =	vperm.xlane v0, v1;
	_ =	sdelay $0x1  }
0x591: {  	v0 =	vperm.xlane v0, v3;
	v4 =	vadd.s32 v2, v4;
	_ =	sdelay $0x1  }
0x592: {  	v0 =	vadd.s32 v2, v0;
	_ =	sdelay $0x1  }
0x593: {  	s11 =	simm.s32 $0xD800  }
0x594: {  	[tilespmem:s11], [sflag:$0x1] =	stream.indirect_vreg.gather [hbm4b:s9+s2], $0x80, v4, vm0, $0xb8;
	[tilespmem:$0x17800] =	vst v63  }
0x595: {  	s26 =	simm.s32 $0xE000  }
0x596: {  	[tilespmem:s26], [sflag:$0x1] =	stream.indirect_vreg.gather [hbm4b:s9+s2], $0x80, v0, vm0, $0xb8;
	[tilespmem:$0x17800] =	vst v63  }
0x597: {  	v0 =	vld [tilespmem:$0x7770];
	_ =	sdelay $0x4  }
0x598: {  	v54 =	vshll.u32 v0, $0x1  }
0x599: {  	v0 =	vand.u32 $0x7, v0;
	v4 =	vand.u32 $0xFFFFFFF0, v54  }
0x59a: {  	v0 =	vor.u32 v0, v4  }
0x59b: {  	v4 =	vperm.xlane v0, v1;
	_ =	sdelay $0x1  }
0x59c: {  	v0 =	vperm.xlane v0, v3;
	v4 =	vadd.s32 v2, v4;
	_ =	sdelay $0x1  }
0x59d: {  	v0 =	vadd.s32 v2, v0;
	_ =	sdelay $0x1  }
0x59e: {  	s28 =	simm.s32 $0xE800  }
0x59f: {  	[tilespmem:s28], [sflag:$0x1] =	stream.indirect_vreg.gather [hbm4b:s9+s2], $0x80, v4, vm0, $0xb8;
	[tilespmem:$0x17800] =	vst v63  }
0x5a0: {  	s7 =	simm.s32 $0xF000  }
0x5a1: {  	[tilespmem:s7], [sflag:$0x1] =	stream.indirect_vreg.gather [hbm4b:s9+s2], $0x80, v0, vm0, $0xb8;
	[tilespmem:$0x17800] =	vst v63  }
0x5a2: {  	s11 =	rddreg [dreg:$0x15]  }
0x5a3: {  	[hbm4b:s11+s2] =	stream.linear.scatter [tilespmem:s5], [sflag:$0x3], $0x8000, $0x38;
	[tilespmem:$0x17800] =	vst v63  }
0x5a4: {  	_ =	swait.ge [sflag:s29], $0x8000  }
0x5a5: {  	[sflag:s29] =	ssyncset.done $0x0  }
0x5a6: {  	[sflag:s29] =	ssyncadd.s32 $0xFFFF8000  }
0x5a7: {  	_ =	swait.ge [sflag:s21], $0x8000  }
0x5a8: {  	[sflag:s21] =	ssyncset.done $0x0  }
0x5a9: {  	[sflag:s21] =	ssyncadd.s32 $0xFFFF8000  }
0x5aa: {  	v55 =	vld [tilespmem:$0x7780];
	_ =	sdelay $0x4  }
0x5ab: {  	v56 =	vshll.u32 v55, $0x1  }
0x5ac: {  	v0 =	vand.u32 $0x7, v55;
	v4 =	vand.u32 $0xFFFFFFF0, v56  }
0x5ad: {  	v0 =	vor.u32 v0, v4  }
0x5ae: {  	v4 =	vperm.xlane v0, v1;
	_ =	sdelay $0x1  }
0x5af: {  	v0 =	vperm.xlane v0, v3;
	v4 =	vadd.s32 v2, v4;
	_ =	sdelay $0x1  }
0x5b0: {  	v0 =	vadd.s32 v2, v0;
	_ =	sdelay $0x2  }
0x5b1: {  	[tilespmem:s5], [sflag:$0x2] =	stream.indirect_vreg.gather [hbm4b:s9+s2], $0x80, v4, vm0, $0xb8;
	[tilespmem:$0x17800] =	vst v63  }
0x5b2: {  	s19 =	simm.s32 $0x10000  }
0x5b3: {  	[tilespmem:s19], [sflag:$0x2] =	stream.indirect_vreg.gather [hbm4b:s9+s2], $0x80, v0, vm0, $0xb8;
	[tilespmem:$0x17800] =	vst v63  }
0x5b4: {  	v0 =	vld [tilespmem:$0x7790];
	_ =	sdelay $0x4  }
0x5b5: {  	v57 =	vshll.u32 v0, $0x1  }
0x5b6: {  	v0 =	vand.u32 $0x7, v0;
	v4 =	vand.u32 $0xFFFFFFF0, v57  }
0x5b7: {  	v0 =	vor.u32 v0, v4  }
0x5b8: {  	v4 =	vperm.xlane v0, v1;
	_ =	sdelay $0x1  }
0x5b9: {  	v0 =	vperm.xlane v0, v3;
	v4 =	vadd.s32 v2, v4;
	_ =	sdelay $0x1  }
0x5ba: {  	v0 =	vadd.s32 v2, v0;
	_ =	sdelay $0x1  }
0x5bb: {  	s19 =	simm.s32 $0x10800  }
0x5bc: {  	[tilespmem:s19], [sflag:$0x2] =	stream.indirect_vreg.gather [hbm4b:s9+s2], $0x80, v4, vm0, $0xb8;
	[tilespmem:$0x17800] =	vst v63  }
0x5bd: {  	s31 =	simm.s32 $0x11000  }
0x5be: {  	[tilespmem:s31], [sflag:$0x2] =	stream.indirect_vreg.gather [hbm4b:s9+s2], $0x80, v0, vm0, $0xb8;
	[tilespmem:$0x17800] =	vst v63  }
0x5bf: {  	v0 =	vld [tilespmem:$0x77A0];
	_ =	sdelay $0x4  }
0x5c0: {  	v58 =	vshll.u32 v0, $0x1  }
0x5c1: {  	v0 =	vand.u32 $0x7, v0;
	v4 =	vand.u32 $0xFFFFFFF0, v58  }
0x5c2: {  	v0 =	vor.u32 v0, v4  }
0x5c3: {  	v4 =	vperm.xlane v0, v1;
	_ =	sdelay $0x1  }
0x5c4: {  	v0 =	vperm.xlane v0, v3;
	v4 =	vadd.s32 v2, v4;
	_ =	sdelay $0x1  }
0x5c5: {  	v0 =	vadd.s32 v2, v0;
	_ =	sdelay $0x1  }
0x5c6: {  	s12 =	simm.s32 $0x11800  }
0x5c7: {  	[tilespmem:s12], [sflag:$0x2] =	stream.indirect_vreg.gather [hbm4b:s9+s2], $0x80, v4, vm0, $0xb8;
	[tilespmem:$0x17800] =	vst v63  }
0x5c8: {  	s24 =	simm.s32 $0x12000  }
0x5c9: {  	[tilespmem:s24], [sflag:$0x2] =	stream.indirect_vreg.gather [hbm4b:s9+s2], $0x80, v0, vm0, $0xb8;
	[tilespmem:$0x17800] =	vst v63  }
0x5ca: {  	v0 =	vld [tilespmem:$0x77B0];
	_ =	sdelay $0x4  }
0x5cb: {  	v59 =	vshll.u32 v0, $0x1  }
0x5cc: {  	v0 =	vand.u32 $0x7, v0;
	v4 =	vand.u32 $0xFFFFFFF0, v59  }
0x5cd: {  	v0 =	vor.u32 v0, v4  }
0x5ce: {  	v4 =	vperm.xlane v0, v1;
	_ =	sdelay $0x1  }
0x5cf: {  	v0 =	vperm.xlane v0, v3;
	v4 =	vadd.s32 v2, v4;
	_ =	sdelay $0x1  }
0x5d0: {  	v0 =	vadd.s32 v2, v0;
	_ =	sdelay $0x1  }
0x5d1: {  	s6 =	simm.s32 $0x12800  }
0x5d2: {  	[tilespmem:s6], [sflag:$0x2] =	stream.indirect_vreg.gather [hbm4b:s9+s2], $0x80, v4, vm0, $0xb8;
	[tilespmem:$0x17800] =	vst v63  }
0x5d3: {  	s23 =	simm.s32 $0x13000  }
0x5d4: {  	[tilespmem:s23], [sflag:$0x2] =	stream.indirect_vreg.gather [hbm4b:s9+s2], $0x80, v0, vm0, $0xb8;
	[tilespmem:$0x17800] =	vst v63  }
0x5d5: {  	v0 =	vld [tilespmem:$0x77C0];
	_ =	sdelay $0x4  }
0x5d6: {  	v60 =	vshll.u32 v0, $0x1  }
0x5d7: {  	v0 =	vand.u32 $0x7, v0;
	v4 =	vand.u32 $0xFFFFFFF0, v60  }
0x5d8: {  	v0 =	vor.u32 v0, v4  }
0x5d9: {  	v4 =	vperm.xlane v0, v1;
	_ =	sdelay $0x1  }
0x5da: {  	v0 =	vperm.xlane v0, v3;
	v4 =	vadd.s32 v2, v4;
	_ =	sdelay $0x1  }
0x5db: {  	v0 =	vadd.s32 v2, v0;
	_ =	sdelay $0x1  }
0x5dc: {  	s8 =	simm.s32 $0x13800  }
0x5dd: {  	[tilespmem:s8], [sflag:$0x2] =	stream.indirect_vreg.gather [hbm4b:s9+s2], $0x80, v4, vm0, $0xb8;
	[tilespmem:$0x17800] =	vst v63  }
0x5de: {  	s13 =	simm.s32 $0x14000  }
0x5df: {  	[tilespmem:s13], [sflag:$0x2] =	stream.indirect_vreg.gather [hbm4b:s9+s2], $0x80, v0, vm0, $0xb8;
	[tilespmem:$0x17800] =	vst v63  }
0x5e0: {  	v0 =	vld [tilespmem:$0x77D0];
	_ =	sdelay $0x4  }
0x5e1: {  	v61 =	vshll.u32 v0, $0x1  }
0x5e2: {  	v0 =	vand.u32 $0x7, v0;
	v4 =	vand.u32 $0xFFFFFFF0, v61  }
0x5e3: {  	v0 =	vor.u32 v0, v4  }
0x5e4: {  	v4 =	vperm.xlane v0, v1;
	_ =	sdelay $0x1  }
0x5e5: {  	v0 =	vperm.xlane v0, v3;
	v4 =	vadd.s32 v2, v4;
	_ =	sdelay $0x1  }
0x5e6: {  	v0 =	vadd.s32 v2, v0;
	_ =	sdelay $0x1  }
0x5e7: {  	s18 =	simm.s32 $0x14800  }
0x5e8: {  	[tilespmem:s18], [sflag:$0x2] =	stream.indirect_vreg.gather [hbm4b:s9+s2], $0x80, v4, vm0, $0xb8;
	[tilespmem:$0x17800] =	vst v63  }
0x5e9: {  	s25 =	simm.s32 $0x15000  }
0x5ea: {  	[tilespmem:s25], [sflag:$0x2] =	stream.indirect_vreg.gather [hbm4b:s9+s2], $0x80, v0, vm0, $0xb8;
	[tilespmem:$0x17800] =	vst v63  }
0x5eb: {  	v0 =	vld [tilespmem:$0x77E0];
	_ =	sdelay $0x4  }
0x5ec: {  	v62 =	vshll.u32 v0, $0x1  }
0x5ed: {  	v0 =	vand.u32 $0x7, v0;
	v4 =	vand.u32 $0xFFFFFFF0, v62  }
0x5ee: {  	v0 =	vor.u32 v0, v4  }
0x5ef: {  	v4 =	vperm.xlane v0, v1;
	_ =	sdelay $0x1  }
0x5f0: {  	v0 =	vperm.xlane v0, v3;
	v4 =	vadd.s32 v2, v4;
	_ =	sdelay $0x1  }
0x5f1: {  	v0 =	vadd.s32 v2, v0;
	_ =	sdelay $0x1  }
0x5f2: {  	s15 =	simm.s32 $0x15800  }
0x5f3: {  	[tilespmem:s15], [sflag:$0x2] =	stream.indirect_vreg.gather [hbm4b:s9+s2], $0x80, v4, vm0, $0xb8;
	[tilespmem:$0x17800] =	vst v63  }
0x5f4: {  	s17 =	simm.s32 $0x16000  }
0x5f5: {  	[tilespmem:s17], [sflag:$0x2] =	stream.indirect_vreg.gather [hbm4b:s9+s2], $0x80, v0, vm0, $0xb8;
	[tilespmem:$0x17800] =	vst v63  }
0x5f6: {  	v0 =	vld [tilespmem:$0x77F0];
	_ =	sdelay $0x4  }
0x5f7: {  	v63 =	vshll.u32 v0, $0x1  }
0x5f8: {  	v0 =	vand.u32 $0x7, v0;
	v4 =	vand.u32 $0xFFFFFFF0, v63  }
0x5f9: {  	v0 =	vor.u32 v0, v4  }
0x5fa: {  	v1 =	vperm.xlane v0, v1;
	_ =	sdelay $0x1  }
0x5fb: {  	v0 =	vperm.xlane v0, v3;
	v1 =	vadd.s32 v2, v1;
	_ =	sdelay $0x1  }
0x5fc: {  	v0 =	vadd.s32 v2, v0;
	_ =	sdelay $0x1  }
0x5fd: {  	s20 =	simm.s32 $0x16800  }
0x5fe: {  	[tilespmem:s20], [sflag:$0x2] =	stream.indirect_vreg.gather [hbm4b:s9+s2], $0x80, v1, vm0, $0xb8;
	[tilespmem:$0x17800] =	vst v63  }
0x5ff: {  	s14 =	simm.s32 $0x17000  }
0x600: {  	[tilespmem:s14], [sflag:$0x2] =	stream.indirect_vreg.gather [hbm4b:s9+s2], $0x80, v0, vm0, $0xb8;
	[tilespmem:$0x17800] =	vst v63  }
0x601: {  	s25 =	rddreg [dreg:$0x16]  }
0x602: {  	[hbm4b:s25+s2] =	stream.linear.scatter [tilespmem:s22], [sflag:$0x3], $0x8000, $0x38;
	[tilespmem:$0x17800] =	vst v63  }
0x603: {  	_ =	swait.ge [sflag:s29], $0x8000  }
0x604: {  	[sflag:s29] =	ssyncset.done $0x0  }
0x605: {  	[sflag:s29] =	ssyncadd.s32 $0xFFFF8000  }
0x606: {  	_ =	swait.ge [sflag:s16], $0x8000  }
0x607: {  	[sflag:s16] =	ssyncset.done $0x0  }
0x608: {  	s26 =	rddreg [dreg:$0x17];
	[sflag:s16] =	ssyncadd.s32 $0xFFFF8000  }
0x609: {  	[hbm4b:s26+s2] =	stream.linear.scatter [tilespmem:s5], [sflag:$0x3], $0x8000, $0x38;
	[tilespmem:$0x17800] =	vst v63  }
0x60a: {  	_ =	swait.ge [sflag:s29], $0x8000  }
0x60b: {  	s28 =	rddreg [dreg:$0x19]  }
0x60c: {  	s31 =	rddreg [dreg:$0x18];
	s5 =	sadd.s32 $0x1, s28  }
0x60d: {  	p0 =	sne.s32 s5, s31  }
.Ltmp1:
0x60e: {  	_ = 	snop;
	(pc) =	sbr.rel @!p0 .LBB2_11-.Ltmp1, $3  }
0x60f: {  	_ =	sdelay $0x1  }
0x610: {  	[sflag:s29] =	ssyncset.done $0x0  }
0x611: {  	[sflag:s29] =	ssyncadd.s32 $0xFFFF8000  }
.LBB2_1:
0x612: {  	[dreg:$0x19] =	wrdreg s5  }
0x613: {  	s4 =	rddreg [dreg:$0x3]  }
0x614: {  	[tilespmem:s2], [sflag:$0x3] =	stream.linear.gather [hbm4b:s4+s2], $0x1000, $0x38;
	[tilespmem:$0x17800] =	vst v63  }
0x615: {  	_ =	swait.ge [sflag:s29], $0x1000  }
0x616: {  	[sflag:s29] =	ssyncset.done $0x0  }
0x617: {  	s23 =	simm.s32 $0x1000;
	s20 =	rddreg [dreg:$0x4];
	[sflag:s29] =	ssyncadd.s32 $0xFFFFF000  }
0x618: {  	[tilespmem:s23], [sflag:$0x3] =	stream.linear.gather [hbm4b:s20+s2], $0x1000, $0x38;
	[tilespmem:$0x17800] =	vst v63  }
0x619: {  	_ =	swait.ge [sflag:s29], $0x1000  }
0x61a: {  	[sflag:s29] =	ssyncset.done $0x0  }
0x61b: {  	[sflag:s29] =	ssyncadd.s32 $0xFFFFF000  }
0x61c: {  	s25 =	simm.s32 $0x2000;
	s24 =	rddreg [dreg:$0x1]  }
0x61d: {  	[tilespmem:s25], [sflag:$0x3] =	stream.linear.gather [hbm4b:s24+s2], $0x1000, $0x38;
	[tilespmem:$0x17800] =	vst v63  }
0x61e: {  	_ =	swait.ge [sflag:s29], $0x1000  }
0x61f: {  	[sflag:s29] =	ssyncset.done $0x0  }
0x620: {  	s26 =	rddreg [dreg:$0x5];
	[sflag:s29] =	ssyncadd.s32 $0xFFFFF000  }
0x621: {  	[tilespmem:s0], [sflag:$0x3] =	stream.linear.gather [hbm4b:s26+s2], $0x1000, $0x38;
	[tilespmem:$0x17800] =	vst v63  }
0x622: {  	_ =	swait.ge [sflag:s29], $0x1000  }
0x623: {  	[sflag:s29] =	ssyncset.done $0x0  }
0x624: {  	s28 =	rddreg [dreg:$0x6];
	[sflag:s29] =	ssyncadd.s32 $0xFFFFF000  }
0x625: {  	[tilespmem:s3], [sflag:$0x3] =	stream.linear.gather [hbm4b:s28+s2], $0x1000, $0x38;
	[tilespmem:$0x17800] =	vst v63  }
0x626: {  	_ =	swait.ge [sflag:s29], $0x1000  }
0x627: {  	[sflag:s29] =	ssyncset.done $0x0  }
0x628: {  	s31 =	rddreg [dreg:$0x7];
	[sflag:s29] =	ssyncadd.s32 $0xFFFFF000  }
0x629: {  	[tilespmem:s1], [sflag:$0x3] =	stream.linear.gather [hbm4b:s31+s2], $0x1000, $0x38;
	[tilespmem:$0x17800] =	vst v63  }
0x62a: {  	_ =	swait.ge [sflag:s29], $0x1000  }
0x62b: {  	[sflag:s29] =	ssyncset.done $0x0  }
0x62c: {  	s18 =	simm.s32 $0x0;
	[sflag:s29] =	ssyncadd.s32 $0xFFFFF000  }
0x62d: {  	v0 =	vld [tilespmem:s18+$0x0]  }
0x62e: {  	v1 =	vld [tilespmem:s18+$0x1000]  }
0x62f: {  	v2 =	vld [tilespmem:s18+$0x2000];
	_ =	sdelay $0x2  }
0x630: {  	s19 =	simm.s32 $0x10  }
0x631: {  	v3 =	vmul.f32 v0, v0;
	v1 =	vmul.f32 v1, v1;
	v0 =	vld [tilespmem:s19+$0x0]  }
0x632: {  	v4 =	vmul.f32 v2, v2;
	v2 =	vld [tilespmem:s19+$0x1000]  }
0x633: {  	v3 =	vadd.f32 v1, v3  }
0x634: {  	v1 =	vld [tilespmem:s19+$0x2000]  }
0x635: {  	s20 =	simm.s32 $0x80;
	v3 =	vadd.f32 v4, v3  }
.LBB2_2:
0x636: {  	s23 =	sshra.s32 s20, $0x2;
	p0 =	sne.s32 s20, $0x3FC0  }
.Ltmp2:
0x637: {  	s20 =	sadd.s32 $0x40, s20;
	v4 =	vmul.f32 v0, v0;
	v0 =	vld [tilespmem:s23+$0x0];
	v5 =	vmul.f32 v2, v2;
	[tilespmem:s18+$0x6000] =	vst v3;
	(pc) =	sbr.rel @p0 .LBB2_2-.Ltmp2, $4  }
0x638: {  	s18 =	smov.u32 s19;
	s19 =	smov.u32 s23;
	v2 =	vld [tilespmem:s23+$0x1000]  }
0x639: {  	v3 =	vadd.f32 v5, v4;
	v4 =	vmul.f32 v1, v1  }
0x63a: {  	v1 =	vld [tilespmem:s19+$0x2000]  }
0x63b: {  	v3 =	vadd.f32 v4, v3  }
0x63c: {  	_ = 	snop  }
0x63d: {  	v0 =	vmul.f32 v0, v0;
	v2 =	vmul.f32 v2, v2;
	_ =	sdelay $0x1  }
.Ltmp3:
0x63e: {  	v0 =	vadd.f32 v2, v0;
	v1 =	vmul.f32 v1, v1;
	(pc) =	sbr.rel .LBB2_4-.Ltmp3, $4  }
0x63f: {  	_ = 	snop  }
0x640: {  	v0 =	vadd.f32 v1, v0  }
0x641: {  	[tilespmem:s18+$0x6000] =	vst v3  }
0x642: {  	s18 =	simm.s32 $0x0;
	[tilespmem:s19+$0x6000] =	vst v0  }
.LBB2_9:
0x643: {  	(xrf1) =	vsort.ascd.msk.f32 $0xffff, v33, v1;
	_ =	sdelay $0xd  }
0x644: {  	v0, v1, _ =	vpop (xrf1)  }
0x645: {  	v2 =	vbroadcast v0, $0x0;
	_ =	sdelay $0x1  }
0x646: {  	vm0 =	veq.f32 v0, v2  }
0x647: {  	vm9 =	veq.f32 v61, $0.0e+00;
	v0 =	vnsel vm0, $0x7FFFFFFF, v1  }
0x648: {  	v51 =	vnsel vm9, $0x7FFFFFFF, v46;
	v1 =	vxor.u32 $0x80000000, v0  }
0x649: {  	v52 =	vxor.u32 $0x80000000, v51;
	(xrf1) =	vsort.ascd.msk.u32 $0xffff, v1, v0  }
0x64a: {  	(xrf1) =	vsort.ascd.msk.u32 $0xffff, v52, v51  }
0x64b: {  	(xrf1) =	vsort.ascd.msk.f32 $0xffff, v25, v31;
	_ =	sdelay $0xb  }
0x64c: {  	v53, _, _ =	vpop (xrf1)  }
0x64d: {  	v54, _, _ =	vpop (xrf1)  }
0x64e: {  	v55, v3, _ =	vpop (xrf1)  }
0x64f: {  	v4 =	vbroadcast v55, $0x0;
	_ =	sdelay $0x1  }
0x650: {  	vm10 =	veq.f32 v55, v4  }
0x651: {  	vm11 =	veq.f32 v32, $0.0e+00;
	v2 =	vnsel vm10, $0x7FFFFFFF, v3  }
0x652: {  	v56 =	vnsel vm11, $0x7FFFFFFF, v23;
	v3 =	vxor.u32 $0x80000000, v2  }
0x653: {  	v57 =	vxor.u32 $0x80000000, v56;
	(xrf1) =	vsort.ascd.msk.u32 $0xffff, v3, v2  }
0x654: {  	(xrf1) =	vsort.ascd.msk.u32 $0xffff, v57, v56;
	_ =	sdelay $0xb  }
0x655: {  	(v2sf) =	vpush v53, $0x0  }
0x656: {  	(v2sf) =	vpush v54, $0x0;
	v58, _, _ =	vpop (xrf1)  }
0x657: {  	(v2sf) =	vpush v58, $0x0;
	v59, _, _ =	vpop (xrf1)  }
0x658: {  	(v2sf) =	vpush v59, $0x0;
	_ =	sdelay $0xb  }
0x659: {  	s4 =	spop (v2sf)  }
0x65a: {  	s5 =	spop (v2sf)  }
0x65b: {  	s6 =	spop (v2sf)  }
0x65c: {  	s5 =	sxor.u32 $0x80000000, s5;
	s7 =	spop (v2sf)  }
0x65d: {  	vm13 =	vmmov $0x1;
	v60 =	vmov s5;
	s7 =	sxor.u32 $0x80000000, s7  }
0x65e: {  	s25 =	sshll.u32 s18, $0x5;
	s18 =	sadd.s32 $0x1, s18;
	vm1 =	veq.s32 v46, s5;
	vm12 =	veq.s32 v60, $0x7FFFFFFF;
	v61 =	vmov s7  }
0x65f: {  	p0 =	sne.s32 s18, $0x40;
	vm2 =	vmneg vm12;
	vm0 =	vmand vm12, vm13;
	vm3 =	veq.s32 v61, $0x7FFFFFFF  }
.Ltmp4:
0x660: {  	vm1 =	vmand vm2, vm1;
	vm4 =	veq.s32 v23, s7;
	vm5 =	vmneg vm3;
	(pc) =	sbr.rel @!p0 .LBB2_10-.Ltmp4, $4  }
0x661: {  	s4 =	sxor.u32 $0x80000000, s4;
	vm0 =	vmor vm0, vm1;
	vm2 =	vmand vm3, vm13;
	vm14 =	vmand vm5, vm4  }
0x662: {  	s28 =	sshll.u32 s19, $0x4;
	s5 =	sand.u32 $0x3FFFFFE0, s25;
	v62 =	vsel vm0, s4, v46;
	s26 =	sxor.u32 $0x80000000, s6;
	vm15 =	vmor vm2, vm14  }
0x663: {  	s31 =	sand.u32 $0x3FFFFFF0, s28;
	[tilespmem:s5+$0x7000] =	vst v62;
	v63 =	vsel vm15, s26, v23  }
0x664: {  	[tilespmem:s31+$0x7000] =	vst v63  }
.LBB2_4:
0x665: {  	s19 =	sshll.u32 s18, $0x1  }
0x666: {  	s19 =	sor.u32 s10, s19  }
0x667: {  	v0 =	vmov s19  }
0x668: {  	v0 =	vand.u32 $0xFFFFFFFE, v0  }
0x669: {  	v0 =	vbroadcast v0, $0x0;
	_ =	sdelay $0x4  }
0x66a: {  	s19 =	sshllo.u32 s18, $0x1  }
0x66b: {  	s20 =	sor.u32 s10, s19;
	v1 =	vld.idx.msk [tilespmem:v0+s0+$0x0], $0xffff  }
0x66c: {  	v8 =	vmov s20  }
0x66d: {  	v2 =	vld.idx.msk [tilespmem:v0+s3+$0x0], $0xffff;
	_ =	sdelay $0x1  }
0x66e: {  	v3 =	vld.idx.msk [tilespmem:v0+s1+$0x0], $0xffff  }
0x66f: {  	v1 =	vadd.f32 v1, v1  }
0x670: {  	v4 =	vld.idx.msk [tilespmem:v8+s0+$0x0], $0xffff  }
0x671: {  	[tilespmem:$0x1FFA0] =	vst v1;
	v1 =	vadd.f32 v2, v2  }
0x672: {  	v5 =	vld.idx.msk [tilespmem:v8+s3+$0x0], $0xffff  }
0x673: {  	[tilespmem:$0x1FFB0] =	vst v1;
	v1 =	vadd.f32 v3, v3  }
0x674: {  	v6 =	vld.idx.msk [tilespmem:v8+s1+$0x0], $0xffff  }
0x675: {  	[tilespmem:$0x1FFC0] =	vst v1;
	v1 =	vadd.f32 v4, v4;
	_ =	sdelay $0x1  }
.Ltmp5:
0x676: {  	[tilespmem:$0x1FFD0] =	vst v1;
	v1 =	vadd.f32 v5, v5;
	(pc) =	sbr.rel .LBB2_5-.Ltmp5, $4  }
0x677: {  	v25 =	vimm.f32 $+Inf;
	v31 =	vimm.s32 $0x0  }
0x678: {  	v44 =	vimm.f32 $+Inf;
	v23 =	vimm.s32 $0x0;
	[tilespmem:$0x1FFE0] =	vst v1;
	v1 =	vadd.f32 v6, v6  }
0x679: {  	s23 =	simm.s32 $0x5040;
	v32 =	vimm.f32 $+Inf;
	v33 =	vimm.f32 $+Inf;
	s24 =	simm.s32 $0x4040;
	v46 =	vimm.s32 $0x0;
	v8 =	vld.idx.msk [tilespmem:v8+s30+$0x0], $0xffff  }
0x67a: {  	s25 =	simm.s32 $0x3040;
	s26 =	simm.s32 $0x6040;
	v61 =	vimm.f32 $+Inf;
	s20 =	simm.s32 $0x70;
	v7 =	vld.idx.msk [tilespmem:v0+s30+$0x0], $0xffff;
	v0 =	vimm.f32 $+Inf;
	[tilespmem:$0x1FFF0] =	vst v1;
	v1 =	vimm.s32 $0x0  }
.LBB2_7:
0x67b: {  	v11 =	vsel vm1, v40, v41;
	v12 =	vsel vm0, v40, v41  }
0x67c: {  	v11 =	vsel vm3, v38, v11;
	v12 =	vsel vm2, v38, v12  }
0x67d: {  	v11 =	vsel vm5, v30, v11;
	v12 =	vsel vm4, v30, v12  }
0x67e: {  	v11 =	vsel vm7, v14, v11;
	v12 =	vsel vm6, v14, v12  }
0x67f: {  	vm14 =	vlt.f32 v10, v33;
	v11 =	vsel vm9, v34, v11;
	v12 =	vsel vm8, v34, v12  }
0x680: {  	vm15 =	vlt.f32 v9, v25;
	v11 =	vsel vm11, v16, v11;
	v12 =	vsel vm10, v16, v12  }
0x681: {  	v33 =	vsel vm14, v10, v33;
	v11 =	vsel vm13, v2, v11;
	v12 =	vsel vm12, v2, v12  }
0x682: {  	v25 =	vsel vm15, v9, v25;
	v1 =	vsel vm14, v12, v1;
	v31 =	vsel vm15, v11, v31  }
.LBB2_8:
0x683: {  	s20 =	sadd.s32 $0x80, s20  }
0x684: {  	p0 =	sne.s32 s20, $0x1070  }
.Ltmp6:
0x685: {  	_ = 	snop;
	(pc) =	sbr.rel @!p0 .LBB2_9-.Ltmp6, $3  }
0x686: {  	_ =	sdelay $0x1  }
0x687: {  	s23 =	sadd.s32 $0x80, s23  }
0x688: {  	s24 =	sadd.s32 $0x80, s24;
	s25 =	sadd.s32 $0x80, s25;
	s26 =	sadd.s32 $0x80, s26  }
.LBB2_5:
0x689: {  	v9 =	vld [tilespmem:s25+$0xFFFFFFC0]  }
0x68a: {  	v10 =	vld [tilespmem:s24+$0xFFFFFFC0]  }
0x68b: {  	v11 =	vld [tilespmem:s23+$0xFFFFFFC0]  }
0x68c: {  	v12 =	vld [tilespmem:s26+$0xFFFFFFC0]  }
0x68d: {  	v13 =	vld [tilespmem:s25+$0xFFFFFFD0]  }
0x68e: {  	v26 =	vld [tilespmem:$0x1FFA0]  }
0x68f: {  	v2 =	vld [tilespmem:$0x1FFB0]  }
0x690: {  	v3 =	vld [tilespmem:$0x1FFC0]  }
0x691: {  	v4 =	vld [tilespmem:$0x1FFD0]  }
0x692: {  	v5 =	vld [tilespmem:$0x1FFE0]  }
0x693: {  	v14 =	vld [tilespmem:s24+$0xFFFFFFD0]  }
0x694: {  	v28 =	vld [tilespmem:$0x1FFF0]  }
0x695: {  	v17 =	vld [tilespmem:s23+$0xFFFFFFD0];
	v15 =	vmul.f32 v9, v26  }
0x696: {  	v16 =	vmul.f32 v10, v2;
	v18 =	vmul.f32 v11, v3  }
0x697: {  	v9 =	vmul.f32 v9, v4;
	v10 =	vmul.f32 v10, v5;
	v19 =	vadd.f32 v12, v7  }
0x698: {  	v20 =	vmul.f32 v13, v26;
	v21 =	vmul.f32 v14, v2;
	v15 =	vadd.f32 v16, v15;
	v16 =	vld [tilespmem:s26+$0xFFFFFFD0]  }
0x699: {  	v9 =	vadd.f32 v10, v9;
	v10 =	vmul.f32 v11, v28;
	v11 =	vadd.f32 v12, v8  }
0x69a: {  	v12 =	vadd.f32 v21, v20;
	v20 =	vld [tilespmem:s25+$0xFFFFFFE0];
	v15 =	vadd.f32 v18, v15;
	v18 =	vmul.f32 v17, v3  }
0x69b: {  	v9 =	vadd.f32 v10, v9;
	v10 =	vmul.f32 v13, v4;
	v13 =	vmul.f32 v14, v5;
	v14 =	vld [tilespmem:s24+$0xFFFFFFE0]  }
0x69c: {  	v12 =	vadd.f32 v18, v12;
	v15 =	vsub.f32 v19, v15  }
0x69d: {  	v18 =	vld [tilespmem:s23+$0xFFFFFFE0];
	v10 =	vadd.f32 v13, v10;
	v13 =	vmul.f32 v17, v28;
	v21 =	vadd.f32 v16, v7  }
0x69e: {  	v9 =	vsub.f32 v11, v9;
	v17 =	vld [tilespmem:s24+$0xFFFFFFF0];
	v62 =	vmax.f32 v15, $0.0e+00;
	v15 =	vadd.f32 v16, v8  }
0x69f: {  	v10 =	vadd.f32 v13, v10;
	v13 =	vld [tilespmem:s25+$0xFFFFFFF0];
	v11 =	vsub.f32 v21, v12  }
0x6a0: {  	v12 =	vld [tilespmem:s26+$0xFFFFFFE0];
	v21 =	vmax.f32 v9, $0.0e+00;
	v9 =	vmul.f32 v20, v26;
	v16 =	vmul.f32 v14, v2  }
0x6a1: {  	v14 =	vmul.f32 v14, v5;
	v10 =	vsub.f32 v15, v10;
	v15 =	vmul.f32 v20, v4  }
0x6a2: {  	v43 =	vmax.f32 v11, $0.0e+00;
	v11 =	vmul.f32 v18, v3;
	v9 =	vadd.f32 v16, v9;
	v16 =	vld [tilespmem:s23+$0xFFFFFFF0]  }
0x6a3: {  	v19 =	vmul.f32 v17, v2;
	v35 =	vmax.f32 v10, $0.0e+00;
	vm0 =	vlt.f32 v43, v62  }
0x6a4: {  	v9 =	vadd.f32 v11, v9;
	v11 =	vadd.f32 v14, v15;
	v14 =	vmul.f32 v18, v28;
	v15 =	vld [tilespmem:s26+$0xFFFFFFF0]  }
0x6a5: {  	v18 =	vmul.f32 v13, v26;
	v13 =	vmul.f32 v13, v4;
	v10 =	vadd.f32 v12, v7  }
0x6a6: {  	v12 =	vadd.f32 v12, v8;
	v11 =	vadd.f32 v14, v11;
	v14 =	vmul.f32 v17, v5  }
0x6a7: {  	v9 =	vsub.f32 v10, v9;
	v10 =	vadd.f32 v19, v18;
	v17 =	vmul.f32 v16, v3  }
0x6a8: {  	v11 =	vsub.f32 v12, v11;
	v12 =	vadd.f32 v14, v13;
	v13 =	vmul.f32 v16, v28  }
0x6a9: {  	vm1 =	vlt.f32 v35, v21;
	v16 =	vld [tilespmem:s25+$0x0];
	v14 =	vadd.f32 v15, v7;
	v10 =	vadd.f32 v17, v10  }
0x6aa: {  	v18 =	vsel vm1, v35, v21;
	v15 =	vadd.f32 v15, v8;
	v12 =	vadd.f32 v13, v12;
	v13 =	vld [tilespmem:s24+$0x0]  }
0x6ab: {  	v17 =	vsel vm0, v43, v62;
	v27 =	vmax.f32 v9, $0.0e+00;
	v9 =	vld [tilespmem:s23+$0x0];
	v42 =	vmax.f32 v11, $0.0e+00  }
0x6ac: {  	vm2 =	vlt.f32 v27, v17;
	v10 =	vsub.f32 v14, v10;
	v11 =	vsub.f32 v15, v12;
	v12 =	vld [tilespmem:s26+$0x0]  }
0x6ad: {  	vm3 =	vlt.f32 v42, v18;
	v14 =	vsel vm2, v27, v17;
	v15 =	vld [tilespmem:s25+$0x10]  }
0x6ae: {  	v17 =	vsel vm3, v42, v18;
	v29 =	vmax.f32 v10, $0.0e+00;
	v10 =	vld [tilespmem:s24+$0x10];
	v36 =	vmax.f32 v11, $0.0e+00  }
0x6af: {  	vm4 =	vlt.f32 v29, v14;
	v11 =	vmul.f32 v16, v26;
	v18 =	vmul.f32 v13, v2  }
0x6b0: {  	v19 =	vld [tilespmem:s23+$0x10];
	v16 =	vmul.f32 v16, v4;
	vm5 =	vlt.f32 v36, v17;
	v13 =	vmul.f32 v13, v5  }
0x6b1: {  	v14 =	vsel vm4, v29, v14;
	v11 =	vadd.f32 v18, v11;
	v18 =	vmul.f32 v9, v3  }
0x6b2: {  	v20 =	vadd.f32 v12, v7;
	v13 =	vadd.f32 v13, v16;
	v9 =	vmul.f32 v9, v28;
	v16 =	vld [tilespmem:s26+$0x10]  }
0x6b3: {  	v22 =	vmul.f32 v10, v2;
	v11 =	vadd.f32 v18, v11;
	v18 =	vmul.f32 v15, v26  }
0x6b4: {  	v17 =	vsel vm5, v36, v17;
	v12 =	vadd.f32 v12, v8;
	v9 =	vadd.f32 v9, v13  }
0x6b5: {  	v11 =	vsub.f32 v20, v11;
	v13 =	vadd.f32 v22, v18;
	v18 =	vmul.f32 v19, v3;
	v20 =	vld [tilespmem:s25+$0x20]  }
0x6b6: {  	v10 =	vmul.f32 v10, v5;
	v9 =	vsub.f32 v12, v9;
	v12 =	vmul.f32 v15, v4;
	v15 =	vld [tilespmem:s24+$0x20]  }
0x6b7: {  	v6 =	vmax.f32 v11, $0.0e+00;
	v11 =	vadd.f32 v16, v7;
	v13 =	vadd.f32 v18, v13  }
0x6b8: {  	v18 =	vld [tilespmem:s23+$0x20];
	v22 =	vmax.f32 v9, $0.0e+00;
	v9 =	vadd.f32 v10, v12;
	v10 =	vmul.f32 v19, v28  }
0x6b9: {  	v24 =	vld [tilespmem:s24+$0x30];
	vm6 =	vlt.f32 v6, v14;
	vm7 =	vlt.f32 v22, v17;
	v11 =	vsub.f32 v11, v13  }
0x6ba: {  	v12 =	vld [tilespmem:s26+$0x20];
	v13 =	vsel vm6, v6, v14;
	v14 =	vadd.f32 v16, v8;
	v9 =	vadd.f32 v10, v9  }
0x6bb: {  	v10 =	vld [tilespmem:s25+$0x30];
	v16 =	vsel vm7, v22, v17;
	v17 =	vmul.f32 v20, v26;
	v19 =	vmul.f32 v15, v2  }
0x6bc: {  	v15 =	vmul.f32 v15, v5;
	v37 =	vmax.f32 v11, $0.0e+00;
	v9 =	vsub.f32 v14, v9  }
0x6bd: {  	v11 =	vmul.f32 v18, v3;
	v14 =	vadd.f32 v19, v17;
	v17 =	vmul.f32 v20, v4;
	v19 =	vld [tilespmem:s23+$0x30]  }
0x6be: {  	vm8 =	vlt.f32 v37, v13;
	v20 =	vmul.f32 v24, v2;
	v45 =	vmax.f32 v9, $0.0e+00  }
0x6bf: {  	v11 =	vadd.f32 v11, v14;
	v14 =	vadd.f32 v15, v17;
	v15 =	vmul.f32 v18, v28;
	v17 =	vld [tilespmem:s26+$0x30]  }
0x6c0: {  	v9 =	vadd.f32 v12, v7;
	v12 =	vadd.f32 v12, v8;
	v18 =	vmul.f32 v10, v26  }
0x6c1: {  	v10 =	vmul.f32 v10, v4;
	v14 =	vadd.f32 v15, v14;
	v15 =	vmul.f32 v24, v5  }
0x6c2: {  	v9 =	vsub.f32 v9, v11;
	v11 =	vadd.f32 v20, v18;
	v18 =	vmul.f32 v19, v3  }
0x6c3: {  	v12 =	vsub.f32 v12, v14;
	v10 =	vadd.f32 v15, v10;
	v14 =	vmul.f32 v19, v28  }
0x6c4: {  	v13 =	vsel vm8, v37, v13;
	v15 =	vadd.f32 v17, v7;
	v11 =	vadd.f32 v18, v11  }
0x6c5: {  	v39 =	vmax.f32 v9, $0.0e+00;
	v17 =	vadd.f32 v17, v8;
	v10 =	vadd.f32 v14, v10  }
0x6c6: {  	vm9 =	vlt.f32 v45, v16;
	vm10 =	vlt.f32 v39, v13;
	v9 =	vsub.f32 v15, v11  }
0x6c7: {  	v14 =	vsel vm9, v45, v16;
	v28 =	vmax.f32 v12, $0.0e+00;
	v10 =	vsub.f32 v17, v10  }
0x6c8: {  	vm11 =	vlt.f32 v28, v14;
	v11 =	vsel vm10, v39, v13;
	v18 =	vmax.f32 v9, $0.0e+00  }
0x6c9: {  	v9 =	vsel vm11, v28, v14;
	v26 =	vmax.f32 v10, $0.0e+00;
	vm12 =	vlt.f32 v18, v11  }
0x6ca: {  	vm13 =	vlt.f32 v26, v9;
	v10 =	vsel vm12, v18, v11  }
0x6cb: {  	v9 =	vsel vm13, v26, v9;
	vm14 =	vlt.f32 v10, v0  }
0x6cc: {  	v11 =	vmpcnt.ones.xlane vm14;
	vm14 =	vlt.f32 v9, v44  }
0x6cd: {  	v12 =	vmpcnt.ones.xlane vm14  }
0x6ce: {  	(v2sf) =	vpush v11, $0x0  }
0x6cf: {  	(v2sf) =	vpush v12, $0x0;
	_ =	sdelay $0xd  }
0x6d0: {  	s28 =	spop (v2sf)  }
0x6d1: {  	s7 =	spop (v2sf)  }
0x6d2: {  	s15 =	sadd.s32 s28, s7  }
0x6d3: {  	p0 =	slt.s32 s15, $0x1  }
.Ltmp7:
0x6d4: {  	_ = 	snop;
	(pc) =	sbr.rel @p0 .LBB2_7-.Ltmp7, $4  }
0x6d5: {  	s4 =	sadd.s32 $0xFFFFFF90, s20;
	s5 =	sadd.s32 $0xFFFFFFA0, s20;
	v11 =	vlaneseq.u32  }
0x6d6: {  	s6 =	sadd.s32 $0xFFFFFFB0, s20;
	s14 =	sadd.s32 $0xFFFFFFC0, s20;
	s17 =	sadd.s32 $0xFFFFFFD0, s20;
	v41 =	vor.u32 s4, v11;
	v40 =	vor.u32 s5, v11  }
0x6d7: {  	s31 =	sadd.s32 $0xFFFFFFF0, s20;
	v38 =	vor.u32 s6, v11;
	v30 =	vor.u32 s14, v11;
	v14 =	vor.u32 s17, v11;
	s28 =	sadd.s32 $0xFFFFFFE0, s20  }
0x6d8: {  	v16 =	vor.u32 s31, v11;
	v2 =	vor.u32 s20, v11;
	v34 =	vor.u32 s28, v11  }
0x6d9: {  	vm0 =	vlt.f32 v62, v0  }
0x6da: {  	v9 =	vmpcnt.ones.xlane vm0;
	_ =	sdelay $0x1  }
0x6db: {  	(v2sf) =	vpush v9, $0x0;
	_ =	sdelay $0xe  }
0x6dc: {  	s4 =	spop (v2sf)  }
0x6dd: {  	p1 =	slt.s32 s4, $0x1  }
0x6de: {  	(xrf1) =	vsort.dscd.msk.f32 @!p1 $0xffff, v62, v41;
	_ =	sdelay $0xd  }
0x6df: {  	v3, v4, _ =	vpop @!p1 (xrf1)  }
0x6e0: {  	vm0 =	vlt.f32 @!p1 v3, v61  }
0x6e1: {  	v9 =	vsel @!p1 vm0, v3, v61;
	v10 =	vsel @!p1 vm0, v4, v46  }
0x6e2: {  	(xrf1) =	vsort.ascd.msk.f32 @!p1 $0xffff, v9, v10;
	_ =	sdelay $0xd  }
0x6e3: {  	v9, v10, _ =	vpop @!p1 (xrf1)  }
0x6e4: {  	v11 =	vbroadcast @!p1 v9, $0xF;
	_ =	sdelay $0x1  }
0x6e5: {  	v0 =	vpsel p1, v0, v11  }
0x6e6: {  	vm1 =	vlt.f32 v43, v0  }
0x6e7: {  	v11 =	vmpcnt.ones.xlane vm1;
	_ =	sdelay $0x1  }
0x6e8: {  	(v2sf) =	vpush v11, $0x0;
	_ =	sdelay $0xe  }
0x6e9: {  	s28 =	spop (v2sf)  }
0x6ea: {  	p0 =	slt.s32 s28, $0x1  }
0x6eb: {  	(xrf1) =	vsort.dscd.msk.f32 @!p0 $0xffff, v43, v40;
	_ =	sdelay $0xd  }
0x6ec: {  	[tilespmem:$0x1FDA0] =	vst v4;
	v50 =	vpsel p1, v61, v9;
	v4, v11, _ =	vpop @!p0 (xrf1)  }
0x6ed: {  	[tilespmem:$0x1FD90] =	vst v3;
	v3 =	vpsel p1, v46, v10;
	vm1 =	vlt.f32 @!p0 v4, v50  }
0x6ee: {  	v9 =	vsel @!p0 vm1, v4, v50;
	v10 =	vsel @!p0 vm1, v11, v3  }
0x6ef: {  	(xrf1) =	vsort.ascd.msk.f32 @!p0 $0xffff, v9, v10;
	_ =	sdelay $0xd  }
0x6f0: {  	v9, v10, _ =	vpop @!p0 (xrf1)  }
0x6f1: {  	[tilespmem:$0x1FDC0] =	vst v11;
	v11 =	vbroadcast @!p0 v9, $0xF;
	_ =	sdelay $0x1  }
0x6f2: {  	v0 =	vpsel p0, v0, v11  }
0x6f3: {  	vm2 =	vlt.f32 v27, v0  }
0x6f4: {  	v11 =	vmpcnt.ones.xlane vm2;
	_ =	sdelay $0x1  }
0x6f5: {  	(v2sf) =	vpush v11, $0x0;
	_ =	sdelay $0xe  }
0x6f6: {  	s4 =	simm.s32 @!p1 $0x0;
	s31 =	spop (v2sf)  }
0x6f7: {  	s4 =	simm.s32 @p1 $0x1;
	p1 =	slt.s32 s31, $0x1  }
0x6f8: {  	(xrf1) =	vsort.dscd.msk.f32 @!p1 $0xffff, v27, v38;
	_ =	sdelay $0xd  }
0x6f9: {  	[tilespmem:$0x1FDB0] =	vst v4;
	v53 =	vpsel p0, v50, v9;
	v9, v4, _ =	vpop @!p1 (xrf1)  }
0x6fa: {  	v60 =	vpsel p0, v3, v10;
	vm2 =	vlt.f32 @!p1 v9, v53  }
0x6fb: {  	[tilespmem:$0x1FDE0] =	vst v9;
	v9 =	vsel @!p1 vm2, v9, v53;
	v10 =	vsel @!p1 vm2, v4, v60  }
0x6fc: {  	(xrf1) =	vsort.ascd.msk.f32 @!p1 $0xffff, v9, v10;
	_ =	sdelay $0xd  }
0x6fd: {  	v9, v10, _ =	vpop @!p1 (xrf1)  }
0x6fe: {  	v11 =	vbroadcast @!p1 v9, $0xF;
	_ =	sdelay $0x1  }
0x6ff: {  	v0 =	vpsel p1, v0, v11  }
0x700: {  	vm3 =	vlt.f32 v29, v0  }
0x701: {  	v11 =	vmpcnt.ones.xlane vm3;
	_ =	sdelay $0x1  }
0x702: {  	(v2sf) =	vpush v11, $0x0;
	_ =	sdelay $0xe  }
0x703: {  	[smem:$0x7F5] =	sst s4;
	s4 =	simm.s32 @!p0 $0x0;
	s5 =	spop (v2sf)  }
0x704: {  	s4 =	simm.s32 @p0 $0x1;
	p0 =	slt.s32 s5, $0x1  }
0x705: {  	(xrf1) =	vsort.dscd.msk.f32 @!p0 $0xffff, v29, v30;
	_ =	sdelay $0xd  }
0x706: {  	[tilespmem:$0x1FDD0] =	vst v3;
	v59 =	vpsel p1, v53, v9;
	v9, v3, _ =	vpop @!p0 (xrf1)  }
0x707: {  	[tilespmem:$0x1FDF0] =	vst v4;
	v4 =	vpsel p1, v60, v10;
	vm4 =	vlt.f32 @!p0 v9, v59  }
0x708: {  	[tilespmem:$0x1FE00] =	vst v9;
	v9 =	vsel @!p0 vm4, v9, v59;
	v10 =	vsel @!p0 vm4, v3, v4  }
0x709: {  	(xrf1) =	vsort.ascd.msk.f32 @!p0 $0xffff, v9, v10;
	_ =	sdelay $0xd  }
0x70a: {  	v9, v10, _ =	vpop @!p0 (xrf1)  }
0x70b: {  	v11 =	vbroadcast @!p0 v9, $0xF;
	_ =	sdelay $0x1  }
0x70c: {  	v0 =	vpsel p0, v0, v11  }
0x70d: {  	vm10 =	vlt.f32 v6, v0  }
0x70e: {  	v11 =	vmpcnt.ones.xlane vm10;
	_ =	sdelay $0x1  }
0x70f: {  	(v2sf) =	vpush v11, $0x0;
	_ =	sdelay $0xc  }
0x710: {  	[smem:$0x7F4] =	sst s4;
	s4 =	simm.s32 @!p1 $0x0  }
0x711: {  	s4 =	simm.s32 @p1 $0x1  }
0x712: {  	[smem:$0x7F6] =	sst s4;
	s4 =	simm.s32 @!p0 $0x0;
	s6 =	spop (v2sf)  }
0x713: {  	p5 =	por p0, p0;
	s4 =	simm.s32 @p0 $0x1;
	p0 =	slt.s32 s6, $0x1  }
0x714: {  	(xrf1) =	vsort.dscd.msk.f32 @!p0 $0xffff, v6, v14;
	_ =	sdelay $0xd  }
0x715: {  	v51 =	vmov v14;
	[tilespmem:$0x1FE10] =	vst v3;
	v63 =	vpsel p5, v59, v9;
	v14, v3, _ =	vpop @!p0 (xrf1)  }
0x716: {  	v11 =	vpsel p5, v4, v10;
	vm5 =	vlt.f32 @!p0 v14, v63  }
0x717: {  	v9 =	vsel @!p0 vm5, v14, v63;
	v10 =	vsel @!p0 vm5, v3, v11  }
0x718: {  	(xrf1) =	vsort.ascd.msk.f32 @!p0 $0xffff, v9, v10;
	_ =	sdelay $0xd  }
0x719: {  	v9, v10, _ =	vpop @!p0 (xrf1)  }
0x71a: {  	v12 =	vbroadcast @!p0 v9, $0xF;
	_ =	sdelay $0x1  }
0x71b: {  	v0 =	vpsel p0, v0, v12  }
0x71c: {  	vm11 =	vlt.f32 v37, v0  }
0x71d: {  	v52 =	vmpcnt.ones.xlane vm11;
	_ =	sdelay $0x1  }
0x71e: {  	(v2sf) =	vpush v52, $0x0;
	_ =	sdelay $0xe  }
0x71f: {  	[smem:$0x7F7] =	sst s4;
	s4 =	simm.s32 @!p0 $0x0;
	s7 =	spop (v2sf)  }
0x720: {  	p6 =	por p0, p0;
	s4 =	simm.s32 @p0 $0x1;
	p0 =	slt.s32 s7, $0x1  }
0x721: {  	(xrf1) =	vsort.dscd.msk.f32 @!p0 $0xffff, v37, v34;
	_ =	sdelay $0xd  }
0x722: {  	[tilespmem:$0x1FE30] =	vst v3;
	v13 =	vpsel p6, v63, v9;
	v47, v3, _ =	vpop @!p0 (xrf1)  }
0x723: {  	v10 =	vpsel p6, v11, v10;
	vm6 =	vlt.f32 @!p0 v47, v13  }
0x724: {  	v9 =	vsel @!p0 vm6, v47, v13;
	v12 =	vsel @!p0 vm6, v3, v10  }
0x725: {  	(xrf1) =	vsort.ascd.msk.f32 @!p0 $0xffff, v9, v12;
	_ =	sdelay $0xd  }
0x726: {  	v9, v12, _ =	vpop @!p0 (xrf1)  }
0x727: {  	v15 =	vbroadcast @!p0 v9, $0xF;
	_ =	sdelay $0x1  }
0x728: {  	v0 =	vpsel p0, v0, v15  }
0x729: {  	vm12 =	vlt.f32 v39, v0  }
0x72a: {  	v54 =	vmpcnt.ones.xlane vm12;
	_ =	sdelay $0x1  }
0x72b: {  	(v2sf) =	vpush v54, $0x0;
	_ =	sdelay $0xe  }
0x72c: {  	s8 =	spop (v2sf)  }
0x72d: {  	p2 =	slt.s32 s8, $0x1  }
0x72e: {  	(xrf1) =	vsort.dscd.msk.f32 @!p2 $0xffff, v39, v16;
	_ =	sdelay $0xd  }
0x72f: {  	[tilespmem:$0x1FE40] =	vst v3;
	v15 =	vpsel p0, v13, v9;
	v24, v3, _ =	vpop @!p2 (xrf1)  }
0x730: {  	v58 =	vmov v16;
	v16 =	vpsel p0, v10, v12;
	vm7 =	vlt.f32 @!p2 v24, v15  }
0x731: {  	v9 =	vsel @!p2 vm7, v24, v15;
	v12 =	vsel @!p2 vm7, v3, v16  }
0x732: {  	(xrf1) =	vsort.ascd.msk.f32 @!p2 $0xffff, v9, v12;
	_ =	sdelay $0xd  }
0x733: {  	v9, v12, _ =	vpop @!p2 (xrf1)  }
0x734: {  	v17 =	vbroadcast @!p2 v9, $0xF;
	_ =	sdelay $0x1  }
0x735: {  	v0 =	vpsel p2, v0, v17  }
0x736: {  	vm13 =	vlt.f32 v18, v0  }
0x737: {  	[tilespmem:$0x1FF90] =	vst v0;
	v0 =	vmpcnt.ones.xlane vm13;
	_ =	sdelay $0x1  }
0x738: {  	(v2sf) =	vpush v0, $0x0;
	_ =	sdelay $0xe  }
0x739: {  	vm14 =	vlt.f32 v21, v44;
	s11 =	spop (v2sf)  }
0x73a: {  	p1 =	por p0, p0;
	v0 =	vmpcnt.ones.xlane vm14;
	p0 =	slt.s32 s11, $0x1  }
0x73b: {  	(xrf1) =	vsort.dscd.msk.f32 @!p0 $0xffff, v18, v2  }
0x73c: {  	(v2sf) =	vpush v0, $0x0;
	_ =	sdelay $0xb  }
0x73d: {  	[tilespmem:$0x1FE20] =	vst v4  }
0x73e: {  	[tilespmem:$0x1FE50] =	vst v3;
	v3 =	vpsel p2, v15, v9;
	v9 =	vpsel p2, v16, v12;
	v0, v4, _ =	vpop @!p0 (xrf1)  }
0x73f: {  	[tilespmem:$0x1FF00] =	vst v9;
	vm3 =	vlt.f32 @!p0 v0, v3  }
0x740: {  	[smem:$0x7F8] =	sst s4;
	s4 =	simm.s32 @!p2 $0x0;
	s12 =	spop (v2sf);
	[tilespmem:$0x1FEF0] =	vst v0;
	v0 =	vsel @!p0 vm3, v0, v3;
	v9 =	vsel @!p0 vm3, v4, v9  }
0x741: {  	s4 =	simm.s32 @p2 $0x1;
	p2 =	slt.s32 s12, $0x1;
	(xrf1) =	vsort.ascd.msk.f32 @!p0 $0xffff, v0, v9  }
0x742: {  	(xrf1) =	vsort.dscd.msk.f32 @!p2 $0xffff, v21, v41;
	_ =	sdelay $0xc  }
0x743: {  	[tilespmem:$0x1FEE0] =	vst v3;
	v3, v0, _ =	vpop @!p0 (xrf1)  }
0x744: {  	[tilespmem:$0x1FF80] =	vst v0;
	v17, v0, _ =	vpop @!p2 (xrf1)  }
0x745: {  	vm8 =	vlt.f32 @!p2 v17, v32  }
0x746: {  	v9 =	vsel @!p2 vm8, v17, v32;
	v12 =	vsel @!p2 vm8, v0, v23  }
0x747: {  	(xrf1) =	vsort.ascd.msk.f32 @!p2 $0xffff, v9, v12;
	_ =	sdelay $0xd  }
0x748: {  	v9, v12, _ =	vpop @!p2 (xrf1)  }
0x749: {  	[tilespmem:$0x1FF60] =	vst v18;
	v18 =	vbroadcast @!p2 v9, $0xF;
	_ =	sdelay $0x1  }
0x74a: {  	v18 =	vpsel p2, v44, v18  }
0x74b: {  	vm9 =	vlt.f32 v35, v18  }
0x74c: {  	v19 =	vmpcnt.ones.xlane vm9;
	_ =	sdelay $0x1  }
0x74d: {  	(v2sf) =	vpush v19, $0x0;
	_ =	sdelay $0xe  }
0x74e: {  	[smem:$0x7F9] =	sst s4;
	s4 =	simm.s32 @!p0 $0x0;
	s13 =	spop (v2sf)  }
0x74f: {  	s4 =	simm.s32 @p0 $0x1;
	p0 =	slt.s32 s13, $0x1  }
0x750: {  	(xrf1) =	vsort.dscd.msk.f32 @!p0 $0xffff, v35, v40;
	_ =	sdelay $0xd  }
0x751: {  	[tilespmem:$0x1FE60] =	vst v0;
	v48 =	vpsel p2, v32, v9;
	v54, v0, _ =	vpop @!p0 (xrf1)  }
0x752: {  	v49 =	vpsel p2, v23, v12;
	vm9 =	vlt.f32 @!p0 v54, v48  }
0x753: {  	v9 =	vsel @!p0 vm9, v54, v48;
	v12 =	vsel @!p0 vm9, v0, v49  }
0x754: {  	(xrf1) =	vsort.ascd.msk.f32 @!p0 $0xffff, v9, v12;
	_ =	sdelay $0xd  }
0x755: {  	v9, v12, _ =	vpop @!p0 (xrf1)  }
0x756: {  	v19 =	vbroadcast @!p0 v9, $0xF;
	_ =	sdelay $0x1  }
0x757: {  	v18 =	vpsel p0, v18, v19  }
0x758: {  	vm10 =	vlt.f32 v42, v18  }
0x759: {  	v55 =	vmpcnt.ones.xlane vm10;
	_ =	sdelay $0x1  }
0x75a: {  	(v2sf) =	vpush v55, $0x0;
	_ =	sdelay $0xe  }
0x75b: {  	s14 =	spop (v2sf)  }
0x75c: {  	p4 =	slt.s32 s14, $0x1  }
0x75d: {  	(xrf1) =	vsort.dscd.msk.f32 @!p4 $0xffff, v42, v38;
	_ =	sdelay $0xd  }
0x75e: {  	[tilespmem:$0x1FE80] =	vst v0;
	v57 =	vpsel p0, v48, v9;
	v44, v0, _ =	vpop @!p4 (xrf1)  }
0x75f: {  	v9 =	vpsel p0, v49, v12;
	vm10 =	vlt.f32 @!p4 v44, v57  }
0x760: {  	v12 =	vsel @!p4 vm10, v44, v57;
	v19 =	vsel @!p4 vm10, v0, v9  }
0x761: {  	(xrf1) =	vsort.ascd.msk.f32 @!p4 $0xffff, v12, v19;
	_ =	sdelay $0xd  }
0x762: {  	[tilespmem:$0x1FEB0] =	vst v42;
	v12, v42, _ =	vpop @!p4 (xrf1)  }
0x763: {  	v19 =	vbroadcast @!p4 v12, $0xF;
	_ =	sdelay $0x1  }
0x764: {  	v18 =	vpsel p4, v18, v19  }
0x765: {  	vm11 =	vlt.f32 v36, v18  }
0x766: {  	v56 =	vmpcnt.ones.xlane vm11;
	_ =	sdelay $0x1  }
0x767: {  	(v2sf) =	vpush v56, $0x0;
	_ =	sdelay $0xc  }
0x768: {  	[smem:$0x7FD] =	sst s4;
	s4 =	simm.s32 @!p2 $0x0  }
0x769: {  	s4 =	simm.s32 @p2 $0x1  }
0x76a: {  	[smem:$0x7FA] =	sst s4;
	s4 =	simm.s32 @!p0 $0x0;
	s15 =	spop (v2sf)  }
0x76b: {  	s4 =	simm.s32 @p0 $0x1;
	p0 =	slt.s32 s15, $0x1  }
0x76c: {  	(xrf1) =	vsort.dscd.msk.f32 @!p0 $0xffff, v36, v30;
	_ =	sdelay $0xd  }
0x76d: {  	[tilespmem:$0x1FE90] =	vst v31;
	v20 =	vpsel p4, v57, v12;
	v31, v19, _ =	vpop @!p0 (xrf1)  }
0x76e: {  	v52 =	vpsel p4, v9, v42;
	vm12 =	vlt.f32 @!p0 v31, v20  }
0x76f: {  	v12 =	vsel @!p0 vm12, v31, v20;
	v42 =	vsel @!p0 vm12, v19, v52  }
0x770: {  	(xrf1) =	vsort.ascd.msk.f32 @!p0 $0xffff, v12, v42;
	_ =	sdelay $0xd  }
0x771: {  	[tilespmem:$0x1FEA0] =	vst v0;
	v12, v0, _ =	vpop @!p0 (xrf1)  }
0x772: {  	v42 =	vbroadcast @!p0 v12, $0xF;
	_ =	sdelay $0x1  }
0x773: {  	[tilespmem:$0x1FE70] =	vst v21;
	v21 =	vpsel p0, v18, v42  }
0x774: {  	vm15 =	vlt.f32 v22, v21  }
0x775: {  	v42 =	vmpcnt.ones.xlane vm15;
	_ =	sdelay $0x1  }
0x776: {  	(v2sf) =	vpush v42, $0x0;
	_ =	sdelay $0xe  }
0x777: {  	s17 =	spop (v2sf)  }
0x778: {  	p5 =	slt.s32 s17, $0x1  }
0x779: {  	(xrf1) =	vsort.dscd.msk.f32 @!p5 $0xffff, v22, v51;
	_ =	sdelay $0xd  }
0x77a: {  	v5 =	vmov v51;
	[tilespmem:$0x1FF70] =	vst v3;
	v42 =	vpsel p0, v20, v12;
	v51, v3, _ =	vpop @!p5 (xrf1)  }
0x77b: {  	v18 =	vpsel p0, v52, v0;
	vm11 =	vlt.f32 @!p5 v51, v42  }
0x77c: {  	v0 =	vsel @!p5 vm11, v51, v42;
	v12 =	vsel @!p5 vm11, v3, v18  }
0x77d: {  	(xrf1) =	vsort.ascd.msk.f32 @!p5 $0xffff, v0, v12;
	_ =	sdelay $0xd  }
0x77e: {  	v0, v12, _ =	vpop @!p5 (xrf1)  }
0x77f: {  	v55 =	vbroadcast @!p5 v0, $0xF;
	_ =	sdelay $0x1  }
0x780: {  	v21 =	vpsel p5, v21, v55  }
0x781: {  	vm13 =	vlt.f32 v45, v21  }
0x782: {  	v55 =	vmpcnt.ones.xlane vm13;
	_ =	sdelay $0x1  }
0x783: {  	(v2sf) =	vpush v55, $0x0;
	_ =	sdelay $0xe  }
0x784: {  	s28 =	spop (v2sf)  }
0x785: {  	p3 =	slt.s32 s28, $0x1  }
0x786: {  	(xrf1) =	vsort.dscd.msk.f32 @!p3 $0xffff, v45, v34;
	_ =	sdelay $0xd  }
0x787: {  	[tilespmem:$0x1FF30] =	vst v22;
	v0 =	vpsel p5, v42, v0;
	v55, v22, _ =	vpop @!p3 (xrf1)  }
0x788: {  	v56 =	vpsel p5, v18, v12;
	vm13 =	vlt.f32 @!p3 v55, v0  }
0x789: {  	[tilespmem:$0x1FF10] =	vst v4;
	v4 =	vmov v32;
	v12 =	vsel @!p3 vm13, v55, v0;
	v32 =	vsel @!p3 vm13, v22, v56  }
0x78a: {  	(xrf1) =	vsort.ascd.msk.f32 @!p3 $0xffff, v12, v32;
	_ =	sdelay $0xd  }
0x78b: {  	v12, v32, _ =	vpop @!p3 (xrf1)  }
0x78c: {  	[tilespmem:$0x1FED0] =	vst v36;
	v36 =	vmov v23;
	v23 =	vbroadcast @!p3 v12, $0xF;
	_ =	sdelay $0x1  }
0x78d: {  	v21 =	vpsel p3, v21, v23  }
0x78e: {  	vm14 =	vlt.f32 v28, v21  }
0x78f: {  	v23 =	vmpcnt.ones.xlane vm14;
	_ =	sdelay $0x1  }
0x790: {  	(v2sf) =	vpush v23, $0x0;
	_ =	sdelay $0xe  }
0x791: {  	s31 =	spop (v2sf)  }
0x792: {  	p2 =	slt.s32 s31, $0x1  }
0x793: {  	(xrf1) =	vsort.dscd.msk.f32 @!p2 $0xffff, v28, v58;
	_ =	sdelay $0xc  }
0x794: {  	[tilespmem:$0x1FF50] =	vst v28  }
0x795: {  	[tilespmem:$0x1FF40] =	vst v45;
	v23 =	vpsel p3, v0, v12;
	v28 =	vmov v35;
	v35, v45, _ =	vpop @!p2 (xrf1)  }
0x796: {  	v32 =	vpsel p3, v56, v32;
	vm14 =	vlt.f32 @!p2 v35, v23  }
0x797: {  	[tilespmem:$0x1FF20] =	vst v3;
	v3 =	vmov v58;
	v12 =	vsel @!p2 vm14, v35, v23;
	v58 =	vsel @!p2 vm14, v45, v32  }
0x798: {  	(xrf1) =	vsort.ascd.msk.f32 @!p2 $0xffff, v12, v58;
	_ =	sdelay $0xd  }
0x799: {  	v58, v12, _ =	vpop @!p2 (xrf1)  }
0x79a: {  	[tilespmem:$0x1FEC0] =	vst v12;
	v12 =	vbroadcast @!p2 v58, $0xF;
	_ =	sdelay $0x1  }
0x79b: {  	v12 =	vpsel p2, v21, v12  }
0x79c: {  	vm15 =	vlt.f32 v26, v12  }
0x79d: {  	v21 =	vmpcnt.ones.xlane vm15;
	_ =	sdelay $0x1  }
0x79e: {  	(v2sf) =	vpush v21, $0x0;
	v21 =	vld [tilespmem:$0x1FD90]  }
0x79f: {  	s5 =	sld [smem:$0x7F5];
	_ =	sdelay $0x1  }
0x7a0: {  	[smem:$0x7FB] =	sst s4;
	s4 =	simm.s32 @!p0 $0x0  }
0x7a1: {  	s4 =	simm.s32 @p0 $0x1;
	p0 =	seq.s32 s5, $0x1  }
0x7a2: {  	v21 =	vsel @!p0 vm0, v61, v21;
	v61 =	vld [tilespmem:$0x1FDA0];
	_ =	sdelay $0x4  }
0x7a3: {  	v61 =	vsel @!p0 vm0, v46, v61;
	v46 =	vld [tilespmem:$0x1FDB0]  }
0x7a4: {  	s6 =	sld [smem:$0x7F4];
	_ =	sdelay $0x2  }
0x7a5: {  	v21 =	vpsel p0, v62, v21;
	v62 =	vld [tilespmem:$0x1FDD0];
	p0 =	seq.s32 s6, $0x1  }
0x7a6: {  	v50 =	vsel @!p0 vm1, v50, v46;
	v46 =	vld [tilespmem:$0x1FDC0];
	_ =	sdelay $0x1  }
0x7a7: {  	v50 =	vpsel p0, v43, v50;
	v43 =	vld [tilespmem:$0x1FDE0]  }
0x7a8: {  	s8 =	sld [smem:$0x7F6];
	_ =	sdelay $0x1  }
0x7a9: {  	v62 =	vsel @!p0 vm1, v62, v46  }
0x7aa: {  	v62 =	vpsel p0, v40, v62;
	p0 =	seq.s32 s8, $0x1  }
0x7ab: {  	v53 =	vsel @!p0 vm2, v53, v43;
	v43 =	vld [tilespmem:$0x1FDF0];
	_ =	sdelay $0x4  }
0x7ac: {  	v60 =	vsel @!p0 vm2, v60, v43;
	v43 =	vld [tilespmem:$0x1FE00]  }
0x7ad: {  	s11 =	sld [smem:$0x7F7];
	_ =	sdelay $0x2  }
0x7ae: {  	v46 =	vld [tilespmem:$0x1FE20];
	v27 =	vpsel p0, v27, v53;
	v53 =	vpsel p0, v38, v60;
	p0 =	seq.s32 s11, $0x1  }
0x7af: {  	v59 =	vsel @!p0 vm4, v59, v43;
	v43 =	vld [tilespmem:$0x1FE10];
	_ =	sdelay $0x4  }
0x7b0: {  	v60 =	vsel @!p0 vm4, v46, v43;
	vm4 =	vlt.f32 v21, v33  }
0x7b1: {  	v21 =	vsel vm4, v21, v33;
	v33 =	vld [tilespmem:$0x1FE30]  }
0x7b2: {  	s12 =	sld [smem:$0x7F8];
	_ =	sdelay $0x2  }
0x7b3: {  	v29 =	vpsel p0, v29, v59;
	v43 =	vpsel p0, v30, v60;
	p0 =	seq.s32 s12, $0x1  }
0x7b4: {  	v11 =	vsel @!p0 vm5, v11, v33  }
0x7b5: {  	v46 =	vmov v5;
	v11 =	vpsel p0, v5, v11;
	v5 =	vld [tilespmem:$0x1FE40];
	_ =	sdelay $0x1  }
0x7b6: {  	s7 =	sld [smem:$0x7F5]  }
0x7b7: {  	s14 =	sld [smem:$0x7F9];
	v14 =	vsel @!p0 vm5, v63, v14  }
0x7b8: {  	v14 =	vpsel p0, v6, v14;
	p0 =	por p1, p1  }
0x7b9: {  	p6 =	seq.s32 s7, $0x1;
	v13 =	vsel @!p1 vm6, v13, v47;
	v10 =	vsel @!p0 vm6, v10, v5;
	v5 =	vld [tilespmem:$0x1FE50]  }
0x7ba: {  	v61 =	vpsel p6, v41, v61;
	v13 =	vpsel p0, v37, v13;
	v10 =	vpsel p0, v34, v10;
	p0 =	seq.s32 s14, $0x1  }
0x7bb: {  	v15 =	vsel @!p0 vm7, v15, v24;
	v24 =	vsel vm4, v61, v1;
	v1 =	vld [tilespmem:$0x1FE60]  }
0x7bc: {  	s15 =	sld [smem:$0x7FA]  }
0x7bd: {  	vm5 =	vlt.f32 v50, v21  }
0x7be: {  	v21 =	vsel vm5, v50, v21;
	v16 =	vsel @!p0 vm7, v16, v5  }
0x7bf: {  	vm6 =	vlt.f32 v27, v21;
	v15 =	vpsel p0, v39, v15;
	v16 =	vpsel p0, v3, v16;
	p0 =	seq.s32 s15, $0x1  }
0x7c0: {  	v21 =	vsel vm6, v27, v21;
	v27 =	vsel @!p0 vm8, v36, v1;
	v1 =	vld [tilespmem:$0x1FE70];
	_ =	sdelay $0x3  }
0x7c1: {  	v17 =	vsel @!p0 vm8, v4, v17  }
0x7c2: {  	v17 =	vpsel p0, v1, v17;
	v1 =	vld [tilespmem:$0x1FE80]  }
0x7c3: {  	s17 =	sld [smem:$0x7FB];
	_ =	sdelay $0x2  }
0x7c4: {  	vm15 =	vlt.f32 v29, v21;
	v27 =	vpsel p0, v41, v27;
	p0 =	seq.s32 s17, $0x1  }
0x7c5: {  	v21 =	vsel vm15, v29, v21;
	v29 =	vsel @!p0 vm9, v49, v1;
	v1 =	vld [tilespmem:$0x1FE90];
	_ =	sdelay $0x3  }
0x7c6: {  	vm7 =	vlt.f32 v17, v25  }
0x7c7: {  	v60 =	vsel vm7, v27, v1;
	v1 =	vld [tilespmem:$0x1FEA0];
	_ =	sdelay $0x3  }
0x7c8: {  	v24 =	vsel vm5, v62, v24;
	vm4 =	vlt.f32 v14, v21  }
0x7c9: {  	v24 =	vsel vm6, v53, v24;
	v14 =	vsel vm4, v14, v21;
	v9 =	vsel @!p4 vm10, v9, v1;
	v1 =	vld [tilespmem:$0x1FEB0]  }
0x7ca: {  	v21 =	vsel vm15, v43, v24;
	vm5 =	vlt.f32 v13, v14  }
0x7cb: {  	v11 =	vsel vm4, v11, v21;
	v13 =	vsel vm5, v13, v14  }
0x7cc: {  	v10 =	vsel vm5, v10, v11;
	vm6 =	vlt.f32 v15, v13  }
0x7cd: {  	v10 =	vsel vm6, v16, v10;
	v16 =	vsel @!p4 vm10, v57, v44  }
0x7ce: {  	v16 =	vpsel p4, v1, v16;
	v1 =	vld [tilespmem:$0x1FEC0]  }
0x7cf: {  	s13 =	spop (v2sf)  }
0x7d0: {  	p1 =	slt.s32 s13, $0x1;
	v24 =	vsel @!p0 vm9, v48, v54  }
0x7d1: {  	(xrf1) =	vsort.dscd.msk.f32 @!p1 $0xffff, v26, v2;
	v54 =	vpsel p0, v28, v24;
	v59 =	vsel vm7, v17, v25  }
0x7d2: {  	[smem:$0x7FC] =	sst s4;
	vm8 =	vlt.f32 v54, v59;
	v24 =	vpsel p0, v40, v29  }
0x7d3: {  	s28 =	sld [smem:$0x7FC];
	v61 =	vsel vm8, v24, v60;
	v24 =	vpsel p2, v32, v1;
	v1 =	vld [tilespmem:$0x1FED0];
	_ =	sdelay $0x2  }
0x7d4: {  	p0 =	seq.s32 s28, $0x1  }
0x7d5: {  	v4 =	vld [tilespmem:$0x1FEE0];
	v11 =	vsel vm6, v15, v13;
	v15 =	vsel @!p0 vm12, v20, v31  }
0x7d6: {  	v15 =	vpsel p0, v1, v15;
	v1 =	vld [tilespmem:$0x1FEF0]  }
0x7d7: {  	s31 =	sld [smem:$0x7FD];
	_ =	sdelay $0x1  }
0x7d8: {  	v13 =	vsel vm8, v54, v59  }
0x7d9: {  	v25 =	vld [tilespmem:$0x1FF00];
	v9 =	vpsel p4, v38, v9;
	p4 =	seq.s32 s31, $0x1;
	vm9 =	vlt.f32 v16, v13  }
0x7da: {  	v13 =	vsel vm9, v16, v13;
	v16 =	vsel @!p4 vm3, v4, v1;
	v1 =	vld [tilespmem:$0x1FF10];
	_ =	sdelay $0x1  }
0x7db: {  	v17 =	vpsel p2, v23, v58;
	v20, v21, _ =	vpop @!p1 (xrf1)  }
0x7dc: {  	vm0 =	vlt.f32 @!p1 v20, v17  }
0x7dd: {  	v27 =	vsel @!p1 vm0, v20, v17;
	v29 =	vsel @!p1 vm0, v21, v24  }
0x7de: {  	(xrf1) =	vsort.ascd.msk.f32 @!p1 $0xffff, v27, v29;
	v27 =	vsel @!p4 vm3, v25, v1;
	v1 =	vld [tilespmem:$0x1FF20];
	_ =	sdelay $0x3  }
0x7df: {  	vm10 =	vlt.f32 v15, v13  }
0x7e0: {  	v13 =	vsel vm10, v15, v13;
	v15 =	vsel @!p5 vm11, v18, v1;
	v1 =	vld [tilespmem:$0x1FF30];
	_ =	sdelay $0x3  }
0x7e1: {  	v14 =	vsel @!p5 vm11, v42, v51  }
0x7e2: {  	v14 =	vpsel p5, v1, v14;
	v1 =	vld [tilespmem:$0x1FF40];
	_ =	sdelay $0x3  }
0x7e3: {  	v0 =	vsel @!p3 vm13, v0, v55  }
0x7e4: {  	v0 =	vpsel p3, v1, v0;
	v1 =	vld [tilespmem:$0x1FF50];
	_ =	sdelay $0x2  }
0x7e5: {  	v19 =	vsel @!p0 vm12, v52, v19;
	vm12 =	vlt.f32 v14, v13  }
0x7e6: {  	v13 =	vsel vm12, v14, v13;
	v14 =	vsel @!p2 vm14, v23, v35  }
0x7e7: {  	v62 =	vpsel p0, v30, v19;
	v19 =	vsel @!p2 vm14, v32, v45;
	v14 =	vpsel p2, v1, v14;
	v1 =	vld [tilespmem:$0x1FF60]  }
0x7e8: {  	v19 =	vpsel p2, v3, v19  }
0x7e9: {  	v9 =	vsel vm9, v9, v61;
	v18 =	vsel @!p3 vm13, v56, v22;
	vm13 =	vlt.f32 v0, v13  }
0x7ea: {  	v9 =	vsel vm10, v62, v9;
	v15 =	vpsel p5, v46, v15;
	v0 =	vsel vm13, v0, v13  }
0x7eb: {  	v18 =	vpsel p3, v34, v18;
	v9 =	vsel vm12, v15, v9;
	vm14 =	vlt.f32 v14, v0  }
0x7ec: {  	v9 =	vsel vm13, v18, v9;
	v14 =	vsel vm14, v14, v0;
	v16 =	vpsel p4, v1, v16  }
0x7ed: {  	v9 =	vsel vm14, v19, v9;
	vm1 =	vlt.f32 @p1 v26, v14;
	vm15 =	vlt.f32 v16, v11  }
0x7ee: {  	v63 =	vpsel p4, v2, v27;
	v33 =	vsel vm15, v16, v11;
	v11 =	vsel @p1 vm1, v2, v9;
	v2 =	vld [tilespmem:$0x1FF70];
	_ =	sdelay $0x4  }
0x7ef: {  	v0 =	vbroadcast @!p4 v2, $0xF;
	v61 =	vpsel p4, v4, v2;
	v2 =	vld [tilespmem:$0x1FF80];
	_ =	sdelay $0x4  }
0x7f0: {  	v13 =	vsel @!p1 vm0, v17, v20;
	v46 =	vpsel p4, v25, v2;
	v2 =	vld [tilespmem:$0x1FF90]  }
.Ltmp8:
0x7f1: {  	v15 =	vsel @!p1 vm0, v24, v21;
	vm0 =	vlt.f32 @!p1 v13, v14;
	(pc) =	sbr.rel .LBB2_8-.Ltmp8, $4  }
0x7f2: {  	v13 =	vsel @!p1 vm0, v13, v14;
	v1 =	vsel vm15, v63, v10;
	v16, v18, _ =	vpop @!p1 (xrf1)  }
0x7f3: {  	v10 =	vsel @p1 vm1, v26, v14;
	v9 =	vsel @!p1 vm0, v15, v9;
	v19 =	vbroadcast @!p1 v16, $0xF  }
0x7f4: {  	v31 =	vpsel p1, v11, v9;
	v32 =	vpsel p1, v17, v16;
	v23 =	vpsel p1, v24, v18  }
0x7f5: {  	v44 =	vpsel p1, v12, v19;
	v25 =	vpsel p1, v10, v13;
	v0 =	vpsel p4, v2, v0  }
.LBB2_11:
0x7f6: {  	_ =	sfence.sel $0x180000  }
0x7f7: {  	[bflag:$0x0] =	sbarrier.arrive $0xFFFF  }
0x7f8: {  	_ =	strace $0x90000047  }
0x7f9: {  	s0 =	stileid.u32;
	[bflag:$0x2] =	sbarrier.arrive $0xFFFF  }
0x7fa: {  	p0 =	sne.s32 s0, $0x0;
	s0 =	rddreg [dreg:$0x2]  }
0x7fb: {  	s0 =	sadd.s32 @!p0 $0x100000, s0  }
0x7fc: {  	[sflag:s0] =	ssyncadd.tile.s32 @!p0 $0x1;
	_ =	shalt  }
.Lfunc_end2:
_tile_overlayer_lowered:
.L_overlay_start_2:
0x7fd: {  	(tag) =	ssettag $0x2  }
0x7fe: {  	s0 =	rddreg [dreg:$0x0];
	s2 =	stileid.u32  }
0x7ff: {  	s1 =	rddreg [dreg:$0x1];
	p0 =	sne.s32 s2, $0x0  }
0x800: {  	s3 =	rddreg [dreg:$0x2];
	[bflag:$0x3] =	sbarrier.arrive $0xFFFF;
	s2 =	simm.s32 @!p0 $0x1C03  }
0x801: {  	[timem:s3], [sflag:s2] =	dma.local @!p0 [hbm:s0], s1  }
0x802: {  	s0 =	simm.s32 @!p0 $0x3  }
0x803: {  	_ =	swait.ge @!p0 [sflag:s0], s1  }
0x804: {  	s1 =	ssub.s32 @!p0 $0x0, s1;
	[sflag:s0] =	ssyncset.done @!p0 $0x0  }
0x805: {  	[sflag:s0] =	ssyncadd.s32 @!p0 s1  }
0x806: {  	[bflag:$0x3] =	sbarrier.arrive $0xFFFF  }
0x807: {  	_ =	shalt  }

</sc_bundles>
